<compile_context>
chip_gen: v7x
topology: tpu7x:2x2x1
jax: 0.10.2.dev20260603
libtpu: 0.0.44.dev20260713+nightly
codegen_flags: <defaults>
</compile_context>

<pallas_src>
import functools

import jax
import jax.numpy as jnp
from jax import lax
from jax.experimental import pallas as pl
from jax.experimental.pallas import tpu as pltpu
from jax.experimental.pallas import tpu_sc as plsc


def _matmul_body(w_ref, xt_ref, o_ref):
    o_ref[...] = jnp.dot(w_ref[...], xt_ref[...],
                         preferred_element_type=jnp.float32)


def _gate_body(xt_ref, a_ref, b_ref, o_ref):
    att = jax.nn.sigmoid(a_ref[...] + b_ref[...])
    o_ref[...] = xt_ref[...] * att


def _make_sc_gather(K, N, NP, R0):
    f32 = jnp.float32
    PT = NP // 16
    R1 = K - R0
    U = 8

    mesh = plsc.VectorSubcoreMesh(core_axis_name="c", subcore_axis_name="s")

    @functools.partial(
        pl.kernel,
        out_type=[jax.ShapeDtypeStruct((NP,), f32),
                  jax.ShapeDtypeStruct((NP,), f32)],
        mesh=mesh,
        compiler_params=pltpu.CompilerParams(needs_layout_passes=False),
        scratch_types=[
            pltpu.VMEM((PT,), jnp.int32),
            pltpu.VMEM((PT,), jnp.int32),
            pltpu.VMEM((PT,), f32),
            pltpu.VMEM((PT,), f32),
            pltpu.VMEM((PT,), f32),
            pltpu.VMEM_SHARED((R0 * NP,), f32),
            pltpu.SemaphoreType.DMA,
            pltpu.SemaphoreType.DMA,
        ],
    )
    def sc_gather(gidx_hbm, yt_hbm, s0_hbm, s1_hbm,
                  idx0, idx1, gb0, gb1, acc, ytsh, sem_i, sem_g):
        c = lax.axis_index("c")
        s = lax.axis_index("s")

        n_real = lax.select(c == 0, R0, R1)

        @pl.when(s < n_real)
        def _stage():
            krow = c * R0 + s
            nfull = NP // PT
            bufs = (gb0, gb1)
            h = pltpu.async_copy(yt_hbm.at[pl.ds(krow * NP, PT)], gb0, sem_i)
            for ci in range(nfull):
                h.wait()
                if ci + 1 < nfull:
                    h = pltpu.async_copy(
                        yt_hbm.at[pl.ds(krow * NP + (ci + 1) * PT, PT)],
                        bufs[(ci + 1) % 2], sem_i)
                pltpu.sync_copy(bufs[ci % 2],
                                ytsh.at[pl.ds(s * NP + ci * PT, PT)])

        plsc.subcore_barrier()

        idxb = (idx0, idx1)
        gbufs = (gb0, gb1)

        def pipe(nrows, row0, out_hbm):
            rbase = row0 * NP + s * PT
            pltpu.async_copy(gidx_hbm.at[pl.ds(rbase, PT)], idx0,
                             sem_i).wait()
            gathers = [None] * nrows
            gathers[0] = pltpu.async_copy(ytsh.at[idx0], gb0, sem_g)
            idx_pending = pltpu.async_copy(
                gidx_hbm.at[pl.ds(rbase + NP, PT)], idx1, sem_i)

            for g in range(nrows):
                gathers[g].wait()
                if g + 1 < nrows:
                    idx_pending.wait()
                    gathers[g + 1] = pltpu.async_copy(
                        ytsh.at[idxb[(g + 1) % 2]], gbufs[(g + 1) % 2], sem_g)
                    if g + 2 < nrows:
                        idx_pending = pltpu.async_copy(
                            gidx_hbm.at[pl.ds(rbase + (g + 2) * NP, PT)],
                            idxb[g % 2], sem_i)
                gb = gbufs[g % 2]

                def accum(j, carry, gb=gb, first=(g == 0)):
                    o = j * (16 * U)
                    for u in range(U):
                        oo = o + u * 16
                        if first:
                            acc[pl.ds(oo, 16)] = gb[pl.ds(oo, 16)]
                        else:
                            acc[pl.ds(oo, 16)] = (acc[pl.ds(oo, 16)]
                                                  + gb[pl.ds(oo, 16)])
                    return carry

                lax.fori_loop(0, PT // (16 * U), accum, 0)

            pltpu.sync_copy(acc, out_hbm.at[pl.ds(s * PT, PT)])

        @pl.when(c == 0)
        def _pipe0():
            pipe(R0, 0, s0_hbm)

        @pl.when(c == 1)
        def _pipe1():
            pipe(R1, R0, s1_hbm)

    return sc_gather


def kernel(x, neighbor_map, W):
    N, C = x.shape
    K = neighbor_map.shape[1]
    f32 = jnp.float32

    BC = 4096
    BA = 2048
    NB = (N + BA - 1) // BA
    NP = NB * BA

    Wk = W.reshape(K, C)
    xT = x.T
    PT = NP // 16
    R0 = 14
    offs = jnp.concatenate([
        jnp.arange(R0, dtype=jnp.int32),
        jnp.arange(K - R0, dtype=jnp.int32)]) * NP
    gidx = jnp.pad(neighbor_map.T.astype(jnp.int32) + offs[:, None],
                   ((0, 0), (0, NP - N))).reshape(-1)

    yt = pl.pallas_call(
        _matmul_body,
        grid=(NB,),
        in_specs=[pl.BlockSpec((K, C), lambda i: (0, 0)),
                  pl.BlockSpec((C, BA), lambda i: (0, i))],
        out_specs=pl.BlockSpec((K, BA), lambda i: (0, i)),
        out_shape=jax.ShapeDtypeStruct((K, NP), f32),
    )(Wk, xT)

    sc = _make_sc_gather(K, N, NP, R0)
    s0, s1 = sc(gidx, yt.reshape(-1))

    s0t = s0.reshape(1, NP)
    s1t = s1.reshape(1, NP)
    BB = 2048
    gb = (N + BB - 1) // BB
    outT = pl.pallas_call(
        _gate_body,
        grid=(gb,),
        in_specs=[pl.BlockSpec((C, BB), lambda i: (0, i)),
                  pl.BlockSpec((1, BB), lambda i: (0, i)),
                  pl.BlockSpec((1, BB), lambda i: (0, i))],
        out_specs=pl.BlockSpec((C, BB), lambda i: (0, i)),
        out_shape=jax.ShapeDtypeStruct((C, N), f32),
    )(xT, s0t, s1t)
    return outT.T

# --- scband reference (transcript-rebuilt; emitter-appended) ---
"""Pipeline reference for scband-salayer-31834297598787 (READ-ONLY COPY).

The authoritative reference and input builder live on the scoring server;
editing this copy changes nothing except your own understanding.
"""

import jax, jax.numpy as jnp
import numpy as np

N_VOX = 100000
PLANES = 32
K_VOL = 27  # 3x3x3 submanifold kernel


def setup_inputs(seed: int = 0) -> dict:
    key = jax.random.key(seed)
    k1, k2, k3 = jax.random.split(key, 3)
    x = jax.random.normal(k1, (N_VOX, PLANES), dtype=jnp.float32)
    # spconv rulebook: for each active voxel, index of the active voxel at each
    # of the 27 kernel offsets (synthetic: uniform random valid indices)
    neighbor_map = jax.random.randint(k2, (N_VOX, K_VOL), 0, N_VOX, dtype=jnp.int32)
    # SubMConv3d(planes, 1, 3, bias=False) weight: one [planes -> 1] projection per offset
    W = jax.random.normal(k3, (K_VOL, PLANES, 1), dtype=jnp.float32) * 0.05
    return {"x": x, "neighbor_map": neighbor_map, "W": W}


def reference(x, neighbor_map, W):
    # SubMConv3d: out[n] = sum_k  x[neighbor_map[n, k]] @ W[k]   -> (N, 1)
    N = x.shape[0]
    out = jnp.zeros((N, 1), dtype=x.dtype)
    for k in range(W.shape[0]):
        nb = jnp.take(x, neighbor_map[:, k], axis=0)  # gather (N, C)
        out = out + nb @ W[k]
    # SALayer: sigmoid gate, then elementwise feature reweighting
    att = jax.nn.sigmoid(out)
    return x * att

if __name__ == "__main__":
    import jax
    _d = setup_inputs()
    print(jax.jit(kernel)(*tuple(_d.values())))

</pallas_src>

<mosaic_0001>
#map = affine_map<(d0, d1) -> (0)>
module attributes {stable_mosaic.version = 14 : i64} {
  func.func @sc_gather(%arg0: i32, %arg1: i32, %arg2: memref<2709504xi32, #tpu.memory_space<hbm>>, %arg3: memref<2709504xf32, #tpu.memory_space<hbm>>, %arg4: memref<100352xf32, #tpu.memory_space<hbm>>, %arg5: memref<100352xf32, #tpu.memory_space<hbm>>, %arg6: memref<6272xi32, #tpu.memory_space<vmem>>, %arg7: memref<6272xi32, #tpu.memory_space<vmem>>, %arg8: memref<6272xf32, #tpu.memory_space<vmem>>, %arg9: memref<6272xf32, #tpu.memory_space<vmem>>, %arg10: memref<6272xf32, #tpu.memory_space<vmem>>, %arg11: memref<1404928xf32, #tpu.memory_space<vmem_shared>>, %arg12: memref<!tpu.dma_semaphore, #tpu.memory_space<semaphore_mem>>, %arg13: memref<!tpu.dma_semaphore, #tpu.memory_space<semaphore_mem>>) attributes {dimension_semantics = [#tpu.dimension_semantics<core_parallel>, #tpu.dimension_semantics<subcore_parallel>], iteration_bounds = array<i64: 2, 16>, scalar_prefetch = 0 : i64, scratch_operands = 8 : i64, tpu.core_type = #tpu.core_type<sc_vector_subcore>, window_params = [{transform_indices = #map}, {transform_indices = #map}, {transform_indices = #map}, {transform_indices = #map}]} {
    %eq3A = arith.constant 0 : i32
    %eq3A_0 = arith.cmpi eq, %arg0, %eq3A : i32
    %select_n3A = arith.constant 13 : i32
    %select_n3A_1 = arith.constant 14 : i32
    %select_n3A_2 = arith.select %eq3A_0, %select_n3A_1, %select_n3A : i32
    %lt3A = arith.cmpi slt, %arg1, %select_n3A_2 : i32
    %convert_element_type3A = arith.extui %lt3A : i1 to i32
    %cond3A = arith.constant 0 : i32
    %cond3A_3 = arith.cmpi ne, %convert_element_type3A, %cond3A : i32
    scf.if %cond3A_3 {
      %mul3A = arith.constant 14 : i32
      %mul3A_14 = arith.muli %arg0, %mul3A : i32
      %add3A = arith.addi %mul3A_14, %arg1 : i32
      %mul3A_15 = arith.constant 100352 : i32
      %mul3A_16 = arith.muli %add3A, %mul3A_15 : i32
      %dma_start3A = tpu.memref_slice %arg3[%mul3A_16] : memref<2709504xf32, #tpu.memory_space<hbm>> -> memref<6272xf32, #tpu.memory_space<hbm>>
      %dma_start3A_17 = tpu.memref_slice %arg3[%mul3A_16] : memref<2709504xf32, #tpu.memory_space<hbm>> -> memref<6272xf32, #tpu.memory_space<hbm>>
      tpu.enqueue_dma source(%dma_start3A_17 : memref<6272xf32, #tpu.memory_space<hbm>>) target(%arg8 : memref<6272xf32, #tpu.memory_space<vmem>>) target_semaphore(%arg12 : memref<!tpu.dma_semaphore, #tpu.memory_space<semaphore_mem>>)
      %dma_wait3A = tpu.memref_slice %arg3[%mul3A_16] : memref<2709504xf32, #tpu.memory_space<hbm>> -> memref<6272xf32, #tpu.memory_space<hbm>>
      %dma_wait3A_18 = tpu.memref_slice %arg3[%mul3A_16] : memref<2709504xf32, #tpu.memory_space<hbm>> -> memref<6272xf32, #tpu.memory_space<hbm>>
      tpu.wait_dma2 semaphore(%arg12 : memref<!tpu.dma_semaphore, #tpu.memory_space<semaphore_mem>>) src(%dma_wait3A_18 : memref<6272xf32, #tpu.memory_space<hbm>>) dst(%arg8 : memref<6272xf32, #tpu.memory_space<vmem>>)
      %mul3A_19 = arith.constant 100352 : i32
      %mul3A_20 = arith.muli %add3A, %mul3A_19 : i32
      %add3A_21 = arith.constant 6272 : i32
      %add3A_22 = arith.addi %mul3A_20, %add3A_21 : i32
      %dma_start3A_23 = tpu.memref_slice %arg3[%add3A_22] : memref<2709504xf32, #tpu.memory_space<hbm>> -> memref<6272xf32, #tpu.memory_space<hbm>>
      %dma_start3A_24 = tpu.memref_slice %arg3[%add3A_22] : memref<2709504xf32, #tpu.memory_space<hbm>> -> memref<6272xf32, #tpu.memory_space<hbm>>
      tpu.enqueue_dma source(%dma_start3A_24 : memref<6272xf32, #tpu.memory_space<hbm>>) target(%arg9 : memref<6272xf32, #tpu.memory_space<vmem>>) target_semaphore(%arg12 : memref<!tpu.dma_semaphore, #tpu.memory_space<semaphore_mem>>)
      %mul3A_25 = arith.constant 100352 : i32
      %mul3A_26 = arith.muli %arg1, %mul3A_25 : i32
      %add3A_27 = arith.constant 0 : i32
      %add3A_28 = arith.addi %mul3A_26, %add3A_27 : i32
      "tpu.region"() ({
        %run_scoped3A = tpu.sem_alloc : memref<!tpu.dma_semaphore, #tpu.memory_space<semaphore_mem>>
        %dma_start3A_203 = tpu.memref_slice %arg11[%add3A_28] : memref<1404928xf32, #tpu.memory_space<vmem_shared>> -> memref<6272xf32, #tpu.memory_space<vmem_shared>>
        %dma_start3A_204 = tpu.memref_slice %arg11[%add3A_28] : memref<1404928xf32, #tpu.memory_space<vmem_shared>> -> memref<6272xf32, #tpu.memory_space<vmem_shared>>
        tpu.enqueue_dma source(%arg8 : memref<6272xf32, #tpu.memory_space<vmem>>) target(%dma_start3A_204 : memref<6272xf32, #tpu.memory_space<vmem_shared>>) target_semaphore(%run_scoped3A : memref<!tpu.dma_semaphore, #tpu.memory_space<semaphore_mem>>)
        %dma_wait3A_205 = tpu.memref_slice %arg11[%add3A_28] : memref<1404928xf32, #tpu.memory_space<vmem_shared>> -> memref<6272xf32, #tpu.memory_space<vmem_shared>>
        %dma_wait3A_206 = tpu.memref_slice %arg11[%add3A_28] : memref<1404928xf32, #tpu.memory_space<vmem_shared>> -> memref<6272xf32, #tpu.memory_space<vmem_shared>>
        tpu.wait_dma2 semaphore(%run_scoped3A : memref<!tpu.dma_semaphore, #tpu.memory_space<semaphore_mem>>) src(%arg8 : memref<6272xf32, #tpu.memory_space<vmem>>) dst(%dma_wait3A_206 : memref<6272xf32, #tpu.memory_space<vmem_shared>>)
        tpu.yield
      }) : () -> ()
      %dma_wait3A_29 = tpu.memref_slice %arg3[%add3A_22] : memref<2709504xf32, #tpu.memory_space<hbm>> -> memref<6272xf32, #tpu.memory_space<hbm>>
      %dma_wait3A_30 = tpu.memref_slice %arg3[%add3A_22] : memref<2709504xf32, #tpu.memory_space<hbm>> -> memref<6272xf32, #tpu.memory_space<hbm>>
      tpu.wait_dma2 semaphore(%arg12 : memref<!tpu.dma_semaphore, #tpu.memory_space<semaphore_mem>>) src(%dma_wait3A_30 : memref<6272xf32, #tpu.memory_space<hbm>>) dst(%arg9 : memref<6272xf32, #tpu.memory_space<vmem>>)
      %mul3A_31 = arith.constant 100352 : i32
      %mul3A_32 = arith.muli %add3A, %mul3A_31 : i32
      %add3A_33 = arith.constant 12544 : i32
      %add3A_34 = arith.addi %mul3A_32, %add3A_33 : i32
      %dma_start3A_35 = tpu.memref_slice %arg3[%add3A_34] : memref<2709504xf32, #tpu.memory_space<hbm>> -> memref<6272xf32, #tpu.memory_space<hbm>>
      %dma_start3A_36 = tpu.memref_slice %arg3[%add3A_34] : memref<2709504xf32, #tpu.memory_space<hbm>> -> memref<6272xf32, #tpu.memory_space<hbm>>
      tpu.enqueue_dma source(%dma_start3A_36 : memref<6272xf32, #tpu.memory_space<hbm>>) target(%arg8 : memref<6272xf32, #tpu.memory_space<vmem>>) target_semaphore(%arg12 : memref<!tpu.dma_semaphore, #tpu.memory_space<semaphore_mem>>)
      %mul3A_37 = arith.constant 100352 : i32
      %mul3A_38 = arith.muli %arg1, %mul3A_37 : i32
      %add3A_39 = arith.constant 6272 : i32
      %add3A_40 = arith.addi %mul3A_38, %add3A_39 : i32
      "tpu.region"() ({
        %run_scoped3A = tpu.sem_alloc : memref<!tpu.dma_semaphore, #tpu.memory_space<semaphore_mem>>
        %dma_start3A_203 = tpu.memref_slice %arg11[%add3A_40] : memref<1404928xf32, #tpu.memory_space<vmem_shared>> -> memref<6272xf32, #tpu.memory_space<vmem_shared>>
        %dma_start3A_204 = tpu.memref_slice %arg11[%add3A_40] : memref<1404928xf32, #tpu.memory_space<vmem_shared>> -> memref<6272xf32, #tpu.memory_space<vmem_shared>>
        tpu.enqueue_dma source(%arg9 : memref<6272xf32, #tpu.memory_space<vmem>>) target(%dma_start3A_204 : memref<6272xf32, #tpu.memory_space<vmem_shared>>) target_semaphore(%run_scoped3A : memref<!tpu.dma_semaphore, #tpu.memory_space<semaphore_mem>>)
        %dma_wait3A_205 = tpu.memref_slice %arg11[%add3A_40] : memref<1404928xf32, #tpu.memory_space<vmem_shared>> -> memref<6272xf32, #tpu.memory_space<vmem_shared>>
        %dma_wait3A_206 = tpu.memref_slice %arg11[%add3A_40] : memref<1404928xf32, #tpu.memory_space<vmem_shared>> -> memref<6272xf32, #tpu.memory_space<vmem_shared>>
        tpu.wait_dma2 semaphore(%run_scoped3A : memref<!tpu.dma_semaphore, #tpu.memory_space<semaphore_mem>>) src(%arg9 : memref<6272xf32, #tpu.memory_space<vmem>>) dst(%dma_wait3A_206 : memref<6272xf32, #tpu.memory_space<vmem_shared>>)
        tpu.yield
      }) : () -> ()
      %dma_wait3A_41 = tpu.memref_slice %arg3[%add3A_34] : memref<2709504xf32, #tpu.memory_space<hbm>> -> memref<6272xf32, #tpu.memory_space<hbm>>
      %dma_wait3A_42 = tpu.memref_slice %arg3[%add3A_34] : memref<2709504xf32, #tpu.memory_space<hbm>> -> memref<6272xf32, #tpu.memory_space<hbm>>
      tpu.wait_dma2 semaphore(%arg12 : memref<!tpu.dma_semaphore, #tpu.memory_space<semaphore_mem>>) src(%dma_wait3A_42 : memref<6272xf32, #tpu.memory_space<hbm>>) dst(%arg8 : memref<6272xf32, #tpu.memory_space<vmem>>)
      %mul3A_43 = arith.constant 100352 : i32
      %mul3A_44 = arith.muli %add3A, %mul3A_43 : i32
      %add3A_45 = arith.constant 18816 : i32
      %add3A_46 = arith.addi %mul3A_44, %add3A_45 : i32
      %dma_start3A_47 = tpu.memref_slice %arg3[%add3A_46] : memref<2709504xf32, #tpu.memory_space<hbm>> -> memref<6272xf32, #tpu.memory_space<hbm>>
      %dma_start3A_48 = tpu.memref_slice %arg3[%add3A_46] : memref<2709504xf32, #tpu.memory_space<hbm>> -> memref<6272xf32, #tpu.memory_space<hbm>>
      tpu.enqueue_dma source(%dma_start3A_48 : memref<6272xf32, #tpu.memory_space<hbm>>) target(%arg9 : memref<6272xf32, #tpu.memory_space<vmem>>) target_semaphore(%arg12 : memref<!tpu.dma_semaphore, #tpu.memory_space<semaphore_mem>>)
      %mul3A_49 = arith.constant 100352 : i32
      %mul3A_50 = arith.muli %arg1, %mul3A_49 : i32
      %add3A_51 = arith.constant 12544 : i32
      %add3A_52 = arith.addi %mul3A_50, %add3A_51 : i32
      "tpu.region"() ({
        %run_scoped3A = tpu.sem_alloc : memref<!tpu.dma_semaphore, #tpu.memory_space<semaphore_mem>>
        %dma_start3A_203 = tpu.memref_slice %arg11[%add3A_52] : memref<1404928xf32, #tpu.memory_space<vmem_shared>> -> memref<6272xf32, #tpu.memory_space<vmem_shared>>
        %dma_start3A_204 = tpu.memref_slice %arg11[%add3A_52] : memref<1404928xf32, #tpu.memory_space<vmem_shared>> -> memref<6272xf32, #tpu.memory_space<vmem_shared>>
        tpu.enqueue_dma source(%arg8 : memref<6272xf32, #tpu.memory_space<vmem>>) target(%dma_start3A_204 : memref<6272xf32, #tpu.memory_space<vmem_shared>>) target_semaphore(%run_scoped3A : memref<!tpu.dma_semaphore, #tpu.memory_space<semaphore_mem>>)
        %dma_wait3A_205 = tpu.memref_slice %arg11[%add3A_52] : memref<1404928xf32, #tpu.memory_space<vmem_shared>> -> memref<6272xf32, #tpu.memory_space<vmem_shared>>
        %dma_wait3A_206 = tpu.memref_slice %arg11[%add3A_52] : memref<1404928xf32, #tpu.memory_space<vmem_shared>> -> memref<6272xf32, #tpu.memory_space<vmem_shared>>
        tpu.wait_dma2 semaphore(%run_scoped3A : memref<!tpu.dma_semaphore, #tpu.memory_space<semaphore_mem>>) src(%arg8 : memref<6272xf32, #tpu.memory_space<vmem>>) dst(%dma_wait3A_206 : memref<6272xf32, #tpu.memory_space<vmem_shared>>)
        tpu.yield
      }) : () -> ()
      %dma_wait3A_53 = tpu.memref_slice %arg3[%add3A_46] : memref<2709504xf32, #tpu.memory_space<hbm>> -> memref<6272xf32, #tpu.memory_space<hbm>>
      %dma_wait3A_54 = tpu.memref_slice %arg3[%add3A_46] : memref<2709504xf32, #tpu.memory_space<hbm>> -> memref<6272xf32, #tpu.memory_space<hbm>>
      tpu.wait_dma2 semaphore(%arg12 : memref<!tpu.dma_semaphore, #tpu.memory_space<semaphore_mem>>) src(%dma_wait3A_54 : memref<6272xf32, #tpu.memory_space<hbm>>) dst(%arg9 : memref<6272xf32, #tpu.memory_space<vmem>>)
      %mul3A_55 = arith.constant 100352 : i32
      %mul3A_56 = arith.muli %add3A, %mul3A_55 : i32
      %add3A_57 = arith.constant 25088 : i32
      %add3A_58 = arith.addi %mul3A_56, %add3A_57 : i32
      %dma_start3A_59 = tpu.memref_slice %arg3[%add3A_58] : memref<2709504xf32, #tpu.memory_space<hbm>> -> memref<6272xf32, #tpu.memory_space<hbm>>
      %dma_start3A_60 = tpu.memref_slice %arg3[%add3A_58] : memref<2709504xf32, #tpu.memory_space<hbm>> -> memref<6272xf32, #tpu.memory_space<hbm>>
      tpu.enqueue_dma source(%dma_start3A_60 : memref<6272xf32, #tpu.memory_space<hbm>>) target(%arg8 : memref<6272xf32, #tpu.memory_space<vmem>>) target_semaphore(%arg12 : memref<!tpu.dma_semaphore, #tpu.memory_space<semaphore_mem>>)
      %mul3A_61 = arith.constant 100352 : i32
      %mul3A_62 = arith.muli %arg1, %mul3A_61 : i32
      %add3A_63 = arith.constant 18816 : i32
      %add3A_64 = arith.addi %mul3A_62, %add3A_63 : i32
      "tpu.region"() ({
        %run_scoped3A = tpu.sem_alloc : memref<!tpu.dma_semaphore, #tpu.memory_space<semaphore_mem>>
        %dma_start3A_203 = tpu.memref_slice %arg11[%add3A_64] : memref<1404928xf32, #tpu.memory_space<vmem_shared>> -> memref<6272xf32, #tpu.memory_space<vmem_shared>>
        %dma_start3A_204 = tpu.memref_slice %arg11[%add3A_64] : memref<1404928xf32, #tpu.memory_space<vmem_shared>> -> memref<6272xf32, #tpu.memory_space<vmem_shared>>
        tpu.enqueue_dma source(%arg9 : memref<6272xf32, #tpu.memory_space<vmem>>) target(%dma_start3A_204 : memref<6272xf32, #tpu.memory_space<vmem_shared>>) target_semaphore(%run_scoped3A : memref<!tpu.dma_semaphore, #tpu.memory_space<semaphore_mem>>)
        %dma_wait3A_205 = tpu.memref_slice %arg11[%add3A_64] : memref<1404928xf32, #tpu.memory_space<vmem_shared>> -> memref<6272xf32, #tpu.memory_space<vmem_shared>>
        %dma_wait3A_206 = tpu.memref_slice %arg11[%add3A_64] : memref<1404928xf32, #tpu.memory_space<vmem_shared>> -> memref<6272xf32, #tpu.memory_space<vmem_shared>>
        tpu.wait_dma2 semaphore(%run_scoped3A : memref<!tpu.dma_semaphore, #tpu.memory_space<semaphore_mem>>) src(%arg9 : memref<6272xf32, #tpu.memory_space<vmem>>) dst(%dma_wait3A_206 : memref<6272xf32, #tpu.memory_space<vmem_shared>>)
        tpu.yield
      }) : () -> ()
      %dma_wait3A_65 = tpu.memref_slice %arg3[%add3A_58] : memref<2709504xf32, #tpu.memory_space<hbm>> -> memref<6272xf32, #tpu.memory_space<hbm>>
      %dma_wait3A_66 = tpu.memref_slice %arg3[%add3A_58] : memref<2709504xf32, #tpu.memory_space<hbm>> -> memref<6272xf32, #tpu.memory_space<hbm>>
      tpu.wait_dma2 semaphore(%arg12 : memref<!tpu.dma_semaphore, #tpu.memory_space<semaphore_mem>>) src(%dma_wait3A_66 : memref<6272xf32, #tpu.memory_space<hbm>>) dst(%arg8 : memref<6272xf32, #tpu.memory_space<vmem>>)
      %mul3A_67 = arith.constant 100352 : i32
      %mul3A_68 = arith.muli %add3A, %mul3A_67 : i32
      %add3A_69 = arith.constant 31360 : i32
      %add3A_70 = arith.addi %mul3A_68, %add3A_69 : i32
      %dma_start3A_71 = tpu.memref_slice %arg3[%add3A_70] : memref<2709504xf32, #tpu.memory_space<hbm>> -> memref<6272xf32, #tpu.memory_space<hbm>>
      %dma_start3A_72 = tpu.memref_slice %arg3[%add3A_70] : memref<2709504xf32, #tpu.memory_space<hbm>> -> memref<6272xf32, #tpu.memory_space<hbm>>
      tpu.enqueue_dma source(%dma_start3A_72 : memref<6272xf32, #tpu.memory_space<hbm>>) target(%arg9 : memref<6272xf32, #tpu.memory_space<vmem>>) target_semaphore(%arg12 : memref<!tpu.dma_semaphore, #tpu.memory_space<semaphore_mem>>)
      %mul3A_73 = arith.constant 100352 : i32
      %mul3A_74 = arith.muli %arg1, %mul3A_73 : i32
      %add3A_75 = arith.constant 25088 : i32
      %add3A_76 = arith.addi %mul3A_74, %add3A_75 : i32
      "tpu.region"() ({
        %run_scoped3A = tpu.sem_alloc : memref<!tpu.dma_semaphore, #tpu.memory_space<semaphore_mem>>
        %dma_start3A_203 = tpu.memref_slice %arg11[%add3A_76] : memref<1404928xf32, #tpu.memory_space<vmem_shared>> -> memref<6272xf32, #tpu.memory_space<vmem_shared>>
        %dma_start3A_204 = tpu.memref_slice %arg11[%add3A_76] : memref<1404928xf32, #tpu.memory_space<vmem_shared>> -> memref<6272xf32, #tpu.memory_space<vmem_shared>>
        tpu.enqueue_dma source(%arg8 : memref<6272xf32, #tpu.memory_space<vmem>>) target(%dma_start3A_204 : memref<6272xf32, #tpu.memory_space<vmem_shared>>) target_semaphore(%run_scoped3A : memref<!tpu.dma_semaphore, #tpu.memory_space<semaphore_mem>>)
        %dma_wait3A_205 = tpu.memref_slice %arg11[%add3A_76] : memref<1404928xf32, #tpu.memory_space<vmem_shared>> -> memref<6272xf32, #tpu.memory_space<vmem_shared>>
        %dma_wait3A_206 = tpu.memref_slice %arg11[%add3A_76] : memref<1404928xf32, #tpu.memory_space<vmem_shared>> -> memref<6272xf32, #tpu.memory_space<vmem_shared>>
        tpu.wait_dma2 semaphore(%run_scoped3A : memref<!tpu.dma_semaphore, #tpu.memory_space<semaphore_mem>>) src(%arg8 : memref<6272xf32, #tpu.memory_space<vmem>>) dst(%dma_wait3A_206 : memref<6272xf32, #tpu.memory_space<vmem_shared>>)
        tpu.yield
      }) : () -> ()
      %dma_wait3A_77 = tpu.memref_slice %arg3[%add3A_70] : memref<2709504xf32, #tpu.memory_space<hbm>> -> memref<6272xf32, #tpu.memory_space<hbm>>
      %dma_wait3A_78 = tpu.memref_slice %arg3[%add3A_70] : memref<2709504xf32, #tpu.memory_space<hbm>> -> memref<6272xf32, #tpu.memory_space<hbm>>
      tpu.wait_dma2 semaphore(%arg12 : memref<!tpu.dma_semaphore, #tpu.memory_space<semaphore_mem>>) src(%dma_wait3A_78 : memref<6272xf32, #tpu.memory_space<hbm>>) dst(%arg9 : memref<6272xf32, #tpu.memory_space<vmem>>)
      %mul3A_79 = arith.constant 100352 : i32
      %mul3A_80 = arith.muli %add3A, %mul3A_79 : i32
      %add3A_81 = arith.constant 37632 : i32
      %add3A_82 = arith.addi %mul3A_80, %add3A_81 : i32
      %dma_start3A_83 = tpu.memref_slice %arg3[%add3A_82] : memref<2709504xf32, #tpu.memory_space<hbm>> -> memref<6272xf32, #tpu.memory_space<hbm>>
      %dma_start3A_84 = tpu.memref_slice %arg3[%add3A_82] : memref<2709504xf32, #tpu.memory_space<hbm>> -> memref<6272xf32, #tpu.memory_space<hbm>>
      tpu.enqueue_dma source(%dma_start3A_84 : memref<6272xf32, #tpu.memory_space<hbm>>) target(%arg8 : memref<6272xf32, #tpu.memory_space<vmem>>) target_semaphore(%arg12 : memref<!tpu.dma_semaphore, #tpu.memory_space<semaphore_mem>>)
      %mul3A_85 = arith.constant 100352 : i32
      %mul3A_86 = arith.muli %arg1, %mul3A_85 : i32
      %add3A_87 = arith.constant 31360 : i32
      %add3A_88 = arith.addi %mul3A_86, %add3A_87 : i32
      "tpu.region"() ({
        %run_scoped3A = tpu.sem_alloc : memref<!tpu.dma_semaphore, #tpu.memory_space<semaphore_mem>>
        %dma_start3A_203 = tpu.memref_slice %arg11[%add3A_88] : memref<1404928xf32, #tpu.memory_space<vmem_shared>> -> memref<6272xf32, #tpu.memory_space<vmem_shared>>
        %dma_start3A_204 = tpu.memref_slice %arg11[%add3A_88] : memref<1404928xf32, #tpu.memory_space<vmem_shared>> -> memref<6272xf32, #tpu.memory_space<vmem_shared>>
        tpu.enqueue_dma source(%arg9 : memref<6272xf32, #tpu.memory_space<vmem>>) target(%dma_start3A_204 : memref<6272xf32, #tpu.memory_space<vmem_shared>>) target_semaphore(%run_scoped3A : memref<!tpu.dma_semaphore, #tpu.memory_space<semaphore_mem>>)
        %dma_wait3A_205 = tpu.memref_slice %arg11[%add3A_88] : memref<1404928xf32, #tpu.memory_space<vmem_shared>> -> memref<6272xf32, #tpu.memory_space<vmem_shared>>
        %dma_wait3A_206 = tpu.memref_slice %arg11[%add3A_88] : memref<1404928xf32, #tpu.memory_space<vmem_shared>> -> memref<6272xf32, #tpu.memory_space<vmem_shared>>
        tpu.wait_dma2 semaphore(%run_scoped3A : memref<!tpu.dma_semaphore, #tpu.memory_space<semaphore_mem>>) src(%arg9 : memref<6272xf32, #tpu.memory_space<vmem>>) dst(%dma_wait3A_206 : memref<6272xf32, #tpu.memory_space<vmem_shared>>)
        tpu.yield
      }) : () -> ()
      %dma_wait3A_89 = tpu.memref_slice %arg3[%add3A_82] : memref<2709504xf32, #tpu.memory_space<hbm>> -> memref<6272xf32, #tpu.memory_space<hbm>>
      %dma_wait3A_90 = tpu.memref_slice %arg3[%add3A_82] : memref<2709504xf32, #tpu.memory_space<hbm>> -> memref<6272xf32, #tpu.memory_space<hbm>>
      tpu.wait_dma2 semaphore(%arg12 : memref<!tpu.dma_semaphore, #tpu.memory_space<semaphore_mem>>) src(%dma_wait3A_90 : memref<6272xf32, #tpu.memory_space<hbm>>) dst(%arg8 : memref<6272xf32, #tpu.memory_space<vmem>>)
      %mul3A_91 = arith.constant 100352 : i32
      %mul3A_92 = arith.muli %add3A, %mul3A_91 : i32
      %add3A_93 = arith.constant 43904 : i32
      %add3A_94 = arith.addi %mul3A_92, %add3A_93 : i32
      %dma_start3A_95 = tpu.memref_slice %arg3[%add3A_94] : memref<2709504xf32, #tpu.memory_space<hbm>> -> memref<6272xf32, #tpu.memory_space<hbm>>
      %dma_start3A_96 = tpu.memref_slice %arg3[%add3A_94] : memref<2709504xf32, #tpu.memory_space<hbm>> -> memref<6272xf32, #tpu.memory_space<hbm>>
      tpu.enqueue_dma source(%dma_start3A_96 : memref<6272xf32, #tpu.memory_space<hbm>>) target(%arg9 : memref<6272xf32, #tpu.memory_space<vmem>>) target_semaphore(%arg12 : memref<!tpu.dma_semaphore, #tpu.memory_space<semaphore_mem>>)
      %mul3A_97 = arith.constant 100352 : i32
      %mul3A_98 = arith.muli %arg1, %mul3A_97 : i32
      %add3A_99 = arith.constant 37632 : i32
      %add3A_100 = arith.addi %mul3A_98, %add3A_99 : i32
      "tpu.region"() ({
        %run_scoped3A = tpu.sem_alloc : memref<!tpu.dma_semaphore, #tpu.memory_space<semaphore_mem>>
        %dma_start3A_203 = tpu.memref_slice %arg11[%add3A_100] : memref<1404928xf32, #tpu.memory_space<vmem_shared>> -> memref<6272xf32, #tpu.memory_space<vmem_shared>>
        %dma_start3A_204 = tpu.memref_slice %arg11[%add3A_100] : memref<1404928xf32, #tpu.memory_space<vmem_shared>> -> memref<6272xf32, #tpu.memory_space<vmem_shared>>
        tpu.enqueue_dma source(%arg8 : memref<6272xf32, #tpu.memory_space<vmem>>) target(%dma_start3A_204 : memref<6272xf32, #tpu.memory_space<vmem_shared>>) target_semaphore(%run_scoped3A : memref<!tpu.dma_semaphore, #tpu.memory_space<semaphore_mem>>)
        %dma_wait3A_205 = tpu.memref_slice %arg11[%add3A_100] : memref<1404928xf32, #tpu.memory_space<vmem_shared>> -> memref<6272xf32, #tpu.memory_space<vmem_shared>>
        %dma_wait3A_206 = tpu.memref_slice %arg11[%add3A_100] : memref<1404928xf32, #tpu.memory_space<vmem_shared>> -> memref<6272xf32, #tpu.memory_space<vmem_shared>>
        tpu.wait_dma2 semaphore(%run_scoped3A : memref<!tpu.dma_semaphore, #tpu.memory_space<semaphore_mem>>) src(%arg8 : memref<6272xf32, #tpu.memory_space<vmem>>) dst(%dma_wait3A_206 : memref<6272xf32, #tpu.memory_space<vmem_shared>>)
        tpu.yield
      }) : () -> ()
      %dma_wait3A_101 = tpu.memref_slice %arg3[%add3A_94] : memref<2709504xf32, #tpu.memory_space<hbm>> -> memref<6272xf32, #tpu.memory_space<hbm>>
      %dma_wait3A_102 = tpu.memref_slice %arg3[%add3A_94] : memref<2709504xf32, #tpu.memory_space<hbm>> -> memref<6272xf32, #tpu.memory_space<hbm>>
      tpu.wait_dma2 semaphore(%arg12 : memref<!tpu.dma_semaphore, #tpu.memory_space<semaphore_mem>>) src(%dma_wait3A_102 : memref<6272xf32, #tpu.memory_space<hbm>>) dst(%arg9 : memref<6272xf32, #tpu.memory_space<vmem>>)
      %mul3A_103 = arith.constant 100352 : i32
      %mul3A_104 = arith.muli %add3A, %mul3A_103 : i32
      %add3A_105 = arith.constant 50176 : i32
      %add3A_106 = arith.addi %mul3A_104, %add3A_105 : i32
      %dma_start3A_107 = tpu.memref_slice %arg3[%add3A_106] : memref<2709504xf32, #tpu.memory_space<hbm>> -> memref<6272xf32, #tpu.memory_space<hbm>>
      %dma_start3A_108 = tpu.memref_slice %arg3[%add3A_106] : memref<2709504xf32, #tpu.memory_space<hbm>> -> memref<6272xf32, #tpu.memory_space<hbm>>
      tpu.enqueue_dma source(%dma_start3A_108 : memref<6272xf32, #tpu.memory_space<hbm>>) target(%arg8 : memref<6272xf32, #tpu.memory_space<vmem>>) target_semaphore(%arg12 : memref<!tpu.dma_semaphore, #tpu.memory_space<semaphore_mem>>)
      %mul3A_109 = arith.constant 100352 : i32
      %mul3A_110 = arith.muli %arg1, %mul3A_109 : i32
      %add3A_111 = arith.constant 43904 : i32
      %add3A_112 = arith.addi %mul3A_110, %add3A_111 : i32
      "tpu.region"() ({
        %run_scoped3A = tpu.sem_alloc : memref<!tpu.dma_semaphore, #tpu.memory_space<semaphore_mem>>
        %dma_start3A_203 = tpu.memref_slice %arg11[%add3A_112] : memref<1404928xf32, #tpu.memory_space<vmem_shared>> -> memref<6272xf32, #tpu.memory_space<vmem_shared>>
        %dma_start3A_204 = tpu.memref_slice %arg11[%add3A_112] : memref<1404928xf32, #tpu.memory_space<vmem_shared>> -> memref<6272xf32, #tpu.memory_space<vmem_shared>>
        tpu.enqueue_dma source(%arg9 : memref<6272xf32, #tpu.memory_space<vmem>>) target(%dma_start3A_204 : memref<6272xf32, #tpu.memory_space<vmem_shared>>) target_semaphore(%run_scoped3A : memref<!tpu.dma_semaphore, #tpu.memory_space<semaphore_mem>>)
        %dma_wait3A_205 = tpu.memref_slice %arg11[%add3A_112] : memref<1404928xf32, #tpu.memory_space<vmem_shared>> -> memref<6272xf32, #tpu.memory_space<vmem_shared>>
        %dma_wait3A_206 = tpu.memref_slice %arg11[%add3A_112] : memref<1404928xf32, #tpu.memory_space<vmem_shared>> -> memref<6272xf32, #tpu.memory_space<vmem_shared>>
        tpu.wait_dma2 semaphore(%run_scoped3A : memref<!tpu.dma_semaphore, #tpu.memory_space<semaphore_mem>>) src(%arg9 : memref<6272xf32, #tpu.memory_space<vmem>>) dst(%dma_wait3A_206 : memref<6272xf32, #tpu.memory_space<vmem_shared>>)
        tpu.yield
      }) : () -> ()
      %dma_wait3A_113 = tpu.memref_slice %arg3[%add3A_106] : memref<2709504xf32, #tpu.memory_space<hbm>> -> memref<6272xf32, #tpu.memory_space<hbm>>
      %dma_wait3A_114 = tpu.memref_slice %arg3[%add3A_106] : memref<2709504xf32, #tpu.memory_space<hbm>> -> memref<6272xf32, #tpu.memory_space<hbm>>
      tpu.wait_dma2 semaphore(%arg12 : memref<!tpu.dma_semaphore, #tpu.memory_space<semaphore_mem>>) src(%dma_wait3A_114 : memref<6272xf32, #tpu.memory_space<hbm>>) dst(%arg8 : memref<6272xf32, #tpu.memory_space<vmem>>)
      %mul3A_115 = arith.constant 100352 : i32
      %mul3A_116 = arith.muli %add3A, %mul3A_115 : i32
      %add3A_117 = arith.constant 56448 : i32
      %add3A_118 = arith.addi %mul3A_116, %add3A_117 : i32
      %dma_start3A_119 = tpu.memref_slice %arg3[%add3A_118] : memref<2709504xf32, #tpu.memory_space<hbm>> -> memref<6272xf32, #tpu.memory_space<hbm>>
      %dma_start3A_120 = tpu.memref_slice %arg3[%add3A_118] : memref<2709504xf32, #tpu.memory_space<hbm>> -> memref<6272xf32, #tpu.memory_space<hbm>>
      tpu.enqueue_dma source(%dma_start3A_120 : memref<6272xf32, #tpu.memory_space<hbm>>) target(%arg9 : memref<6272xf32, #tpu.memory_space<vmem>>) target_semaphore(%arg12 : memref<!tpu.dma_semaphore, #tpu.memory_space<semaphore_mem>>)
      %mul3A_121 = arith.constant 100352 : i32
      %mul3A_122 = arith.muli %arg1, %mul3A_121 : i32
      %add3A_123 = arith.constant 50176 : i32
      %add3A_124 = arith.addi %mul3A_122, %add3A_123 : i32
      "tpu.region"() ({
        %run_scoped3A = tpu.sem_alloc : memref<!tpu.dma_semaphore, #tpu.memory_space<semaphore_mem>>
        %dma_start3A_203 = tpu.memref_slice %arg11[%add3A_124] : memref<1404928xf32, #tpu.memory_space<vmem_shared>> -> memref<6272xf32, #tpu.memory_space<vmem_shared>>
        %dma_start3A_204 = tpu.memref_slice %arg11[%add3A_124] : memref<1404928xf32, #tpu.memory_space<vmem_shared>> -> memref<6272xf32, #tpu.memory_space<vmem_shared>>
        tpu.enqueue_dma source(%arg8 : memref<6272xf32, #tpu.memory_space<vmem>>) target(%dma_start3A_204 : memref<6272xf32, #tpu.memory_space<vmem_shared>>) target_semaphore(%run_scoped3A : memref<!tpu.dma_semaphore, #tpu.memory_space<semaphore_mem>>)
        %dma_wait3A_205 = tpu.memref_slice %arg11[%add3A_124] : memref<1404928xf32, #tpu.memory_space<vmem_shared>> -> memref<6272xf32, #tpu.memory_space<vmem_shared>>
        %dma_wait3A_206 = tpu.memref_slice %arg11[%add3A_124] : memref<1404928xf32, #tpu.memory_space<vmem_shared>> -> memref<6272xf32, #tpu.memory_space<vmem_shared>>
        tpu.wait_dma2 semaphore(%run_scoped3A : memref<!tpu.dma_semaphore, #tpu.memory_space<semaphore_mem>>) src(%arg8 : memref<6272xf32, #tpu.memory_space<vmem>>) dst(%dma_wait3A_206 : memref<6272xf32, #tpu.memory_space<vmem_shared>>)
        tpu.yield
      }) : () -> ()
      %dma_wait3A_125 = tpu.memref_slice %arg3[%add3A_118] : memref<2709504xf32, #tpu.memory_space<hbm>> -> memref<6272xf32, #tpu.memory_space<hbm>>
      %dma_wait3A_126 = tpu.memref_slice %arg3[%add3A_118] : memref<2709504xf32, #tpu.memory_space<hbm>> -> memref<6272xf32, #tpu.memory_space<hbm>>
      tpu.wait_dma2 semaphore(%arg12 : memref<!tpu.dma_semaphore, #tpu.memory_space<semaphore_mem>>) src(%dma_wait3A_126 : memref<6272xf32, #tpu.memory_space<hbm>>) dst(%arg9 : memref<6272xf32, #tpu.memory_space<vmem>>)
      %mul3A_127 = arith.constant 100352 : i32
      %mul3A_128 = arith.muli %add3A, %mul3A_127 : i32
      %add3A_129 = arith.constant 62720 : i32
      %add3A_130 = arith.addi %mul3A_128, %add3A_129 : i32
      %dma_start3A_131 = tpu.memref_slice %arg3[%add3A_130] : memref<2709504xf32, #tpu.memory_space<hbm>> -> memref<6272xf32, #tpu.memory_space<hbm>>
      %dma_start3A_132 = tpu.memref_slice %arg3[%add3A_130] : memref<2709504xf32, #tpu.memory_space<hbm>> -> memref<6272xf32, #tpu.memory_space<hbm>>
      tpu.enqueue_dma source(%dma_start3A_132 : memref<6272xf32, #tpu.memory_space<hbm>>) target(%arg8 : memref<6272xf32, #tpu.memory_space<vmem>>) target_semaphore(%arg12 : memref<!tpu.dma_semaphore, #tpu.memory_space<semaphore_mem>>)
      %mul3A_133 = arith.constant 100352 : i32
      %mul3A_134 = arith.muli %arg1, %mul3A_133 : i32
      %add3A_135 = arith.constant 56448 : i32
      %add3A_136 = arith.addi %mul3A_134, %add3A_135 : i32
      "tpu.region"() ({
        %run_scoped3A = tpu.sem_alloc : memref<!tpu.dma_semaphore, #tpu.memory_space<semaphore_mem>>
        %dma_start3A_203 = tpu.memref_slice %arg11[%add3A_136] : memref<1404928xf32, #tpu.memory_space<vmem_shared>> -> memref<6272xf32, #tpu.memory_space<vmem_shared>>
        %dma_start3A_204 = tpu.memref_slice %arg11[%add3A_136] : memref<1404928xf32, #tpu.memory_space<vmem_shared>> -> memref<6272xf32, #tpu.memory_space<vmem_shared>>
        tpu.enqueue_dma source(%arg9 : memref<6272xf32, #tpu.memory_space<vmem>>) target(%dma_start3A_204 : memref<6272xf32, #tpu.memory_space<vmem_shared>>) target_semaphore(%run_scoped3A : memref<!tpu.dma_semaphore, #tpu.memory_space<semaphore_mem>>)
        %dma_wait3A_205 = tpu.memref_slice %arg11[%add3A_136] : memref<1404928xf32, #tpu.memory_space<vmem_shared>> -> memref<6272xf32, #tpu.memory_space<vmem_shared>>
        %dma_wait3A_206 = tpu.memref_slice %arg11[%add3A_136] : memref<1404928xf32, #tpu.memory_space<vmem_shared>> -> memref<6272xf32, #tpu.memory_space<vmem_shared>>
        tpu.wait_dma2 semaphore(%run_scoped3A : memref<!tpu.dma_semaphore, #tpu.memory_space<semaphore_mem>>) src(%arg9 : memref<6272xf32, #tpu.memory_space<vmem>>) dst(%dma_wait3A_206 : memref<6272xf32, #tpu.memory_space<vmem_shared>>)
        tpu.yield
      }) : () -> ()
      %dma_wait3A_137 = tpu.memref_slice %arg3[%add3A_130] : memref<2709504xf32, #tpu.memory_space<hbm>> -> memref<6272xf32, #tpu.memory_space<hbm>>
      %dma_wait3A_138 = tpu.memref_slice %arg3[%add3A_130] : memref<2709504xf32, #tpu.memory_space<hbm>> -> memref<6272xf32, #tpu.memory_space<hbm>>
      tpu.wait_dma2 semaphore(%arg12 : memref<!tpu.dma_semaphore, #tpu.memory_space<semaphore_mem>>) src(%dma_wait3A_138 : memref<6272xf32, #tpu.memory_space<hbm>>) dst(%arg8 : memref<6272xf32, #tpu.memory_space<vmem>>)
      %mul3A_139 = arith.constant 100352 : i32
      %mul3A_140 = arith.muli %add3A, %mul3A_139 : i32
      %add3A_141 = arith.constant 68992 : i32
      %add3A_142 = arith.addi %mul3A_140, %add3A_141 : i32
      %dma_start3A_143 = tpu.memref_slice %arg3[%add3A_142] : memref<2709504xf32, #tpu.memory_space<hbm>> -> memref<6272xf32, #tpu.memory_space<hbm>>
      %dma_start3A_144 = tpu.memref_slice %arg3[%add3A_142] : memref<2709504xf32, #tpu.memory_space<hbm>> -> memref<6272xf32, #tpu.memory_space<hbm>>
      tpu.enqueue_dma source(%dma_start3A_144 : memref<6272xf32, #tpu.memory_space<hbm>>) target(%arg9 : memref<6272xf32, #tpu.memory_space<vmem>>) target_semaphore(%arg12 : memref<!tpu.dma_semaphore, #tpu.memory_space<semaphore_mem>>)
      %mul3A_145 = arith.constant 100352 : i32
      %mul3A_146 = arith.muli %arg1, %mul3A_145 : i32
      %add3A_147 = arith.constant 62720 : i32
      %add3A_148 = arith.addi %mul3A_146, %add3A_147 : i32
      "tpu.region"() ({
        %run_scoped3A = tpu.sem_alloc : memref<!tpu.dma_semaphore, #tpu.memory_space<semaphore_mem>>
        %dma_start3A_203 = tpu.memref_slice %arg11[%add3A_148] : memref<1404928xf32, #tpu.memory_space<vmem_shared>> -> memref<6272xf32, #tpu.memory_space<vmem_shared>>
        %dma_start3A_204 = tpu.memref_slice %arg11[%add3A_148] : memref<1404928xf32, #tpu.memory_space<vmem_shared>> -> memref<6272xf32, #tpu.memory_space<vmem_shared>>
        tpu.enqueue_dma source(%arg8 : memref<6272xf32, #tpu.memory_space<vmem>>) target(%dma_start3A_204 : memref<6272xf32, #tpu.memory_space<vmem_shared>>) target_semaphore(%run_scoped3A : memref<!tpu.dma_semaphore, #tpu.memory_space<semaphore_mem>>)
        %dma_wait3A_205 = tpu.memref_slice %arg11[%add3A_148] : memref<1404928xf32, #tpu.memory_space<vmem_shared>> -> memref<6272xf32, #tpu.memory_space<vmem_shared>>
        %dma_wait3A_206 = tpu.memref_slice %arg11[%add3A_148] : memref<1404928xf32, #tpu.memory_space<vmem_shared>> -> memref<6272xf32, #tpu.memory_space<vmem_shared>>
        tpu.wait_dma2 semaphore(%run_scoped3A : memref<!tpu.dma_semaphore, #tpu.memory_space<semaphore_mem>>) src(%arg8 : memref<6272xf32, #tpu.memory_space<vmem>>) dst(%dma_wait3A_206 : memref<6272xf32, #tpu.memory_space<vmem_shared>>)
        tpu.yield
      }) : () -> ()
      %dma_wait3A_149 = tpu.memref_slice %arg3[%add3A_142] : memref<2709504xf32, #tpu.memory_space<hbm>> -> memref<6272xf32, #tpu.memory_space<hbm>>
      %dma_wait3A_150 = tpu.memref_slice %arg3[%add3A_142] : memref<2709504xf32, #tpu.memory_space<hbm>> -> memref<6272xf32, #tpu.memory_space<hbm>>
      tpu.wait_dma2 semaphore(%arg12 : memref<!tpu.dma_semaphore, #tpu.memory_space<semaphore_mem>>) src(%dma_wait3A_150 : memref<6272xf32, #tpu.memory_space<hbm>>) dst(%arg9 : memref<6272xf32, #tpu.memory_space<vmem>>)
      %mul3A_151 = arith.constant 100352 : i32
      %mul3A_152 = arith.muli %add3A, %mul3A_151 : i32
      %add3A_153 = arith.constant 75264 : i32
      %add3A_154 = arith.addi %mul3A_152, %add3A_153 : i32
      %dma_start3A_155 = tpu.memref_slice %arg3[%add3A_154] : memref<2709504xf32, #tpu.memory_space<hbm>> -> memref<6272xf32, #tpu.memory_space<hbm>>
      %dma_start3A_156 = tpu.memref_slice %arg3[%add3A_154] : memref<2709504xf32, #tpu.memory_space<hbm>> -> memref<6272xf32, #tpu.memory_space<hbm>>
      tpu.enqueue_dma source(%dma_start3A_156 : memref<6272xf32, #tpu.memory_space<hbm>>) target(%arg8 : memref<6272xf32, #tpu.memory_space<vmem>>) target_semaphore(%arg12 : memref<!tpu.dma_semaphore, #tpu.memory_space<semaphore_mem>>)
      %mul3A_157 = arith.constant 100352 : i32
      %mul3A_158 = arith.muli %arg1, %mul3A_157 : i32
      %add3A_159 = arith.constant 68992 : i32
      %add3A_160 = arith.addi %mul3A_158, %add3A_159 : i32
      "tpu.region"() ({
        %run_scoped3A = tpu.sem_alloc : memref<!tpu.dma_semaphore, #tpu.memory_space<semaphore_mem>>
        %dma_start3A_203 = tpu.memref_slice %arg11[%add3A_160] : memref<1404928xf32, #tpu.memory_space<vmem_shared>> -> memref<6272xf32, #tpu.memory_space<vmem_shared>>
        %dma_start3A_204 = tpu.memref_slice %arg11[%add3A_160] : memref<1404928xf32, #tpu.memory_space<vmem_shared>> -> memref<6272xf32, #tpu.memory_space<vmem_shared>>
        tpu.enqueue_dma source(%arg9 : memref<6272xf32, #tpu.memory_space<vmem>>) target(%dma_start3A_204 : memref<6272xf32, #tpu.memory_space<vmem_shared>>) target_semaphore(%run_scoped3A : memref<!tpu.dma_semaphore, #tpu.memory_space<semaphore_mem>>)
        %dma_wait3A_205 = tpu.memref_slice %arg11[%add3A_160] : memref<1404928xf32, #tpu.memory_space<vmem_shared>> -> memref<6272xf32, #tpu.memory_space<vmem_shared>>
        %dma_wait3A_206 = tpu.memref_slice %arg11[%add3A_160] : memref<1404928xf32, #tpu.memory_space<vmem_shared>> -> memref<6272xf32, #tpu.memory_space<vmem_shared>>
        tpu.wait_dma2 semaphore(%run_scoped3A : memref<!tpu.dma_semaphore, #tpu.memory_space<semaphore_mem>>) src(%arg9 : memref<6272xf32, #tpu.memory_space<vmem>>) dst(%dma_wait3A_206 : memref<6272xf32, #tpu.memory_space<vmem_shared>>)
        tpu.yield
      }) : () -> ()
      %dma_wait3A_161 = tpu.memref_slice %arg3[%add3A_154] : memref<2709504xf32, #tpu.memory_space<hbm>> -> memref<6272xf32, #tpu.memory_space<hbm>>
      %dma_wait3A_162 = tpu.memref_slice %arg3[%add3A_154] : memref<2709504xf32, #tpu.memory_space<hbm>> -> memref<6272xf32, #tpu.memory_space<hbm>>
      tpu.wait_dma2 semaphore(%arg12 : memref<!tpu.dma_semaphore, #tpu.memory_space<semaphore_mem>>) src(%dma_wait3A_162 : memref<6272xf32, #tpu.memory_space<hbm>>) dst(%arg8 : memref<6272xf32, #tpu.memory_space<vmem>>)
      %mul3A_163 = arith.constant 100352 : i32
      %mul3A_164 = arith.muli %add3A, %mul3A_163 : i32
      %add3A_165 = arith.constant 81536 : i32
      %add3A_166 = arith.addi %mul3A_164, %add3A_165 : i32
      %dma_start3A_167 = tpu.memref_slice %arg3[%add3A_166] : memref<2709504xf32, #tpu.memory_space<hbm>> -> memref<6272xf32, #tpu.memory_space<hbm>>
      %dma_start3A_168 = tpu.memref_slice %arg3[%add3A_166] : memref<2709504xf32, #tpu.memory_space<hbm>> -> memref<6272xf32, #tpu.memory_space<hbm>>
      tpu.enqueue_dma source(%dma_start3A_168 : memref<6272xf32, #tpu.memory_space<hbm>>) target(%arg9 : memref<6272xf32, #tpu.memory_space<vmem>>) target_semaphore(%arg12 : memref<!tpu.dma_semaphore, #tpu.memory_space<semaphore_mem>>)
      %mul3A_169 = arith.constant 100352 : i32
      %mul3A_170 = arith.muli %arg1, %mul3A_169 : i32
      %add3A_171 = arith.constant 75264 : i32
      %add3A_172 = arith.addi %mul3A_170, %add3A_171 : i32
      "tpu.region"() ({
        %run_scoped3A = tpu.sem_alloc : memref<!tpu.dma_semaphore, #tpu.memory_space<semaphore_mem>>
        %dma_start3A_203 = tpu.memref_slice %arg11[%add3A_172] : memref<1404928xf32, #tpu.memory_space<vmem_shared>> -> memref<6272xf32, #tpu.memory_space<vmem_shared>>
        %dma_start3A_204 = tpu.memref_slice %arg11[%add3A_172] : memref<1404928xf32, #tpu.memory_space<vmem_shared>> -> memref<6272xf32, #tpu.memory_space<vmem_shared>>
        tpu.enqueue_dma source(%arg8 : memref<6272xf32, #tpu.memory_space<vmem>>) target(%dma_start3A_204 : memref<6272xf32, #tpu.memory_space<vmem_shared>>) target_semaphore(%run_scoped3A : memref<!tpu.dma_semaphore, #tpu.memory_space<semaphore_mem>>)
        %dma_wait3A_205 = tpu.memref_slice %arg11[%add3A_172] : memref<1404928xf32, #tpu.memory_space<vmem_shared>> -> memref<6272xf32, #tpu.memory_space<vmem_shared>>
        %dma_wait3A_206 = tpu.memref_slice %arg11[%add3A_172] : memref<1404928xf32, #tpu.memory_space<vmem_shared>> -> memref<6272xf32, #tpu.memory_space<vmem_shared>>
        tpu.wait_dma2 semaphore(%run_scoped3A : memref<!tpu.dma_semaphore, #tpu.memory_space<semaphore_mem>>) src(%arg8 : memref<6272xf32, #tpu.memory_space<vmem>>) dst(%dma_wait3A_206 : memref<6272xf32, #tpu.memory_space<vmem_shared>>)
        tpu.yield
      }) : () -> ()
      %dma_wait3A_173 = tpu.memref_slice %arg3[%add3A_166] : memref<2709504xf32, #tpu.memory_space<hbm>> -> memref<6272xf32, #tpu.memory_space<hbm>>
      %dma_wait3A_174 = tpu.memref_slice %arg3[%add3A_166] : memref<2709504xf32, #tpu.memory_space<hbm>> -> memref<6272xf32, #tpu.memory_space<hbm>>
      tpu.wait_dma2 semaphore(%arg12 : memref<!tpu.dma_semaphore, #tpu.memory_space<semaphore_mem>>) src(%dma_wait3A_174 : memref<6272xf32, #tpu.memory_space<hbm>>) dst(%arg9 : memref<6272xf32, #tpu.memory_space<vmem>>)
      %mul3A_175 = arith.constant 100352 : i32
      %mul3A_176 = arith.muli %add3A, %mul3A_175 : i32
      %add3A_177 = arith.constant 87808 : i32
      %add3A_178 = arith.addi %mul3A_176, %add3A_177 : i32
      %dma_start3A_179 = tpu.memref_slice %arg3[%add3A_178] : memref<2709504xf32, #tpu.memory_space<hbm>> -> memref<6272xf32, #tpu.memory_space<hbm>>
      %dma_start3A_180 = tpu.memref_slice %arg3[%add3A_178] : memref<2709504xf32, #tpu.memory_space<hbm>> -> memref<6272xf32, #tpu.memory_space<hbm>>
      tpu.enqueue_dma source(%dma_start3A_180 : memref<6272xf32, #tpu.memory_space<hbm>>) target(%arg8 : memref<6272xf32, #tpu.memory_space<vmem>>) target_semaphore(%arg12 : memref<!tpu.dma_semaphore, #tpu.memory_space<semaphore_mem>>)
      %mul3A_181 = arith.constant 100352 : i32
      %mul3A_182 = arith.muli %arg1, %mul3A_181 : i32
      %add3A_183 = arith.constant 81536 : i32
      %add3A_184 = arith.addi %mul3A_182, %add3A_183 : i32
      "tpu.region"() ({
        %run_scoped3A = tpu.sem_alloc : memref<!tpu.dma_semaphore, #tpu.memory_space<semaphore_mem>>
        %dma_start3A_203 = tpu.memref_slice %arg11[%add3A_184] : memref<1404928xf32, #tpu.memory_space<vmem_shared>> -> memref<6272xf32, #tpu.memory_space<vmem_shared>>
        %dma_start3A_204 = tpu.memref_slice %arg11[%add3A_184] : memref<1404928xf32, #tpu.memory_space<vmem_shared>> -> memref<6272xf32, #tpu.memory_space<vmem_shared>>
        tpu.enqueue_dma source(%arg9 : memref<6272xf32, #tpu.memory_space<vmem>>) target(%dma_start3A_204 : memref<6272xf32, #tpu.memory_space<vmem_shared>>) target_semaphore(%run_scoped3A : memref<!tpu.dma_semaphore, #tpu.memory_space<semaphore_mem>>)
        %dma_wait3A_205 = tpu.memref_slice %arg11[%add3A_184] : memref<1404928xf32, #tpu.memory_space<vmem_shared>> -> memref<6272xf32, #tpu.memory_space<vmem_shared>>
        %dma_wait3A_206 = tpu.memref_slice %arg11[%add3A_184] : memref<1404928xf32, #tpu.memory_space<vmem_shared>> -> memref<6272xf32, #tpu.memory_space<vmem_shared>>
        tpu.wait_dma2 semaphore(%run_scoped3A : memref<!tpu.dma_semaphore, #tpu.memory_space<semaphore_mem>>) src(%arg9 : memref<6272xf32, #tpu.memory_space<vmem>>) dst(%dma_wait3A_206 : memref<6272xf32, #tpu.memory_space<vmem_shared>>)
        tpu.yield
      }) : () -> ()
      %dma_wait3A_185 = tpu.memref_slice %arg3[%add3A_178] : memref<2709504xf32, #tpu.memory_space<hbm>> -> memref<6272xf32, #tpu.memory_space<hbm>>
      %dma_wait3A_186 = tpu.memref_slice %arg3[%add3A_178] : memref<2709504xf32, #tpu.memory_space<hbm>> -> memref<6272xf32, #tpu.memory_space<hbm>>
      tpu.wait_dma2 semaphore(%arg12 : memref<!tpu.dma_semaphore, #tpu.memory_space<semaphore_mem>>) src(%dma_wait3A_186 : memref<6272xf32, #tpu.memory_space<hbm>>) dst(%arg8 : memref<6272xf32, #tpu.memory_space<vmem>>)
      %mul3A_187 = arith.constant 100352 : i32
      %mul3A_188 = arith.muli %add3A, %mul3A_187 : i32
      %add3A_189 = arith.constant 94080 : i32
      %add3A_190 = arith.addi %mul3A_188, %add3A_189 : i32
      %dma_start3A_191 = tpu.memref_slice %arg3[%add3A_190] : memref<2709504xf32, #tpu.memory_space<hbm>> -> memref<6272xf32, #tpu.memory_space<hbm>>
      %dma_start3A_192 = tpu.memref_slice %arg3[%add3A_190] : memref<2709504xf32, #tpu.memory_space<hbm>> -> memref<6272xf32, #tpu.memory_space<hbm>>
      tpu.enqueue_dma source(%dma_start3A_192 : memref<6272xf32, #tpu.memory_space<hbm>>) target(%arg9 : memref<6272xf32, #tpu.memory_space<vmem>>) target_semaphore(%arg12 : memref<!tpu.dma_semaphore, #tpu.memory_space<semaphore_mem>>)
      %mul3A_193 = arith.constant 100352 : i32
      %mul3A_194 = arith.muli %arg1, %mul3A_193 : i32
      %add3A_195 = arith.constant 87808 : i32
      %add3A_196 = arith.addi %mul3A_194, %add3A_195 : i32
      "tpu.region"() ({
        %run_scoped3A = tpu.sem_alloc : memref<!tpu.dma_semaphore, #tpu.memory_space<semaphore_mem>>
        %dma_start3A_203 = tpu.memref_slice %arg11[%add3A_196] : memref<1404928xf32, #tpu.memory_space<vmem_shared>> -> memref<6272xf32, #tpu.memory_space<vmem_shared>>
        %dma_start3A_204 = tpu.memref_slice %arg11[%add3A_196] : memref<1404928xf32, #tpu.memory_space<vmem_shared>> -> memref<6272xf32, #tpu.memory_space<vmem_shared>>
        tpu.enqueue_dma source(%arg8 : memref<6272xf32, #tpu.memory_space<vmem>>) target(%dma_start3A_204 : memref<6272xf32, #tpu.memory_space<vmem_shared>>) target_semaphore(%run_scoped3A : memref<!tpu.dma_semaphore, #tpu.memory_space<semaphore_mem>>)
        %dma_wait3A_205 = tpu.memref_slice %arg11[%add3A_196] : memref<1404928xf32, #tpu.memory_space<vmem_shared>> -> memref<6272xf32, #tpu.memory_space<vmem_shared>>
        %dma_wait3A_206 = tpu.memref_slice %arg11[%add3A_196] : memref<1404928xf32, #tpu.memory_space<vmem_shared>> -> memref<6272xf32, #tpu.memory_space<vmem_shared>>
        tpu.wait_dma2 semaphore(%run_scoped3A : memref<!tpu.dma_semaphore, #tpu.memory_space<semaphore_mem>>) src(%arg8 : memref<6272xf32, #tpu.memory_space<vmem>>) dst(%dma_wait3A_206 : memref<6272xf32, #tpu.memory_space<vmem_shared>>)
        tpu.yield
      }) : () -> ()
      %dma_wait3A_197 = tpu.memref_slice %arg3[%add3A_190] : memref<2709504xf32, #tpu.memory_space<hbm>> -> memref<6272xf32, #tpu.memory_space<hbm>>
      %dma_wait3A_198 = tpu.memref_slice %arg3[%add3A_190] : memref<2709504xf32, #tpu.memory_space<hbm>> -> memref<6272xf32, #tpu.memory_space<hbm>>
      tpu.wait_dma2 semaphore(%arg12 : memref<!tpu.dma_semaphore, #tpu.memory_space<semaphore_mem>>) src(%dma_wait3A_198 : memref<6272xf32, #tpu.memory_space<hbm>>) dst(%arg9 : memref<6272xf32, #tpu.memory_space<vmem>>)
      %mul3A_199 = arith.constant 100352 : i32
      %mul3A_200 = arith.muli %arg1, %mul3A_199 : i32
      %add3A_201 = arith.constant 94080 : i32
      %add3A_202 = arith.addi %mul3A_200, %add3A_201 : i32
      "tpu.region"() ({
        %run_scoped3A = tpu.sem_alloc : memref<!tpu.dma_semaphore, #tpu.memory_space<semaphore_mem>>
        %dma_start3A_203 = tpu.memref_slice %arg11[%add3A_202] : memref<1404928xf32, #tpu.memory_space<vmem_shared>> -> memref<6272xf32, #tpu.memory_space<vmem_shared>>
        %dma_start3A_204 = tpu.memref_slice %arg11[%add3A_202] : memref<1404928xf32, #tpu.memory_space<vmem_shared>> -> memref<6272xf32, #tpu.memory_space<vmem_shared>>
        tpu.enqueue_dma source(%arg9 : memref<6272xf32, #tpu.memory_space<vmem>>) target(%dma_start3A_204 : memref<6272xf32, #tpu.memory_space<vmem_shared>>) target_semaphore(%run_scoped3A : memref<!tpu.dma_semaphore, #tpu.memory_space<semaphore_mem>>)
        %dma_wait3A_205 = tpu.memref_slice %arg11[%add3A_202] : memref<1404928xf32, #tpu.memory_space<vmem_shared>> -> memref<6272xf32, #tpu.memory_space<vmem_shared>>
        %dma_wait3A_206 = tpu.memref_slice %arg11[%add3A_202] : memref<1404928xf32, #tpu.memory_space<vmem_shared>> -> memref<6272xf32, #tpu.memory_space<vmem_shared>>
        tpu.wait_dma2 semaphore(%run_scoped3A : memref<!tpu.dma_semaphore, #tpu.memory_space<semaphore_mem>>) src(%arg9 : memref<6272xf32, #tpu.memory_space<vmem>>) dst(%dma_wait3A_206 : memref<6272xf32, #tpu.memory_space<vmem_shared>>)
        tpu.yield
      }) : () -> ()
    } else {
    }
    %barrier3A = arith.constant 0 : index
    tpu.barrier barrier_id(%barrier3A)
    %eq3A_4 = arith.constant 0 : i32
    %eq3A_5 = arith.cmpi eq, %arg0, %eq3A_4 : i32
    %convert_element_type3A_6 = arith.extui %eq3A_5 : i1 to i32
    %cond3A_7 = arith.constant 0 : i32
    %cond3A_8 = arith.cmpi ne, %convert_element_type3A_6, %cond3A_7 : i32
    scf.if %cond3A_8 {
      %mul3A = arith.constant 6272 : i32
      %mul3A_14 = arith.muli %arg1, %mul3A : i32
      %add3A = arith.constant 0 : i32
      %add3A_15 = arith.addi %add3A, %mul3A_14 : i32
      %dma_start3A = tpu.memref_slice %arg2[%add3A_15] : memref<2709504xi32, #tpu.memory_space<hbm>> -> memref<6272xi32, #tpu.memory_space<hbm>>
      %dma_start3A_16 = tpu.memref_slice %arg2[%add3A_15] : memref<2709504xi32, #tpu.memory_space<hbm>> -> memref<6272xi32, #tpu.memory_space<hbm>>
      tpu.enqueue_dma source(%dma_start3A_16 : memref<6272xi32, #tpu.memory_space<hbm>>) target(%arg6 : memref<6272xi32, #tpu.memory_space<vmem>>) target_semaphore(%arg12 : memref<!tpu.dma_semaphore, #tpu.memory_space<semaphore_mem>>)
      %dma_wait3A = tpu.memref_slice %arg2[%add3A_15] : memref<2709504xi32, #tpu.memory_space<hbm>> -> memref<6272xi32, #tpu.memory_space<hbm>>
      %dma_wait3A_17 = tpu.memref_slice %arg2[%add3A_15] : memref<2709504xi32, #tpu.memory_space<hbm>> -> memref<6272xi32, #tpu.memory_space<hbm>>
      tpu.wait_dma2 semaphore(%arg12 : memref<!tpu.dma_semaphore, #tpu.memory_space<semaphore_mem>>) src(%dma_wait3A_17 : memref<6272xi32, #tpu.memory_space<hbm>>) dst(%arg6 : memref<6272xi32, #tpu.memory_space<vmem>>)
      %dma_start3A_18 = arith.constant 0 : i32
      %dma_start3A_19 = tpu.memref_slice %arg11[%dma_start3A_18] : memref<1404928xf32, #tpu.memory_space<vmem_shared>> -> memref<1404928xf32, #tpu.memory_space<vmem_shared>>
      tpu.enqueue_indirect_dma source(%dma_start3A_19 : memref<1404928xf32, #tpu.memory_space<vmem_shared>>) target(%arg8 : memref<6272xf32, #tpu.memory_space<vmem>>) offsets(%arg6 : memref<6272xi32, #tpu.memory_space<vmem>>) semaphore(%arg13 : memref<!tpu.dma_semaphore, #tpu.memory_space<semaphore_mem>>)
      %add3A_20 = arith.constant 100352 : i32
      %add3A_21 = arith.addi %add3A_15, %add3A_20 : i32
      %dma_start3A_22 = tpu.memref_slice %arg2[%add3A_21] : memref<2709504xi32, #tpu.memory_space<hbm>> -> memref<6272xi32, #tpu.memory_space<hbm>>
      %dma_start3A_23 = tpu.memref_slice %arg2[%add3A_21] : memref<2709504xi32, #tpu.memory_space<hbm>> -> memref<6272xi32, #tpu.memory_space<hbm>>
      tpu.enqueue_dma source(%dma_start3A_23 : memref<6272xi32, #tpu.memory_space<hbm>>) target(%arg7 : memref<6272xi32, #tpu.memory_space<vmem>>) target_semaphore(%arg12 : memref<!tpu.dma_semaphore, #tpu.memory_space<semaphore_mem>>)
      %dma_wait3A_24 = arith.constant 0 : i32
      %dma_wait3A_25 = tpu.memref_slice %arg11[%dma_wait3A_24] : memref<1404928xf32, #tpu.memory_space<vmem_shared>> -> memref<1404928xf32, #tpu.memory_space<vmem_shared>>
      tpu.wait_indirect_dma semaphore(%arg13 : memref<!tpu.dma_semaphore, #tpu.memory_space<semaphore_mem>>) src(%dma_wait3A_25 : memref<1404928xf32, #tpu.memory_space<vmem_shared>>) dst(%arg8 : memref<6272xf32, #tpu.memory_space<vmem>>)
      %dma_wait3A_26 = tpu.memref_slice %arg2[%add3A_21] : memref<2709504xi32, #tpu.memory_space<hbm>> -> memref<6272xi32, #tpu.memory_space<hbm>>
      %dma_wait3A_27 = tpu.memref_slice %arg2[%add3A_21] : memref<2709504xi32, #tpu.memory_space<hbm>> -> memref<6272xi32, #tpu.memory_space<hbm>>
      tpu.wait_dma2 semaphore(%arg12 : memref<!tpu.dma_semaphore, #tpu.memory_space<semaphore_mem>>) src(%dma_wait3A_27 : memref<6272xi32, #tpu.memory_space<hbm>>) dst(%arg7 : memref<6272xi32, #tpu.memory_space<vmem>>)
      %dma_start3A_28 = arith.constant 0 : i32
      %dma_start3A_29 = tpu.memref_slice %arg11[%dma_start3A_28] : memref<1404928xf32, #tpu.memory_space<vmem_shared>> -> memref<1404928xf32, #tpu.memory_space<vmem_shared>>
      tpu.enqueue_indirect_dma source(%dma_start3A_29 : memref<1404928xf32, #tpu.memory_space<vmem_shared>>) target(%arg9 : memref<6272xf32, #tpu.memory_space<vmem>>) offsets(%arg7 : memref<6272xi32, #tpu.memory_space<vmem>>) semaphore(%arg13 : memref<!tpu.dma_semaphore, #tpu.memory_space<semaphore_mem>>)
      %add3A_30 = arith.constant 200704 : i32
      %add3A_31 = arith.addi %add3A_15, %add3A_30 : i32
      %dma_start3A_32 = tpu.memref_slice %arg2[%add3A_31] : memref<2709504xi32, #tpu.memory_space<hbm>> -> memref<6272xi32, #tpu.memory_space<hbm>>
      %dma_start3A_33 = tpu.memref_slice %arg2[%add3A_31] : memref<2709504xi32, #tpu.memory_space<hbm>> -> memref<6272xi32, #tpu.memory_space<hbm>>
      tpu.enqueue_dma source(%dma_start3A_33 : memref<6272xi32, #tpu.memory_space<hbm>>) target(%arg6 : memref<6272xi32, #tpu.memory_space<vmem>>) target_semaphore(%arg12 : memref<!tpu.dma_semaphore, #tpu.memory_space<semaphore_mem>>)
      %scan3A = arith.constant 0 : i32
      %scan3A_34 = arith.constant 0 : i32
      %scan3A_35 = arith.constant 49 : i32
      %scan3A_36 = arith.addi %scan3A_34, %scan3A_35 : i32
      %scan3A_37 = arith.constant 1 : i32
      scf.for %scan3A_237 = %scan3A_34 to %scan3A_36 step %scan3A_37  : i32 {
        %mul3A_238 = arith.constant 128 : i32
        %mul3A_239 = arith.muli %scan3A_237, %mul3A_238 : i32
        %add3A_240 = arith.constant 0 : i32
        %add3A_241 = arith.addi %mul3A_239, %add3A_240 : i32
        %get3A = arith.index_cast %add3A_241 : i32 to index
        %get3A_242 = tpu.vector_load %arg8[%get3A] {strides = array<i32>} : memref<6272xf32, #tpu.memory_space<vmem>>, vector<16xf32>,
        %swap3A = arith.index_cast %add3A_241 : i32 to index
        %swap3A_243 = tpu.vector_load %arg10[%swap3A] {strides = array<i32>} : memref<6272xf32, #tpu.memory_space<vmem>>, vector<16xf32>,
        tpu.vector_store %arg10[%swap3A], %get3A_242 {strides = array<i32>} : memref<6272xf32, #tpu.memory_space<vmem>>, vector<16xf32>,
        %add3A_244 = arith.constant 16 : i32
        %add3A_245 = arith.addi %mul3A_239, %add3A_244 : i32
        %get3A_246 = arith.index_cast %add3A_245 : i32 to index
        %get3A_247 = tpu.vector_load %arg8[%get3A_246] {strides = array<i32>} : memref<6272xf32, #tpu.memory_space<vmem>>, vector<16xf32>,
        %swap3A_248 = arith.index_cast %add3A_245 : i32 to index
        %swap3A_249 = tpu.vector_load %arg10[%swap3A_248] {strides = array<i32>} : memref<6272xf32, #tpu.memory_space<vmem>>, vector<16xf32>,
        tpu.vector_store %arg10[%swap3A_248], %get3A_247 {strides = array<i32>} : memref<6272xf32, #tpu.memory_space<vmem>>, vector<16xf32>,
        %add3A_250 = arith.constant 32 : i32
        %add3A_251 = arith.addi %mul3A_239, %add3A_250 : i32
        %get3A_252 = arith.index_cast %add3A_251 : i32 to index
        %get3A_253 = tpu.vector_load %arg8[%get3A_252] {strides = array<i32>} : memref<6272xf32, #tpu.memory_space<vmem>>, vector<16xf32>,
        %swap3A_254 = arith.index_cast %add3A_251 : i32 to index
        %swap3A_255 = tpu.vector_load %arg10[%swap3A_254] {strides = array<i32>} : memref<6272xf32, #tpu.memory_space<vmem>>, vector<16xf32>,
        tpu.vector_store %arg10[%swap3A_254], %get3A_253 {strides = array<i32>} : memref<6272xf32, #tpu.memory_space<vmem>>, vector<16xf32>,
        %add3A_256 = arith.constant 48 : i32
        %add3A_257 = arith.addi %mul3A_239, %add3A_256 : i32
        %get3A_258 = arith.index_cast %add3A_257 : i32 to index
        %get3A_259 = tpu.vector_load %arg8[%get3A_258] {strides = array<i32>} : memref<6272xf32, #tpu.memory_space<vmem>>, vector<16xf32>,
        %swap3A_260 = arith.index_cast %add3A_257 : i32 to index
        %swap3A_261 = tpu.vector_load %arg10[%swap3A_260] {strides = array<i32>} : memref<6272xf32, #tpu.memory_space<vmem>>, vector<16xf32>,
        tpu.vector_store %arg10[%swap3A_260], %get3A_259 {strides = array<i32>} : memref<6272xf32, #tpu.memory_space<vmem>>, vector<16xf32>,
        %add3A_262 = arith.constant 64 : i32
        %add3A_263 = arith.addi %mul3A_239, %add3A_262 : i32
        %get3A_264 = arith.index_cast %add3A_263 : i32 to index
        %get3A_265 = tpu.vector_load %arg8[%get3A_264] {strides = array<i32>} : memref<6272xf32, #tpu.memory_space<vmem>>, vector<16xf32>,
        %swap3A_266 = arith.index_cast %add3A_263 : i32 to index
        %swap3A_267 = tpu.vector_load %arg10[%swap3A_266] {strides = array<i32>} : memref<6272xf32, #tpu.memory_space<vmem>>, vector<16xf32>,
        tpu.vector_store %arg10[%swap3A_266], %get3A_265 {strides = array<i32>} : memref<6272xf32, #tpu.memory_space<vmem>>, vector<16xf32>,
        %add3A_268 = arith.constant 80 : i32
        %add3A_269 = arith.addi %mul3A_239, %add3A_268 : i32
        %get3A_270 = arith.index_cast %add3A_269 : i32 to index
        %get3A_271 = tpu.vector_load %arg8[%get3A_270] {strides = array<i32>} : memref<6272xf32, #tpu.memory_space<vmem>>, vector<16xf32>,
        %swap3A_272 = arith.index_cast %add3A_269 : i32 to index
        %swap3A_273 = tpu.vector_load %arg10[%swap3A_272] {strides = array<i32>} : memref<6272xf32, #tpu.memory_space<vmem>>, vector<16xf32>,
        tpu.vector_store %arg10[%swap3A_272], %get3A_271 {strides = array<i32>} : memref<6272xf32, #tpu.memory_space<vmem>>, vector<16xf32>,
        %add3A_274 = arith.constant 96 : i32
        %add3A_275 = arith.addi %mul3A_239, %add3A_274 : i32
        %get3A_276 = arith.index_cast %add3A_275 : i32 to index
        %get3A_277 = tpu.vector_load %arg8[%get3A_276] {strides = array<i32>} : memref<6272xf32, #tpu.memory_space<vmem>>, vector<16xf32>,
        %swap3A_278 = arith.index_cast %add3A_275 : i32 to index
        %swap3A_279 = tpu.vector_load %arg10[%swap3A_278] {strides = array<i32>} : memref<6272xf32, #tpu.memory_space<vmem>>, vector<16xf32>,
        tpu.vector_store %arg10[%swap3A_278], %get3A_277 {strides = array<i32>} : memref<6272xf32, #tpu.memory_space<vmem>>, vector<16xf32>,
        %add3A_280 = arith.constant 112 : i32
        %add3A_281 = arith.addi %mul3A_239, %add3A_280 : i32
        %get3A_282 = arith.index_cast %add3A_281 : i32 to index
        %get3A_283 = tpu.vector_load %arg8[%get3A_282] {strides = array<i32>} : memref<6272xf32, #tpu.memory_space<vmem>>, vector<16xf32>,
        %swap3A_284 = arith.index_cast %add3A_281 : i32 to index
        %swap3A_285 = tpu.vector_load %arg10[%swap3A_284] {strides = array<i32>} : memref<6272xf32, #tpu.memory_space<vmem>>, vector<16xf32>,
        tpu.vector_store %arg10[%swap3A_284], %get3A_283 {strides = array<i32>} : memref<6272xf32, #tpu.memory_space<vmem>>, vector<16xf32>,
      }
      %scan3A_38 = arith.constant 49 : i32
      %dma_wait3A_39 = arith.constant 0 : i32
      %dma_wait3A_40 = tpu.memref_slice %arg11[%dma_wait3A_39] : memref<1404928xf32, #tpu.memory_space<vmem_shared>> -> memref<1404928xf32, #tpu.memory_space<vmem_shared>>
      tpu.wait_indirect_dma semaphore(%arg13 : memref<!tpu.dma_semaphore, #tpu.memory_space<semaphore_mem>>) src(%dma_wait3A_40 : memref<1404928xf32, #tpu.memory_space<vmem_shared>>) dst(%arg9 : memref<6272xf32, #tpu.memory_space<vmem>>)
      %dma_wait3A_41 = tpu.memref_slice %arg2[%add3A_31] : memref<2709504xi32, #tpu.memory_space<hbm>> -> memref<6272xi32, #tpu.memory_space<hbm>>
      %dma_wait3A_42 = tpu.memref_slice %arg2[%add3A_31] : memref<2709504xi32, #tpu.memory_space<hbm>> -> memref<6272xi32, #tpu.memory_space<hbm>>
      tpu.wait_dma2 semaphore(%arg12 : memref<!tpu.dma_semaphore, #tpu.memory_space<semaphore_mem>>) src(%dma_wait3A_42 : memref<6272xi32, #tpu.memory_space<hbm>>) dst(%arg6 : memref<6272xi32, #tpu.memory_space<vmem>>)
      %dma_start3A_43 = arith.constant 0 : i32
      %dma_start3A_44 = tpu.memref_slice %arg11[%dma_start3A_43] : memref<1404928xf32, #tpu.memory_space<vmem_shared>> -> memref<1404928xf32, #tpu.memory_space<vmem_shared>>
      tpu.enqueue_indirect_dma source(%dma_start3A_44 : memref<1404928xf32, #tpu.memory_space<vmem_shared>>) target(%arg8 : memref<6272xf32, #tpu.memory_space<vmem>>) offsets(%arg6 : memref<6272xi32, #tpu.memory_space<vmem>>) semaphore(%arg13 : memref<!tpu.dma_semaphore, #tpu.memory_space<semaphore_mem>>)
      %add3A_45 = arith.constant 301056 : i32
      %add3A_46 = arith.addi %add3A_15, %add3A_45 : i32
      %dma_start3A_47 = tpu.memref_slice %arg2[%add3A_46] : memref<2709504xi32, #tpu.memory_space<hbm>> -> memref<6272xi32, #tpu.memory_space<hbm>>
      %dma_start3A_48 = tpu.memref_slice %arg2[%add3A_46] : memref<2709504xi32, #tpu.memory_space<hbm>> -> memref<6272xi32, #tpu.memory_space<hbm>>
      tpu.enqueue_dma source(%dma_start3A_48 : memref<6272xi32, #tpu.memory_space<hbm>>) target(%arg7 : memref<6272xi32, #tpu.memory_space<vmem>>) target_semaphore(%arg12 : memref<!tpu.dma_semaphore, #tpu.memory_space<semaphore_mem>>)
      %scan3A_49 = arith.constant 0 : i32
      %scan3A_50 = arith.constant 0 : i32
      %scan3A_51 = arith.constant 49 : i32
      %scan3A_52 = arith.addi %scan3A_50, %scan3A_51 : i32
      %scan3A_53 = arith.constant 1 : i32
      scf.for %scan3A_237 = %scan3A_50 to %scan3A_52 step %scan3A_53  : i32 {
        %mul3A_238 = arith.constant 128 : i32
        %mul3A_239 = arith.muli %scan3A_237, %mul3A_238 : i32
        %add3A_240 = arith.constant 0 : i32
        %add3A_241 = arith.addi %mul3A_239, %add3A_240 : i32
        %get3A = arith.index_cast %add3A_241 : i32 to index
        %get3A_242 = tpu.vector_load %arg10[%get3A] {strides = array<i32>} : memref<6272xf32, #tpu.memory_space<vmem>>, vector<16xf32>,
        %get3A_243 = arith.index_cast %add3A_241 : i32 to index
        %get3A_244 = tpu.vector_load %arg9[%get3A_243] {strides = array<i32>} : memref<6272xf32, #tpu.memory_space<vmem>>, vector<16xf32>,
        %add3A_245 = arith.addf %get3A_242, %get3A_244 : vector<16xf32>
        %swap3A = arith.index_cast %add3A_241 : i32 to index
        %swap3A_246 = tpu.vector_load %arg10[%swap3A] {strides = array<i32>} : memref<6272xf32, #tpu.memory_space<vmem>>, vector<16xf32>,
        tpu.vector_store %arg10[%swap3A], %add3A_245 {strides = array<i32>} : memref<6272xf32, #tpu.memory_space<vmem>>, vector<16xf32>,
        %add3A_247 = arith.constant 16 : i32
        %add3A_248 = arith.addi %mul3A_239, %add3A_247 : i32
        %get3A_249 = arith.index_cast %add3A_248 : i32 to index
        %get3A_250 = tpu.vector_load %arg10[%get3A_249] {strides = array<i32>} : memref<6272xf32, #tpu.memory_space<vmem>>, vector<16xf32>,
        %get3A_251 = arith.index_cast %add3A_248 : i32 to index
        %get3A_252 = tpu.vector_load %arg9[%get3A_251] {strides = array<i32>} : memref<6272xf32, #tpu.memory_space<vmem>>, vector<16xf32>,
        %add3A_253 = arith.addf %get3A_250, %get3A_252 : vector<16xf32>
        %swap3A_254 = arith.index_cast %add3A_248 : i32 to index
        %swap3A_255 = tpu.vector_load %arg10[%swap3A_254] {strides = array<i32>} : memref<6272xf32, #tpu.memory_space<vmem>>, vector<16xf32>,
        tpu.vector_store %arg10[%swap3A_254], %add3A_253 {strides = array<i32>} : memref<6272xf32, #tpu.memory_space<vmem>>, vector<16xf32>,
        %add3A_256 = arith.constant 32 : i32
        %add3A_257 = arith.addi %mul3A_239, %add3A_256 : i32
        %get3A_258 = arith.index_cast %add3A_257 : i32 to index
        %get3A_259 = tpu.vector_load %arg10[%get3A_258] {strides = array<i32>} : memref<6272xf32, #tpu.memory_space<vmem>>, vector<16xf32>,
        %get3A_260 = arith.index_cast %add3A_257 : i32 to index
        %get3A_261 = tpu.vector_load %arg9[%get3A_260] {strides = array<i32>} : memref<6272xf32, #tpu.memory_space<vmem>>, vector<16xf32>,
        %add3A_262 = arith.addf %get3A_259, %get3A_261 : vector<16xf32>
        %swap3A_263 = arith.index_cast %add3A_257 : i32 to index
        %swap3A_264 = tpu.vector_load %arg10[%swap3A_263] {strides = array<i32>} : memref<6272xf32, #tpu.memory_space<vmem>>, vector<16xf32>,
        tpu.vector_store %arg10[%swap3A_263], %add3A_262 {strides = array<i32>} : memref<6272xf32, #tpu.memory_space<vmem>>, vector<16xf32>,
        %add3A_265 = arith.constant 48 : i32
        %add3A_266 = arith.addi %mul3A_239, %add3A_265 : i32
        %get3A_267 = arith.index_cast %add3A_266 : i32 to index
        %get3A_268 = tpu.vector_load %arg10[%get3A_267] {strides = array<i32>} : memref<6272xf32, #tpu.memory_space<vmem>>, vector<16xf32>,
        %get3A_269 = arith.index_cast %add3A_266 : i32 to index
        %get3A_270 = tpu.vector_load %arg9[%get3A_269] {strides = array<i32>} : memref<6272xf32, #tpu.memory_space<vmem>>, vector<16xf32>,
        %add3A_271 = arith.addf %get3A_268, %get3A_270 : vector<16xf32>
        %swap3A_272 = arith.index_cast %add3A_266 : i32 to index
        %swap3A_273 = tpu.vector_load %arg10[%swap3A_272] {strides = array<i32>} : memref<6272xf32, #tpu.memory_space<vmem>>, vector<16xf32>,
        tpu.vector_store %arg10[%swap3A_272], %add3A_271 {strides = array<i32>} : memref<6272xf32, #tpu.memory_space<vmem>>, vector<16xf32>,
        %add3A_274 = arith.constant 64 : i32
        %add3A_275 = arith.addi %mul3A_239, %add3A_274 : i32
        %get3A_276 = arith.index_cast %add3A_275 : i32 to index
        %get3A_277 = tpu.vector_load %arg10[%get3A_276] {strides = array<i32>} : memref<6272xf32, #tpu.memory_space<vmem>>, vector<16xf32>,
        %get3A_278 = arith.index_cast %add3A_275 : i32 to index
        %get3A_279 = tpu.vector_load %arg9[%get3A_278] {strides = array<i32>} : memref<6272xf32, #tpu.memory_space<vmem>>, vector<16xf32>,
        %add3A_280 = arith.addf %get3A_277, %get3A_279 : vector<16xf32>
        %swap3A_281 = arith.index_cast %add3A_275 : i32 to index
        %swap3A_282 = tpu.vector_load %arg10[%swap3A_281] {strides = array<i32>} : memref<6272xf32, #tpu.memory_space<vmem>>, vector<16xf32>,
        tpu.vector_store %arg10[%swap3A_281], %add3A_280 {strides = array<i32>} : memref<6272xf32, #tpu.memory_space<vmem>>, vector<16xf32>,
        %add3A_283 = arith.constant 80 : i32
        %add3A_284 = arith.addi %mul3A_239, %add3A_283 : i32
        %get3A_285 = arith.index_cast %add3A_284 : i32 to index
        %get3A_286 = tpu.vector_load %arg10[%get3A_285] {strides = array<i32>} : memref<6272xf32, #tpu.memory_space<vmem>>, vector<16xf32>,
        %get3A_287 = arith.index_cast %add3A_284 : i32 to index
        %get3A_288 = tpu.vector_load %arg9[%get3A_287] {strides = array<i32>} : memref<6272xf32, #tpu.memory_space<vmem>>, vector<16xf32>,
        %add3A_289 = arith.addf %get3A_286, %get3A_288 : vector<16xf32>
        %swap3A_290 = arith.index_cast %add3A_284 : i32 to index
        %swap3A_291 = tpu.vector_load %arg10[%swap3A_290] {strides = array<i32>} : memref<6272xf32, #tpu.memory_space<vmem>>, vector<16xf32>,
        tpu.vector_store %arg10[%swap3A_290], %add3A_289 {strides = array<i32>} : memref<6272xf32, #tpu.memory_space<vmem>>, vector<16xf32>,
        %add3A_292 = arith.constant 96 : i32
        %add3A_293 = arith.addi %mul3A_239, %add3A_292 : i32
        %get3A_294 = arith.index_cast %add3A_293 : i32 to index
        %get3A_295 = tpu.vector_load %arg10[%get3A_294] {strides = array<i32>} : memref<6272xf32, #tpu.memory_space<vmem>>, vector<16xf32>,
        %get3A_296 = arith.index_cast %add3A_293 : i32 to index
        %get3A_297 = tpu.vector_load %arg9[%get3A_296] {strides = array<i32>} : memref<6272xf32, #tpu.memory_space<vmem>>, vector<16xf32>,
        %add3A_298 = arith.addf %get3A_295, %get3A_297 : vector<16xf32>
        %swap3A_299 = arith.index_cast %add3A_293 : i32 to index
        %swap3A_300 = tpu.vector_load %arg10[%swap3A_299] {strides = array<i32>} : memref<6272xf32, #tpu.memory_space<vmem>>, vector<16xf32>,
        tpu.vector_store %arg10[%swap3A_299], %add3A_298 {strides = array<i32>} : memref<6272xf32, #tpu.memory_space<vmem>>, vector<16xf32>,
        %add3A_301 = arith.constant 112 : i32
        %add3A_302 = arith.addi %mul3A_239, %add3A_301 : i32
        %get3A_303 = arith.index_cast %add3A_302 : i32 to index
        %get3A_304 = tpu.vector_load %arg10[%get3A_303] {strides = array<i32>} : memref<6272xf32, #tpu.memory_space<vmem>>, vector<16xf32>,
        %get3A_305 = arith.index_cast %add3A_302 : i32 to index
        %get3A_306 = tpu.vector_load %arg9[%get3A_305] {strides = array<i32>} : memref<6272xf32, #tpu.memory_space<vmem>>, vector<16xf32>,
        %add3A_307 = arith.addf %get3A_304, %get3A_306 : vector<16xf32>
        %swap3A_308 = arith.index_cast %add3A_302 : i32 to index
        %swap3A_309 = tpu.vector_load %arg10[%swap3A_308] {strides = array<i32>} : memref<6272xf32, #tpu.memory_space<vmem>>, vector<16xf32>,
        tpu.vector_store %arg10[%swap3A_308], %add3A_307 {strides = array<i32>} : memref<6272xf32, #tpu.memory_space<vmem>>, vector<16xf32>,
      }
      %scan3A_54 = arith.constant 49 : i32
      %dma_wait3A_55 = arith.constant 0 : i32
      %dma_wait3A_56 = tpu.memref_slice %arg11[%dma_wait3A_55] : memref<1404928xf32, #tpu.memory_space<vmem_shared>> -> memref<1404928xf32, #tpu.memory_space<vmem_shared>>
      tpu.wait_indirect_dma semaphore(%arg13 : memref<!tpu.dma_semaphore, #tpu.memory_space<semaphore_mem>>) src(%dma_wait3A_56 : memref<1404928xf32, #tpu.memory_space<vmem_shared>>) dst(%arg8 : memref<6272xf32, #tpu.memory_space<vmem>>)
      %dma_wait3A_57 = tpu.memref_slice %arg2[%add3A_46] : memref<2709504xi32, #tpu.memory_space<hbm>> -> memref<6272xi32, #tpu.memory_space<hbm>>
      %dma_wait3A_58 = tpu.memref_slice %arg2[%add3A_46] : memref<2709504xi32, #tpu.memory_space<hbm>> -> memref<6272xi32, #tpu.memory_space<hbm>>
      tpu.wait_dma2 semaphore(%arg12 : memref<!tpu.dma_semaphore, #tpu.memory_space<semaphore_mem>>) src(%dma_wait3A_58 : memref<6272xi32, #tpu.memory_space<hbm>>) dst(%arg7 : memref<6272xi32, #tpu.memory_space<vmem>>)
      %dma_start3A_59 = arith.constant 0 : i32
      %dma_start3A_60 = tpu.memref_slice %arg11[%dma_start3A_59] : memref<1404928xf32, #tpu.memory_space<vmem_shared>> -> memref<1404928xf32, #tpu.memory_space<vmem_shared>>
      tpu.enqueue_indirect_dma source(%dma_start3A_60 : memref<1404928xf32, #tpu.memory_space<vmem_shared>>) target(%arg9 : memref<6272xf32, #tpu.memory_space<vmem>>) offsets(%arg7 : memref<6272xi32, #tpu.memory_space<vmem>>) semaphore(%arg13 : memref<!tpu.dma_semaphore, #tpu.memory_space<semaphore_mem>>)
      %add3A_61 = arith.constant 401408 : i32
      %add3A_62 = arith.addi %add3A_15, %add3A_61 : i32
      %dma_start3A_63 = tpu.memref_slice %arg2[%add3A_62] : memref<2709504xi32, #tpu.memory_space<hbm>> -> memref<6272xi32, #tpu.memory_space<hbm>>
      %dma_start3A_64 = tpu.memref_slice %arg2[%add3A_62] : memref<2709504xi32, #tpu.memory_space<hbm>> -> memref<6272xi32, #tpu.memory_space<hbm>>
      tpu.enqueue_dma source(%dma_start3A_64 : memref<6272xi32, #tpu.memory_space<hbm>>) target(%arg6 : memref<6272xi32, #tpu.memory_space<vmem>>) target_semaphore(%arg12 : memref<!tpu.dma_semaphore, #tpu.memory_space<semaphore_mem>>)
      %scan3A_65 = arith.constant 0 : i32
      %scan3A_66 = arith.constant 0 : i32
      %scan3A_67 = arith.constant 49 : i32
      %scan3A_68 = arith.addi %scan3A_66, %scan3A_67 : i32
      %scan3A_69 = arith.constant 1 : i32
      scf.for %scan3A_237 = %scan3A_66 to %scan3A_68 step %scan3A_69  : i32 {
        %mul3A_238 = arith.constant 128 : i32
        %mul3A_239 = arith.muli %scan3A_237, %mul3A_238 : i32
        %add3A_240 = arith.constant 0 : i32
        %add3A_241 = arith.addi %mul3A_239, %add3A_240 : i32
        %get3A = arith.index_cast %add3A_241 : i32 to index
        %get3A_242 = tpu.vector_load %arg10[%get3A] {strides = array<i32>} : memref<6272xf32, #tpu.memory_space<vmem>>, vector<16xf32>,
        %get3A_243 = arith.index_cast %add3A_241 : i32 to index
        %get3A_244 = tpu.vector_load %arg8[%get3A_243] {strides = array<i32>} : memref<6272xf32, #tpu.memory_space<vmem>>, vector<16xf32>,
        %add3A_245 = arith.addf %get3A_242, %get3A_244 : vector<16xf32>
        %swap3A = arith.index_cast %add3A_241 : i32 to index
        %swap3A_246 = tpu.vector_load %arg10[%swap3A] {strides = array<i32>} : memref<6272xf32, #tpu.memory_space<vmem>>, vector<16xf32>,
        tpu.vector_store %arg10[%swap3A], %add3A_245 {strides = array<i32>} : memref<6272xf32, #tpu.memory_space<vmem>>, vector<16xf32>,
        %add3A_247 = arith.constant 16 : i32
        %add3A_248 = arith.addi %mul3A_239, %add3A_247 : i32
        %get3A_249 = arith.index_cast %add3A_248 : i32 to index
        %get3A_250 = tpu.vector_load %arg10[%get3A_249] {strides = array<i32>} : memref<6272xf32, #tpu.memory_space<vmem>>, vector<16xf32>,
        %get3A_251 = arith.index_cast %add3A_248 : i32 to index
        %get3A_252 = tpu.vector_load %arg8[%get3A_251] {strides = array<i32>} : memref<6272xf32, #tpu.memory_space<vmem>>, vector<16xf32>,
        %add3A_253 = arith.addf %get3A_250, %get3A_252 : vector<16xf32>
        %swap3A_254 = arith.index_cast %add3A_248 : i32 to index
        %swap3A_255 = tpu.vector_load %arg10[%swap3A_254] {strides = array<i32>} : memref<6272xf32, #tpu.memory_space<vmem>>, vector<16xf32>,
        tpu.vector_store %arg10[%swap3A_254], %add3A_253 {strides = array<i32>} : memref<6272xf32, #tpu.memory_space<vmem>>, vector<16xf32>,
        %add3A_256 = arith.constant 32 : i32
        %add3A_257 = arith.addi %mul3A_239, %add3A_256 : i32
        %get3A_258 = arith.index_cast %add3A_257 : i32 to index
        %get3A_259 = tpu.vector_load %arg10[%get3A_258] {strides = array<i32>} : memref<6272xf32, #tpu.memory_space<vmem>>, vector<16xf32>,
        %get3A_260 = arith.index_cast %add3A_257 : i32 to index
        %get3A_261 = tpu.vector_load %arg8[%get3A_260] {strides = array<i32>} : memref<6272xf32, #tpu.memory_space<vmem>>, vector<16xf32>,
        %add3A_262 = arith.addf %get3A_259, %get3A_261 : vector<16xf32>
        %swap3A_263 = arith.index_cast %add3A_257 : i32 to index
        %swap3A_264 = tpu.vector_load %arg10[%swap3A_263] {strides = array<i32>} : memref<6272xf32, #tpu.memory_space<vmem>>, vector<16xf32>,
        tpu.vector_store %arg10[%swap3A_263], %add3A_262 {strides = array<i32>} : memref<6272xf32, #tpu.memory_space<vmem>>, vector<16xf32>,
        %add3A_265 = arith.constant 48 : i32
        %add3A_266 = arith.addi %mul3A_239, %add3A_265 : i32
        %get3A_267 = arith.index_cast %add3A_266 : i32 to index
        %get3A_268 = tpu.vector_load %arg10[%get3A_267] {strides = array<i32>} : memref<6272xf32, #tpu.memory_space<vmem>>, vector<16xf32>,
        %get3A_269 = arith.index_cast %add3A_266 : i32 to index
        %get3A_270 = tpu.vector_load %arg8[%get3A_269] {strides = array<i32>} : memref<6272xf32, #tpu.memory_space<vmem>>, vector<16xf32>,
        %add3A_271 = arith.addf %get3A_268, %get3A_270 : vector<16xf32>
        %swap3A_272 = arith.index_cast %add3A_266 : i32 to index
        %swap3A_273 = tpu.vector_load %arg10[%swap3A_272] {strides = array<i32>} : memref<6272xf32, #tpu.memory_space<vmem>>, vector<16xf32>,
        tpu.vector_store %arg10[%swap3A_272], %add3A_271 {strides = array<i32>} : memref<6272xf32, #tpu.memory_space<vmem>>, vector<16xf32>,
        %add3A_274 = arith.constant 64 : i32
        %add3A_275 = arith.addi %mul3A_239, %add3A_274 : i32
        %get3A_276 = arith.index_cast %add3A_275 : i32 to index
        %get3A_277 = tpu.vector_load %arg10[%get3A_276] {strides = array<i32>} : memref<6272xf32, #tpu.memory_space<vmem>>, vector<16xf32>,
        %get3A_278 = arith.index_cast %add3A_275 : i32 to index
        %get3A_279 = tpu.vector_load %arg8[%get3A_278] {strides = array<i32>} : memref<6272xf32, #tpu.memory_space<vmem>>, vector<16xf32>,
        %add3A_280 = arith.addf %get3A_277, %get3A_279 : vector<16xf32>
        %swap3A_281 = arith.index_cast %add3A_275 : i32 to index
        %swap3A_282 = tpu.vector_load %arg10[%swap3A_281] {strides = array<i32>} : memref<6272xf32, #tpu.memory_space<vmem>>, vector<16xf32>,
        tpu.vector_store %arg10[%swap3A_281], %add3A_280 {strides = array<i32>} : memref<6272xf32, #tpu.memory_space<vmem>>, vector<16xf32>,
        %add3A_283 = arith.constant 80 : i32
        %add3A_284 = arith.addi %mul3A_239, %add3A_283 : i32
        %get3A_285 = arith.index_cast %add3A_284 : i32 to index
        %get3A_286 = tpu.vector_load %arg10[%get3A_285] {strides = array<i32>} : memref<6272xf32, #tpu.memory_space<vmem>>, vector<16xf32>,
        %get3A_287 = arith.index_cast %add3A_284 : i32 to index
        %get3A_288 = tpu.vector_load %arg8[%get3A_287] {strides = array<i32>} : memref<6272xf32, #tpu.memory_space<vmem>>, vector<16xf32>,
        %add3A_289 = arith.addf %get3A_286, %get3A_288 : vector<16xf32>
        %swap3A_290 = arith.index_cast %add3A_284 : i32 to index
        %swap3A_291 = tpu.vector_load %arg10[%swap3A_290] {strides = array<i32>} : memref<6272xf32, #tpu.memory_space<vmem>>, vector<16xf32>,
        tpu.vector_store %arg10[%swap3A_290], %add3A_289 {strides = array<i32>} : memref<6272xf32, #tpu.memory_space<vmem>>, vector<16xf32>,
        %add3A_292 = arith.constant 96 : i32
        %add3A_293 = arith.addi %mul3A_239, %add3A_292 : i32
        %get3A_294 = arith.index_cast %add3A_293 : i32 to index
        %get3A_295 = tpu.vector_load %arg10[%get3A_294] {strides = array<i32>} : memref<6272xf32, #tpu.memory_space<vmem>>, vector<16xf32>,
        %get3A_296 = arith.index_cast %add3A_293 : i32 to index
        %get3A_297 = tpu.vector_load %arg8[%get3A_296] {strides = array<i32>} : memref<6272xf32, #tpu.memory_space<vmem>>, vector<16xf32>,
        %add3A_298 = arith.addf %get3A_295, %get3A_297 : vector<16xf32>
        %swap3A_299 = arith.index_cast %add3A_293 : i32 to index
        %swap3A_300 = tpu.vector_load %arg10[%swap3A_299] {strides = array<i32>} : memref<6272xf32, #tpu.memory_space<vmem>>, vector<16xf32>,
        tpu.vector_store %arg10[%swap3A_299], %add3A_298 {strides = array<i32>} : memref<6272xf32, #tpu.memory_space<vmem>>, vector<16xf32>,
        %add3A_301 = arith.constant 112 : i32
        %add3A_302 = arith.addi %mul3A_239, %add3A_301 : i32
        %get3A_303 = arith.index_cast %add3A_302 : i32 to index
        %get3A_304 = tpu.vector_load %arg10[%get3A_303] {strides = array<i32>} : memref<6272xf32, #tpu.memory_space<vmem>>, vector<16xf32>,
        %get3A_305 = arith.index_cast %add3A_302 : i32 to index
        %get3A_306 = tpu.vector_load %arg8[%get3A_305] {strides = array<i32>} : memref<6272xf32, #tpu.memory_space<vmem>>, vector<16xf32>,
        %add3A_307 = arith.addf %get3A_304, %get3A_306 : vector<16xf32>
        %swap3A_308 = arith.index_cast %add3A_302 : i32 to index
        %swap3A_309 = tpu.vector_load %arg10[%swap3A_308] {strides = array<i32>} : memref<6272xf32, #tpu.memory_space<vmem>>, vector<16xf32>,
        tpu.vector_store %arg10[%swap3A_308], %add3A_307 {strides = array<i32>} : memref<6272xf32, #tpu.memory_space<vmem>>, vector<16xf32>,
      }
      %scan3A_70 = arith.constant 49 : i32
      %dma_wait3A_71 = arith.constant 0 : i32
      %dma_wait3A_72 = tpu.memref_slice %arg11[%dma_wait3A_71] : memref<1404928xf32, #tpu.memory_space<vmem_shared>> -> memref<1404928xf32, #tpu.memory_space<vmem_shared>>
      tpu.wait_indirect_dma semaphore(%arg13 : memref<!tpu.dma_semaphore, #tpu.memory_space<semaphore_mem>>) src(%dma_wait3A_72 : memref<1404928xf32, #tpu.memory_space<vmem_shared>>) dst(%arg9 : memref<6272xf32, #tpu.memory_space<vmem>>)
      %dma_wait3A_73 = tpu.memref_slice %arg2[%add3A_62] : memref<2709504xi32, #tpu.memory_space<hbm>> -> memref<6272xi32, #tpu.memory_space<hbm>>
      %dma_wait3A_74 = tpu.memref_slice %arg2[%add3A_62] : memref<2709504xi32, #tpu.memory_space<hbm>> -> memref<6272xi32, #tpu.memory_space<hbm>>
      tpu.wait_dma2 semaphore(%arg12 : memref<!tpu.dma_semaphore, #tpu.memory_space<semaphore_mem>>) src(%dma_wait3A_74 : memref<6272xi32, #tpu.memory_space<hbm>>) dst(%arg6 : memref<6272xi32, #tpu.memory_space<vmem>>)
      %dma_start3A_75 = arith.constant 0 : i32
      %dma_start3A_76 = tpu.memref_slice %arg11[%dma_start3A_75] : memref<1404928xf32, #tpu.memory_space<vmem_shared>> -> memref<1404928xf32, #tpu.memory_space<vmem_shared>>
      tpu.enqueue_indirect_dma source(%dma_start3A_76 : memref<1404928xf32, #tpu.memory_space<vmem_shared>>) target(%arg8 : memref<6272xf32, #tpu.memory_space<vmem>>) offsets(%arg6 : memref<6272xi32, #tpu.memory_space<vmem>>) semaphore(%arg13 : memref<!tpu.dma_semaphore, #tpu.memory_space<semaphore_mem>>)
      %add3A_77 = arith.constant 501760 : i32
      %add3A_78 = arith.addi %add3A_15, %add3A_77 : i32
      %dma_start3A_79 = tpu.memref_slice %arg2[%add3A_78] : memref<2709504xi32, #tpu.memory_space<hbm>> -> memref<6272xi32, #tpu.memory_space<hbm>>
      %dma_start3A_80 = tpu.memref_slice %arg2[%add3A_78] : memref<2709504xi32, #tpu.memory_space<hbm>> -> memref<6272xi32, #tpu.memory_space<hbm>>
      tpu.enqueue_dma source(%dma_start3A_80 : memref<6272xi32, #tpu.memory_space<hbm>>) target(%arg7 : memref<6272xi32, #tpu.memory_space<vmem>>) target_semaphore(%arg12 : memref<!tpu.dma_semaphore, #tpu.memory_space<semaphore_mem>>)
      %scan3A_81 = arith.constant 0 : i32
      %scan3A_82 = arith.constant 0 : i32
      %scan3A_83 = arith.constant 49 : i32
      %scan3A_84 = arith.addi %scan3A_82, %scan3A_83 : i32
      %scan3A_85 = arith.constant 1 : i32
      scf.for %scan3A_237 = %scan3A_82 to %scan3A_84 step %scan3A_85  : i32 {
        %mul3A_238 = arith.constant 128 : i32
        %mul3A_239 = arith.muli %scan3A_237, %mul3A_238 : i32
        %add3A_240 = arith.constant 0 : i32
        %add3A_241 = arith.addi %mul3A_239, %add3A_240 : i32
        %get3A = arith.index_cast %add3A_241 : i32 to index
        %get3A_242 = tpu.vector_load %arg10[%get3A] {strides = array<i32>} : memref<6272xf32, #tpu.memory_space<vmem>>, vector<16xf32>,
        %get3A_243 = arith.index_cast %add3A_241 : i32 to index
        %get3A_244 = tpu.vector_load %arg9[%get3A_243] {strides = array<i32>} : memref<6272xf32, #tpu.memory_space<vmem>>, vector<16xf32>,
        %add3A_245 = arith.addf %get3A_242, %get3A_244 : vector<16xf32>
        %swap3A = arith.index_cast %add3A_241 : i32 to index
        %swap3A_246 = tpu.vector_load %arg10[%swap3A] {strides = array<i32>} : memref<6272xf32, #tpu.memory_space<vmem>>, vector<16xf32>,
        tpu.vector_store %arg10[%swap3A], %add3A_245 {strides = array<i32>} : memref<6272xf32, #tpu.memory_space<vmem>>, vector<16xf32>,
        %add3A_247 = arith.constant 16 : i32
        %add3A_248 = arith.addi %mul3A_239, %add3A_247 : i32
        %get3A_249 = arith.index_cast %add3A_248 : i32 to index
        %get3A_250 = tpu.vector_load %arg10[%get3A_249] {strides = array<i32>} : memref<6272xf32, #tpu.memory_space<vmem>>, vector<16xf32>,
        %get3A_251 = arith.index_cast %add3A_248 : i32 to index
        %get3A_252 = tpu.vector_load %arg9[%get3A_251] {strides = array<i32>} : memref<6272xf32, #tpu.memory_space<vmem>>, vector<16xf32>,
        %add3A_253 = arith.addf %get3A_250, %get3A_252 : vector<16xf32>
        %swap3A_254 = arith.index_cast %add3A_248 : i32 to index
        %swap3A_255 = tpu.vector_load %arg10[%swap3A_254] {strides = array<i32>} : memref<6272xf32, #tpu.memory_space<vmem>>, vector<16xf32>,
        tpu.vector_store %arg10[%swap3A_254], %add3A_253 {strides = array<i32>} : memref<6272xf32, #tpu.memory_space<vmem>>, vector<16xf32>,
        %add3A_256 = arith.constant 32 : i32
        %add3A_257 = arith.addi %mul3A_239, %add3A_256 : i32
        %get3A_258 = arith.index_cast %add3A_257 : i32 to index
        %get3A_259 = tpu.vector_load %arg10[%get3A_258] {strides = array<i32>} : memref<6272xf32, #tpu.memory_space<vmem>>, vector<16xf32>,
        %get3A_260 = arith.index_cast %add3A_257 : i32 to index
        %get3A_261 = tpu.vector_load %arg9[%get3A_260] {strides = array<i32>} : memref<6272xf32, #tpu.memory_space<vmem>>, vector<16xf32>,
        %add3A_262 = arith.addf %get3A_259, %get3A_261 : vector<16xf32>
        %swap3A_263 = arith.index_cast %add3A_257 : i32 to index
        %swap3A_264 = tpu.vector_load %arg10[%swap3A_263] {strides = array<i32>} : memref<6272xf32, #tpu.memory_space<vmem>>, vector<16xf32>,
        tpu.vector_store %arg10[%swap3A_263], %add3A_262 {strides = array<i32>} : memref<6272xf32, #tpu.memory_space<vmem>>, vector<16xf32>,
        %add3A_265 = arith.constant 48 : i32
        %add3A_266 = arith.addi %mul3A_239, %add3A_265 : i32
        %get3A_267 = arith.index_cast %add3A_266 : i32 to index
        %get3A_268 = tpu.vector_load %arg10[%get3A_267] {strides = array<i32>} : memref<6272xf32, #tpu.memory_space<vmem>>, vector<16xf32>,
        %get3A_269 = arith.index_cast %add3A_266 : i32 to index
        %get3A_270 = tpu.vector_load %arg9[%get3A_269] {strides = array<i32>} : memref<6272xf32, #tpu.memory_space<vmem>>, vector<16xf32>,
        %add3A_271 = arith.addf %get3A_268, %get3A_270 : vector<16xf32>
        %swap3A_272 = arith.index_cast %add3A_266 : i32 to index
        %swap3A_273 = tpu.vector_load %arg10[%swap3A_272] {strides = array<i32>} : memref<6272xf32, #tpu.memory_space<vmem>>, vector<16xf32>,
        tpu.vector_store %arg10[%swap3A_272], %add3A_271 {strides = array<i32>} : memref<6272xf32, #tpu.memory_space<vmem>>, vector<16xf32>,
        %add3A_274 = arith.constant 64 : i32
        %add3A_275 = arith.addi %mul3A_239, %add3A_274 : i32
        %get3A_276 = arith.index_cast %add3A_275 : i32 to index
        %get3A_277 = tpu.vector_load %arg10[%get3A_276] {strides = array<i32>} : memref<6272xf32, #tpu.memory_space<vmem>>, vector<16xf32>,
        %get3A_278 = arith.index_cast %add3A_275 : i32 to index
        %get3A_279 = tpu.vector_load %arg9[%get3A_278] {strides = array<i32>} : memref<6272xf32, #tpu.memory_space<vmem>>, vector<16xf32>,
        %add3A_280 = arith.addf %get3A_277, %get3A_279 : vector<16xf32>
        %swap3A_281 = arith.index_cast %add3A_275 : i32 to index
        %swap3A_282 = tpu.vector_load %arg10[%swap3A_281] {strides = array<i32>} : memref<6272xf32, #tpu.memory_space<vmem>>, vector<16xf32>,
        tpu.vector_store %arg10[%swap3A_281], %add3A_280 {strides = array<i32>} : memref<6272xf32, #tpu.memory_space<vmem>>, vector<16xf32>,
        %add3A_283 = arith.constant 80 : i32
        %add3A_284 = arith.addi %mul3A_239, %add3A_283 : i32
        %get3A_285 = arith.index_cast %add3A_284 : i32 to index
        %get3A_286 = tpu.vector_load %arg10[%get3A_285] {strides = array<i32>} : memref<6272xf32, #tpu.memory_space<vmem>>, vector<16xf32>,
        %get3A_287 = arith.index_cast %add3A_284 : i32 to index
        %get3A_288 = tpu.vector_load %arg9[%get3A_287] {strides = array<i32>} : memref<6272xf32, #tpu.memory_space<vmem>>, vector<16xf32>,
        %add3A_289 = arith.addf %get3A_286, %get3A_288 : vector<16xf32>
        %swap3A_290 = arith.index_cast %add3A_284 : i32 to index
        %swap3A_291 = tpu.vector_load %arg10[%swap3A_290] {strides = array<i32>} : memref<6272xf32, #tpu.memory_space<vmem>>, vector<16xf32>,
        tpu.vector_store %arg10[%swap3A_290], %add3A_289 {strides = array<i32>} : memref<6272xf32, #tpu.memory_space<vmem>>, vector<16xf32>,
        %add3A_292 = arith.constant 96 : i32
        %add3A_293 = arith.addi %mul3A_239, %add3A_292 : i32
        %get3A_294 = arith.index_cast %add3A_293 : i32 to index
        %get3A_295 = tpu.vector_load %arg10[%get3A_294] {strides = array<i32>} : memref<6272xf32, #tpu.memory_space<vmem>>, vector<16xf32>,
        %get3A_296 = arith.index_cast %add3A_293 : i32 to index
        %get3A_297 = tpu.vector_load %arg9[%get3A_296] {strides = array<i32>} : memref<6272xf32, #tpu.memory_space<vmem>>, vector<16xf32>,
        %add3A_298 = arith.addf %get3A_295, %get3A_297 : vector<16xf32>
        %swap3A_299 = arith.index_cast %add3A_293 : i32 to index
        %swap3A_300 = tpu.vector_load %arg10[%swap3A_299] {strides = array<i32>} : memref<6272xf32, #tpu.memory_space<vmem>>, vector<16xf32>,
        tpu.vector_store %arg10[%swap3A_299], %add3A_298 {strides = array<i32>} : memref<6272xf32, #tpu.memory_space<vmem>>, vector<16xf32>,
        %add3A_301 = arith.constant 112 : i32
        %add3A_302 = arith.addi %mul3A_239, %add3A_301 : i32
        %get3A_303 = arith.index_cast %add3A_302 : i32 to index
        %get3A_304 = tpu.vector_load %arg10[%get3A_303] {strides = array<i32>} : memref<6272xf32, #tpu.memory_space<vmem>>, vector<16xf32>,
        %get3A_305 = arith.index_cast %add3A_302 : i32 to index
        %get3A_306 = tpu.vector_load %arg9[%get3A_305] {strides = array<i32>} : memref<6272xf32, #tpu.memory_space<vmem>>, vector<16xf32>,
        %add3A_307 = arith.addf %get3A_304, %get3A_306 : vector<16xf32>
        %swap3A_308 = arith.index_cast %add3A_302 : i32 to index
        %swap3A_309 = tpu.vector_load %arg10[%swap3A_308] {strides = array<i32>} : memref<6272xf32, #tpu.memory_space<vmem>>, vector<16xf32>,
        tpu.vector_store %arg10[%swap3A_308], %add3A_307 {strides = array<i32>} : memref<6272xf32, #tpu.memory_space<vmem>>, vector<16xf32>,
      }
      %scan3A_86 = arith.constant 49 : i32
      %dma_wait3A_87 = arith.constant 0 : i32
      %dma_wait3A_88 = tpu.memref_slice %arg11[%dma_wait3A_87] : memref<1404928xf32, #tpu.memory_space<vmem_shared>> -> memref<1404928xf32, #tpu.memory_space<vmem_shared>>
      tpu.wait_indirect_dma semaphore(%arg13 : memref<!tpu.dma_semaphore, #tpu.memory_space<semaphore_mem>>) src(%dma_wait3A_88 : memref<1404928xf32, #tpu.memory_space<vmem_shared>>) dst(%arg8 : memref<6272xf32, #tpu.memory_space<vmem>>)
      %dma_wait3A_89 = tpu.memref_slice %arg2[%add3A_78] : memref<2709504xi32, #tpu.memory_space<hbm>> -> memref<6272xi32, #tpu.memory_space<hbm>>
      %dma_wait3A_90 = tpu.memref_slice %arg2[%add3A_78] : memref<2709504xi32, #tpu.memory_space<hbm>> -> memref<6272xi32, #tpu.memory_space<hbm>>
      tpu.wait_dma2 semaphore(%arg12 : memref<!tpu.dma_semaphore, #tpu.memory_space<semaphore_mem>>) src(%dma_wait3A_90 : memref<6272xi32, #tpu.memory_space<hbm>>) dst(%arg7 : memref<6272xi32, #tpu.memory_space<vmem>>)
      %dma_start3A_91 = arith.constant 0 : i32
      %dma_start3A_92 = tpu.memref_slice %arg11[%dma_start3A_91] : memref<1404928xf32, #tpu.memory_space<vmem_shared>> -> memref<1404928xf32, #tpu.memory_space<vmem_shared>>
      tpu.enqueue_indirect_dma source(%dma_start3A_92 : memref<1404928xf32, #tpu.memory_space<vmem_shared>>) target(%arg9 : memref<6272xf32, #tpu.memory_space<vmem>>) offsets(%arg7 : memref<6272xi32, #tpu.memory_space<vmem>>) semaphore(%arg13 : memref<!tpu.dma_semaphore, #tpu.memory_space<semaphore_mem>>)
      %add3A_93 = arith.constant 602112 : i32
      %add3A_94 = arith.addi %add3A_15, %add3A_93 : i32
      %dma_start3A_95 = tpu.memref_slice %arg2[%add3A_94] : memref<2709504xi32, #tpu.memory_space<hbm>> -> memref<6272xi32, #tpu.memory_space<hbm>>
      %dma_start3A_96 = tpu.memref_slice %arg2[%add3A_94] : memref<2709504xi32, #tpu.memory_space<hbm>> -> memref<6272xi32, #tpu.memory_space<hbm>>
      tpu.enqueue_dma source(%dma_start3A_96 : memref<6272xi32, #tpu.memory_space<hbm>>) target(%arg6 : memref<6272xi32, #tpu.memory_space<vmem>>) target_semaphore(%arg12 : memref<!tpu.dma_semaphore, #tpu.memory_space<semaphore_mem>>)
      %scan3A_97 = arith.constant 0 : i32
      %scan3A_98 = arith.constant 0 : i32
      %scan3A_99 = arith.constant 49 : i32
      %scan3A_100 = arith.addi %scan3A_98, %scan3A_99 : i32
      %scan3A_101 = arith.constant 1 : i32
      scf.for %scan3A_237 = %scan3A_98 to %scan3A_100 step %scan3A_101  : i32 {
        %mul3A_238 = arith.constant 128 : i32
        %mul3A_239 = arith.muli %scan3A_237, %mul3A_238 : i32
        %add3A_240 = arith.constant 0 : i32
        %add3A_241 = arith.addi %mul3A_239, %add3A_240 : i32
        %get3A = arith.index_cast %add3A_241 : i32 to index
        %get3A_242 = tpu.vector_load %arg10[%get3A] {strides = array<i32>} : memref<6272xf32, #tpu.memory_space<vmem>>, vector<16xf32>,
        %get3A_243 = arith.index_cast %add3A_241 : i32 to index
        %get3A_244 = tpu.vector_load %arg8[%get3A_243] {strides = array<i32>} : memref<6272xf32, #tpu.memory_space<vmem>>, vector<16xf32>,
        %add3A_245 = arith.addf %get3A_242, %get3A_244 : vector<16xf32>
        %swap3A = arith.index_cast %add3A_241 : i32 to index
        %swap3A_246 = tpu.vector_load %arg10[%swap3A] {strides = array<i32>} : memref<6272xf32, #tpu.memory_space<vmem>>, vector<16xf32>,
        tpu.vector_store %arg10[%swap3A], %add3A_245 {strides = array<i32>} : memref<6272xf32, #tpu.memory_space<vmem>>, vector<16xf32>,
        %add3A_247 = arith.constant 16 : i32
        %add3A_248 = arith.addi %mul3A_239, %add3A_247 : i32
        %get3A_249 = arith.index_cast %add3A_248 : i32 to index
        %get3A_250 = tpu.vector_load %arg10[%get3A_249] {strides = array<i32>} : memref<6272xf32, #tpu.memory_space<vmem>>, vector<16xf32>,
        %get3A_251 = arith.index_cast %add3A_248 : i32 to index
        %get3A_252 = tpu.vector_load %arg8[%get3A_251] {strides = array<i32>} : memref<6272xf32, #tpu.memory_space<vmem>>, vector<16xf32>,
        %add3A_253 = arith.addf %get3A_250, %get3A_252 : vector<16xf32>
        %swap3A_254 = arith.index_cast %add3A_248 : i32 to index
        %swap3A_255 = tpu.vector_load %arg10[%swap3A_254] {strides = array<i32>} : memref<6272xf32, #tpu.memory_space<vmem>>, vector<16xf32>,
        tpu.vector_store %arg10[%swap3A_254], %add3A_253 {strides = array<i32>} : memref<6272xf32, #tpu.memory_space<vmem>>, vector<16xf32>,
        %add3A_256 = arith.constant 32 : i32
        %add3A_257 = arith.addi %mul3A_239, %add3A_256 : i32
        %get3A_258 = arith.index_cast %add3A_257 : i32 to index
        %get3A_259 = tpu.vector_load %arg10[%get3A_258] {strides = array<i32>} : memref<6272xf32, #tpu.memory_space<vmem>>, vector<16xf32>,
        %get3A_260 = arith.index_cast %add3A_257 : i32 to index
        %get3A_261 = tpu.vector_load %arg8[%get3A_260] {strides = array<i32>} : memref<6272xf32, #tpu.memory_space<vmem>>, vector<16xf32>,
        %add3A_262 = arith.addf %get3A_259, %get3A_261 : vector<16xf32>
        %swap3A_263 = arith.index_cast %add3A_257 : i32 to index
        %swap3A_264 = tpu.vector_load %arg10[%swap3A_263] {strides = array<i32>} : memref<6272xf32, #tpu.memory_space<vmem>>, vector<16xf32>,
        tpu.vector_store %arg10[%swap3A_263], %add3A_262 {strides = array<i32>} : memref<6272xf32, #tpu.memory_space<vmem>>, vector<16xf32>,
        %add3A_265 = arith.constant 48 : i32
        %add3A_266 = arith.addi %mul3A_239, %add3A_265 : i32
        %get3A_267 = arith.index_cast %add3A_266 : i32 to index
        %get3A_268 = tpu.vector_load %arg10[%get3A_267] {strides = array<i32>} : memref<6272xf32, #tpu.memory_space<vmem>>, vector<16xf32>,
        %get3A_269 = arith.index_cast %add3A_266 : i32 to index
        %get3A_270 = tpu.vector_load %arg8[%get3A_269] {strides = array<i32>} : memref<6272xf32, #tpu.memory_space<vmem>>, vector<16xf32>,
        %add3A_271 = arith.addf %get3A_268, %get3A_270 : vector<16xf32>
        %swap3A_272 = arith.index_cast %add3A_266 : i32 to index
        %swap3A_273 = tpu.vector_load %arg10[%swap3A_272] {strides = array<i32>} : memref<6272xf32, #tpu.memory_space<vmem>>, vector<16xf32>,
        tpu.vector_store %arg10[%swap3A_272], %add3A_271 {strides = array<i32>} : memref<6272xf32, #tpu.memory_space<vmem>>, vector<16xf32>,
        %add3A_274 = arith.constant 64 : i32
        %add3A_275 = arith.addi %mul3A_239, %add3A_274 : i32
        %get3A_276 = arith.index_cast %add3A_275 : i32 to index
        %get3A_277 = tpu.vector_load %arg10[%get3A_276] {strides = array<i32>} : memref<6272xf32, #tpu.memory_space<vmem>>, vector<16xf32>,
        %get3A_278 = arith.index_cast %add3A_275 : i32 to index
        %get3A_279 = tpu.vector_load %arg8[%get3A_278] {strides = array<i32>} : memref<6272xf32, #tpu.memory_space<vmem>>, vector<16xf32>,
        %add3A_280 = arith.addf %get3A_277, %get3A_279 : vector<16xf32>
        %swap3A_281 = arith.index_cast %add3A_275 : i32 to index
        %swap3A_282 = tpu.vector_load %arg10[%swap3A_281] {strides = array<i32>} : memref<6272xf32, #tpu.memory_space<vmem>>, vector<16xf32>,
        tpu.vector_store %arg10[%swap3A_281], %add3A_280 {strides = array<i32>} : memref<6272xf32, #tpu.memory_space<vmem>>, vector<16xf32>,
        %add3A_283 = arith.constant 80 : i32
        %add3A_284 = arith.addi %mul3A_239, %add3A_283 : i32
        %get3A_285 = arith.index_cast %add3A_284 : i32 to index
        %get3A_286 = tpu.vector_load %arg10[%get3A_285] {strides = array<i32>} : memref<6272xf32, #tpu.memory_space<vmem>>, vector<16xf32>,
        %get3A_287 = arith.index_cast %add3A_284 : i32 to index
        %get3A_288 = tpu.vector_load %arg8[%get3A_287] {strides = array<i32>} : memref<6272xf32, #tpu.memory_space<vmem>>, vector<16xf32>,
        %add3A_289 = arith.addf %get3A_286, %get3A_288 : vector<16xf32>
        %swap3A_290 = arith.index_cast %add3A_284 : i32 to index
        %swap3A_291 = tpu.vector_load %arg10[%swap3A_290] {strides = array<i32>} : memref<6272xf32, #tpu.memory_space<vmem>>, vector<16xf32>,
        tpu.vector_store %arg10[%swap3A_290], %add3A_289 {strides = array<i32>} : memref<6272xf32, #tpu.memory_space<vmem>>, vector<16xf32>,
        %add3A_292 = arith.constant 96 : i32
        %add3A_293 = arith.addi %mul3A_239, %add3A_292 : i32
        %get3A_294 = arith.index_cast %add3A_293 : i32 to index
        %get3A_295 = tpu.vector_load %arg10[%get3A_294] {strides = array<i32>} : memref<6272xf32, #tpu.memory_space<vmem>>, vector<16xf32>,
        %get3A_296 = arith.index_cast %add3A_293 : i32 to index
        %get3A_297 = tpu.vector_load %arg8[%get3A_296] {strides = array<i32>} : memref<6272xf32, #tpu.memory_space<vmem>>, vector<16xf32>,
        %add3A_298 = arith.addf %get3A_295, %get3A_297 : vector<16xf32>
        %swap3A_299 = arith.index_cast %add3A_293 : i32 to index
        %swap3A_300 = tpu.vector_load %arg10[%swap3A_299] {strides = array<i32>} : memref<6272xf32, #tpu.memory_space<vmem>>, vector<16xf32>,
        tpu.vector_store %arg10[%swap3A_299], %add3A_298 {strides = array<i32>} : memref<6272xf32, #tpu.memory_space<vmem>>, vector<16xf32>,
        %add3A_301 = arith.constant 112 : i32
        %add3A_302 = arith.addi %mul3A_239, %add3A_301 : i32
        %get3A_303 = arith.index_cast %add3A_302 : i32 to index
        %get3A_304 = tpu.vector_load %arg10[%get3A_303] {strides = array<i32>} : memref<6272xf32, #tpu.memory_space<vmem>>, vector<16xf32>,
        %get3A_305 = arith.index_cast %add3A_302 : i32 to index
        %get3A_306 = tpu.vector_load %arg8[%get3A_305] {strides = array<i32>} : memref<6272xf32, #tpu.memory_space<vmem>>, vector<16xf32>,
        %add3A_307 = arith.addf %get3A_304, %get3A_306 : vector<16xf32>
        %swap3A_308 = arith.index_cast %add3A_302 : i32 to index
        %swap3A_309 = tpu.vector_load %arg10[%swap3A_308] {strides = array<i32>} : memref<6272xf32, #tpu.memory_space<vmem>>, vector<16xf32>,
        tpu.vector_store %arg10[%swap3A_308], %add3A_307 {strides = array<i32>} : memref<6272xf32, #tpu.memory_space<vmem>>, vector<16xf32>,
      }
      %scan3A_102 = arith.constant 49 : i32
      %dma_wait3A_103 = arith.constant 0 : i32
      %dma_wait3A_104 = tpu.memref_slice %arg11[%dma_wait3A_103] : memref<1404928xf32, #tpu.memory_space<vmem_shared>> -> memref<1404928xf32, #tpu.memory_space<vmem_shared>>
      tpu.wait_indirect_dma semaphore(%arg13 : memref<!tpu.dma_semaphore, #tpu.memory_space<semaphore_mem>>) src(%dma_wait3A_104 : memref<1404928xf32, #tpu.memory_space<vmem_shared>>) dst(%arg9 : memref<6272xf32, #tpu.memory_space<vmem>>)
      %dma_wait3A_105 = tpu.memref_slice %arg2[%add3A_94] : memref<2709504xi32, #tpu.memory_space<hbm>> -> memref<6272xi32, #tpu.memory_space<hbm>>
      %dma_wait3A_106 = tpu.memref_slice %arg2[%add3A_94] : memref<2709504xi32, #tpu.memory_space<hbm>> -> memref<6272xi32, #tpu.memory_space<hbm>>
      tpu.wait_dma2 semaphore(%arg12 : memref<!tpu.dma_semaphore, #tpu.memory_space<semaphore_mem>>) src(%dma_wait3A_106 : memref<6272xi32, #tpu.memory_space<hbm>>) dst(%arg6 : memref<6272xi32, #tpu.memory_space<vmem>>)
      %dma_start3A_107 = arith.constant 0 : i32
      %dma_start3A_108 = tpu.memref_slice %arg11[%dma_start3A_107] : memref<1404928xf32, #tpu.memory_space<vmem_shared>> -> memref<1404928xf32, #tpu.memory_space<vmem_shared>>
      tpu.enqueue_indirect_dma source(%dma_start3A_108 : memref<1404928xf32, #tpu.memory_space<vmem_shared>>) target(%arg8 : memref<6272xf32, #tpu.memory_space<vmem>>) offsets(%arg6 : memref<6272xi32, #tpu.memory_space<vmem>>) semaphore(%arg13 : memref<!tpu.dma_semaphore, #tpu.memory_space<semaphore_mem>>)
      %add3A_109 = arith.constant 702464 : i32
      %add3A_110 = arith.addi %add3A_15, %add3A_109 : i32
      %dma_start3A_111 = tpu.memref_slice %arg2[%add3A_110] : memref<2709504xi32, #tpu.memory_space<hbm>> -> memref<6272xi32, #tpu.memory_space<hbm>>
      %dma_start3A_112 = tpu.memref_slice %arg2[%add3A_110] : memref<2709504xi32, #tpu.memory_space<hbm>> -> memref<6272xi32, #tpu.memory_space<hbm>>
      tpu.enqueue_dma source(%dma_start3A_112 : memref<6272xi32, #tpu.memory_space<hbm>>) target(%arg7 : memref<6272xi32, #tpu.memory_space<vmem>>) target_semaphore(%arg12 : memref<!tpu.dma_semaphore, #tpu.memory_space<semaphore_mem>>)
      %scan3A_113 = arith.constant 0 : i32
      %scan3A_114 = arith.constant 0 : i32
      %scan3A_115 = arith.constant 49 : i32
      %scan3A_116 = arith.addi %scan3A_114, %scan3A_115 : i32
      %scan3A_117 = arith.constant 1 : i32
      scf.for %scan3A_237 = %scan3A_114 to %scan3A_116 step %scan3A_117  : i32 {
        %mul3A_238 = arith.constant 128 : i32
        %mul3A_239 = arith.muli %scan3A_237, %mul3A_238 : i32
        %add3A_240 = arith.constant 0 : i32
        %add3A_241 = arith.addi %mul3A_239, %add3A_240 : i32
        %get3A = arith.index_cast %add3A_241 : i32 to index
        %get3A_242 = tpu.vector_load %arg10[%get3A] {strides = array<i32>} : memref<6272xf32, #tpu.memory_space<vmem>>, vector<16xf32>,
        %get3A_243 = arith.index_cast %add3A_241 : i32 to index
        %get3A_244 = tpu.vector_load %arg9[%get3A_243] {strides = array<i32>} : memref<6272xf32, #tpu.memory_space<vmem>>, vector<16xf32>,
        %add3A_245 = arith.addf %get3A_242, %get3A_244 : vector<16xf32>
        %swap3A = arith.index_cast %add3A_241 : i32 to index
        %swap3A_246 = tpu.vector_load %arg10[%swap3A] {strides = array<i32>} : memref<6272xf32, #tpu.memory_space<vmem>>, vector<16xf32>,
        tpu.vector_store %arg10[%swap3A], %add3A_245 {strides = array<i32>} : memref<6272xf32, #tpu.memory_space<vmem>>, vector<16xf32>,
        %add3A_247 = arith.constant 16 : i32
        %add3A_248 = arith.addi %mul3A_239, %add3A_247 : i32
        %get3A_249 = arith.index_cast %add3A_248 : i32 to index
        %get3A_250 = tpu.vector_load %arg10[%get3A_249] {strides = array<i32>} : memref<6272xf32, #tpu.memory_space<vmem>>, vector<16xf32>,
        %get3A_251 = arith.index_cast %add3A_248 : i32 to index
        %get3A_252 = tpu.vector_load %arg9[%get3A_251] {strides = array<i32>} : memref<6272xf32, #tpu.memory_space<vmem>>, vector<16xf32>,
        %add3A_253 = arith.addf %get3A_250, %get3A_252 : vector<16xf32>
        %swap3A_254 = arith.index_cast %add3A_248 : i32 to index
        %swap3A_255 = tpu.vector_load %arg10[%swap3A_254] {strides = array<i32>} : memref<6272xf32, #tpu.memory_space<vmem>>, vector<16xf32>,
        tpu.vector_store %arg10[%swap3A_254], %add3A_253 {strides = array<i32>} : memref<6272xf32, #tpu.memory_space<vmem>>, vector<16xf32>,
        %add3A_256 = arith.constant 32 : i32
        %add3A_257 = arith.addi %mul3A_239, %add3A_256 : i32
        %get3A_258 = arith.index_cast %add3A_257 : i32 to index
        %get3A_259 = tpu.vector_load %arg10[%get3A_258] {strides = array<i32>} : memref<6272xf32, #tpu.memory_space<vmem>>, vector<16xf32>,
        %get3A_260 = arith.index_cast %add3A_257 : i32 to index
        %get3A_261 = tpu.vector_load %arg9[%get3A_260] {strides = array<i32>} : memref<6272xf32, #tpu.memory_space<vmem>>, vector<16xf32>,
        %add3A_262 = arith.addf %get3A_259, %get3A_261 : vector<16xf32>
        %swap3A_263 = arith.index_cast %add3A_257 : i32 to index
        %swap3A_264 = tpu.vector_load %arg10[%swap3A_263] {strides = array<i32>} : memref<6272xf32, #tpu.memory_space<vmem>>, vector<16xf32>,
        tpu.vector_store %arg10[%swap3A_263], %add3A_262 {strides = array<i32>} : memref<6272xf32, #tpu.memory_space<vmem>>, vector<16xf32>,
        %add3A_265 = arith.constant 48 : i32
        %add3A_266 = arith.addi %mul3A_239, %add3A_265 : i32
        %get3A_267 = arith.index_cast %add3A_266 : i32 to index
        %get3A_268 = tpu.vector_load %arg10[%get3A_267] {strides = array<i32>} : memref<6272xf32, #tpu.memory_space<vmem>>, vector<16xf32>,
        %get3A_269 = arith.index_cast %add3A_266 : i32 to index
        %get3A_270 = tpu.vector_load %arg9[%get3A_269] {strides = array<i32>} : memref<6272xf32, #tpu.memory_space<vmem>>, vector<16xf32>,
        %add3A_271 = arith.addf %get3A_268, %get3A_270 : vector<16xf32>
        %swap3A_272 = arith.index_cast %add3A_266 : i32 to index
        %swap3A_273 = tpu.vector_load %arg10[%swap3A_272] {strides = array<i32>} : memref<6272xf32, #tpu.memory_space<vmem>>, vector<16xf32>,
        tpu.vector_store %arg10[%swap3A_272], %add3A_271 {strides = array<i32>} : memref<6272xf32, #tpu.memory_space<vmem>>, vector<16xf32>,
        %add3A_274 = arith.constant 64 : i32
        %add3A_275 = arith.addi %mul3A_239, %add3A_274 : i32
        %get3A_276 = arith.index_cast %add3A_275 : i32 to index
        %get3A_277 = tpu.vector_load %arg10[%get3A_276] {strides = array<i32>} : memref<6272xf32, #tpu.memory_space<vmem>>, vector<16xf32>,
        %get3A_278 = arith.index_cast %add3A_275 : i32 to index
        %get3A_279 = tpu.vector_load %arg9[%get3A_278] {strides = array<i32>} : memref<6272xf32, #tpu.memory_space<vmem>>, vector<16xf32>,
        %add3A_280 = arith.addf %get3A_277, %get3A_279 : vector<16xf32>
        %swap3A_281 = arith.index_cast %add3A_275 : i32 to index
        %swap3A_282 = tpu.vector_load %arg10[%swap3A_281] {strides = array<i32>} : memref<6272xf32, #tpu.memory_space<vmem>>, vector<16xf32>,
        tpu.vector_store %arg10[%swap3A_281], %add3A_280 {strides = array<i32>} : memref<6272xf32, #tpu.memory_space<vmem>>, vector<16xf32>,
        %add3A_283 = arith.constant 80 : i32
        %add3A_284 = arith.addi %mul3A_239, %add3A_283 : i32
        %get3A_285 = arith.index_cast %add3A_284 : i32 to index
        %get3A_286 = tpu.vector_load %arg10[%get3A_285] {strides = array<i32>} : memref<6272xf32, #tpu.memory_space<vmem>>, vector<16xf32>,
        %get3A_287 = arith.index_cast %add3A_284 : i32 to index
        %get3A_288 = tpu.vector_load %arg9[%get3A_287] {strides = array<i32>} : memref<6272xf32, #tpu.memory_space<vmem>>, vector<16xf32>,
        %add3A_289 = arith.addf %get3A_286, %get3A_288 : vector<16xf32>
        %swap3A_290 = arith.index_cast %add3A_284 : i32 to index
        %swap3A_291 = tpu.vector_load %arg10[%swap3A_290] {strides = array<i32>} : memref<6272xf32, #tpu.memory_space<vmem>>, vector<16xf32>,
        tpu.vector_store %arg10[%swap3A_290], %add3A_289 {strides = array<i32>} : memref<6272xf32, #tpu.memory_space<vmem>>, vector<16xf32>,
        %add3A_292 = arith.constant 96 : i32
        %add3A_293 = arith.addi %mul3A_239, %add3A_292 : i32
        %get3A_294 = arith.index_cast %add3A_293 : i32 to index
        %get3A_295 = tpu.vector_load %arg10[%get3A_294] {strides = array<i32>} : memref<6272xf32, #tpu.memory_space<vmem>>, vector<16xf32>,
        %get3A_296 = arith.index_cast %add3A_293 : i32 to index
        %get3A_297 = tpu.vector_load %arg9[%get3A_296] {strides = array<i32>} : memref<6272xf32, #tpu.memory_space<vmem>>, vector<16xf32>,
        %add3A_298 = arith.addf %get3A_295, %get3A_297 : vector<16xf32>
        %swap3A_299 = arith.index_cast %add3A_293 : i32 to index
        %swap3A_300 = tpu.vector_load %arg10[%swap3A_299] {strides = array<i32>} : memref<6272xf32, #tpu.memory_space<vmem>>, vector<16xf32>,
        tpu.vector_store %arg10[%swap3A_299], %add3A_298 {strides = array<i32>} : memref<6272xf32, #tpu.memory_space<vmem>>, vector<16xf32>,
        %add3A_301 = arith.constant 112 : i32
        %add3A_302 = arith.addi %mul3A_239, %add3A_301 : i32
        %get3A_303 = arith.index_cast %add3A_302 : i32 to index
        %get3A_304 = tpu.vector_load %arg10[%get3A_303] {strides = array<i32>} : memref<6272xf32, #tpu.memory_space<vmem>>, vector<16xf32>,
        %get3A_305 = arith.index_cast %add3A_302 : i32 to index
        %get3A_306 = tpu.vector_load %arg9[%get3A_305] {strides = array<i32>} : memref<6272xf32, #tpu.memory_space<vmem>>, vector<16xf32>,
        %add3A_307 = arith.addf %get3A_304, %get3A_306 : vector<16xf32>
        %swap3A_308 = arith.index_cast %add3A_302 : i32 to index
        %swap3A_309 = tpu.vector_load %arg10[%swap3A_308] {strides = array<i32>} : memref<6272xf32, #tpu.memory_space<vmem>>, vector<16xf32>,
        tpu.vector_store %arg10[%swap3A_308], %add3A_307 {strides = array<i32>} : memref<6272xf32, #tpu.memory_space<vmem>>, vector<16xf32>,
      }
      %scan3A_118 = arith.constant 49 : i32
      %dma_wait3A_119 = arith.constant 0 : i32
      %dma_wait3A_120 = tpu.memref_slice %arg11[%dma_wait3A_119] : memref<1404928xf32, #tpu.memory_space<vmem_shared>> -> memref<1404928xf32, #tpu.memory_space<vmem_shared>>
      tpu.wait_indirect_dma semaphore(%arg13 : memref<!tpu.dma_semaphore, #tpu.memory_space<semaphore_mem>>) src(%dma_wait3A_120 : memref<1404928xf32, #tpu.memory_space<vmem_shared>>) dst(%arg8 : memref<6272xf32, #tpu.memory_space<vmem>>)
      %dma_wait3A_121 = tpu.memref_slice %arg2[%add3A_110] : memref<2709504xi32, #tpu.memory_space<hbm>> -> memref<6272xi32, #tpu.memory_space<hbm>>
      %dma_wait3A_122 = tpu.memref_slice %arg2[%add3A_110] : memref<2709504xi32, #tpu.memory_space<hbm>> -> memref<6272xi32, #tpu.memory_space<hbm>>
      tpu.wait_dma2 semaphore(%arg12 : memref<!tpu.dma_semaphore, #tpu.memory_space<semaphore_mem>>) src(%dma_wait3A_122 : memref<6272xi32, #tpu.memory_space<hbm>>) dst(%arg7 : memref<6272xi32, #tpu.memory_space<vmem>>)
      %dma_start3A_123 = arith.constant 0 : i32
      %dma_start3A_124 = tpu.memref_slice %arg11[%dma_start3A_123] : memref<1404928xf32, #tpu.memory_space<vmem_shared>> -> memref<1404928xf32, #tpu.memory_space<vmem_shared>>
      tpu.enqueue_indirect_dma source(%dma_start3A_124 : memref<1404928xf32, #tpu.memory_space<vmem_shared>>) target(%arg9 : memref<6272xf32, #tpu.memory_space<vmem>>) offsets(%arg7 : memref<6272xi32, #tpu.memory_space<vmem>>) semaphore(%arg13 : memref<!tpu.dma_semaphore, #tpu.memory_space<semaphore_mem>>)
      %add3A_125 = arith.constant 802816 : i32
      %add3A_126 = arith.addi %add3A_15, %add3A_125 : i32
      %dma_start3A_127 = tpu.memref_slice %arg2[%add3A_126] : memref<2709504xi32, #tpu.memory_space<hbm>> -> memref<6272xi32, #tpu.memory_space<hbm>>
      %dma_start3A_128 = tpu.memref_slice %arg2[%add3A_126] : memref<2709504xi32, #tpu.memory_space<hbm>> -> memref<6272xi32, #tpu.memory_space<hbm>>
      tpu.enqueue_dma source(%dma_start3A_128 : memref<6272xi32, #tpu.memory_space<hbm>>) target(%arg6 : memref<6272xi32, #tpu.memory_space<vmem>>) target_semaphore(%arg12 : memref<!tpu.dma_semaphore, #tpu.memory_space<semaphore_mem>>)
      %scan3A_129 = arith.constant 0 : i32
      %scan3A_130 = arith.constant 0 : i32
      %scan3A_131 = arith.constant 49 : i32
      %scan3A_132 = arith.addi %scan3A_130, %scan3A_131 : i32
      %scan3A_133 = arith.constant 1 : i32
      scf.for %scan3A_237 = %scan3A_130 to %scan3A_132 step %scan3A_133  : i32 {
        %mul3A_238 = arith.constant 128 : i32
        %mul3A_239 = arith.muli %scan3A_237, %mul3A_238 : i32
        %add3A_240 = arith.constant 0 : i32
        %add3A_241 = arith.addi %mul3A_239, %add3A_240 : i32
        %get3A = arith.index_cast %add3A_241 : i32 to index
        %get3A_242 = tpu.vector_load %arg10[%get3A] {strides = array<i32>} : memref<6272xf32, #tpu.memory_space<vmem>>, vector<16xf32>,
        %get3A_243 = arith.index_cast %add3A_241 : i32 to index
        %get3A_244 = tpu.vector_load %arg8[%get3A_243] {strides = array<i32>} : memref<6272xf32, #tpu.memory_space<vmem>>, vector<16xf32>,
        %add3A_245 = arith.addf %get3A_242, %get3A_244 : vector<16xf32>
        %swap3A = arith.index_cast %add3A_241 : i32 to index
        %swap3A_246 = tpu.vector_load %arg10[%swap3A] {strides = array<i32>} : memref<6272xf32, #tpu.memory_space<vmem>>, vector<16xf32>,
        tpu.vector_store %arg10[%swap3A], %add3A_245 {strides = array<i32>} : memref<6272xf32, #tpu.memory_space<vmem>>, vector<16xf32>,
        %add3A_247 = arith.constant 16 : i32
        %add3A_248 = arith.addi %mul3A_239, %add3A_247 : i32
        %get3A_249 = arith.index_cast %add3A_248 : i32 to index
        %get3A_250 = tpu.vector_load %arg10[%get3A_249] {strides = array<i32>} : memref<6272xf32, #tpu.memory_space<vmem>>, vector<16xf32>,
        %get3A_251 = arith.index_cast %add3A_248 : i32 to index
        %get3A_252 = tpu.vector_load %arg8[%get3A_251] {strides = array<i32>} : memref<6272xf32, #tpu.memory_space<vmem>>, vector<16xf32>,
        %add3A_253 = arith.addf %get3A_250, %get3A_252 : vector<16xf32>
        %swap3A_254 = arith.index_cast %add3A_248 : i32 to index
        %swap3A_255 = tpu.vector_load %arg10[%swap3A_254] {strides = array<i32>} : memref<6272xf32, #tpu.memory_space<vmem>>, vector<16xf32>,
        tpu.vector_store %arg10[%swap3A_254], %add3A_253 {strides = array<i32>} : memref<6272xf32, #tpu.memory_space<vmem>>, vector<16xf32>,
        %add3A_256 = arith.constant 32 : i32
        %add3A_257 = arith.addi %mul3A_239, %add3A_256 : i32
        %get3A_258 = arith.index_cast %add3A_257 : i32 to index
        %get3A_259 = tpu.vector_load %arg10[%get3A_258] {strides = array<i32>} : memref<6272xf32, #tpu.memory_space<vmem>>, vector<16xf32>,
        %get3A_260 = arith.index_cast %add3A_257 : i32 to index
        %get3A_261 = tpu.vector_load %arg8[%get3A_260] {strides = array<i32>} : memref<6272xf32, #tpu.memory_space<vmem>>, vector<16xf32>,
        %add3A_262 = arith.addf %get3A_259, %get3A_261 : vector<16xf32>
        %swap3A_263 = arith.index_cast %add3A_257 : i32 to index
        %swap3A_264 = tpu.vector_load %arg10[%swap3A_263] {strides = array<i32>} : memref<6272xf32, #tpu.memory_space<vmem>>, vector<16xf32>,
        tpu.vector_store %arg10[%swap3A_263], %add3A_262 {strides = array<i32>} : memref<6272xf32, #tpu.memory_space<vmem>>, vector<16xf32>,
        %add3A_265 = arith.constant 48 : i32
        %add3A_266 = arith.addi %mul3A_239, %add3A_265 : i32
        %get3A_267 = arith.index_cast %add3A_266 : i32 to index
        %get3A_268 = tpu.vector_load %arg10[%get3A_267] {strides = array<i32>} : memref<6272xf32, #tpu.memory_space<vmem>>, vector<16xf32>,
        %get3A_269 = arith.index_cast %add3A_266 : i32 to index
        %get3A_270 = tpu.vector_load %arg8[%get3A_269] {strides = array<i32>} : memref<6272xf32, #tpu.memory_space<vmem>>, vector<16xf32>,
        %add3A_271 = arith.addf %get3A_268, %get3A_270 : vector<16xf32>
        %swap3A_272 = arith.index_cast %add3A_266 : i32 to index
        %swap3A_273 = tpu.vector_load %arg10[%swap3A_272] {strides = array<i32>} : memref<6272xf32, #tpu.memory_space<vmem>>, vector<16xf32>,
        tpu.vector_store %arg10[%swap3A_272], %add3A_271 {strides = array<i32>} : memref<6272xf32, #tpu.memory_space<vmem>>, vector<16xf32>,
        %add3A_274 = arith.constant 64 : i32
        %add3A_275 = arith.addi %mul3A_239, %add3A_274 : i32
        %get3A_276 = arith.index_cast %add3A_275 : i32 to index
        %get3A_277 = tpu.vector_load %arg10[%get3A_276] {strides = array<i32>} : memref<6272xf32, #tpu.memory_space<vmem>>, vector<16xf32>,
        %get3A_278 = arith.index_cast %add3A_275 : i32 to index
        %get3A_279 = tpu.vector_load %arg8[%get3A_278] {strides = array<i32>} : memref<6272xf32, #tpu.memory_space<vmem>>, vector<16xf32>,
        %add3A_280 = arith.addf %get3A_277, %get3A_279 : vector<16xf32>
        %swap3A_281 = arith.index_cast %add3A_275 : i32 to index
        %swap3A_282 = tpu.vector_load %arg10[%swap3A_281] {strides = array<i32>} : memref<6272xf32, #tpu.memory_space<vmem>>, vector<16xf32>,
        tpu.vector_store %arg10[%swap3A_281], %add3A_280 {strides = array<i32>} : memref<6272xf32, #tpu.memory_space<vmem>>, vector<16xf32>,
        %add3A_283 = arith.constant 80 : i32
        %add3A_284 = arith.addi %mul3A_239, %add3A_283 : i32
        %get3A_285 = arith.index_cast %add3A_284 : i32 to index
        %get3A_286 = tpu.vector_load %arg10[%get3A_285] {strides = array<i32>} : memref<6272xf32, #tpu.memory_space<vmem>>, vector<16xf32>,
        %get3A_287 = arith.index_cast %add3A_284 : i32 to index
        %get3A_288 = tpu.vector_load %arg8[%get3A_287] {strides = array<i32>} : memref<6272xf32, #tpu.memory_space<vmem>>, vector<16xf32>,
        %add3A_289 = arith.addf %get3A_286, %get3A_288 : vector<16xf32>
        %swap3A_290 = arith.index_cast %add3A_284 : i32 to index
        %swap3A_291 = tpu.vector_load %arg10[%swap3A_290] {strides = array<i32>} : memref<6272xf32, #tpu.memory_space<vmem>>, vector<16xf32>,
        tpu.vector_store %arg10[%swap3A_290], %add3A_289 {strides = array<i32>} : memref<6272xf32, #tpu.memory_space<vmem>>, vector<16xf32>,
        %add3A_292 = arith.constant 96 : i32
        %add3A_293 = arith.addi %mul3A_239, %add3A_292 : i32
        %get3A_294 = arith.index_cast %add3A_293 : i32 to index
        %get3A_295 = tpu.vector_load %arg10[%get3A_294] {strides = array<i32>} : memref<6272xf32, #tpu.memory_space<vmem>>, vector<16xf32>,
        %get3A_296 = arith.index_cast %add3A_293 : i32 to index
        %get3A_297 = tpu.vector_load %arg8[%get3A_296] {strides = array<i32>} : memref<6272xf32, #tpu.memory_space<vmem>>, vector<16xf32>,
        %add3A_298 = arith.addf %get3A_295, %get3A_297 : vector<16xf32>
        %swap3A_299 = arith.index_cast %add3A_293 : i32 to index
        %swap3A_300 = tpu.vector_load %arg10[%swap3A_299] {strides = array<i32>} : memref<6272xf32, #tpu.memory_space<vmem>>, vector<16xf32>,
        tpu.vector_store %arg10[%swap3A_299], %add3A_298 {strides = array<i32>} : memref<6272xf32, #tpu.memory_space<vmem>>, vector<16xf32>,
        %add3A_301 = arith.constant 112 : i32
        %add3A_302 = arith.addi %mul3A_239, %add3A_301 : i32
        %get3A_303 = arith.index_cast %add3A_302 : i32 to index
        %get3A_304 = tpu.vector_load %arg10[%get3A_303] {strides = array<i32>} : memref<6272xf32, #tpu.memory_space<vmem>>, vector<16xf32>,
        %get3A_305 = arith.index_cast %add3A_302 : i32 to index
        %get3A_306 = tpu.vector_load %arg8[%get3A_305] {strides = array<i32>} : memref<6272xf32, #tpu.memory_space<vmem>>, vector<16xf32>,
        %add3A_307 = arith.addf %get3A_304, %get3A_306 : vector<16xf32>
        %swap3A_308 = arith.index_cast %add3A_302 : i32 to index
        %swap3A_309 = tpu.vector_load %arg10[%swap3A_308] {strides = array<i32>} : memref<6272xf32, #tpu.memory_space<vmem>>, vector<16xf32>,
        tpu.vector_store %arg10[%swap3A_308], %add3A_307 {strides = array<i32>} : memref<6272xf32, #tpu.memory_space<vmem>>, vector<16xf32>,
      }
      %scan3A_134 = arith.constant 49 : i32
      %dma_wait3A_135 = arith.constant 0 : i32
      %dma_wait3A_136 = tpu.memref_slice %arg11[%dma_wait3A_135] : memref<1404928xf32, #tpu.memory_space<vmem_shared>> -> memref<1404928xf32, #tpu.memory_space<vmem_shared>>
      tpu.wait_indirect_dma semaphore(%arg13 : memref<!tpu.dma_semaphore, #tpu.memory_space<semaphore_mem>>) src(%dma_wait3A_136 : memref<1404928xf32, #tpu.memory_space<vmem_shared>>) dst(%arg9 : memref<6272xf32, #tpu.memory_space<vmem>>)
      %dma_wait3A_137 = tpu.memref_slice %arg2[%add3A_126] : memref<2709504xi32, #tpu.memory_space<hbm>> -> memref<6272xi32, #tpu.memory_space<hbm>>
      %dma_wait3A_138 = tpu.memref_slice %arg2[%add3A_126] : memref<2709504xi32, #tpu.memory_space<hbm>> -> memref<6272xi32, #tpu.memory_space<hbm>>
      tpu.wait_dma2 semaphore(%arg12 : memref<!tpu.dma_semaphore, #tpu.memory_space<semaphore_mem>>) src(%dma_wait3A_138 : memref<6272xi32, #tpu.memory_space<hbm>>) dst(%arg6 : memref<6272xi32, #tpu.memory_space<vmem>>)
      %dma_start3A_139 = arith.constant 0 : i32
      %dma_start3A_140 = tpu.memref_slice %arg11[%dma_start3A_139] : memref<1404928xf32, #tpu.memory_space<vmem_shared>> -> memref<1404928xf32, #tpu.memory_space<vmem_shared>>
      tpu.enqueue_indirect_dma source(%dma_start3A_140 : memref<1404928xf32, #tpu.memory_space<vmem_shared>>) target(%arg8 : memref<6272xf32, #tpu.memory_space<vmem>>) offsets(%arg6 : memref<6272xi32, #tpu.memory_space<vmem>>) semaphore(%arg13 : memref<!tpu.dma_semaphore, #tpu.memory_space<semaphore_mem>>)
      %add3A_141 = arith.constant 903168 : i32
      %add3A_142 = arith.addi %add3A_15, %add3A_141 : i32
      %dma_start3A_143 = tpu.memref_slice %arg2[%add3A_142] : memref<2709504xi32, #tpu.memory_space<hbm>> -> memref<6272xi32, #tpu.memory_space<hbm>>
      %dma_start3A_144 = tpu.memref_slice %arg2[%add3A_142] : memref<2709504xi32, #tpu.memory_space<hbm>> -> memref<6272xi32, #tpu.memory_space<hbm>>
      tpu.enqueue_dma source(%dma_start3A_144 : memref<6272xi32, #tpu.memory_space<hbm>>) target(%arg7 : memref<6272xi32, #tpu.memory_space<vmem>>) target_semaphore(%arg12 : memref<!tpu.dma_semaphore, #tpu.memory_space<semaphore_mem>>)
      %scan3A_145 = arith.constant 0 : i32
      %scan3A_146 = arith.constant 0 : i32
      %scan3A_147 = arith.constant 49 : i32
      %scan3A_148 = arith.addi %scan3A_146, %scan3A_147 : i32
      %scan3A_149 = arith.constant 1 : i32
      scf.for %scan3A_237 = %scan3A_146 to %scan3A_148 step %scan3A_149  : i32 {
        %mul3A_238 = arith.constant 128 : i32
        %mul3A_239 = arith.muli %scan3A_237, %mul3A_238 : i32
        %add3A_240 = arith.constant 0 : i32
        %add3A_241 = arith.addi %mul3A_239, %add3A_240 : i32
        %get3A = arith.index_cast %add3A_241 : i32 to index
        %get3A_242 = tpu.vector_load %arg10[%get3A] {strides = array<i32>} : memref<6272xf32, #tpu.memory_space<vmem>>, vector<16xf32>,
        %get3A_243 = arith.index_cast %add3A_241 : i32 to index
        %get3A_244 = tpu.vector_load %arg9[%get3A_243] {strides = array<i32>} : memref<6272xf32, #tpu.memory_space<vmem>>, vector<16xf32>,
        %add3A_245 = arith.addf %get3A_242, %get3A_244 : vector<16xf32>
        %swap3A = arith.index_cast %add3A_241 : i32 to index
        %swap3A_246 = tpu.vector_load %arg10[%swap3A] {strides = array<i32>} : memref<6272xf32, #tpu.memory_space<vmem>>, vector<16xf32>,
        tpu.vector_store %arg10[%swap3A], %add3A_245 {strides = array<i32>} : memref<6272xf32, #tpu.memory_space<vmem>>, vector<16xf32>,
        %add3A_247 = arith.constant 16 : i32
        %add3A_248 = arith.addi %mul3A_239, %add3A_247 : i32
        %get3A_249 = arith.index_cast %add3A_248 : i32 to index
        %get3A_250 = tpu.vector_load %arg10[%get3A_249] {strides = array<i32>} : memref<6272xf32, #tpu.memory_space<vmem>>, vector<16xf32>,
        %get3A_251 = arith.index_cast %add3A_248 : i32 to index
        %get3A_252 = tpu.vector_load %arg9[%get3A_251] {strides = array<i32>} : memref<6272xf32, #tpu.memory_space<vmem>>, vector<16xf32>,
        %add3A_253 = arith.addf %get3A_250, %get3A_252 : vector<16xf32>
        %swap3A_254 = arith.index_cast %add3A_248 : i32 to index
        %swap3A_255 = tpu.vector_load %arg10[%swap3A_254] {strides = array<i32>} : memref<6272xf32, #tpu.memory_space<vmem>>, vector<16xf32>,
        tpu.vector_store %arg10[%swap3A_254], %add3A_253 {strides = array<i32>} : memref<6272xf32, #tpu.memory_space<vmem>>, vector<16xf32>,
        %add3A_256 = arith.constant 32 : i32
        %add3A_257 = arith.addi %mul3A_239, %add3A_256 : i32
        %get3A_258 = arith.index_cast %add3A_257 : i32 to index
        %get3A_259 = tpu.vector_load %arg10[%get3A_258] {strides = array<i32>} : memref<6272xf32, #tpu.memory_space<vmem>>, vector<16xf32>,
        %get3A_260 = arith.index_cast %add3A_257 : i32 to index
        %get3A_261 = tpu.vector_load %arg9[%get3A_260] {strides = array<i32>} : memref<6272xf32, #tpu.memory_space<vmem>>, vector<16xf32>,
        %add3A_262 = arith.addf %get3A_259, %get3A_261 : vector<16xf32>
        %swap3A_263 = arith.index_cast %add3A_257 : i32 to index
        %swap3A_264 = tpu.vector_load %arg10[%swap3A_263] {strides = array<i32>} : memref<6272xf32, #tpu.memory_space<vmem>>, vector<16xf32>,
        tpu.vector_store %arg10[%swap3A_263], %add3A_262 {strides = array<i32>} : memref<6272xf32, #tpu.memory_space<vmem>>, vector<16xf32>,
        %add3A_265 = arith.constant 48 : i32
        %add3A_266 = arith.addi %mul3A_239, %add3A_265 : i32
        %get3A_267 = arith.index_cast %add3A_266 : i32 to index
        %get3A_268 = tpu.vector_load %arg10[%get3A_267] {strides = array<i32>} : memref<6272xf32, #tpu.memory_space<vmem>>, vector<16xf32>,
        %get3A_269 = arith.index_cast %add3A_266 : i32 to index
        %get3A_270 = tpu.vector_load %arg9[%get3A_269] {strides = array<i32>} : memref<6272xf32, #tpu.memory_space<vmem>>, vector<16xf32>,
        %add3A_271 = arith.addf %get3A_268, %get3A_270 : vector<16xf32>
        %swap3A_272 = arith.index_cast %add3A_266 : i32 to index
        %swap3A_273 = tpu.vector_load %arg10[%swap3A_272] {strides = array<i32>} : memref<6272xf32, #tpu.memory_space<vmem>>, vector<16xf32>,
        tpu.vector_store %arg10[%swap3A_272], %add3A_271 {strides = array<i32>} : memref<6272xf32, #tpu.memory_space<vmem>>, vector<16xf32>,
        %add3A_274 = arith.constant 64 : i32
        %add3A_275 = arith.addi %mul3A_239, %add3A_274 : i32
        %get3A_276 = arith.index_cast %add3A_275 : i32 to index
        %get3A_277 = tpu.vector_load %arg10[%get3A_276] {strides = array<i32>} : memref<6272xf32, #tpu.memory_space<vmem>>, vector<16xf32>,
        %get3A_278 = arith.index_cast %add3A_275 : i32 to index
        %get3A_279 = tpu.vector_load %arg9[%get3A_278] {strides = array<i32>} : memref<6272xf32, #tpu.memory_space<vmem>>, vector<16xf32>,
        %add3A_280 = arith.addf %get3A_277, %get3A_279 : vector<16xf32>
        %swap3A_281 = arith.index_cast %add3A_275 : i32 to index
        %swap3A_282 = tpu.vector_load %arg10[%swap3A_281] {strides = array<i32>} : memref<6272xf32, #tpu.memory_space<vmem>>, vector<16xf32>,
        tpu.vector_store %arg10[%swap3A_281], %add3A_280 {strides = array<i32>} : memref<6272xf32, #tpu.memory_space<vmem>>, vector<16xf32>,
        %add3A_283 = arith.constant 80 : i32
        %add3A_284 = arith.addi %mul3A_239, %add3A_283 : i32
        %get3A_285 = arith.index_cast %add3A_284 : i32 to index
        %get3A_286 = tpu.vector_load %arg10[%get3A_285] {strides = array<i32>} : memref<6272xf32, #tpu.memory_space<vmem>>, vector<16xf32>,
        %get3A_287 = arith.index_cast %add3A_284 : i32 to index
        %get3A_288 = tpu.vector_load %arg9[%get3A_287] {strides = array<i32>} : memref<6272xf32, #tpu.memory_space<vmem>>, vector<16xf32>,
        %add3A_289 = arith.addf %get3A_286, %get3A_288 : vector<16xf32>
        %swap3A_290 = arith.index_cast %add3A_284 : i32 to index
        %swap3A_291 = tpu.vector_load %arg10[%swap3A_290] {strides = array<i32>} : memref<6272xf32, #tpu.memory_space<vmem>>, vector<16xf32>,
        tpu.vector_store %arg10[%swap3A_290], %add3A_289 {strides = array<i32>} : memref<6272xf32, #tpu.memory_space<vmem>>, vector<16xf32>,
        %add3A_292 = arith.constant 96 : i32
        %add3A_293 = arith.addi %mul3A_239, %add3A_292 : i32
        %get3A_294 = arith.index_cast %add3A_293 : i32 to index
        %get3A_295 = tpu.vector_load %arg10[%get3A_294] {strides = array<i32>} : memref<6272xf32, #tpu.memory_space<vmem>>, vector<16xf32>,
        %get3A_296 = arith.index_cast %add3A_293 : i32 to index
        %get3A_297 = tpu.vector_load %arg9[%get3A_296] {strides = array<i32>} : memref<6272xf32, #tpu.memory_space<vmem>>, vector<16xf32>,
        %add3A_298 = arith.addf %get3A_295, %get3A_297 : vector<16xf32>
        %swap3A_299 = arith.index_cast %add3A_293 : i32 to index
        %swap3A_300 = tpu.vector_load %arg10[%swap3A_299] {strides = array<i32>} : memref<6272xf32, #tpu.memory_space<vmem>>, vector<16xf32>,
        tpu.vector_store %arg10[%swap3A_299], %add3A_298 {strides = array<i32>} : memref<6272xf32, #tpu.memory_space<vmem>>, vector<16xf32>,
        %add3A_301 = arith.constant 112 : i32
        %add3A_302 = arith.addi %mul3A_239, %add3A_301 : i32
        %get3A_303 = arith.index_cast %add3A_302 : i32 to index
        %get3A_304 = tpu.vector_load %arg10[%get3A_303] {strides = array<i32>} : memref<6272xf32, #tpu.memory_space<vmem>>, vector<16xf32>,
        %get3A_305 = arith.index_cast %add3A_302 : i32 to index
        %get3A_306 = tpu.vector_load %arg9[%get3A_305] {strides = array<i32>} : memref<6272xf32, #tpu.memory_space<vmem>>, vector<16xf32>,
        %add3A_307 = arith.addf %get3A_304, %get3A_306 : vector<16xf32>
        %swap3A_308 = arith.index_cast %add3A_302 : i32 to index
        %swap3A_309 = tpu.vector_load %arg10[%swap3A_308] {strides = array<i32>} : memref<6272xf32, #tpu.memory_space<vmem>>, vector<16xf32>,
        tpu.vector_store %arg10[%swap3A_308], %add3A_307 {strides = array<i32>} : memref<6272xf32, #tpu.memory_space<vmem>>, vector<16xf32>,
      }
      %scan3A_150 = arith.constant 49 : i32
      %dma_wait3A_151 = arith.constant 0 : i32
      %dma_wait3A_152 = tpu.memref_slice %arg11[%dma_wait3A_151] : memref<1404928xf32, #tpu.memory_space<vmem_shared>> -> memref<1404928xf32, #tpu.memory_space<vmem_shared>>
      tpu.wait_indirect_dma semaphore(%arg13 : memref<!tpu.dma_semaphore, #tpu.memory_space<semaphore_mem>>) src(%dma_wait3A_152 : memref<1404928xf32, #tpu.memory_space<vmem_shared>>) dst(%arg8 : memref<6272xf32, #tpu.memory_space<vmem>>)
      %dma_wait3A_153 = tpu.memref_slice %arg2[%add3A_142] : memref<2709504xi32, #tpu.memory_space<hbm>> -> memref<6272xi32, #tpu.memory_space<hbm>>
      %dma_wait3A_154 = tpu.memref_slice %arg2[%add3A_142] : memref<2709504xi32, #tpu.memory_space<hbm>> -> memref<6272xi32, #tpu.memory_space<hbm>>
      tpu.wait_dma2 semaphore(%arg12 : memref<!tpu.dma_semaphore, #tpu.memory_space<semaphore_mem>>) src(%dma_wait3A_154 : memref<6272xi32, #tpu.memory_space<hbm>>) dst(%arg7 : memref<6272xi32, #tpu.memory_space<vmem>>)
      %dma_start3A_155 = arith.constant 0 : i32
      %dma_start3A_156 = tpu.memref_slice %arg11[%dma_start3A_155] : memref<1404928xf32, #tpu.memory_space<vmem_shared>> -> memref<1404928xf32, #tpu.memory_space<vmem_shared>>
      tpu.enqueue_indirect_dma source(%dma_start3A_156 : memref<1404928xf32, #tpu.memory_space<vmem_shared>>) target(%arg9 : memref<6272xf32, #tpu.memory_space<vmem>>) offsets(%arg7 : memref<6272xi32, #tpu.memory_space<vmem>>) semaphore(%arg13 : memref<!tpu.dma_semaphore, #tpu.memory_space<semaphore_mem>>)
      %add3A_157 = arith.constant 1003520 : i32
      %add3A_158 = arith.addi %add3A_15, %add3A_157 : i32
      %dma_start3A_159 = tpu.memref_slice %arg2[%add3A_158] : memref<2709504xi32, #tpu.memory_space<hbm>> -> memref<6272xi32, #tpu.memory_space<hbm>>
      %dma_start3A_160 = tpu.memref_slice %arg2[%add3A_158] : memref<2709504xi32, #tpu.memory_space<hbm>> -> memref<6272xi32, #tpu.memory_space<hbm>>
      tpu.enqueue_dma source(%dma_start3A_160 : memref<6272xi32, #tpu.memory_space<hbm>>) target(%arg6 : memref<6272xi32, #tpu.memory_space<vmem>>) target_semaphore(%arg12 : memref<!tpu.dma_semaphore, #tpu.memory_space<semaphore_mem>>)
      %scan3A_161 = arith.constant 0 : i32
      %scan3A_162 = arith.constant 0 : i32
      %scan3A_163 = arith.constant 49 : i32
      %scan3A_164 = arith.addi %scan3A_162, %scan3A_163 : i32
      %scan3A_165 = arith.constant 1 : i32
      scf.for %scan3A_237 = %scan3A_162 to %scan3A_164 step %scan3A_165  : i32 {
        %mul3A_238 = arith.constant 128 : i32
        %mul3A_239 = arith.muli %scan3A_237, %mul3A_238 : i32
        %add3A_240 = arith.constant 0 : i32
        %add3A_241 = arith.addi %mul3A_239, %add3A_240 : i32
        %get3A = arith.index_cast %add3A_241 : i32 to index
        %get3A_242 = tpu.vector_load %arg10[%get3A] {strides = array<i32>} : memref<6272xf32, #tpu.memory_space<vmem>>, vector<16xf32>,
        %get3A_243 = arith.index_cast %add3A_241 : i32 to index
        %get3A_244 = tpu.vector_load %arg8[%get3A_243] {strides = array<i32>} : memref<6272xf32, #tpu.memory_space<vmem>>, vector<16xf32>,
        %add3A_245 = arith.addf %get3A_242, %get3A_244 : vector<16xf32>
        %swap3A = arith.index_cast %add3A_241 : i32 to index
        %swap3A_246 = tpu.vector_load %arg10[%swap3A] {strides = array<i32>} : memref<6272xf32, #tpu.memory_space<vmem>>, vector<16xf32>,
        tpu.vector_store %arg10[%swap3A], %add3A_245 {strides = array<i32>} : memref<6272xf32, #tpu.memory_space<vmem>>, vector<16xf32>,
        %add3A_247 = arith.constant 16 : i32
        %add3A_248 = arith.addi %mul3A_239, %add3A_247 : i32
        %get3A_249 = arith.index_cast %add3A_248 : i32 to index
        %get3A_250 = tpu.vector_load %arg10[%get3A_249] {strides = array<i32>} : memref<6272xf32, #tpu.memory_space<vmem>>, vector<16xf32>,
        %get3A_251 = arith.index_cast %add3A_248 : i32 to index
        %get3A_252 = tpu.vector_load %arg8[%get3A_251] {strides = array<i32>} : memref<6272xf32, #tpu.memory_space<vmem>>, vector<16xf32>,
        %add3A_253 = arith.addf %get3A_250, %get3A_252 : vector<16xf32>
        %swap3A_254 = arith.index_cast %add3A_248 : i32 to index
        %swap3A_255 = tpu.vector_load %arg10[%swap3A_254] {strides = array<i32>} : memref<6272xf32, #tpu.memory_space<vmem>>, vector<16xf32>,
        tpu.vector_store %arg10[%swap3A_254], %add3A_253 {strides = array<i32>} : memref<6272xf32, #tpu.memory_space<vmem>>, vector<16xf32>,
        %add3A_256 = arith.constant 32 : i32
        %add3A_257 = arith.addi %mul3A_239, %add3A_256 : i32
        %get3A_258 = arith.index_cast %add3A_257 : i32 to index
        %get3A_259 = tpu.vector_load %arg10[%get3A_258] {strides = array<i32>} : memref<6272xf32, #tpu.memory_space<vmem>>, vector<16xf32>,
        %get3A_260 = arith.index_cast %add3A_257 : i32 to index
        %get3A_261 = tpu.vector_load %arg8[%get3A_260] {strides = array<i32>} : memref<6272xf32, #tpu.memory_space<vmem>>, vector<16xf32>,
        %add3A_262 = arith.addf %get3A_259, %get3A_261 : vector<16xf32>
        %swap3A_263 = arith.index_cast %add3A_257 : i32 to index
        %swap3A_264 = tpu.vector_load %arg10[%swap3A_263] {strides = array<i32>} : memref<6272xf32, #tpu.memory_space<vmem>>, vector<16xf32>,
        tpu.vector_store %arg10[%swap3A_263], %add3A_262 {strides = array<i32>} : memref<6272xf32, #tpu.memory_space<vmem>>, vector<16xf32>,
        %add3A_265 = arith.constant 48 : i32
        %add3A_266 = arith.addi %mul3A_239, %add3A_265 : i32
        %get3A_267 = arith.index_cast %add3A_266 : i32 to index
        %get3A_268 = tpu.vector_load %arg10[%get3A_267] {strides = array<i32>} : memref<6272xf32, #tpu.memory_space<vmem>>, vector<16xf32>,
        %get3A_269 = arith.index_cast %add3A_266 : i32 to index
        %get3A_270 = tpu.vector_load %arg8[%get3A_269] {strides = array<i32>} : memref<6272xf32, #tpu.memory_space<vmem>>, vector<16xf32>,
        %add3A_271 = arith.addf %get3A_268, %get3A_270 : vector<16xf32>
        %swap3A_272 = arith.index_cast %add3A_266 : i32 to index
        %swap3A_273 = tpu.vector_load %arg10[%swap3A_272] {strides = array<i32>} : memref<6272xf32, #tpu.memory_space<vmem>>, vector<16xf32>,
        tpu.vector_store %arg10[%swap3A_272], %add3A_271 {strides = array<i32>} : memref<6272xf32, #tpu.memory_space<vmem>>, vector<16xf32>,
        %add3A_274 = arith.constant 64 : i32
        %add3A_275 = arith.addi %mul3A_239, %add3A_274 : i32
        %get3A_276 = arith.index_cast %add3A_275 : i32 to index
        %get3A_277 = tpu.vector_load %arg10[%get3A_276] {strides = array<i32>} : memref<6272xf32, #tpu.memory_space<vmem>>, vector<16xf32>,
        %get3A_278 = arith.index_cast %add3A_275 : i32 to index
        %get3A_279 = tpu.vector_load %arg8[%get3A_278] {strides = array<i32>} : memref<6272xf32, #tpu.memory_space<vmem>>, vector<16xf32>,
        %add3A_280 = arith.addf %get3A_277, %get3A_279 : vector<16xf32>
        %swap3A_281 = arith.index_cast %add3A_275 : i32 to index
        %swap3A_282 = tpu.vector_load %arg10[%swap3A_281] {strides = array<i32>} : memref<6272xf32, #tpu.memory_space<vmem>>, vector<16xf32>,
        tpu.vector_store %arg10[%swap3A_281], %add3A_280 {strides = array<i32>} : memref<6272xf32, #tpu.memory_space<vmem>>, vector<16xf32>,
        %add3A_283 = arith.constant 80 : i32
        %add3A_284 = arith.addi %mul3A_239, %add3A_283 : i32
        %get3A_285 = arith.index_cast %add3A_284 : i32 to index
        %get3A_286 = tpu.vector_load %arg10[%get3A_285] {strides = array<i32>} : memref<6272xf32, #tpu.memory_space<vmem>>, vector<16xf32>,
        %get3A_287 = arith.index_cast %add3A_284 : i32 to index
        %get3A_288 = tpu.vector_load %arg8[%get3A_287] {strides = array<i32>} : memref<6272xf32, #tpu.memory_space<vmem>>, vector<16xf32>,
        %add3A_289 = arith.addf %get3A_286, %get3A_288 : vector<16xf32>
        %swap3A_290 = arith.index_cast %add3A_284 : i32 to index
        %swap3A_291 = tpu.vector_load %arg10[%swap3A_290] {strides = array<i32>} : memref<6272xf32, #tpu.memory_space<vmem>>, vector<16xf32>,
        tpu.vector_store %arg10[%swap3A_290], %add3A_289 {strides = array<i32>} : memref<6272xf32, #tpu.memory_space<vmem>>, vector<16xf32>,
        %add3A_292 = arith.constant 96 : i32
        %add3A_293 = arith.addi %mul3A_239, %add3A_292 : i32
        %get3A_294 = arith.index_cast %add3A_293 : i32 to index
        %get3A_295 = tpu.vector_load %arg10[%get3A_294] {strides = array<i32>} : memref<6272xf32, #tpu.memory_space<vmem>>, vector<16xf32>,
        %get3A_296 = arith.index_cast %add3A_293 : i32 to index
        %get3A_297 = tpu.vector_load %arg8[%get3A_296] {strides = array<i32>} : memref<6272xf32, #tpu.memory_space<vmem>>, vector<16xf32>,
        %add3A_298 = arith.addf %get3A_295, %get3A_297 : vector<16xf32>
        %swap3A_299 = arith.index_cast %add3A_293 : i32 to index
        %swap3A_300 = tpu.vector_load %arg10[%swap3A_299] {strides = array<i32>} : memref<6272xf32, #tpu.memory_space<vmem>>, vector<16xf32>,
        tpu.vector_store %arg10[%swap3A_299], %add3A_298 {strides = array<i32>} : memref<6272xf32, #tpu.memory_space<vmem>>, vector<16xf32>,
        %add3A_301 = arith.constant 112 : i32
        %add3A_302 = arith.addi %mul3A_239, %add3A_301 : i32
        %get3A_303 = arith.index_cast %add3A_302 : i32 to index
        %get3A_304 = tpu.vector_load %arg10[%get3A_303] {strides = array<i32>} : memref<6272xf32, #tpu.memory_space<vmem>>, vector<16xf32>,
        %get3A_305 = arith.index_cast %add3A_302 : i32 to index
        %get3A_306 = tpu.vector_load %arg8[%get3A_305] {strides = array<i32>} : memref<6272xf32, #tpu.memory_space<vmem>>, vector<16xf32>,
        %add3A_307 = arith.addf %get3A_304, %get3A_306 : vector<16xf32>
        %swap3A_308 = arith.index_cast %add3A_302 : i32 to index
        %swap3A_309 = tpu.vector_load %arg10[%swap3A_308] {strides = array<i32>} : memref<6272xf32, #tpu.memory_space<vmem>>, vector<16xf32>,
        tpu.vector_store %arg10[%swap3A_308], %add3A_307 {strides = array<i32>} : memref<6272xf32, #tpu.memory_space<vmem>>, vector<16xf32>,
      }
      %scan3A_166 = arith.constant 49 : i32
      %dma_wait3A_167 = arith.constant 0 : i32
      %dma_wait3A_168 = tpu.memref_slice %arg11[%dma_wait3A_167] : memref<1404928xf32, #tpu.memory_space<vmem_shared>> -> memref<1404928xf32, #tpu.memory_space<vmem_shared>>
      tpu.wait_indirect_dma semaphore(%arg13 : memref<!tpu.dma_semaphore, #tpu.memory_space<semaphore_mem>>) src(%dma_wait3A_168 : memref<1404928xf32, #tpu.memory_space<vmem_shared>>) dst(%arg9 : memref<6272xf32, #tpu.memory_space<vmem>>)
      %dma_wait3A_169 = tpu.memref_slice %arg2[%add3A_158] : memref<2709504xi32, #tpu.memory_space<hbm>> -> memref<6272xi32, #tpu.memory_space<hbm>>
      %dma_wait3A_170 = tpu.memref_slice %arg2[%add3A_158] : memref<2709504xi32, #tpu.memory_space<hbm>> -> memref<6272xi32, #tpu.memory_space<hbm>>
      tpu.wait_dma2 semaphore(%arg12 : memref<!tpu.dma_semaphore, #tpu.memory_space<semaphore_mem>>) src(%dma_wait3A_170 : memref<6272xi32, #tpu.memory_space<hbm>>) dst(%arg6 : memref<6272xi32, #tpu.memory_space<vmem>>)
      %dma_start3A_171 = arith.constant 0 : i32
      %dma_start3A_172 = tpu.memref_slice %arg11[%dma_start3A_171] : memref<1404928xf32, #tpu.memory_space<vmem_shared>> -> memref<1404928xf32, #tpu.memory_space<vmem_shared>>
      tpu.enqueue_indirect_dma source(%dma_start3A_172 : memref<1404928xf32, #tpu.memory_space<vmem_shared>>) target(%arg8 : memref<6272xf32, #tpu.memory_space<vmem>>) offsets(%arg6 : memref<6272xi32, #tpu.memory_space<vmem>>) semaphore(%arg13 : memref<!tpu.dma_semaphore, #tpu.memory_space<semaphore_mem>>)
      %add3A_173 = arith.constant 1103872 : i32
      %add3A_174 = arith.addi %add3A_15, %add3A_173 : i32
      %dma_start3A_175 = tpu.memref_slice %arg2[%add3A_174] : memref<2709504xi32, #tpu.memory_space<hbm>> -> memref<6272xi32, #tpu.memory_space<hbm>>
      %dma_start3A_176 = tpu.memref_slice %arg2[%add3A_174] : memref<2709504xi32, #tpu.memory_space<hbm>> -> memref<6272xi32, #tpu.memory_space<hbm>>
      tpu.enqueue_dma source(%dma_start3A_176 : memref<6272xi32, #tpu.memory_space<hbm>>) target(%arg7 : memref<6272xi32, #tpu.memory_space<vmem>>) target_semaphore(%arg12 : memref<!tpu.dma_semaphore, #tpu.memory_space<semaphore_mem>>)
      %scan3A_177 = arith.constant 0 : i32
      %scan3A_178 = arith.constant 0 : i32
      %scan3A_179 = arith.constant 49 : i32
      %scan3A_180 = arith.addi %scan3A_178, %scan3A_179 : i32
      %scan3A_181 = arith.constant 1 : i32
      scf.for %scan3A_237 = %scan3A_178 to %scan3A_180 step %scan3A_181  : i32 {
        %mul3A_238 = arith.constant 128 : i32
        %mul3A_239 = arith.muli %scan3A_237, %mul3A_238 : i32
        %add3A_240 = arith.constant 0 : i32
        %add3A_241 = arith.addi %mul3A_239, %add3A_240 : i32
        %get3A = arith.index_cast %add3A_241 : i32 to index
        %get3A_242 = tpu.vector_load %arg10[%get3A] {strides = array<i32>} : memref<6272xf32, #tpu.memory_space<vmem>>, vector<16xf32>,
        %get3A_243 = arith.index_cast %add3A_241 : i32 to index
        %get3A_244 = tpu.vector_load %arg9[%get3A_243] {strides = array<i32>} : memref<6272xf32, #tpu.memory_space<vmem>>, vector<16xf32>,
        %add3A_245 = arith.addf %get3A_242, %get3A_244 : vector<16xf32>
        %swap3A = arith.index_cast %add3A_241 : i32 to index
        %swap3A_246 = tpu.vector_load %arg10[%swap3A] {strides = array<i32>} : memref<6272xf32, #tpu.memory_space<vmem>>, vector<16xf32>,
        tpu.vector_store %arg10[%swap3A], %add3A_245 {strides = array<i32>} : memref<6272xf32, #tpu.memory_space<vmem>>, vector<16xf32>,
        %add3A_247 = arith.constant 16 : i32
        %add3A_248 = arith.addi %mul3A_239, %add3A_247 : i32
        %get3A_249 = arith.index_cast %add3A_248 : i32 to index
        %get3A_250 = tpu.vector_load %arg10[%get3A_249] {strides = array<i32>} : memref<6272xf32, #tpu.memory_space<vmem>>, vector<16xf32>,
        %get3A_251 = arith.index_cast %add3A_248 : i32 to index
        %get3A_252 = tpu.vector_load %arg9[%get3A_251] {strides = array<i32>} : memref<6272xf32, #tpu.memory_space<vmem>>, vector<16xf32>,
        %add3A_253 = arith.addf %get3A_250, %get3A_252 : vector<16xf32>
        %swap3A_254 = arith.index_cast %add3A_248 : i32 to index
        %swap3A_255 = tpu.vector_load %arg10[%swap3A_254] {strides = array<i32>} : memref<6272xf32, #tpu.memory_space<vmem>>, vector<16xf32>,
        tpu.vector_store %arg10[%swap3A_254], %add3A_253 {strides = array<i32>} : memref<6272xf32, #tpu.memory_space<vmem>>, vector<16xf32>,
        %add3A_256 = arith.constant 32 : i32
        %add3A_257 = arith.addi %mul3A_239, %add3A_256 : i32
        %get3A_258 = arith.index_cast %add3A_257 : i32 to index
        %get3A_259 = tpu.vector_load %arg10[%get3A_258] {strides = array<i32>} : memref<6272xf32, #tpu.memory_space<vmem>>, vector<16xf32>,
        %get3A_260 = arith.index_cast %add3A_257 : i32 to index
        %get3A_261 = tpu.vector_load %arg9[%get3A_260] {strides = array<i32>} : memref<6272xf32, #tpu.memory_space<vmem>>, vector<16xf32>,
        %add3A_262 = arith.addf %get3A_259, %get3A_261 : vector<16xf32>
        %swap3A_263 = arith.index_cast %add3A_257 : i32 to index
        %swap3A_264 = tpu.vector_load %arg10[%swap3A_263] {strides = array<i32>} : memref<6272xf32, #tpu.memory_space<vmem>>, vector<16xf32>,
        tpu.vector_store %arg10[%swap3A_263], %add3A_262 {strides = array<i32>} : memref<6272xf32, #tpu.memory_space<vmem>>, vector<16xf32>,
        %add3A_265 = arith.constant 48 : i32
        %add3A_266 = arith.addi %mul3A_239, %add3A_265 : i32
        %get3A_267 = arith.index_cast %add3A_266 : i32 to index
        %get3A_268 = tpu.vector_load %arg10[%get3A_267] {strides = array<i32>} : memref<6272xf32, #tpu.memory_space<vmem>>, vector<16xf32>,
        %get3A_269 = arith.index_cast %add3A_266 : i32 to index
        %get3A_270 = tpu.vector_load %arg9[%get3A_269] {strides = array<i32>} : memref<6272xf32, #tpu.memory_space<vmem>>, vector<16xf32>,
        %add3A_271 = arith.addf %get3A_268, %get3A_270 : vector<16xf32>
        %swap3A_272 = arith.index_cast %add3A_266 : i32 to index
        %swap3A_273 = tpu.vector_load %arg10[%swap3A_272] {strides = array<i32>} : memref<6272xf32, #tpu.memory_space<vmem>>, vector<16xf32>,
        tpu.vector_store %arg10[%swap3A_272], %add3A_271 {strides = array<i32>} : memref<6272xf32, #tpu.memory_space<vmem>>, vector<16xf32>,
        %add3A_274 = arith.constant 64 : i32
        %add3A_275 = arith.addi %mul3A_239, %add3A_274 : i32
        %get3A_276 = arith.index_cast %add3A_275 : i32 to index
        %get3A_277 = tpu.vector_load %arg10[%get3A_276] {strides = array<i32>} : memref<6272xf32, #tpu.memory_space<vmem>>, vector<16xf32>,
        %get3A_278 = arith.index_cast %add3A_275 : i32 to index
        %get3A_279 = tpu.vector_load %arg9[%get3A_278] {strides = array<i32>} : memref<6272xf32, #tpu.memory_space<vmem>>, vector<16xf32>,
        %add3A_280 = arith.addf %get3A_277, %get3A_279 : vector<16xf32>
        %swap3A_281 = arith.index_cast %add3A_275 : i32 to index
        %swap3A_282 = tpu.vector_load %arg10[%swap3A_281] {strides = array<i32>} : memref<6272xf32, #tpu.memory_space<vmem>>, vector<16xf32>,
        tpu.vector_store %arg10[%swap3A_281], %add3A_280 {strides = array<i32>} : memref<6272xf32, #tpu.memory_space<vmem>>, vector<16xf32>,
        %add3A_283 = arith.constant 80 : i32
        %add3A_284 = arith.addi %mul3A_239, %add3A_283 : i32
        %get3A_285 = arith.index_cast %add3A_284 : i32 to index
        %get3A_286 = tpu.vector_load %arg10[%get3A_285] {strides = array<i32>} : memref<6272xf32, #tpu.memory_space<vmem>>, vector<16xf32>,
        %get3A_287 = arith.index_cast %add3A_284 : i32 to index
        %get3A_288 = tpu.vector_load %arg9[%get3A_287] {strides = array<i32>} : memref<6272xf32, #tpu.memory_space<vmem>>, vector<16xf32>,
        %add3A_289 = arith.addf %get3A_286, %get3A_288 : vector<16xf32>
        %swap3A_290 = arith.index_cast %add3A_284 : i32 to index
        %swap3A_291 = tpu.vector_load %arg10[%swap3A_290] {strides = array<i32>} : memref<6272xf32, #tpu.memory_space<vmem>>, vector<16xf32>,
        tpu.vector_store %arg10[%swap3A_290], %add3A_289 {strides = array<i32>} : memref<6272xf32, #tpu.memory_space<vmem>>, vector<16xf32>,
        %add3A_292 = arith.constant 96 : i32
        %add3A_293 = arith.addi %mul3A_239, %add3A_292 : i32
        %get3A_294 = arith.index_cast %add3A_293 : i32 to index
        %get3A_295 = tpu.vector_load %arg10[%get3A_294] {strides = array<i32>} : memref<6272xf32, #tpu.memory_space<vmem>>, vector<16xf32>,
        %get3A_296 = arith.index_cast %add3A_293 : i32 to index
        %get3A_297 = tpu.vector_load %arg9[%get3A_296] {strides = array<i32>} : memref<6272xf32, #tpu.memory_space<vmem>>, vector<16xf32>,
        %add3A_298 = arith.addf %get3A_295, %get3A_297 : vector<16xf32>
        %swap3A_299 = arith.index_cast %add3A_293 : i32 to index
        %swap3A_300 = tpu.vector_load %arg10[%swap3A_299] {strides = array<i32>} : memref<6272xf32, #tpu.memory_space<vmem>>, vector<16xf32>,
        tpu.vector_store %arg10[%swap3A_299], %add3A_298 {strides = array<i32>} : memref<6272xf32, #tpu.memory_space<vmem>>, vector<16xf32>,
        %add3A_301 = arith.constant 112 : i32
        %add3A_302 = arith.addi %mul3A_239, %add3A_301 : i32
        %get3A_303 = arith.index_cast %add3A_302 : i32 to index
        %get3A_304 = tpu.vector_load %arg10[%get3A_303] {strides = array<i32>} : memref<6272xf32, #tpu.memory_space<vmem>>, vector<16xf32>,
        %get3A_305 = arith.index_cast %add3A_302 : i32 to index
        %get3A_306 = tpu.vector_load %arg9[%get3A_305] {strides = array<i32>} : memref<6272xf32, #tpu.memory_space<vmem>>, vector<16xf32>,
        %add3A_307 = arith.addf %get3A_304, %get3A_306 : vector<16xf32>
        %swap3A_308 = arith.index_cast %add3A_302 : i32 to index
        %swap3A_309 = tpu.vector_load %arg10[%swap3A_308] {strides = array<i32>} : memref<6272xf32, #tpu.memory_space<vmem>>, vector<16xf32>,
        tpu.vector_store %arg10[%swap3A_308], %add3A_307 {strides = array<i32>} : memref<6272xf32, #tpu.memory_space<vmem>>, vector<16xf32>,
      }
      %scan3A_182 = arith.constant 49 : i32
      %dma_wait3A_183 = arith.constant 0 : i32
      %dma_wait3A_184 = tpu.memref_slice %arg11[%dma_wait3A_183] : memref<1404928xf32, #tpu.memory_space<vmem_shared>> -> memref<1404928xf32, #tpu.memory_space<vmem_shared>>
      tpu.wait_indirect_dma semaphore(%arg13 : memref<!tpu.dma_semaphore, #tpu.memory_space<semaphore_mem>>) src(%dma_wait3A_184 : memref<1404928xf32, #tpu.memory_space<vmem_shared>>) dst(%arg8 : memref<6272xf32, #tpu.memory_space<vmem>>)
      %dma_wait3A_185 = tpu.memref_slice %arg2[%add3A_174] : memref<2709504xi32, #tpu.memory_space<hbm>> -> memref<6272xi32, #tpu.memory_space<hbm>>
      %dma_wait3A_186 = tpu.memref_slice %arg2[%add3A_174] : memref<2709504xi32, #tpu.memory_space<hbm>> -> memref<6272xi32, #tpu.memory_space<hbm>>
      tpu.wait_dma2 semaphore(%arg12 : memref<!tpu.dma_semaphore, #tpu.memory_space<semaphore_mem>>) src(%dma_wait3A_186 : memref<6272xi32, #tpu.memory_space<hbm>>) dst(%arg7 : memref<6272xi32, #tpu.memory_space<vmem>>)
      %dma_start3A_187 = arith.constant 0 : i32
      %dma_start3A_188 = tpu.memref_slice %arg11[%dma_start3A_187] : memref<1404928xf32, #tpu.memory_space<vmem_shared>> -> memref<1404928xf32, #tpu.memory_space<vmem_shared>>
      tpu.enqueue_indirect_dma source(%dma_start3A_188 : memref<1404928xf32, #tpu.memory_space<vmem_shared>>) target(%arg9 : memref<6272xf32, #tpu.memory_space<vmem>>) offsets(%arg7 : memref<6272xi32, #tpu.memory_space<vmem>>) semaphore(%arg13 : memref<!tpu.dma_semaphore, #tpu.memory_space<semaphore_mem>>)
      %add3A_189 = arith.constant 1204224 : i32
      %add3A_190 = arith.addi %add3A_15, %add3A_189 : i32
      %dma_start3A_191 = tpu.memref_slice %arg2[%add3A_190] : memref<2709504xi32, #tpu.memory_space<hbm>> -> memref<6272xi32, #tpu.memory_space<hbm>>
      %dma_start3A_192 = tpu.memref_slice %arg2[%add3A_190] : memref<2709504xi32, #tpu.memory_space<hbm>> -> memref<6272xi32, #tpu.memory_space<hbm>>
      tpu.enqueue_dma source(%dma_start3A_192 : memref<6272xi32, #tpu.memory_space<hbm>>) target(%arg6 : memref<6272xi32, #tpu.memory_space<vmem>>) target_semaphore(%arg12 : memref<!tpu.dma_semaphore, #tpu.memory_space<semaphore_mem>>)
      %scan3A_193 = arith.constant 0 : i32
      %scan3A_194 = arith.constant 0 : i32
      %scan3A_195 = arith.constant 49 : i32
      %scan3A_196 = arith.addi %scan3A_194, %scan3A_195 : i32
      %scan3A_197 = arith.constant 1 : i32
      scf.for %scan3A_237 = %scan3A_194 to %scan3A_196 step %scan3A_197  : i32 {
        %mul3A_238 = arith.constant 128 : i32
        %mul3A_239 = arith.muli %scan3A_237, %mul3A_238 : i32
        %add3A_240 = arith.constant 0 : i32
        %add3A_241 = arith.addi %mul3A_239, %add3A_240 : i32
        %get3A = arith.index_cast %add3A_241 : i32 to index
        %get3A_242 = tpu.vector_load %arg10[%get3A] {strides = array<i32>} : memref<6272xf32, #tpu.memory_space<vmem>>, vector<16xf32>,
        %get3A_243 = arith.index_cast %add3A_241 : i32 to index
        %get3A_244 = tpu.vector_load %arg8[%get3A_243] {strides = array<i32>} : memref<6272xf32, #tpu.memory_space<vmem>>, vector<16xf32>,
        %add3A_245 = arith.addf %get3A_242, %get3A_244 : vector<16xf32>
        %swap3A = arith.index_cast %add3A_241 : i32 to index
        %swap3A_246 = tpu.vector_load %arg10[%swap3A] {strides = array<i32>} : memref<6272xf32, #tpu.memory_space<vmem>>, vector<16xf32>,
        tpu.vector_store %arg10[%swap3A], %add3A_245 {strides = array<i32>} : memref<6272xf32, #tpu.memory_space<vmem>>, vector<16xf32>,
        %add3A_247 = arith.constant 16 : i32
        %add3A_248 = arith.addi %mul3A_239, %add3A_247 : i32
        %get3A_249 = arith.index_cast %add3A_248 : i32 to index
        %get3A_250 = tpu.vector_load %arg10[%get3A_249] {strides = array<i32>} : memref<6272xf32, #tpu.memory_space<vmem>>, vector<16xf32>,
        %get3A_251 = arith.index_cast %add3A_248 : i32 to index
        %get3A_252 = tpu.vector_load %arg8[%get3A_251] {strides = array<i32>} : memref<6272xf32, #tpu.memory_space<vmem>>, vector<16xf32>,
        %add3A_253 = arith.addf %get3A_250, %get3A_252 : vector<16xf32>
        %swap3A_254 = arith.index_cast %add3A_248 : i32 to index
        %swap3A_255 = tpu.vector_load %arg10[%swap3A_254] {strides = array<i32>} : memref<6272xf32, #tpu.memory_space<vmem>>, vector<16xf32>,
        tpu.vector_store %arg10[%swap3A_254], %add3A_253 {strides = array<i32>} : memref<6272xf32, #tpu.memory_space<vmem>>, vector<16xf32>,
        %add3A_256 = arith.constant 32 : i32
        %add3A_257 = arith.addi %mul3A_239, %add3A_256 : i32
        %get3A_258 = arith.index_cast %add3A_257 : i32 to index
        %get3A_259 = tpu.vector_load %arg10[%get3A_258] {strides = array<i32>} : memref<6272xf32, #tpu.memory_space<vmem>>, vector<16xf32>,
        %get3A_260 = arith.index_cast %add3A_257 : i32 to index
        %get3A_261 = tpu.vector_load %arg8[%get3A_260] {strides = array<i32>} : memref<6272xf32, #tpu.memory_space<vmem>>, vector<16xf32>,
        %add3A_262 = arith.addf %get3A_259, %get3A_261 : vector<16xf32>
        %swap3A_263 = arith.index_cast %add3A_257 : i32 to index
        %swap3A_264 = tpu.vector_load %arg10[%swap3A_263] {strides = array<i32>} : memref<6272xf32, #tpu.memory_space<vmem>>, vector<16xf32>,
        tpu.vector_store %arg10[%swap3A_263], %add3A_262 {strides = array<i32>} : memref<6272xf32, #tpu.memory_space<vmem>>, vector<16xf32>,
        %add3A_265 = arith.constant 48 : i32
        %add3A_266 = arith.addi %mul3A_239, %add3A_265 : i32
        %get3A_267 = arith.index_cast %add3A_266 : i32 to index
        %get3A_268 = tpu.vector_load %arg10[%get3A_267] {strides = array<i32>} : memref<6272xf32, #tpu.memory_space<vmem>>, vector<16xf32>,
        %get3A_269 = arith.index_cast %add3A_266 : i32 to index
        %get3A_270 = tpu.vector_load %arg8[%get3A_269] {strides = array<i32>} : memref<6272xf32, #tpu.memory_space<vmem>>, vector<16xf32>,
        %add3A_271 = arith.addf %get3A_268, %get3A_270 : vector<16xf32>
        %swap3A_272 = arith.index_cast %add3A_266 : i32 to index
        %swap3A_273 = tpu.vector_load %arg10[%swap3A_272] {strides = array<i32>} : memref<6272xf32, #tpu.memory_space<vmem>>, vector<16xf32>,
        tpu.vector_store %arg10[%swap3A_272], %add3A_271 {strides = array<i32>} : memref<6272xf32, #tpu.memory_space<vmem>>, vector<16xf32>,
        %add3A_274 = arith.constant 64 : i32
        %add3A_275 = arith.addi %mul3A_239, %add3A_274 : i32
        %get3A_276 = arith.index_cast %add3A_275 : i32 to index
        %get3A_277 = tpu.vector_load %arg10[%get3A_276] {strides = array<i32>} : memref<6272xf32, #tpu.memory_space<vmem>>, vector<16xf32>,
        %get3A_278 = arith.index_cast %add3A_275 : i32 to index
        %get3A_279 = tpu.vector_load %arg8[%get3A_278] {strides = array<i32>} : memref<6272xf32, #tpu.memory_space<vmem>>, vector<16xf32>,
        %add3A_280 = arith.addf %get3A_277, %get3A_279 : vector<16xf32>
        %swap3A_281 = arith.index_cast %add3A_275 : i32 to index
        %swap3A_282 = tpu.vector_load %arg10[%swap3A_281] {strides = array<i32>} : memref<6272xf32, #tpu.memory_space<vmem>>, vector<16xf32>,
        tpu.vector_store %arg10[%swap3A_281], %add3A_280 {strides = array<i32>} : memref<6272xf32, #tpu.memory_space<vmem>>, vector<16xf32>,
        %add3A_283 = arith.constant 80 : i32
        %add3A_284 = arith.addi %mul3A_239, %add3A_283 : i32
        %get3A_285 = arith.index_cast %add3A_284 : i32 to index
        %get3A_286 = tpu.vector_load %arg10[%get3A_285] {strides = array<i32>} : memref<6272xf32, #tpu.memory_space<vmem>>, vector<16xf32>,
        %get3A_287 = arith.index_cast %add3A_284 : i32 to index
        %get3A_288 = tpu.vector_load %arg8[%get3A_287] {strides = array<i32>} : memref<6272xf32, #tpu.memory_space<vmem>>, vector<16xf32>,
        %add3A_289 = arith.addf %get3A_286, %get3A_288 : vector<16xf32>
        %swap3A_290 = arith.index_cast %add3A_284 : i32 to index
        %swap3A_291 = tpu.vector_load %arg10[%swap3A_290] {strides = array<i32>} : memref<6272xf32, #tpu.memory_space<vmem>>, vector<16xf32>,
        tpu.vector_store %arg10[%swap3A_290], %add3A_289 {strides = array<i32>} : memref<6272xf32, #tpu.memory_space<vmem>>, vector<16xf32>,
        %add3A_292 = arith.constant 96 : i32
        %add3A_293 = arith.addi %mul3A_239, %add3A_292 : i32
        %get3A_294 = arith.index_cast %add3A_293 : i32 to index
        %get3A_295 = tpu.vector_load %arg10[%get3A_294] {strides = array<i32>} : memref<6272xf32, #tpu.memory_space<vmem>>, vector<16xf32>,
        %get3A_296 = arith.index_cast %add3A_293 : i32 to index
        %get3A_297 = tpu.vector_load %arg8[%get3A_296] {strides = array<i32>} : memref<6272xf32, #tpu.memory_space<vmem>>, vector<16xf32>,
        %add3A_298 = arith.addf %get3A_295, %get3A_297 : vector<16xf32>
        %swap3A_299 = arith.index_cast %add3A_293 : i32 to index
        %swap3A_300 = tpu.vector_load %arg10[%swap3A_299] {strides = array<i32>} : memref<6272xf32, #tpu.memory_space<vmem>>, vector<16xf32>,
        tpu.vector_store %arg10[%swap3A_299], %add3A_298 {strides = array<i32>} : memref<6272xf32, #tpu.memory_space<vmem>>, vector<16xf32>,
        %add3A_301 = arith.constant 112 : i32
        %add3A_302 = arith.addi %mul3A_239, %add3A_301 : i32
        %get3A_303 = arith.index_cast %add3A_302 : i32 to index
        %get3A_304 = tpu.vector_load %arg10[%get3A_303] {strides = array<i32>} : memref<6272xf32, #tpu.memory_space<vmem>>, vector<16xf32>,
        %get3A_305 = arith.index_cast %add3A_302 : i32 to index
        %get3A_306 = tpu.vector_load %arg8[%get3A_305] {strides = array<i32>} : memref<6272xf32, #tpu.memory_space<vmem>>, vector<16xf32>,
        %add3A_307 = arith.addf %get3A_304, %get3A_306 : vector<16xf32>
        %swap3A_308 = arith.index_cast %add3A_302 : i32 to index
        %swap3A_309 = tpu.vector_load %arg10[%swap3A_308] {strides = array<i32>} : memref<6272xf32, #tpu.memory_space<vmem>>, vector<16xf32>,
        tpu.vector_store %arg10[%swap3A_308], %add3A_307 {strides = array<i32>} : memref<6272xf32, #tpu.memory_space<vmem>>, vector<16xf32>,
      }
      %scan3A_198 = arith.constant 49 : i32
      %dma_wait3A_199 = arith.constant 0 : i32
      %dma_wait3A_200 = tpu.memref_slice %arg11[%dma_wait3A_199] : memref<1404928xf32, #tpu.memory_space<vmem_shared>> -> memref<1404928xf32, #tpu.memory_space<vmem_shared>>
      tpu.wait_indirect_dma semaphore(%arg13 : memref<!tpu.dma_semaphore, #tpu.memory_space<semaphore_mem>>) src(%dma_wait3A_200 : memref<1404928xf32, #tpu.memory_space<vmem_shared>>) dst(%arg9 : memref<6272xf32, #tpu.memory_space<vmem>>)
      %dma_wait3A_201 = tpu.memref_slice %arg2[%add3A_190] : memref<2709504xi32, #tpu.memory_space<hbm>> -> memref<6272xi32, #tpu.memory_space<hbm>>
      %dma_wait3A_202 = tpu.memref_slice %arg2[%add3A_190] : memref<2709504xi32, #tpu.memory_space<hbm>> -> memref<6272xi32, #tpu.memory_space<hbm>>
      tpu.wait_dma2 semaphore(%arg12 : memref<!tpu.dma_semaphore, #tpu.memory_space<semaphore_mem>>) src(%dma_wait3A_202 : memref<6272xi32, #tpu.memory_space<hbm>>) dst(%arg6 : memref<6272xi32, #tpu.memory_space<vmem>>)
      %dma_start3A_203 = arith.constant 0 : i32
      %dma_start3A_204 = tpu.memref_slice %arg11[%dma_start3A_203] : memref<1404928xf32, #tpu.memory_space<vmem_shared>> -> memref<1404928xf32, #tpu.memory_space<vmem_shared>>
      tpu.enqueue_indirect_dma source(%dma_start3A_204 : memref<1404928xf32, #tpu.memory_space<vmem_shared>>) target(%arg8 : memref<6272xf32, #tpu.memory_space<vmem>>) offsets(%arg6 : memref<6272xi32, #tpu.memory_space<vmem>>) semaphore(%arg13 : memref<!tpu.dma_semaphore, #tpu.memory_space<semaphore_mem>>)
      %add3A_205 = arith.constant 1304576 : i32
      %add3A_206 = arith.addi %add3A_15, %add3A_205 : i32
      %dma_start3A_207 = tpu.memref_slice %arg2[%add3A_206] : memref<2709504xi32, #tpu.memory_space<hbm>> -> memref<6272xi32, #tpu.memory_space<hbm>>
      %dma_start3A_208 = tpu.memref_slice %arg2[%add3A_206] : memref<2709504xi32, #tpu.memory_space<hbm>> -> memref<6272xi32, #tpu.memory_space<hbm>>
      tpu.enqueue_dma source(%dma_start3A_208 : memref<6272xi32, #tpu.memory_space<hbm>>) target(%arg7 : memref<6272xi32, #tpu.memory_space<vmem>>) target_semaphore(%arg12 : memref<!tpu.dma_semaphore, #tpu.memory_space<semaphore_mem>>)
      %scan3A_209 = arith.constant 0 : i32
      %scan3A_210 = arith.constant 0 : i32
      %scan3A_211 = arith.constant 49 : i32
      %scan3A_212 = arith.addi %scan3A_210, %scan3A_211 : i32
      %scan3A_213 = arith.constant 1 : i32
      scf.for %scan3A_237 = %scan3A_210 to %scan3A_212 step %scan3A_213  : i32 {
        %mul3A_238 = arith.constant 128 : i32
        %mul3A_239 = arith.muli %scan3A_237, %mul3A_238 : i32
        %add3A_240 = arith.constant 0 : i32
        %add3A_241 = arith.addi %mul3A_239, %add3A_240 : i32
        %get3A = arith.index_cast %add3A_241 : i32 to index
        %get3A_242 = tpu.vector_load %arg10[%get3A] {strides = array<i32>} : memref<6272xf32, #tpu.memory_space<vmem>>, vector<16xf32>,
        %get3A_243 = arith.index_cast %add3A_241 : i32 to index
        %get3A_244 = tpu.vector_load %arg9[%get3A_243] {strides = array<i32>} : memref<6272xf32, #tpu.memory_space<vmem>>, vector<16xf32>,
        %add3A_245 = arith.addf %get3A_242, %get3A_244 : vector<16xf32>
        %swap3A = arith.index_cast %add3A_241 : i32 to index
        %swap3A_246 = tpu.vector_load %arg10[%swap3A] {strides = array<i32>} : memref<6272xf32, #tpu.memory_space<vmem>>, vector<16xf32>,
        tpu.vector_store %arg10[%swap3A], %add3A_245 {strides = array<i32>} : memref<6272xf32, #tpu.memory_space<vmem>>, vector<16xf32>,
        %add3A_247 = arith.constant 16 : i32
        %add3A_248 = arith.addi %mul3A_239, %add3A_247 : i32
        %get3A_249 = arith.index_cast %add3A_248 : i32 to index
        %get3A_250 = tpu.vector_load %arg10[%get3A_249] {strides = array<i32>} : memref<6272xf32, #tpu.memory_space<vmem>>, vector<16xf32>,
        %get3A_251 = arith.index_cast %add3A_248 : i32 to index
        %get3A_252 = tpu.vector_load %arg9[%get3A_251] {strides = array<i32>} : memref<6272xf32, #tpu.memory_space<vmem>>, vector<16xf32>,
        %add3A_253 = arith.addf %get3A_250, %get3A_252 : vector<16xf32>
        %swap3A_254 = arith.index_cast %add3A_248 : i32 to index
        %swap3A_255 = tpu.vector_load %arg10[%swap3A_254] {strides = array<i32>} : memref<6272xf32, #tpu.memory_space<vmem>>, vector<16xf32>,
        tpu.vector_store %arg10[%swap3A_254], %add3A_253 {strides = array<i32>} : memref<6272xf32, #tpu.memory_space<vmem>>, vector<16xf32>,
        %add3A_256 = arith.constant 32 : i32
        %add3A_257 = arith.addi %mul3A_239, %add3A_256 : i32
        %get3A_258 = arith.index_cast %add3A_257 : i32 to index
        %get3A_259 = tpu.vector_load %arg10[%get3A_258] {strides = array<i32>} : memref<6272xf32, #tpu.memory_space<vmem>>, vector<16xf32>,
        %get3A_260 = arith.index_cast %add3A_257 : i32 to index
        %get3A_261 = tpu.vector_load %arg9[%get3A_260] {strides = array<i32>} : memref<6272xf32, #tpu.memory_space<vmem>>, vector<16xf32>,
        %add3A_262 = arith.addf %get3A_259, %get3A_261 : vector<16xf32>
        %swap3A_263 = arith.index_cast %add3A_257 : i32 to index
        %swap3A_264 = tpu.vector_load %arg10[%swap3A_263] {strides = array<i32>} : memref<6272xf32, #tpu.memory_space<vmem>>, vector<16xf32>,
        tpu.vector_store %arg10[%swap3A_263], %add3A_262 {strides = array<i32>} : memref<6272xf32, #tpu.memory_space<vmem>>, vector<16xf32>,
        %add3A_265 = arith.constant 48 : i32
        %add3A_266 = arith.addi %mul3A_239, %add3A_265 : i32
        %get3A_267 = arith.index_cast %add3A_266 : i32 to index
        %get3A_268 = tpu.vector_load %arg10[%get3A_267] {strides = array<i32>} : memref<6272xf32, #tpu.memory_space<vmem>>, vector<16xf32>,
        %get3A_269 = arith.index_cast %add3A_266 : i32 to index
        %get3A_270 = tpu.vector_load %arg9[%get3A_269] {strides = array<i32>} : memref<6272xf32, #tpu.memory_space<vmem>>, vector<16xf32>,
        %add3A_271 = arith.addf %get3A_268, %get3A_270 : vector<16xf32>
        %swap3A_272 = arith.index_cast %add3A_266 : i32 to index
        %swap3A_273 = tpu.vector_load %arg10[%swap3A_272] {strides = array<i32>} : memref<6272xf32, #tpu.memory_space<vmem>>, vector<16xf32>,
        tpu.vector_store %arg10[%swap3A_272], %add3A_271 {strides = array<i32>} : memref<6272xf32, #tpu.memory_space<vmem>>, vector<16xf32>,
        %add3A_274 = arith.constant 64 : i32
        %add3A_275 = arith.addi %mul3A_239, %add3A_274 : i32
        %get3A_276 = arith.index_cast %add3A_275 : i32 to index
        %get3A_277 = tpu.vector_load %arg10[%get3A_276] {strides = array<i32>} : memref<6272xf32, #tpu.memory_space<vmem>>, vector<16xf32>,
        %get3A_278 = arith.index_cast %add3A_275 : i32 to index
        %get3A_279 = tpu.vector_load %arg9[%get3A_278] {strides = array<i32>} : memref<6272xf32, #tpu.memory_space<vmem>>, vector<16xf32>,
        %add3A_280 = arith.addf %get3A_277, %get3A_279 : vector<16xf32>
        %swap3A_281 = arith.index_cast %add3A_275 : i32 to index
        %swap3A_282 = tpu.vector_load %arg10[%swap3A_281] {strides = array<i32>} : memref<6272xf32, #tpu.memory_space<vmem>>, vector<16xf32>,
        tpu.vector_store %arg10[%swap3A_281], %add3A_280 {strides = array<i32>} : memref<6272xf32, #tpu.memory_space<vmem>>, vector<16xf32>,
        %add3A_283 = arith.constant 80 : i32
        %add3A_284 = arith.addi %mul3A_239, %add3A_283 : i32
        %get3A_285 = arith.index_cast %add3A_284 : i32 to index
        %get3A_286 = tpu.vector_load %arg10[%get3A_285] {strides = array<i32>} : memref<6272xf32, #tpu.memory_space<vmem>>, vector<16xf32>,
        %get3A_287 = arith.index_cast %add3A_284 : i32 to index
        %get3A_288 = tpu.vector_load %arg9[%get3A_287] {strides = array<i32>} : memref<6272xf32, #tpu.memory_space<vmem>>, vector<16xf32>,
        %add3A_289 = arith.addf %get3A_286, %get3A_288 : vector<16xf32>
        %swap3A_290 = arith.index_cast %add3A_284 : i32 to index
        %swap3A_291 = tpu.vector_load %arg10[%swap3A_290] {strides = array<i32>} : memref<6272xf32, #tpu.memory_space<vmem>>, vector<16xf32>,
        tpu.vector_store %arg10[%swap3A_290], %add3A_289 {strides = array<i32>} : memref<6272xf32, #tpu.memory_space<vmem>>, vector<16xf32>,
        %add3A_292 = arith.constant 96 : i32
        %add3A_293 = arith.addi %mul3A_239, %add3A_292 : i32
        %get3A_294 = arith.index_cast %add3A_293 : i32 to index
        %get3A_295 = tpu.vector_load %arg10[%get3A_294] {strides = array<i32>} : memref<6272xf32, #tpu.memory_space<vmem>>, vector<16xf32>,
        %get3A_296 = arith.index_cast %add3A_293 : i32 to index
        %get3A_297 = tpu.vector_load %arg9[%get3A_296] {strides = array<i32>} : memref<6272xf32, #tpu.memory_space<vmem>>, vector<16xf32>,
        %add3A_298 = arith.addf %get3A_295, %get3A_297 : vector<16xf32>
        %swap3A_299 = arith.index_cast %add3A_293 : i32 to index
        %swap3A_300 = tpu.vector_load %arg10[%swap3A_299] {strides = array<i32>} : memref<6272xf32, #tpu.memory_space<vmem>>, vector<16xf32>,
        tpu.vector_store %arg10[%swap3A_299], %add3A_298 {strides = array<i32>} : memref<6272xf32, #tpu.memory_space<vmem>>, vector<16xf32>,
        %add3A_301 = arith.constant 112 : i32
        %add3A_302 = arith.addi %mul3A_239, %add3A_301 : i32
        %get3A_303 = arith.index_cast %add3A_302 : i32 to index
        %get3A_304 = tpu.vector_load %arg10[%get3A_303] {strides = array<i32>} : memref<6272xf32, #tpu.memory_space<vmem>>, vector<16xf32>,
        %get3A_305 = arith.index_cast %add3A_302 : i32 to index
        %get3A_306 = tpu.vector_load %arg9[%get3A_305] {strides = array<i32>} : memref<6272xf32, #tpu.memory_space<vmem>>, vector<16xf32>,
        %add3A_307 = arith.addf %get3A_304, %get3A_306 : vector<16xf32>
        %swap3A_308 = arith.index_cast %add3A_302 : i32 to index
        %swap3A_309 = tpu.vector_load %arg10[%swap3A_308] {strides = array<i32>} : memref<6272xf32, #tpu.memory_space<vmem>>, vector<16xf32>,
        tpu.vector_store %arg10[%swap3A_308], %add3A_307 {strides = array<i32>} : memref<6272xf32, #tpu.memory_space<vmem>>, vector<16xf32>,
      }
      %scan3A_214 = arith.constant 49 : i32
      %dma_wait3A_215 = arith.constant 0 : i32
      %dma_wait3A_216 = tpu.memref_slice %arg11[%dma_wait3A_215] : memref<1404928xf32, #tpu.memory_space<vmem_shared>> -> memref<1404928xf32, #tpu.memory_space<vmem_shared>>
      tpu.wait_indirect_dma semaphore(%arg13 : memref<!tpu.dma_semaphore, #tpu.memory_space<semaphore_mem>>) src(%dma_wait3A_216 : memref<1404928xf32, #tpu.memory_space<vmem_shared>>) dst(%arg8 : memref<6272xf32, #tpu.memory_space<vmem>>)
      %dma_wait3A_217 = tpu.memref_slice %arg2[%add3A_206] : memref<2709504xi32, #tpu.memory_space<hbm>> -> memref<6272xi32, #tpu.memory_space<hbm>>
      %dma_wait3A_218 = tpu.memref_slice %arg2[%add3A_206] : memref<2709504xi32, #tpu.memory_space<hbm>> -> memref<6272xi32, #tpu.memory_space<hbm>>
      tpu.wait_dma2 semaphore(%arg12 : memref<!tpu.dma_semaphore, #tpu.memory_space<semaphore_mem>>) src(%dma_wait3A_218 : memref<6272xi32, #tpu.memory_space<hbm>>) dst(%arg7 : memref<6272xi32, #tpu.memory_space<vmem>>)
      %dma_start3A_219 = arith.constant 0 : i32
      %dma_start3A_220 = tpu.memref_slice %arg11[%dma_start3A_219] : memref<1404928xf32, #tpu.memory_space<vmem_shared>> -> memref<1404928xf32, #tpu.memory_space<vmem_shared>>
      tpu.enqueue_indirect_dma source(%dma_start3A_220 : memref<1404928xf32, #tpu.memory_space<vmem_shared>>) target(%arg9 : memref<6272xf32, #tpu.memory_space<vmem>>) offsets(%arg7 : memref<6272xi32, #tpu.memory_space<vmem>>) semaphore(%arg13 : memref<!tpu.dma_semaphore, #tpu.memory_space<semaphore_mem>>)
      %scan3A_221 = arith.constant 0 : i32
      %scan3A_222 = arith.constant 0 : i32
      %scan3A_223 = arith.constant 49 : i32
      %scan3A_224 = arith.addi %scan3A_222, %scan3A_223 : i32
      %scan3A_225 = arith.constant 1 : i32
      scf.for %scan3A_237 = %scan3A_222 to %scan3A_224 step %scan3A_225  : i32 {
        %mul3A_238 = arith.constant 128 : i32
        %mul3A_239 = arith.muli %scan3A_237, %mul3A_238 : i32
        %add3A_240 = arith.constant 0 : i32
        %add3A_241 = arith.addi %mul3A_239, %add3A_240 : i32
        %get3A = arith.index_cast %add3A_241 : i32 to index
        %get3A_242 = tpu.vector_load %arg10[%get3A] {strides = array<i32>} : memref<6272xf32, #tpu.memory_space<vmem>>, vector<16xf32>,
        %get3A_243 = arith.index_cast %add3A_241 : i32 to index
        %get3A_244 = tpu.vector_load %arg8[%get3A_243] {strides = array<i32>} : memref<6272xf32, #tpu.memory_space<vmem>>, vector<16xf32>,
        %add3A_245 = arith.addf %get3A_242, %get3A_244 : vector<16xf32>
        %swap3A = arith.index_cast %add3A_241 : i32 to index
        %swap3A_246 = tpu.vector_load %arg10[%swap3A] {strides = array<i32>} : memref<6272xf32, #tpu.memory_space<vmem>>, vector<16xf32>,
        tpu.vector_store %arg10[%swap3A], %add3A_245 {strides = array<i32>} : memref<6272xf32, #tpu.memory_space<vmem>>, vector<16xf32>,
        %add3A_247 = arith.constant 16 : i32
        %add3A_248 = arith.addi %mul3A_239, %add3A_247 : i32
        %get3A_249 = arith.index_cast %add3A_248 : i32 to index
        %get3A_250 = tpu.vector_load %arg10[%get3A_249] {strides = array<i32>} : memref<6272xf32, #tpu.memory_space<vmem>>, vector<16xf32>,
        %get3A_251 = arith.index_cast %add3A_248 : i32 to index
        %get3A_252 = tpu.vector_load %arg8[%get3A_251] {strides = array<i32>} : memref<6272xf32, #tpu.memory_space<vmem>>, vector<16xf32>,
        %add3A_253 = arith.addf %get3A_250, %get3A_252 : vector<16xf32>
        %swap3A_254 = arith.index_cast %add3A_248 : i32 to index
        %swap3A_255 = tpu.vector_load %arg10[%swap3A_254] {strides = array<i32>} : memref<6272xf32, #tpu.memory_space<vmem>>, vector<16xf32>,
        tpu.vector_store %arg10[%swap3A_254], %add3A_253 {strides = array<i32>} : memref<6272xf32, #tpu.memory_space<vmem>>, vector<16xf32>,
        %add3A_256 = arith.constant 32 : i32
        %add3A_257 = arith.addi %mul3A_239, %add3A_256 : i32
        %get3A_258 = arith.index_cast %add3A_257 : i32 to index
        %get3A_259 = tpu.vector_load %arg10[%get3A_258] {strides = array<i32>} : memref<6272xf32, #tpu.memory_space<vmem>>, vector<16xf32>,
        %get3A_260 = arith.index_cast %add3A_257 : i32 to index
        %get3A_261 = tpu.vector_load %arg8[%get3A_260] {strides = array<i32>} : memref<6272xf32, #tpu.memory_space<vmem>>, vector<16xf32>,
        %add3A_262 = arith.addf %get3A_259, %get3A_261 : vector<16xf32>
        %swap3A_263 = arith.index_cast %add3A_257 : i32 to index
        %swap3A_264 = tpu.vector_load %arg10[%swap3A_263] {strides = array<i32>} : memref<6272xf32, #tpu.memory_space<vmem>>, vector<16xf32>,
        tpu.vector_store %arg10[%swap3A_263], %add3A_262 {strides = array<i32>} : memref<6272xf32, #tpu.memory_space<vmem>>, vector<16xf32>,
        %add3A_265 = arith.constant 48 : i32
        %add3A_266 = arith.addi %mul3A_239, %add3A_265 : i32
        %get3A_267 = arith.index_cast %add3A_266 : i32 to index
        %get3A_268 = tpu.vector_load %arg10[%get3A_267] {strides = array<i32>} : memref<6272xf32, #tpu.memory_space<vmem>>, vector<16xf32>,
        %get3A_269 = arith.index_cast %add3A_266 : i32 to index
        %get3A_270 = tpu.vector_load %arg8[%get3A_269] {strides = array<i32>} : memref<6272xf32, #tpu.memory_space<vmem>>, vector<16xf32>,
        %add3A_271 = arith.addf %get3A_268, %get3A_270 : vector<16xf32>
        %swap3A_272 = arith.index_cast %add3A_266 : i32 to index
        %swap3A_273 = tpu.vector_load %arg10[%swap3A_272] {strides = array<i32>} : memref<6272xf32, #tpu.memory_space<vmem>>, vector<16xf32>,
        tpu.vector_store %arg10[%swap3A_272], %add3A_271 {strides = array<i32>} : memref<6272xf32, #tpu.memory_space<vmem>>, vector<16xf32>,
        %add3A_274 = arith.constant 64 : i32
        %add3A_275 = arith.addi %mul3A_239, %add3A_274 : i32
        %get3A_276 = arith.index_cast %add3A_275 : i32 to index
        %get3A_277 = tpu.vector_load %arg10[%get3A_276] {strides = array<i32>} : memref<6272xf32, #tpu.memory_space<vmem>>, vector<16xf32>,
        %get3A_278 = arith.index_cast %add3A_275 : i32 to index
        %get3A_279 = tpu.vector_load %arg8[%get3A_278] {strides = array<i32>} : memref<6272xf32, #tpu.memory_space<vmem>>, vector<16xf32>,
        %add3A_280 = arith.addf %get3A_277, %get3A_279 : vector<16xf32>
        %swap3A_281 = arith.index_cast %add3A_275 : i32 to index
        %swap3A_282 = tpu.vector_load %arg10[%swap3A_281] {strides = array<i32>} : memref<6272xf32, #tpu.memory_space<vmem>>, vector<16xf32>,
        tpu.vector_store %arg10[%swap3A_281], %add3A_280 {strides = array<i32>} : memref<6272xf32, #tpu.memory_space<vmem>>, vector<16xf32>,
        %add3A_283 = arith.constant 80 : i32
        %add3A_284 = arith.addi %mul3A_239, %add3A_283 : i32
        %get3A_285 = arith.index_cast %add3A_284 : i32 to index
        %get3A_286 = tpu.vector_load %arg10[%get3A_285] {strides = array<i32>} : memref<6272xf32, #tpu.memory_space<vmem>>, vector<16xf32>,
        %get3A_287 = arith.index_cast %add3A_284 : i32 to index
        %get3A_288 = tpu.vector_load %arg8[%get3A_287] {strides = array<i32>} : memref<6272xf32, #tpu.memory_space<vmem>>, vector<16xf32>,
        %add3A_289 = arith.addf %get3A_286, %get3A_288 : vector<16xf32>
        %swap3A_290 = arith.index_cast %add3A_284 : i32 to index
        %swap3A_291 = tpu.vector_load %arg10[%swap3A_290] {strides = array<i32>} : memref<6272xf32, #tpu.memory_space<vmem>>, vector<16xf32>,
        tpu.vector_store %arg10[%swap3A_290], %add3A_289 {strides = array<i32>} : memref<6272xf32, #tpu.memory_space<vmem>>, vector<16xf32>,
        %add3A_292 = arith.constant 96 : i32
        %add3A_293 = arith.addi %mul3A_239, %add3A_292 : i32
        %get3A_294 = arith.index_cast %add3A_293 : i32 to index
        %get3A_295 = tpu.vector_load %arg10[%get3A_294] {strides = array<i32>} : memref<6272xf32, #tpu.memory_space<vmem>>, vector<16xf32>,
        %get3A_296 = arith.index_cast %add3A_293 : i32 to index
        %get3A_297 = tpu.vector_load %arg8[%get3A_296] {strides = array<i32>} : memref<6272xf32, #tpu.memory_space<vmem>>, vector<16xf32>,
        %add3A_298 = arith.addf %get3A_295, %get3A_297 : vector<16xf32>
        %swap3A_299 = arith.index_cast %add3A_293 : i32 to index
        %swap3A_300 = tpu.vector_load %arg10[%swap3A_299] {strides = array<i32>} : memref<6272xf32, #tpu.memory_space<vmem>>, vector<16xf32>,
        tpu.vector_store %arg10[%swap3A_299], %add3A_298 {strides = array<i32>} : memref<6272xf32, #tpu.memory_space<vmem>>, vector<16xf32>,
        %add3A_301 = arith.constant 112 : i32
        %add3A_302 = arith.addi %mul3A_239, %add3A_301 : i32
        %get3A_303 = arith.index_cast %add3A_302 : i32 to index
        %get3A_304 = tpu.vector_load %arg10[%get3A_303] {strides = array<i32>} : memref<6272xf32, #tpu.memory_space<vmem>>, vector<16xf32>,
        %get3A_305 = arith.index_cast %add3A_302 : i32 to index
        %get3A_306 = tpu.vector_load %arg8[%get3A_305] {strides = array<i32>} : memref<6272xf32, #tpu.memory_space<vmem>>, vector<16xf32>,
        %add3A_307 = arith.addf %get3A_304, %get3A_306 : vector<16xf32>
        %swap3A_308 = arith.index_cast %add3A_302 : i32 to index
        %swap3A_309 = tpu.vector_load %arg10[%swap3A_308] {strides = array<i32>} : memref<6272xf32, #tpu.memory_space<vmem>>, vector<16xf32>,
        tpu.vector_store %arg10[%swap3A_308], %add3A_307 {strides = array<i32>} : memref<6272xf32, #tpu.memory_space<vmem>>, vector<16xf32>,
      }
      %scan3A_226 = arith.constant 49 : i32
      %dma_wait3A_227 = arith.constant 0 : i32
      %dma_wait3A_228 = tpu.memref_slice %arg11[%dma_wait3A_227] : memref<1404928xf32, #tpu.memory_space<vmem_shared>> -> memref<1404928xf32, #tpu.memory_space<vmem_shared>>
      tpu.wait_indirect_dma semaphore(%arg13 : memref<!tpu.dma_semaphore, #tpu.memory_space<semaphore_mem>>) src(%dma_wait3A_228 : memref<1404928xf32, #tpu.memory_space<vmem_shared>>) dst(%arg9 : memref<6272xf32, #tpu.memory_space<vmem>>)
      %scan3A_229 = arith.constant 0 : i32
      %scan3A_230 = arith.constant 0 : i32
      %scan3A_231 = arith.constant 49 : i32
      %scan3A_232 = arith.addi %scan3A_230, %scan3A_231 : i32
      %scan3A_233 = arith.constant 1 : i32
      scf.for %scan3A_237 = %scan3A_230 to %scan3A_232 step %scan3A_233  : i32 {
        %mul3A_238 = arith.constant 128 : i32
        %mul3A_239 = arith.muli %scan3A_237, %mul3A_238 : i32
        %add3A_240 = arith.constant 0 : i32
        %add3A_241 = arith.addi %mul3A_239, %add3A_240 : i32
        %get3A = arith.index_cast %add3A_241 : i32 to index
        %get3A_242 = tpu.vector_load %arg10[%get3A] {strides = array<i32>} : memref<6272xf32, #tpu.memory_space<vmem>>, vector<16xf32>,
        %get3A_243 = arith.index_cast %add3A_241 : i32 to index
        %get3A_244 = tpu.vector_load %arg9[%get3A_243] {strides = array<i32>} : memref<6272xf32, #tpu.memory_space<vmem>>, vector<16xf32>,
        %add3A_245 = arith.addf %get3A_242, %get3A_244 : vector<16xf32>
        %swap3A = arith.index_cast %add3A_241 : i32 to index
        %swap3A_246 = tpu.vector_load %arg10[%swap3A] {strides = array<i32>} : memref<6272xf32, #tpu.memory_space<vmem>>, vector<16xf32>,
        tpu.vector_store %arg10[%swap3A], %add3A_245 {strides = array<i32>} : memref<6272xf32, #tpu.memory_space<vmem>>, vector<16xf32>,
        %add3A_247 = arith.constant 16 : i32
        %add3A_248 = arith.addi %mul3A_239, %add3A_247 : i32
        %get3A_249 = arith.index_cast %add3A_248 : i32 to index
        %get3A_250 = tpu.vector_load %arg10[%get3A_249] {strides = array<i32>} : memref<6272xf32, #tpu.memory_space<vmem>>, vector<16xf32>,
        %get3A_251 = arith.index_cast %add3A_248 : i32 to index
        %get3A_252 = tpu.vector_load %arg9[%get3A_251] {strides = array<i32>} : memref<6272xf32, #tpu.memory_space<vmem>>, vector<16xf32>,
        %add3A_253 = arith.addf %get3A_250, %get3A_252 : vector<16xf32>
        %swap3A_254 = arith.index_cast %add3A_248 : i32 to index
        %swap3A_255 = tpu.vector_load %arg10[%swap3A_254] {strides = array<i32>} : memref<6272xf32, #tpu.memory_space<vmem>>, vector<16xf32>,
        tpu.vector_store %arg10[%swap3A_254], %add3A_253 {strides = array<i32>} : memref<6272xf32, #tpu.memory_space<vmem>>, vector<16xf32>,
        %add3A_256 = arith.constant 32 : i32
        %add3A_257 = arith.addi %mul3A_239, %add3A_256 : i32
        %get3A_258 = arith.index_cast %add3A_257 : i32 to index
        %get3A_259 = tpu.vector_load %arg10[%get3A_258] {strides = array<i32>} : memref<6272xf32, #tpu.memory_space<vmem>>, vector<16xf32>,
        %get3A_260 = arith.index_cast %add3A_257 : i32 to index
        %get3A_261 = tpu.vector_load %arg9[%get3A_260] {strides = array<i32>} : memref<6272xf32, #tpu.memory_space<vmem>>, vector<16xf32>,
        %add3A_262 = arith.addf %get3A_259, %get3A_261 : vector<16xf32>
        %swap3A_263 = arith.index_cast %add3A_257 : i32 to index
        %swap3A_264 = tpu.vector_load %arg10[%swap3A_263] {strides = array<i32>} : memref<6272xf32, #tpu.memory_space<vmem>>, vector<16xf32>,
        tpu.vector_store %arg10[%swap3A_263], %add3A_262 {strides = array<i32>} : memref<6272xf32, #tpu.memory_space<vmem>>, vector<16xf32>,
        %add3A_265 = arith.constant 48 : i32
        %add3A_266 = arith.addi %mul3A_239, %add3A_265 : i32
        %get3A_267 = arith.index_cast %add3A_266 : i32 to index
        %get3A_268 = tpu.vector_load %arg10[%get3A_267] {strides = array<i32>} : memref<6272xf32, #tpu.memory_space<vmem>>, vector<16xf32>,
        %get3A_269 = arith.index_cast %add3A_266 : i32 to index
        %get3A_270 = tpu.vector_load %arg9[%get3A_269] {strides = array<i32>} : memref<6272xf32, #tpu.memory_space<vmem>>, vector<16xf32>,
        %add3A_271 = arith.addf %get3A_268, %get3A_270 : vector<16xf32>
        %swap3A_272 = arith.index_cast %add3A_266 : i32 to index
        %swap3A_273 = tpu.vector_load %arg10[%swap3A_272] {strides = array<i32>} : memref<6272xf32, #tpu.memory_space<vmem>>, vector<16xf32>,
        tpu.vector_store %arg10[%swap3A_272], %add3A_271 {strides = array<i32>} : memref<6272xf32, #tpu.memory_space<vmem>>, vector<16xf32>,
        %add3A_274 = arith.constant 64 : i32
        %add3A_275 = arith.addi %mul3A_239, %add3A_274 : i32
        %get3A_276 = arith.index_cast %add3A_275 : i32 to index
        %get3A_277 = tpu.vector_load %arg10[%get3A_276] {strides = array<i32>} : memref<6272xf32, #tpu.memory_space<vmem>>, vector<16xf32>,
        %get3A_278 = arith.index_cast %add3A_275 : i32 to index
        %get3A_279 = tpu.vector_load %arg9[%get3A_278] {strides = array<i32>} : memref<6272xf32, #tpu.memory_space<vmem>>, vector<16xf32>,
        %add3A_280 = arith.addf %get3A_277, %get3A_279 : vector<16xf32>
        %swap3A_281 = arith.index_cast %add3A_275 : i32 to index
        %swap3A_282 = tpu.vector_load %arg10[%swap3A_281] {strides = array<i32>} : memref<6272xf32, #tpu.memory_space<vmem>>, vector<16xf32>,
        tpu.vector_store %arg10[%swap3A_281], %add3A_280 {strides = array<i32>} : memref<6272xf32, #tpu.memory_space<vmem>>, vector<16xf32>,
        %add3A_283 = arith.constant 80 : i32
        %add3A_284 = arith.addi %mul3A_239, %add3A_283 : i32
        %get3A_285 = arith.index_cast %add3A_284 : i32 to index
        %get3A_286 = tpu.vector_load %arg10[%get3A_285] {strides = array<i32>} : memref<6272xf32, #tpu.memory_space<vmem>>, vector<16xf32>,
        %get3A_287 = arith.index_cast %add3A_284 : i32 to index
        %get3A_288 = tpu.vector_load %arg9[%get3A_287] {strides = array<i32>} : memref<6272xf32, #tpu.memory_space<vmem>>, vector<16xf32>,
        %add3A_289 = arith.addf %get3A_286, %get3A_288 : vector<16xf32>
        %swap3A_290 = arith.index_cast %add3A_284 : i32 to index
        %swap3A_291 = tpu.vector_load %arg10[%swap3A_290] {strides = array<i32>} : memref<6272xf32, #tpu.memory_space<vmem>>, vector<16xf32>,
        tpu.vector_store %arg10[%swap3A_290], %add3A_289 {strides = array<i32>} : memref<6272xf32, #tpu.memory_space<vmem>>, vector<16xf32>,
        %add3A_292 = arith.constant 96 : i32
        %add3A_293 = arith.addi %mul3A_239, %add3A_292 : i32
        %get3A_294 = arith.index_cast %add3A_293 : i32 to index
        %get3A_295 = tpu.vector_load %arg10[%get3A_294] {strides = array<i32>} : memref<6272xf32, #tpu.memory_space<vmem>>, vector<16xf32>,
        %get3A_296 = arith.index_cast %add3A_293 : i32 to index
        %get3A_297 = tpu.vector_load %arg9[%get3A_296] {strides = array<i32>} : memref<6272xf32, #tpu.memory_space<vmem>>, vector<16xf32>,
        %add3A_298 = arith.addf %get3A_295, %get3A_297 : vector<16xf32>
        %swap3A_299 = arith.index_cast %add3A_293 : i32 to index
        %swap3A_300 = tpu.vector_load %arg10[%swap3A_299] {strides = array<i32>} : memref<6272xf32, #tpu.memory_space<vmem>>, vector<16xf32>,
        tpu.vector_store %arg10[%swap3A_299], %add3A_298 {strides = array<i32>} : memref<6272xf32, #tpu.memory_space<vmem>>, vector<16xf32>,
        %add3A_301 = arith.constant 112 : i32
        %add3A_302 = arith.addi %mul3A_239, %add3A_301 : i32
        %get3A_303 = arith.index_cast %add3A_302 : i32 to index
        %get3A_304 = tpu.vector_load %arg10[%get3A_303] {strides = array<i32>} : memref<6272xf32, #tpu.memory_space<vmem>>, vector<16xf32>,
        %get3A_305 = arith.index_cast %add3A_302 : i32 to index
        %get3A_306 = tpu.vector_load %arg9[%get3A_305] {strides = array<i32>} : memref<6272xf32, #tpu.memory_space<vmem>>, vector<16xf32>,
        %add3A_307 = arith.addf %get3A_304, %get3A_306 : vector<16xf32>
        %swap3A_308 = arith.index_cast %add3A_302 : i32 to index
        %swap3A_309 = tpu.vector_load %arg10[%swap3A_308] {strides = array<i32>} : memref<6272xf32, #tpu.memory_space<vmem>>, vector<16xf32>,
        tpu.vector_store %arg10[%swap3A_308], %add3A_307 {strides = array<i32>} : memref<6272xf32, #tpu.memory_space<vmem>>, vector<16xf32>,
      }
      %scan3A_234 = arith.constant 49 : i32
      %mul3A_235 = arith.constant 6272 : i32
      %mul3A_236 = arith.muli %arg1, %mul3A_235 : i32
      "tpu.region"() ({
        %run_scoped3A = tpu.sem_alloc : memref<!tpu.dma_semaphore, #tpu.memory_space<semaphore_mem>>
        %dma_start3A_237 = tpu.memref_slice %arg4[%mul3A_236] : memref<100352xf32, #tpu.memory_space<hbm>> -> memref<6272xf32, #tpu.memory_space<hbm>>
        %dma_start3A_238 = tpu.memref_slice %arg4[%mul3A_236] : memref<100352xf32, #tpu.memory_space<hbm>> -> memref<6272xf32, #tpu.memory_space<hbm>>
        tpu.enqueue_dma source(%arg10 : memref<6272xf32, #tpu.memory_space<vmem>>) target(%dma_start3A_238 : memref<6272xf32, #tpu.memory_space<hbm>>) target_semaphore(%run_scoped3A : memref<!tpu.dma_semaphore, #tpu.memory_space<semaphore_mem>>)
        %dma_wait3A_239 = tpu.memref_slice %arg4[%mul3A_236] : memref<100352xf32, #tpu.memory_space<hbm>> -> memref<6272xf32, #tpu.memory_space<hbm>>
        %dma_wait3A_240 = tpu.memref_slice %arg4[%mul3A_236] : memref<100352xf32, #tpu.memory_space<hbm>> -> memref<6272xf32, #tpu.memory_space<hbm>>
        tpu.wait_dma2 semaphore(%run_scoped3A : memref<!tpu.dma_semaphore, #tpu.memory_space<semaphore_mem>>) src(%arg10 : memref<6272xf32, #tpu.memory_space<vmem>>) dst(%dma_wait3A_240 : memref<6272xf32, #tpu.memory_space<hbm>>)
        tpu.yield
      }) : () -> ()
    } else {
    }
    %eq3A_9 = arith.constant 1 : i32
    %eq3A_10 = arith.cmpi eq, %arg0, %eq3A_9 : i32
    %convert_element_type3A_11 = arith.extui %eq3A_10 : i1 to i32
    %cond3A_12 = arith.constant 0 : i32
    %cond3A_13 = arith.cmpi ne, %convert_element_type3A_11, %cond3A_12 : i32
    scf.if %cond3A_13 {
      %mul3A = arith.constant 6272 : i32
      %mul3A_14 = arith.muli %arg1, %mul3A : i32
      %add3A = arith.constant 1404928 : i32
      %add3A_15 = arith.addi %add3A, %mul3A_14 : i32
      %dma_start3A = tpu.memref_slice %arg2[%add3A_15] : memref<2709504xi32, #tpu.memory_space<hbm>> -> memref<6272xi32, #tpu.memory_space<hbm>>
      %dma_start3A_16 = tpu.memref_slice %arg2[%add3A_15] : memref<2709504xi32, #tpu.memory_space<hbm>> -> memref<6272xi32, #tpu.memory_space<hbm>>
      tpu.enqueue_dma source(%dma_start3A_16 : memref<6272xi32, #tpu.memory_space<hbm>>) target(%arg6 : memref<6272xi32, #tpu.memory_space<vmem>>) target_semaphore(%arg12 : memref<!tpu.dma_semaphore, #tpu.memory_space<semaphore_mem>>)
      %dma_wait3A = tpu.memref_slice %arg2[%add3A_15] : memref<2709504xi32, #tpu.memory_space<hbm>> -> memref<6272xi32, #tpu.memory_space<hbm>>
      %dma_wait3A_17 = tpu.memref_slice %arg2[%add3A_15] : memref<2709504xi32, #tpu.memory_space<hbm>> -> memref<6272xi32, #tpu.memory_space<hbm>>
      tpu.wait_dma2 semaphore(%arg12 : memref<!tpu.dma_semaphore, #tpu.memory_space<semaphore_mem>>) src(%dma_wait3A_17 : memref<6272xi32, #tpu.memory_space<hbm>>) dst(%arg6 : memref<6272xi32, #tpu.memory_space<vmem>>)
      %dma_start3A_18 = arith.constant 0 : i32
      %dma_start3A_19 = tpu.memref_slice %arg11[%dma_start3A_18] : memref<1404928xf32, #tpu.memory_space<vmem_shared>> -> memref<1404928xf32, #tpu.memory_space<vmem_shared>>
      tpu.enqueue_indirect_dma source(%dma_start3A_19 : memref<1404928xf32, #tpu.memory_space<vmem_shared>>) target(%arg8 : memref<6272xf32, #tpu.memory_space<vmem>>) offsets(%arg6 : memref<6272xi32, #tpu.memory_space<vmem>>) semaphore(%arg13 : memref<!tpu.dma_semaphore, #tpu.memory_space<semaphore_mem>>)
      %add3A_20 = arith.constant 100352 : i32
      %add3A_21 = arith.addi %add3A_15, %add3A_20 : i32
      %dma_start3A_22 = tpu.memref_slice %arg2[%add3A_21] : memref<2709504xi32, #tpu.memory_space<hbm>> -> memref<6272xi32, #tpu.memory_space<hbm>>
      %dma_start3A_23 = tpu.memref_slice %arg2[%add3A_21] : memref<2709504xi32, #tpu.memory_space<hbm>> -> memref<6272xi32, #tpu.memory_space<hbm>>
      tpu.enqueue_dma source(%dma_start3A_23 : memref<6272xi32, #tpu.memory_space<hbm>>) target(%arg7 : memref<6272xi32, #tpu.memory_space<vmem>>) target_semaphore(%arg12 : memref<!tpu.dma_semaphore, #tpu.memory_space<semaphore_mem>>)
      %dma_wait3A_24 = arith.constant 0 : i32
      %dma_wait3A_25 = tpu.memref_slice %arg11[%dma_wait3A_24] : memref<1404928xf32, #tpu.memory_space<vmem_shared>> -> memref<1404928xf32, #tpu.memory_space<vmem_shared>>
      tpu.wait_indirect_dma semaphore(%arg13 : memref<!tpu.dma_semaphore, #tpu.memory_space<semaphore_mem>>) src(%dma_wait3A_25 : memref<1404928xf32, #tpu.memory_space<vmem_shared>>) dst(%arg8 : memref<6272xf32, #tpu.memory_space<vmem>>)
      %dma_wait3A_26 = tpu.memref_slice %arg2[%add3A_21] : memref<2709504xi32, #tpu.memory_space<hbm>> -> memref<6272xi32, #tpu.memory_space<hbm>>
      %dma_wait3A_27 = tpu.memref_slice %arg2[%add3A_21] : memref<2709504xi32, #tpu.memory_space<hbm>> -> memref<6272xi32, #tpu.memory_space<hbm>>
      tpu.wait_dma2 semaphore(%arg12 : memref<!tpu.dma_semaphore, #tpu.memory_space<semaphore_mem>>) src(%dma_wait3A_27 : memref<6272xi32, #tpu.memory_space<hbm>>) dst(%arg7 : memref<6272xi32, #tpu.memory_space<vmem>>)
      %dma_start3A_28 = arith.constant 0 : i32
      %dma_start3A_29 = tpu.memref_slice %arg11[%dma_start3A_28] : memref<1404928xf32, #tpu.memory_space<vmem_shared>> -> memref<1404928xf32, #tpu.memory_space<vmem_shared>>
      tpu.enqueue_indirect_dma source(%dma_start3A_29 : memref<1404928xf32, #tpu.memory_space<vmem_shared>>) target(%arg9 : memref<6272xf32, #tpu.memory_space<vmem>>) offsets(%arg7 : memref<6272xi32, #tpu.memory_space<vmem>>) semaphore(%arg13 : memref<!tpu.dma_semaphore, #tpu.memory_space<semaphore_mem>>)
      %add3A_30 = arith.constant 200704 : i32
      %add3A_31 = arith.addi %add3A_15, %add3A_30 : i32
      %dma_start3A_32 = tpu.memref_slice %arg2[%add3A_31] : memref<2709504xi32, #tpu.memory_space<hbm>> -> memref<6272xi32, #tpu.memory_space<hbm>>
      %dma_start3A_33 = tpu.memref_slice %arg2[%add3A_31] : memref<2709504xi32, #tpu.memory_space<hbm>> -> memref<6272xi32, #tpu.memory_space<hbm>>
      tpu.enqueue_dma source(%dma_start3A_33 : memref<6272xi32, #tpu.memory_space<hbm>>) target(%arg6 : memref<6272xi32, #tpu.memory_space<vmem>>) target_semaphore(%arg12 : memref<!tpu.dma_semaphore, #tpu.memory_space<semaphore_mem>>)
      %scan3A = arith.constant 0 : i32
      %scan3A_34 = arith.constant 0 : i32
      %scan3A_35 = arith.constant 49 : i32
      %scan3A_36 = arith.addi %scan3A_34, %scan3A_35 : i32
      %scan3A_37 = arith.constant 1 : i32
      scf.for %scan3A_221 = %scan3A_34 to %scan3A_36 step %scan3A_37  : i32 {
        %mul3A_222 = arith.constant 128 : i32
        %mul3A_223 = arith.muli %scan3A_221, %mul3A_222 : i32
        %add3A_224 = arith.constant 0 : i32
        %add3A_225 = arith.addi %mul3A_223, %add3A_224 : i32
        %get3A = arith.index_cast %add3A_225 : i32 to index
        %get3A_226 = tpu.vector_load %arg8[%get3A] {strides = array<i32>} : memref<6272xf32, #tpu.memory_space<vmem>>, vector<16xf32>,
        %swap3A = arith.index_cast %add3A_225 : i32 to index
        %swap3A_227 = tpu.vector_load %arg10[%swap3A] {strides = array<i32>} : memref<6272xf32, #tpu.memory_space<vmem>>, vector<16xf32>,
        tpu.vector_store %arg10[%swap3A], %get3A_226 {strides = array<i32>} : memref<6272xf32, #tpu.memory_space<vmem>>, vector<16xf32>,
        %add3A_228 = arith.constant 16 : i32
        %add3A_229 = arith.addi %mul3A_223, %add3A_228 : i32
        %get3A_230 = arith.index_cast %add3A_229 : i32 to index
        %get3A_231 = tpu.vector_load %arg8[%get3A_230] {strides = array<i32>} : memref<6272xf32, #tpu.memory_space<vmem>>, vector<16xf32>,
        %swap3A_232 = arith.index_cast %add3A_229 : i32 to index
        %swap3A_233 = tpu.vector_load %arg10[%swap3A_232] {strides = array<i32>} : memref<6272xf32, #tpu.memory_space<vmem>>, vector<16xf32>,
        tpu.vector_store %arg10[%swap3A_232], %get3A_231 {strides = array<i32>} : memref<6272xf32, #tpu.memory_space<vmem>>, vector<16xf32>,
        %add3A_234 = arith.constant 32 : i32
        %add3A_235 = arith.addi %mul3A_223, %add3A_234 : i32
        %get3A_236 = arith.index_cast %add3A_235 : i32 to index
        %get3A_237 = tpu.vector_load %arg8[%get3A_236] {strides = array<i32>} : memref<6272xf32, #tpu.memory_space<vmem>>, vector<16xf32>,
        %swap3A_238 = arith.index_cast %add3A_235 : i32 to index
        %swap3A_239 = tpu.vector_load %arg10[%swap3A_238] {strides = array<i32>} : memref<6272xf32, #tpu.memory_space<vmem>>, vector<16xf32>,
        tpu.vector_store %arg10[%swap3A_238], %get3A_237 {strides = array<i32>} : memref<6272xf32, #tpu.memory_space<vmem>>, vector<16xf32>,
        %add3A_240 = arith.constant 48 : i32
        %add3A_241 = arith.addi %mul3A_223, %add3A_240 : i32
        %get3A_242 = arith.index_cast %add3A_241 : i32 to index
        %get3A_243 = tpu.vector_load %arg8[%get3A_242] {strides = array<i32>} : memref<6272xf32, #tpu.memory_space<vmem>>, vector<16xf32>,
        %swap3A_244 = arith.index_cast %add3A_241 : i32 to index
        %swap3A_245 = tpu.vector_load %arg10[%swap3A_244] {strides = array<i32>} : memref<6272xf32, #tpu.memory_space<vmem>>, vector<16xf32>,
        tpu.vector_store %arg10[%swap3A_244], %get3A_243 {strides = array<i32>} : memref<6272xf32, #tpu.memory_space<vmem>>, vector<16xf32>,
        %add3A_246 = arith.constant 64 : i32
        %add3A_247 = arith.addi %mul3A_223, %add3A_246 : i32
        %get3A_248 = arith.index_cast %add3A_247 : i32 to index
        %get3A_249 = tpu.vector_load %arg8[%get3A_248] {strides = array<i32>} : memref<6272xf32, #tpu.memory_space<vmem>>, vector<16xf32>,
        %swap3A_250 = arith.index_cast %add3A_247 : i32 to index
        %swap3A_251 = tpu.vector_load %arg10[%swap3A_250] {strides = array<i32>} : memref<6272xf32, #tpu.memory_space<vmem>>, vector<16xf32>,
        tpu.vector_store %arg10[%swap3A_250], %get3A_249 {strides = array<i32>} : memref<6272xf32, #tpu.memory_space<vmem>>, vector<16xf32>,
        %add3A_252 = arith.constant 80 : i32
        %add3A_253 = arith.addi %mul3A_223, %add3A_252 : i32
        %get3A_254 = arith.index_cast %add3A_253 : i32 to index
        %get3A_255 = tpu.vector_load %arg8[%get3A_254] {strides = array<i32>} : memref<6272xf32, #tpu.memory_space<vmem>>, vector<16xf32>,
        %swap3A_256 = arith.index_cast %add3A_253 : i32 to index
        %swap3A_257 = tpu.vector_load %arg10[%swap3A_256] {strides = array<i32>} : memref<6272xf32, #tpu.memory_space<vmem>>, vector<16xf32>,
        tpu.vector_store %arg10[%swap3A_256], %get3A_255 {strides = array<i32>} : memref<6272xf32, #tpu.memory_space<vmem>>, vector<16xf32>,
        %add3A_258 = arith.constant 96 : i32
        %add3A_259 = arith.addi %mul3A_223, %add3A_258 : i32
        %get3A_260 = arith.index_cast %add3A_259 : i32 to index
        %get3A_261 = tpu.vector_load %arg8[%get3A_260] {strides = array<i32>} : memref<6272xf32, #tpu.memory_space<vmem>>, vector<16xf32>,
        %swap3A_262 = arith.index_cast %add3A_259 : i32 to index
        %swap3A_263 = tpu.vector_load %arg10[%swap3A_262] {strides = array<i32>} : memref<6272xf32, #tpu.memory_space<vmem>>, vector<16xf32>,
        tpu.vector_store %arg10[%swap3A_262], %get3A_261 {strides = array<i32>} : memref<6272xf32, #tpu.memory_space<vmem>>, vector<16xf32>,
        %add3A_264 = arith.constant 112 : i32
        %add3A_265 = arith.addi %mul3A_223, %add3A_264 : i32
        %get3A_266 = arith.index_cast %add3A_265 : i32 to index
        %get3A_267 = tpu.vector_load %arg8[%get3A_266] {strides = array<i32>} : memref<6272xf32, #tpu.memory_space<vmem>>, vector<16xf32>,
        %swap3A_268 = arith.index_cast %add3A_265 : i32 to index
        %swap3A_269 = tpu.vector_load %arg10[%swap3A_268] {strides = array<i32>} : memref<6272xf32, #tpu.memory_space<vmem>>, vector<16xf32>,
        tpu.vector_store %arg10[%swap3A_268], %get3A_267 {strides = array<i32>} : memref<6272xf32, #tpu.memory_space<vmem>>, vector<16xf32>,
      }
      %scan3A_38 = arith.constant 49 : i32
      %dma_wait3A_39 = arith.constant 0 : i32
      %dma_wait3A_40 = tpu.memref_slice %arg11[%dma_wait3A_39] : memref<1404928xf32, #tpu.memory_space<vmem_shared>> -> memref<1404928xf32, #tpu.memory_space<vmem_shared>>
      tpu.wait_indirect_dma semaphore(%arg13 : memref<!tpu.dma_semaphore, #tpu.memory_space<semaphore_mem>>) src(%dma_wait3A_40 : memref<1404928xf32, #tpu.memory_space<vmem_shared>>) dst(%arg9 : memref<6272xf32, #tpu.memory_space<vmem>>)
      %dma_wait3A_41 = tpu.memref_slice %arg2[%add3A_31] : memref<2709504xi32, #tpu.memory_space<hbm>> -> memref<6272xi32, #tpu.memory_space<hbm>>
      %dma_wait3A_42 = tpu.memref_slice %arg2[%add3A_31] : memref<2709504xi32, #tpu.memory_space<hbm>> -> memref<6272xi32, #tpu.memory_space<hbm>>
      tpu.wait_dma2 semaphore(%arg12 : memref<!tpu.dma_semaphore, #tpu.memory_space<semaphore_mem>>) src(%dma_wait3A_42 : memref<6272xi32, #tpu.memory_space<hbm>>) dst(%arg6 : memref<6272xi32, #tpu.memory_space<vmem>>)
      %dma_start3A_43 = arith.constant 0 : i32
      %dma_start3A_44 = tpu.memref_slice %arg11[%dma_start3A_43] : memref<1404928xf32, #tpu.memory_space<vmem_shared>> -> memref<1404928xf32, #tpu.memory_space<vmem_shared>>
      tpu.enqueue_indirect_dma source(%dma_start3A_44 : memref<1404928xf32, #tpu.memory_space<vmem_shared>>) target(%arg8 : memref<6272xf32, #tpu.memory_space<vmem>>) offsets(%arg6 : memref<6272xi32, #tpu.memory_space<vmem>>) semaphore(%arg13 : memref<!tpu.dma_semaphore, #tpu.memory_space<semaphore_mem>>)
      %add3A_45 = arith.constant 301056 : i32
      %add3A_46 = arith.addi %add3A_15, %add3A_45 : i32
      %dma_start3A_47 = tpu.memref_slice %arg2[%add3A_46] : memref<2709504xi32, #tpu.memory_space<hbm>> -> memref<6272xi32, #tpu.memory_space<hbm>>
      %dma_start3A_48 = tpu.memref_slice %arg2[%add3A_46] : memref<2709504xi32, #tpu.memory_space<hbm>> -> memref<6272xi32, #tpu.memory_space<hbm>>
      tpu.enqueue_dma source(%dma_start3A_48 : memref<6272xi32, #tpu.memory_space<hbm>>) target(%arg7 : memref<6272xi32, #tpu.memory_space<vmem>>) target_semaphore(%arg12 : memref<!tpu.dma_semaphore, #tpu.memory_space<semaphore_mem>>)
      %scan3A_49 = arith.constant 0 : i32
      %scan3A_50 = arith.constant 0 : i32
      %scan3A_51 = arith.constant 49 : i32
      %scan3A_52 = arith.addi %scan3A_50, %scan3A_51 : i32
      %scan3A_53 = arith.constant 1 : i32
      scf.for %scan3A_221 = %scan3A_50 to %scan3A_52 step %scan3A_53  : i32 {
        %mul3A_222 = arith.constant 128 : i32
        %mul3A_223 = arith.muli %scan3A_221, %mul3A_222 : i32
        %add3A_224 = arith.constant 0 : i32
        %add3A_225 = arith.addi %mul3A_223, %add3A_224 : i32
        %get3A = arith.index_cast %add3A_225 : i32 to index
        %get3A_226 = tpu.vector_load %arg10[%get3A] {strides = array<i32>} : memref<6272xf32, #tpu.memory_space<vmem>>, vector<16xf32>,
        %get3A_227 = arith.index_cast %add3A_225 : i32 to index
        %get3A_228 = tpu.vector_load %arg9[%get3A_227] {strides = array<i32>} : memref<6272xf32, #tpu.memory_space<vmem>>, vector<16xf32>,
        %add3A_229 = arith.addf %get3A_226, %get3A_228 : vector<16xf32>
        %swap3A = arith.index_cast %add3A_225 : i32 to index
        %swap3A_230 = tpu.vector_load %arg10[%swap3A] {strides = array<i32>} : memref<6272xf32, #tpu.memory_space<vmem>>, vector<16xf32>,
        tpu.vector_store %arg10[%swap3A], %add3A_229 {strides = array<i32>} : memref<6272xf32, #tpu.memory_space<vmem>>, vector<16xf32>,
        %add3A_231 = arith.constant 16 : i32
        %add3A_232 = arith.addi %mul3A_223, %add3A_231 : i32
        %get3A_233 = arith.index_cast %add3A_232 : i32 to index
        %get3A_234 = tpu.vector_load %arg10[%get3A_233] {strides = array<i32>} : memref<6272xf32, #tpu.memory_space<vmem>>, vector<16xf32>,
        %get3A_235 = arith.index_cast %add3A_232 : i32 to index
        %get3A_236 = tpu.vector_load %arg9[%get3A_235] {strides = array<i32>} : memref<6272xf32, #tpu.memory_space<vmem>>, vector<16xf32>,
        %add3A_237 = arith.addf %get3A_234, %get3A_236 : vector<16xf32>
        %swap3A_238 = arith.index_cast %add3A_232 : i32 to index
        %swap3A_239 = tpu.vector_load %arg10[%swap3A_238] {strides = array<i32>} : memref<6272xf32, #tpu.memory_space<vmem>>, vector<16xf32>,
        tpu.vector_store %arg10[%swap3A_238], %add3A_237 {strides = array<i32>} : memref<6272xf32, #tpu.memory_space<vmem>>, vector<16xf32>,
        %add3A_240 = arith.constant 32 : i32
        %add3A_241 = arith.addi %mul3A_223, %add3A_240 : i32
        %get3A_242 = arith.index_cast %add3A_241 : i32 to index
        %get3A_243 = tpu.vector_load %arg10[%get3A_242] {strides = array<i32>} : memref<6272xf32, #tpu.memory_space<vmem>>, vector<16xf32>,
        %get3A_244 = arith.index_cast %add3A_241 : i32 to index
        %get3A_245 = tpu.vector_load %arg9[%get3A_244] {strides = array<i32>} : memref<6272xf32, #tpu.memory_space<vmem>>, vector<16xf32>,
        %add3A_246 = arith.addf %get3A_243, %get3A_245 : vector<16xf32>
        %swap3A_247 = arith.index_cast %add3A_241 : i32 to index
        %swap3A_248 = tpu.vector_load %arg10[%swap3A_247] {strides = array<i32>} : memref<6272xf32, #tpu.memory_space<vmem>>, vector<16xf32>,
        tpu.vector_store %arg10[%swap3A_247], %add3A_246 {strides = array<i32>} : memref<6272xf32, #tpu.memory_space<vmem>>, vector<16xf32>,
        %add3A_249 = arith.constant 48 : i32
        %add3A_250 = arith.addi %mul3A_223, %add3A_249 : i32
        %get3A_251 = arith.index_cast %add3A_250 : i32 to index
        %get3A_252 = tpu.vector_load %arg10[%get3A_251] {strides = array<i32>} : memref<6272xf32, #tpu.memory_space<vmem>>, vector<16xf32>,
        %get3A_253 = arith.index_cast %add3A_250 : i32 to index
        %get3A_254 = tpu.vector_load %arg9[%get3A_253] {strides = array<i32>} : memref<6272xf32, #tpu.memory_space<vmem>>, vector<16xf32>,
        %add3A_255 = arith.addf %get3A_252, %get3A_254 : vector<16xf32>
        %swap3A_256 = arith.index_cast %add3A_250 : i32 to index
        %swap3A_257 = tpu.vector_load %arg10[%swap3A_256] {strides = array<i32>} : memref<6272xf32, #tpu.memory_space<vmem>>, vector<16xf32>,
        tpu.vector_store %arg10[%swap3A_256], %add3A_255 {strides = array<i32>} : memref<6272xf32, #tpu.memory_space<vmem>>, vector<16xf32>,
        %add3A_258 = arith.constant 64 : i32
        %add3A_259 = arith.addi %mul3A_223, %add3A_258 : i32
        %get3A_260 = arith.index_cast %add3A_259 : i32 to index
        %get3A_261 = tpu.vector_load %arg10[%get3A_260] {strides = array<i32>} : memref<6272xf32, #tpu.memory_space<vmem>>, vector<16xf32>,
        %get3A_262 = arith.index_cast %add3A_259 : i32 to index
        %get3A_263 = tpu.vector_load %arg9[%get3A_262] {strides = array<i32>} : memref<6272xf32, #tpu.memory_space<vmem>>, vector<16xf32>,
        %add3A_264 = arith.addf %get3A_261, %get3A_263 : vector<16xf32>
        %swap3A_265 = arith.index_cast %add3A_259 : i32 to index
        %swap3A_266 = tpu.vector_load %arg10[%swap3A_265] {strides = array<i32>} : memref<6272xf32, #tpu.memory_space<vmem>>, vector<16xf32>,
        tpu.vector_store %arg10[%swap3A_265], %add3A_264 {strides = array<i32>} : memref<6272xf32, #tpu.memory_space<vmem>>, vector<16xf32>,
        %add3A_267 = arith.constant 80 : i32
        %add3A_268 = arith.addi %mul3A_223, %add3A_267 : i32
        %get3A_269 = arith.index_cast %add3A_268 : i32 to index
        %get3A_270 = tpu.vector_load %arg10[%get3A_269] {strides = array<i32>} : memref<6272xf32, #tpu.memory_space<vmem>>, vector<16xf32>,
        %get3A_271 = arith.index_cast %add3A_268 : i32 to index
        %get3A_272 = tpu.vector_load %arg9[%get3A_271] {strides = array<i32>} : memref<6272xf32, #tpu.memory_space<vmem>>, vector<16xf32>,
        %add3A_273 = arith.addf %get3A_270, %get3A_272 : vector<16xf32>
        %swap3A_274 = arith.index_cast %add3A_268 : i32 to index
        %swap3A_275 = tpu.vector_load %arg10[%swap3A_274] {strides = array<i32>} : memref<6272xf32, #tpu.memory_space<vmem>>, vector<16xf32>,
        tpu.vector_store %arg10[%swap3A_274], %add3A_273 {strides = array<i32>} : memref<6272xf32, #tpu.memory_space<vmem>>, vector<16xf32>,
        %add3A_276 = arith.constant 96 : i32
        %add3A_277 = arith.addi %mul3A_223, %add3A_276 : i32
        %get3A_278 = arith.index_cast %add3A_277 : i32 to index
        %get3A_279 = tpu.vector_load %arg10[%get3A_278] {strides = array<i32>} : memref<6272xf32, #tpu.memory_space<vmem>>, vector<16xf32>,
        %get3A_280 = arith.index_cast %add3A_277 : i32 to index
        %get3A_281 = tpu.vector_load %arg9[%get3A_280] {strides = array<i32>} : memref<6272xf32, #tpu.memory_space<vmem>>, vector<16xf32>,
        %add3A_282 = arith.addf %get3A_279, %get3A_281 : vector<16xf32>
        %swap3A_283 = arith.index_cast %add3A_277 : i32 to index
        %swap3A_284 = tpu.vector_load %arg10[%swap3A_283] {strides = array<i32>} : memref<6272xf32, #tpu.memory_space<vmem>>, vector<16xf32>,
        tpu.vector_store %arg10[%swap3A_283], %add3A_282 {strides = array<i32>} : memref<6272xf32, #tpu.memory_space<vmem>>, vector<16xf32>,
        %add3A_285 = arith.constant 112 : i32
        %add3A_286 = arith.addi %mul3A_223, %add3A_285 : i32
        %get3A_287 = arith.index_cast %add3A_286 : i32 to index
        %get3A_288 = tpu.vector_load %arg10[%get3A_287] {strides = array<i32>} : memref<6272xf32, #tpu.memory_space<vmem>>, vector<16xf32>,
        %get3A_289 = arith.index_cast %add3A_286 : i32 to index
        %get3A_290 = tpu.vector_load %arg9[%get3A_289] {strides = array<i32>} : memref<6272xf32, #tpu.memory_space<vmem>>, vector<16xf32>,
        %add3A_291 = arith.addf %get3A_288, %get3A_290 : vector<16xf32>
        %swap3A_292 = arith.index_cast %add3A_286 : i32 to index
        %swap3A_293 = tpu.vector_load %arg10[%swap3A_292] {strides = array<i32>} : memref<6272xf32, #tpu.memory_space<vmem>>, vector<16xf32>,
        tpu.vector_store %arg10[%swap3A_292], %add3A_291 {strides = array<i32>} : memref<6272xf32, #tpu.memory_space<vmem>>, vector<16xf32>,
      }
      %scan3A_54 = arith.constant 49 : i32
      %dma_wait3A_55 = arith.constant 0 : i32
      %dma_wait3A_56 = tpu.memref_slice %arg11[%dma_wait3A_55] : memref<1404928xf32, #tpu.memory_space<vmem_shared>> -> memref<1404928xf32, #tpu.memory_space<vmem_shared>>
      tpu.wait_indirect_dma semaphore(%arg13 : memref<!tpu.dma_semaphore, #tpu.memory_space<semaphore_mem>>) src(%dma_wait3A_56 : memref<1404928xf32, #tpu.memory_space<vmem_shared>>) dst(%arg8 : memref<6272xf32, #tpu.memory_space<vmem>>)
      %dma_wait3A_57 = tpu.memref_slice %arg2[%add3A_46] : memref<2709504xi32, #tpu.memory_space<hbm>> -> memref<6272xi32, #tpu.memory_space<hbm>>
      %dma_wait3A_58 = tpu.memref_slice %arg2[%add3A_46] : memref<2709504xi32, #tpu.memory_space<hbm>> -> memref<6272xi32, #tpu.memory_space<hbm>>
      tpu.wait_dma2 semaphore(%arg12 : memref<!tpu.dma_semaphore, #tpu.memory_space<semaphore_mem>>) src(%dma_wait3A_58 : memref<6272xi32, #tpu.memory_space<hbm>>) dst(%arg7 : memref<6272xi32, #tpu.memory_space<vmem>>)
      %dma_start3A_59 = arith.constant 0 : i32
      %dma_start3A_60 = tpu.memref_slice %arg11[%dma_start3A_59] : memref<1404928xf32, #tpu.memory_space<vmem_shared>> -> memref<1404928xf32, #tpu.memory_space<vmem_shared>>
      tpu.enqueue_indirect_dma source(%dma_start3A_60 : memref<1404928xf32, #tpu.memory_space<vmem_shared>>) target(%arg9 : memref<6272xf32, #tpu.memory_space<vmem>>) offsets(%arg7 : memref<6272xi32, #tpu.memory_space<vmem>>) semaphore(%arg13 : memref<!tpu.dma_semaphore, #tpu.memory_space<semaphore_mem>>)
      %add3A_61 = arith.constant 401408 : i32
      %add3A_62 = arith.addi %add3A_15, %add3A_61 : i32
      %dma_start3A_63 = tpu.memref_slice %arg2[%add3A_62] : memref<2709504xi32, #tpu.memory_space<hbm>> -> memref<6272xi32, #tpu.memory_space<hbm>>
      %dma_start3A_64 = tpu.memref_slice %arg2[%add3A_62] : memref<2709504xi32, #tpu.memory_space<hbm>> -> memref<6272xi32, #tpu.memory_space<hbm>>
      tpu.enqueue_dma source(%dma_start3A_64 : memref<6272xi32, #tpu.memory_space<hbm>>) target(%arg6 : memref<6272xi32, #tpu.memory_space<vmem>>) target_semaphore(%arg12 : memref<!tpu.dma_semaphore, #tpu.memory_space<semaphore_mem>>)
      %scan3A_65 = arith.constant 0 : i32
      %scan3A_66 = arith.constant 0 : i32
      %scan3A_67 = arith.constant 49 : i32
      %scan3A_68 = arith.addi %scan3A_66, %scan3A_67 : i32
      %scan3A_69 = arith.constant 1 : i32
      scf.for %scan3A_221 = %scan3A_66 to %scan3A_68 step %scan3A_69  : i32 {
        %mul3A_222 = arith.constant 128 : i32
        %mul3A_223 = arith.muli %scan3A_221, %mul3A_222 : i32
        %add3A_224 = arith.constant 0 : i32
        %add3A_225 = arith.addi %mul3A_223, %add3A_224 : i32
        %get3A = arith.index_cast %add3A_225 : i32 to index
        %get3A_226 = tpu.vector_load %arg10[%get3A] {strides = array<i32>} : memref<6272xf32, #tpu.memory_space<vmem>>, vector<16xf32>,
        %get3A_227 = arith.index_cast %add3A_225 : i32 to index
        %get3A_228 = tpu.vector_load %arg8[%get3A_227] {strides = array<i32>} : memref<6272xf32, #tpu.memory_space<vmem>>, vector<16xf32>,
        %add3A_229 = arith.addf %get3A_226, %get3A_228 : vector<16xf32>
        %swap3A = arith.index_cast %add3A_225 : i32 to index
        %swap3A_230 = tpu.vector_load %arg10[%swap3A] {strides = array<i32>} : memref<6272xf32, #tpu.memory_space<vmem>>, vector<16xf32>,
        tpu.vector_store %arg10[%swap3A], %add3A_229 {strides = array<i32>} : memref<6272xf32, #tpu.memory_space<vmem>>, vector<16xf32>,
        %add3A_231 = arith.constant 16 : i32
        %add3A_232 = arith.addi %mul3A_223, %add3A_231 : i32
        %get3A_233 = arith.index_cast %add3A_232 : i32 to index
        %get3A_234 = tpu.vector_load %arg10[%get3A_233] {strides = array<i32>} : memref<6272xf32, #tpu.memory_space<vmem>>, vector<16xf32>,
        %get3A_235 = arith.index_cast %add3A_232 : i32 to index
        %get3A_236 = tpu.vector_load %arg8[%get3A_235] {strides = array<i32>} : memref<6272xf32, #tpu.memory_space<vmem>>, vector<16xf32>,
        %add3A_237 = arith.addf %get3A_234, %get3A_236 : vector<16xf32>
        %swap3A_238 = arith.index_cast %add3A_232 : i32 to index
        %swap3A_239 = tpu.vector_load %arg10[%swap3A_238] {strides = array<i32>} : memref<6272xf32, #tpu.memory_space<vmem>>, vector<16xf32>,
        tpu.vector_store %arg10[%swap3A_238], %add3A_237 {strides = array<i32>} : memref<6272xf32, #tpu.memory_space<vmem>>, vector<16xf32>,
        %add3A_240 = arith.constant 32 : i32
        %add3A_241 = arith.addi %mul3A_223, %add3A_240 : i32
        %get3A_242 = arith.index_cast %add3A_241 : i32 to index
        %get3A_243 = tpu.vector_load %arg10[%get3A_242] {strides = array<i32>} : memref<6272xf32, #tpu.memory_space<vmem>>, vector<16xf32>,
        %get3A_244 = arith.index_cast %add3A_241 : i32 to index
        %get3A_245 = tpu.vector_load %arg8[%get3A_244] {strides = array<i32>} : memref<6272xf32, #tpu.memory_space<vmem>>, vector<16xf32>,
        %add3A_246 = arith.addf %get3A_243, %get3A_245 : vector<16xf32>
        %swap3A_247 = arith.index_cast %add3A_241 : i32 to index
        %swap3A_248 = tpu.vector_load %arg10[%swap3A_247] {strides = array<i32>} : memref<6272xf32, #tpu.memory_space<vmem>>, vector<16xf32>,
        tpu.vector_store %arg10[%swap3A_247], %add3A_246 {strides = array<i32>} : memref<6272xf32, #tpu.memory_space<vmem>>, vector<16xf32>,
        %add3A_249 = arith.constant 48 : i32
        %add3A_250 = arith.addi %mul3A_223, %add3A_249 : i32
        %get3A_251 = arith.index_cast %add3A_250 : i32 to index
        %get3A_252 = tpu.vector_load %arg10[%get3A_251] {strides = array<i32>} : memref<6272xf32, #tpu.memory_space<vmem>>, vector<16xf32>,
        %get3A_253 = arith.index_cast %add3A_250 : i32 to index
        %get3A_254 = tpu.vector_load %arg8[%get3A_253] {strides = array<i32>} : memref<6272xf32, #tpu.memory_space<vmem>>, vector<16xf32>,
        %add3A_255 = arith.addf %get3A_252, %get3A_254 : vector<16xf32>
        %swap3A_256 = arith.index_cast %add3A_250 : i32 to index
        %swap3A_257 = tpu.vector_load %arg10[%swap3A_256] {strides = array<i32>} : memref<6272xf32, #tpu.memory_space<vmem>>, vector<16xf32>,
        tpu.vector_store %arg10[%swap3A_256], %add3A_255 {strides = array<i32>} : memref<6272xf32, #tpu.memory_space<vmem>>, vector<16xf32>,
        %add3A_258 = arith.constant 64 : i32
        %add3A_259 = arith.addi %mul3A_223, %add3A_258 : i32
        %get3A_260 = arith.index_cast %add3A_259 : i32 to index
        %get3A_261 = tpu.vector_load %arg10[%get3A_260] {strides = array<i32>} : memref<6272xf32, #tpu.memory_space<vmem>>, vector<16xf32>,
        %get3A_262 = arith.index_cast %add3A_259 : i32 to index
        %get3A_263 = tpu.vector_load %arg8[%get3A_262] {strides = array<i32>} : memref<6272xf32, #tpu.memory_space<vmem>>, vector<16xf32>,
        %add3A_264 = arith.addf %get3A_261, %get3A_263 : vector<16xf32>
        %swap3A_265 = arith.index_cast %add3A_259 : i32 to index
        %swap3A_266 = tpu.vector_load %arg10[%swap3A_265] {strides = array<i32>} : memref<6272xf32, #tpu.memory_space<vmem>>, vector<16xf32>,
        tpu.vector_store %arg10[%swap3A_265], %add3A_264 {strides = array<i32>} : memref<6272xf32, #tpu.memory_space<vmem>>, vector<16xf32>,
        %add3A_267 = arith.constant 80 : i32
        %add3A_268 = arith.addi %mul3A_223, %add3A_267 : i32
        %get3A_269 = arith.index_cast %add3A_268 : i32 to index
        %get3A_270 = tpu.vector_load %arg10[%get3A_269] {strides = array<i32>} : memref<6272xf32, #tpu.memory_space<vmem>>, vector<16xf32>,
        %get3A_271 = arith.index_cast %add3A_268 : i32 to index
        %get3A_272 = tpu.vector_load %arg8[%get3A_271] {strides = array<i32>} : memref<6272xf32, #tpu.memory_space<vmem>>, vector<16xf32>,
        %add3A_273 = arith.addf %get3A_270, %get3A_272 : vector<16xf32>
        %swap3A_274 = arith.index_cast %add3A_268 : i32 to index
        %swap3A_275 = tpu.vector_load %arg10[%swap3A_274] {strides = array<i32>} : memref<6272xf32, #tpu.memory_space<vmem>>, vector<16xf32>,
        tpu.vector_store %arg10[%swap3A_274], %add3A_273 {strides = array<i32>} : memref<6272xf32, #tpu.memory_space<vmem>>, vector<16xf32>,
        %add3A_276 = arith.constant 96 : i32
        %add3A_277 = arith.addi %mul3A_223, %add3A_276 : i32
        %get3A_278 = arith.index_cast %add3A_277 : i32 to index
        %get3A_279 = tpu.vector_load %arg10[%get3A_278] {strides = array<i32>} : memref<6272xf32, #tpu.memory_space<vmem>>, vector<16xf32>,
        %get3A_280 = arith.index_cast %add3A_277 : i32 to index
        %get3A_281 = tpu.vector_load %arg8[%get3A_280] {strides = array<i32>} : memref<6272xf32, #tpu.memory_space<vmem>>, vector<16xf32>,
        %add3A_282 = arith.addf %get3A_279, %get3A_281 : vector<16xf32>
        %swap3A_283 = arith.index_cast %add3A_277 : i32 to index
        %swap3A_284 = tpu.vector_load %arg10[%swap3A_283] {strides = array<i32>} : memref<6272xf32, #tpu.memory_space<vmem>>, vector<16xf32>,
        tpu.vector_store %arg10[%swap3A_283], %add3A_282 {strides = array<i32>} : memref<6272xf32, #tpu.memory_space<vmem>>, vector<16xf32>,
        %add3A_285 = arith.constant 112 : i32
        %add3A_286 = arith.addi %mul3A_223, %add3A_285 : i32
        %get3A_287 = arith.index_cast %add3A_286 : i32 to index
        %get3A_288 = tpu.vector_load %arg10[%get3A_287] {strides = array<i32>} : memref<6272xf32, #tpu.memory_space<vmem>>, vector<16xf32>,
        %get3A_289 = arith.index_cast %add3A_286 : i32 to index
        %get3A_290 = tpu.vector_load %arg8[%get3A_289] {strides = array<i32>} : memref<6272xf32, #tpu.memory_space<vmem>>, vector<16xf32>,
        %add3A_291 = arith.addf %get3A_288, %get3A_290 : vector<16xf32>
        %swap3A_292 = arith.index_cast %add3A_286 : i32 to index
        %swap3A_293 = tpu.vector_load %arg10[%swap3A_292] {strides = array<i32>} : memref<6272xf32, #tpu.memory_space<vmem>>, vector<16xf32>,
        tpu.vector_store %arg10[%swap3A_292], %add3A_291 {strides = array<i32>} : memref<6272xf32, #tpu.memory_space<vmem>>, vector<16xf32>,
      }
      %scan3A_70 = arith.constant 49 : i32
      %dma_wait3A_71 = arith.constant 0 : i32
      %dma_wait3A_72 = tpu.memref_slice %arg11[%dma_wait3A_71] : memref<1404928xf32, #tpu.memory_space<vmem_shared>> -> memref<1404928xf32, #tpu.memory_space<vmem_shared>>
      tpu.wait_indirect_dma semaphore(%arg13 : memref<!tpu.dma_semaphore, #tpu.memory_space<semaphore_mem>>) src(%dma_wait3A_72 : memref<1404928xf32, #tpu.memory_space<vmem_shared>>) dst(%arg9 : memref<6272xf32, #tpu.memory_space<vmem>>)
      %dma_wait3A_73 = tpu.memref_slice %arg2[%add3A_62] : memref<2709504xi32, #tpu.memory_space<hbm>> -> memref<6272xi32, #tpu.memory_space<hbm>>
      %dma_wait3A_74 = tpu.memref_slice %arg2[%add3A_62] : memref<2709504xi32, #tpu.memory_space<hbm>> -> memref<6272xi32, #tpu.memory_space<hbm>>
      tpu.wait_dma2 semaphore(%arg12 : memref<!tpu.dma_semaphore, #tpu.memory_space<semaphore_mem>>) src(%dma_wait3A_74 : memref<6272xi32, #tpu.memory_space<hbm>>) dst(%arg6 : memref<6272xi32, #tpu.memory_space<vmem>>)
      %dma_start3A_75 = arith.constant 0 : i32
      %dma_start3A_76 = tpu.memref_slice %arg11[%dma_start3A_75] : memref<1404928xf32, #tpu.memory_space<vmem_shared>> -> memref<1404928xf32, #tpu.memory_space<vmem_shared>>
      tpu.enqueue_indirect_dma source(%dma_start3A_76 : memref<1404928xf32, #tpu.memory_space<vmem_shared>>) target(%arg8 : memref<6272xf32, #tpu.memory_space<vmem>>) offsets(%arg6 : memref<6272xi32, #tpu.memory_space<vmem>>) semaphore(%arg13 : memref<!tpu.dma_semaphore, #tpu.memory_space<semaphore_mem>>)
      %add3A_77 = arith.constant 501760 : i32
      %add3A_78 = arith.addi %add3A_15, %add3A_77 : i32
      %dma_start3A_79 = tpu.memref_slice %arg2[%add3A_78] : memref<2709504xi32, #tpu.memory_space<hbm>> -> memref<6272xi32, #tpu.memory_space<hbm>>
      %dma_start3A_80 = tpu.memref_slice %arg2[%add3A_78] : memref<2709504xi32, #tpu.memory_space<hbm>> -> memref<6272xi32, #tpu.memory_space<hbm>>
      tpu.enqueue_dma source(%dma_start3A_80 : memref<6272xi32, #tpu.memory_space<hbm>>) target(%arg7 : memref<6272xi32, #tpu.memory_space<vmem>>) target_semaphore(%arg12 : memref<!tpu.dma_semaphore, #tpu.memory_space<semaphore_mem>>)
      %scan3A_81 = arith.constant 0 : i32
      %scan3A_82 = arith.constant 0 : i32
      %scan3A_83 = arith.constant 49 : i32
      %scan3A_84 = arith.addi %scan3A_82, %scan3A_83 : i32
      %scan3A_85 = arith.constant 1 : i32
      scf.for %scan3A_221 = %scan3A_82 to %scan3A_84 step %scan3A_85  : i32 {
        %mul3A_222 = arith.constant 128 : i32
        %mul3A_223 = arith.muli %scan3A_221, %mul3A_222 : i32
        %add3A_224 = arith.constant 0 : i32
        %add3A_225 = arith.addi %mul3A_223, %add3A_224 : i32
        %get3A = arith.index_cast %add3A_225 : i32 to index
        %get3A_226 = tpu.vector_load %arg10[%get3A] {strides = array<i32>} : memref<6272xf32, #tpu.memory_space<vmem>>, vector<16xf32>,
        %get3A_227 = arith.index_cast %add3A_225 : i32 to index
        %get3A_228 = tpu.vector_load %arg9[%get3A_227] {strides = array<i32>} : memref<6272xf32, #tpu.memory_space<vmem>>, vector<16xf32>,
        %add3A_229 = arith.addf %get3A_226, %get3A_228 : vector<16xf32>
        %swap3A = arith.index_cast %add3A_225 : i32 to index
        %swap3A_230 = tpu.vector_load %arg10[%swap3A] {strides = array<i32>} : memref<6272xf32, #tpu.memory_space<vmem>>, vector<16xf32>,
        tpu.vector_store %arg10[%swap3A], %add3A_229 {strides = array<i32>} : memref<6272xf32, #tpu.memory_space<vmem>>, vector<16xf32>,
        %add3A_231 = arith.constant 16 : i32
        %add3A_232 = arith.addi %mul3A_223, %add3A_231 : i32
        %get3A_233 = arith.index_cast %add3A_232 : i32 to index
        %get3A_234 = tpu.vector_load %arg10[%get3A_233] {strides = array<i32>} : memref<6272xf32, #tpu.memory_space<vmem>>, vector<16xf32>,
        %get3A_235 = arith.index_cast %add3A_232 : i32 to index
        %get3A_236 = tpu.vector_load %arg9[%get3A_235] {strides = array<i32>} : memref<6272xf32, #tpu.memory_space<vmem>>, vector<16xf32>,
        %add3A_237 = arith.addf %get3A_234, %get3A_236 : vector<16xf32>
        %swap3A_238 = arith.index_cast %add3A_232 : i32 to index
        %swap3A_239 = tpu.vector_load %arg10[%swap3A_238] {strides = array<i32>} : memref<6272xf32, #tpu.memory_space<vmem>>, vector<16xf32>,
        tpu.vector_store %arg10[%swap3A_238], %add3A_237 {strides = array<i32>} : memref<6272xf32, #tpu.memory_space<vmem>>, vector<16xf32>,
        %add3A_240 = arith.constant 32 : i32
        %add3A_241 = arith.addi %mul3A_223, %add3A_240 : i32
        %get3A_242 = arith.index_cast %add3A_241 : i32 to index
        %get3A_243 = tpu.vector_load %arg10[%get3A_242] {strides = array<i32>} : memref<6272xf32, #tpu.memory_space<vmem>>, vector<16xf32>,
        %get3A_244 = arith.index_cast %add3A_241 : i32 to index
        %get3A_245 = tpu.vector_load %arg9[%get3A_244] {strides = array<i32>} : memref<6272xf32, #tpu.memory_space<vmem>>, vector<16xf32>,
        %add3A_246 = arith.addf %get3A_243, %get3A_245 : vector<16xf32>
        %swap3A_247 = arith.index_cast %add3A_241 : i32 to index
        %swap3A_248 = tpu.vector_load %arg10[%swap3A_247] {strides = array<i32>} : memref<6272xf32, #tpu.memory_space<vmem>>, vector<16xf32>,
        tpu.vector_store %arg10[%swap3A_247], %add3A_246 {strides = array<i32>} : memref<6272xf32, #tpu.memory_space<vmem>>, vector<16xf32>,
        %add3A_249 = arith.constant 48 : i32
        %add3A_250 = arith.addi %mul3A_223, %add3A_249 : i32
        %get3A_251 = arith.index_cast %add3A_250 : i32 to index
        %get3A_252 = tpu.vector_load %arg10[%get3A_251] {strides = array<i32>} : memref<6272xf32, #tpu.memory_space<vmem>>, vector<16xf32>,
        %get3A_253 = arith.index_cast %add3A_250 : i32 to index
        %get3A_254 = tpu.vector_load %arg9[%get3A_253] {strides = array<i32>} : memref<6272xf32, #tpu.memory_space<vmem>>, vector<16xf32>,
        %add3A_255 = arith.addf %get3A_252, %get3A_254 : vector<16xf32>
        %swap3A_256 = arith.index_cast %add3A_250 : i32 to index
        %swap3A_257 = tpu.vector_load %arg10[%swap3A_256] {strides = array<i32>} : memref<6272xf32, #tpu.memory_space<vmem>>, vector<16xf32>,
        tpu.vector_store %arg10[%swap3A_256], %add3A_255 {strides = array<i32>} : memref<6272xf32, #tpu.memory_space<vmem>>, vector<16xf32>,
        %add3A_258 = arith.constant 64 : i32
        %add3A_259 = arith.addi %mul3A_223, %add3A_258 : i32
        %get3A_260 = arith.index_cast %add3A_259 : i32 to index
        %get3A_261 = tpu.vector_load %arg10[%get3A_260] {strides = array<i32>} : memref<6272xf32, #tpu.memory_space<vmem>>, vector<16xf32>,
        %get3A_262 = arith.index_cast %add3A_259 : i32 to index
        %get3A_263 = tpu.vector_load %arg9[%get3A_262] {strides = array<i32>} : memref<6272xf32, #tpu.memory_space<vmem>>, vector<16xf32>,
        %add3A_264 = arith.addf %get3A_261, %get3A_263 : vector<16xf32>
        %swap3A_265 = arith.index_cast %add3A_259 : i32 to index
        %swap3A_266 = tpu.vector_load %arg10[%swap3A_265] {strides = array<i32>} : memref<6272xf32, #tpu.memory_space<vmem>>, vector<16xf32>,
        tpu.vector_store %arg10[%swap3A_265], %add3A_264 {strides = array<i32>} : memref<6272xf32, #tpu.memory_space<vmem>>, vector<16xf32>,
        %add3A_267 = arith.constant 80 : i32
        %add3A_268 = arith.addi %mul3A_223, %add3A_267 : i32
        %get3A_269 = arith.index_cast %add3A_268 : i32 to index
        %get3A_270 = tpu.vector_load %arg10[%get3A_269] {strides = array<i32>} : memref<6272xf32, #tpu.memory_space<vmem>>, vector<16xf32>,
        %get3A_271 = arith.index_cast %add3A_268 : i32 to index
        %get3A_272 = tpu.vector_load %arg9[%get3A_271] {strides = array<i32>} : memref<6272xf32, #tpu.memory_space<vmem>>, vector<16xf32>,
        %add3A_273 = arith.addf %get3A_270, %get3A_272 : vector<16xf32>
        %swap3A_274 = arith.index_cast %add3A_268 : i32 to index
        %swap3A_275 = tpu.vector_load %arg10[%swap3A_274] {strides = array<i32>} : memref<6272xf32, #tpu.memory_space<vmem>>, vector<16xf32>,
        tpu.vector_store %arg10[%swap3A_274], %add3A_273 {strides = array<i32>} : memref<6272xf32, #tpu.memory_space<vmem>>, vector<16xf32>,
        %add3A_276 = arith.constant 96 : i32
        %add3A_277 = arith.addi %mul3A_223, %add3A_276 : i32
        %get3A_278 = arith.index_cast %add3A_277 : i32 to index
        %get3A_279 = tpu.vector_load %arg10[%get3A_278] {strides = array<i32>} : memref<6272xf32, #tpu.memory_space<vmem>>, vector<16xf32>,
        %get3A_280 = arith.index_cast %add3A_277 : i32 to index
        %get3A_281 = tpu.vector_load %arg9[%get3A_280] {strides = array<i32>} : memref<6272xf32, #tpu.memory_space<vmem>>, vector<16xf32>,
        %add3A_282 = arith.addf %get3A_279, %get3A_281 : vector<16xf32>
        %swap3A_283 = arith.index_cast %add3A_277 : i32 to index
        %swap3A_284 = tpu.vector_load %arg10[%swap3A_283] {strides = array<i32>} : memref<6272xf32, #tpu.memory_space<vmem>>, vector<16xf32>,
        tpu.vector_store %arg10[%swap3A_283], %add3A_282 {strides = array<i32>} : memref<6272xf32, #tpu.memory_space<vmem>>, vector<16xf32>,
        %add3A_285 = arith.constant 112 : i32
        %add3A_286 = arith.addi %mul3A_223, %add3A_285 : i32
        %get3A_287 = arith.index_cast %add3A_286 : i32 to index
        %get3A_288 = tpu.vector_load %arg10[%get3A_287] {strides = array<i32>} : memref<6272xf32, #tpu.memory_space<vmem>>, vector<16xf32>,
        %get3A_289 = arith.index_cast %add3A_286 : i32 to index
        %get3A_290 = tpu.vector_load %arg9[%get3A_289] {strides = array<i32>} : memref<6272xf32, #tpu.memory_space<vmem>>, vector<16xf32>,
        %add3A_291 = arith.addf %get3A_288, %get3A_290 : vector<16xf32>
        %swap3A_292 = arith.index_cast %add3A_286 : i32 to index
        %swap3A_293 = tpu.vector_load %arg10[%swap3A_292] {strides = array<i32>} : memref<6272xf32, #tpu.memory_space<vmem>>, vector<16xf32>,
        tpu.vector_store %arg10[%swap3A_292], %add3A_291 {strides = array<i32>} : memref<6272xf32, #tpu.memory_space<vmem>>, vector<16xf32>,
      }
      %scan3A_86 = arith.constant 49 : i32
      %dma_wait3A_87 = arith.constant 0 : i32
      %dma_wait3A_88 = tpu.memref_slice %arg11[%dma_wait3A_87] : memref<1404928xf32, #tpu.memory_space<vmem_shared>> -> memref<1404928xf32, #tpu.memory_space<vmem_shared>>
      tpu.wait_indirect_dma semaphore(%arg13 : memref<!tpu.dma_semaphore, #tpu.memory_space<semaphore_mem>>) src(%dma_wait3A_88 : memref<1404928xf32, #tpu.memory_space<vmem_shared>>) dst(%arg8 : memref<6272xf32, #tpu.memory_space<vmem>>)
      %dma_wait3A_89 = tpu.memref_slice %arg2[%add3A_78] : memref<2709504xi32, #tpu.memory_space<hbm>> -> memref<6272xi32, #tpu.memory_space<hbm>>
      %dma_wait3A_90 = tpu.memref_slice %arg2[%add3A_78] : memref<2709504xi32, #tpu.memory_space<hbm>> -> memref<6272xi32, #tpu.memory_space<hbm>>
      tpu.wait_dma2 semaphore(%arg12 : memref<!tpu.dma_semaphore, #tpu.memory_space<semaphore_mem>>) src(%dma_wait3A_90 : memref<6272xi32, #tpu.memory_space<hbm>>) dst(%arg7 : memref<6272xi32, #tpu.memory_space<vmem>>)
      %dma_start3A_91 = arith.constant 0 : i32
      %dma_start3A_92 = tpu.memref_slice %arg11[%dma_start3A_91] : memref<1404928xf32, #tpu.memory_space<vmem_shared>> -> memref<1404928xf32, #tpu.memory_space<vmem_shared>>
      tpu.enqueue_indirect_dma source(%dma_start3A_92 : memref<1404928xf32, #tpu.memory_space<vmem_shared>>) target(%arg9 : memref<6272xf32, #tpu.memory_space<vmem>>) offsets(%arg7 : memref<6272xi32, #tpu.memory_space<vmem>>) semaphore(%arg13 : memref<!tpu.dma_semaphore, #tpu.memory_space<semaphore_mem>>)
      %add3A_93 = arith.constant 602112 : i32
      %add3A_94 = arith.addi %add3A_15, %add3A_93 : i32
      %dma_start3A_95 = tpu.memref_slice %arg2[%add3A_94] : memref<2709504xi32, #tpu.memory_space<hbm>> -> memref<6272xi32, #tpu.memory_space<hbm>>
      %dma_start3A_96 = tpu.memref_slice %arg2[%add3A_94] : memref<2709504xi32, #tpu.memory_space<hbm>> -> memref<6272xi32, #tpu.memory_space<hbm>>
      tpu.enqueue_dma source(%dma_start3A_96 : memref<6272xi32, #tpu.memory_space<hbm>>) target(%arg6 : memref<6272xi32, #tpu.memory_space<vmem>>) target_semaphore(%arg12 : memref<!tpu.dma_semaphore, #tpu.memory_space<semaphore_mem>>)
      %scan3A_97 = arith.constant 0 : i32
      %scan3A_98 = arith.constant 0 : i32
      %scan3A_99 = arith.constant 49 : i32
      %scan3A_100 = arith.addi %scan3A_98, %scan3A_99 : i32
      %scan3A_101 = arith.constant 1 : i32
      scf.for %scan3A_221 = %scan3A_98 to %scan3A_100 step %scan3A_101  : i32 {
        %mul3A_222 = arith.constant 128 : i32
        %mul3A_223 = arith.muli %scan3A_221, %mul3A_222 : i32
        %add3A_224 = arith.constant 0 : i32
        %add3A_225 = arith.addi %mul3A_223, %add3A_224 : i32
        %get3A = arith.index_cast %add3A_225 : i32 to index
        %get3A_226 = tpu.vector_load %arg10[%get3A] {strides = array<i32>} : memref<6272xf32, #tpu.memory_space<vmem>>, vector<16xf32>,
        %get3A_227 = arith.index_cast %add3A_225 : i32 to index
        %get3A_228 = tpu.vector_load %arg8[%get3A_227] {strides = array<i32>} : memref<6272xf32, #tpu.memory_space<vmem>>, vector<16xf32>,
        %add3A_229 = arith.addf %get3A_226, %get3A_228 : vector<16xf32>
        %swap3A = arith.index_cast %add3A_225 : i32 to index
        %swap3A_230 = tpu.vector_load %arg10[%swap3A] {strides = array<i32>} : memref<6272xf32, #tpu.memory_space<vmem>>, vector<16xf32>,
        tpu.vector_store %arg10[%swap3A], %add3A_229 {strides = array<i32>} : memref<6272xf32, #tpu.memory_space<vmem>>, vector<16xf32>,
        %add3A_231 = arith.constant 16 : i32
        %add3A_232 = arith.addi %mul3A_223, %add3A_231 : i32
        %get3A_233 = arith.index_cast %add3A_232 : i32 to index
        %get3A_234 = tpu.vector_load %arg10[%get3A_233] {strides = array<i32>} : memref<6272xf32, #tpu.memory_space<vmem>>, vector<16xf32>,
        %get3A_235 = arith.index_cast %add3A_232 : i32 to index
        %get3A_236 = tpu.vector_load %arg8[%get3A_235] {strides = array<i32>} : memref<6272xf32, #tpu.memory_space<vmem>>, vector<16xf32>,
        %add3A_237 = arith.addf %get3A_234, %get3A_236 : vector<16xf32>
        %swap3A_238 = arith.index_cast %add3A_232 : i32 to index
        %swap3A_239 = tpu.vector_load %arg10[%swap3A_238] {strides = array<i32>} : memref<6272xf32, #tpu.memory_space<vmem>>, vector<16xf32>,
        tpu.vector_store %arg10[%swap3A_238], %add3A_237 {strides = array<i32>} : memref<6272xf32, #tpu.memory_space<vmem>>, vector<16xf32>,
        %add3A_240 = arith.constant 32 : i32
        %add3A_241 = arith.addi %mul3A_223, %add3A_240 : i32
        %get3A_242 = arith.index_cast %add3A_241 : i32 to index
        %get3A_243 = tpu.vector_load %arg10[%get3A_242] {strides = array<i32>} : memref<6272xf32, #tpu.memory_space<vmem>>, vector<16xf32>,
        %get3A_244 = arith.index_cast %add3A_241 : i32 to index
        %get3A_245 = tpu.vector_load %arg8[%get3A_244] {strides = array<i32>} : memref<6272xf32, #tpu.memory_space<vmem>>, vector<16xf32>,
        %add3A_246 = arith.addf %get3A_243, %get3A_245 : vector<16xf32>
        %swap3A_247 = arith.index_cast %add3A_241 : i32 to index
        %swap3A_248 = tpu.vector_load %arg10[%swap3A_247] {strides = array<i32>} : memref<6272xf32, #tpu.memory_space<vmem>>, vector<16xf32>,
        tpu.vector_store %arg10[%swap3A_247], %add3A_246 {strides = array<i32>} : memref<6272xf32, #tpu.memory_space<vmem>>, vector<16xf32>,
        %add3A_249 = arith.constant 48 : i32
        %add3A_250 = arith.addi %mul3A_223, %add3A_249 : i32
        %get3A_251 = arith.index_cast %add3A_250 : i32 to index
        %get3A_252 = tpu.vector_load %arg10[%get3A_251] {strides = array<i32>} : memref<6272xf32, #tpu.memory_space<vmem>>, vector<16xf32>,
        %get3A_253 = arith.index_cast %add3A_250 : i32 to index
        %get3A_254 = tpu.vector_load %arg8[%get3A_253] {strides = array<i32>} : memref<6272xf32, #tpu.memory_space<vmem>>, vector<16xf32>,
        %add3A_255 = arith.addf %get3A_252, %get3A_254 : vector<16xf32>
        %swap3A_256 = arith.index_cast %add3A_250 : i32 to index
        %swap3A_257 = tpu.vector_load %arg10[%swap3A_256] {strides = array<i32>} : memref<6272xf32, #tpu.memory_space<vmem>>, vector<16xf32>,
        tpu.vector_store %arg10[%swap3A_256], %add3A_255 {strides = array<i32>} : memref<6272xf32, #tpu.memory_space<vmem>>, vector<16xf32>,
        %add3A_258 = arith.constant 64 : i32
        %add3A_259 = arith.addi %mul3A_223, %add3A_258 : i32
        %get3A_260 = arith.index_cast %add3A_259 : i32 to index
        %get3A_261 = tpu.vector_load %arg10[%get3A_260] {strides = array<i32>} : memref<6272xf32, #tpu.memory_space<vmem>>, vector<16xf32>,
        %get3A_262 = arith.index_cast %add3A_259 : i32 to index
        %get3A_263 = tpu.vector_load %arg8[%get3A_262] {strides = array<i32>} : memref<6272xf32, #tpu.memory_space<vmem>>, vector<16xf32>,
        %add3A_264 = arith.addf %get3A_261, %get3A_263 : vector<16xf32>
        %swap3A_265 = arith.index_cast %add3A_259 : i32 to index
        %swap3A_266 = tpu.vector_load %arg10[%swap3A_265] {strides = array<i32>} : memref<6272xf32, #tpu.memory_space<vmem>>, vector<16xf32>,
        tpu.vector_store %arg10[%swap3A_265], %add3A_264 {strides = array<i32>} : memref<6272xf32, #tpu.memory_space<vmem>>, vector<16xf32>,
        %add3A_267 = arith.constant 80 : i32
        %add3A_268 = arith.addi %mul3A_223, %add3A_267 : i32
        %get3A_269 = arith.index_cast %add3A_268 : i32 to index
        %get3A_270 = tpu.vector_load %arg10[%get3A_269] {strides = array<i32>} : memref<6272xf32, #tpu.memory_space<vmem>>, vector<16xf32>,
        %get3A_271 = arith.index_cast %add3A_268 : i32 to index
        %get3A_272 = tpu.vector_load %arg8[%get3A_271] {strides = array<i32>} : memref<6272xf32, #tpu.memory_space<vmem>>, vector<16xf32>,
        %add3A_273 = arith.addf %get3A_270, %get3A_272 : vector<16xf32>
        %swap3A_274 = arith.index_cast %add3A_268 : i32 to index
        %swap3A_275 = tpu.vector_load %arg10[%swap3A_274] {strides = array<i32>} : memref<6272xf32, #tpu.memory_space<vmem>>, vector<16xf32>,
        tpu.vector_store %arg10[%swap3A_274], %add3A_273 {strides = array<i32>} : memref<6272xf32, #tpu.memory_space<vmem>>, vector<16xf32>,
        %add3A_276 = arith.constant 96 : i32
        %add3A_277 = arith.addi %mul3A_223, %add3A_276 : i32
        %get3A_278 = arith.index_cast %add3A_277 : i32 to index
        %get3A_279 = tpu.vector_load %arg10[%get3A_278] {strides = array<i32>} : memref<6272xf32, #tpu.memory_space<vmem>>, vector<16xf32>,
        %get3A_280 = arith.index_cast %add3A_277 : i32 to index
        %get3A_281 = tpu.vector_load %arg8[%get3A_280] {strides = array<i32>} : memref<6272xf32, #tpu.memory_space<vmem>>, vector<16xf32>,
        %add3A_282 = arith.addf %get3A_279, %get3A_281 : vector<16xf32>
        %swap3A_283 = arith.index_cast %add3A_277 : i32 to index
        %swap3A_284 = tpu.vector_load %arg10[%swap3A_283] {strides = array<i32>} : memref<6272xf32, #tpu.memory_space<vmem>>, vector<16xf32>,
        tpu.vector_store %arg10[%swap3A_283], %add3A_282 {strides = array<i32>} : memref<6272xf32, #tpu.memory_space<vmem>>, vector<16xf32>,
        %add3A_285 = arith.constant 112 : i32
        %add3A_286 = arith.addi %mul3A_223, %add3A_285 : i32
        %get3A_287 = arith.index_cast %add3A_286 : i32 to index
        %get3A_288 = tpu.vector_load %arg10[%get3A_287] {strides = array<i32>} : memref<6272xf32, #tpu.memory_space<vmem>>, vector<16xf32>,
        %get3A_289 = arith.index_cast %add3A_286 : i32 to index
        %get3A_290 = tpu.vector_load %arg8[%get3A_289] {strides = array<i32>} : memref<6272xf32, #tpu.memory_space<vmem>>, vector<16xf32>,
        %add3A_291 = arith.addf %get3A_288, %get3A_290 : vector<16xf32>
        %swap3A_292 = arith.index_cast %add3A_286 : i32 to index
        %swap3A_293 = tpu.vector_load %arg10[%swap3A_292] {strides = array<i32>} : memref<6272xf32, #tpu.memory_space<vmem>>, vector<16xf32>,
        tpu.vector_store %arg10[%swap3A_292], %add3A_291 {strides = array<i32>} : memref<6272xf32, #tpu.memory_space<vmem>>, vector<16xf32>,
      }
      %scan3A_102 = arith.constant 49 : i32
      %dma_wait3A_103 = arith.constant 0 : i32
      %dma_wait3A_104 = tpu.memref_slice %arg11[%dma_wait3A_103] : memref<1404928xf32, #tpu.memory_space<vmem_shared>> -> memref<1404928xf32, #tpu.memory_space<vmem_shared>>
      tpu.wait_indirect_dma semaphore(%arg13 : memref<!tpu.dma_semaphore, #tpu.memory_space<semaphore_mem>>) src(%dma_wait3A_104 : memref<1404928xf32, #tpu.memory_space<vmem_shared>>) dst(%arg9 : memref<6272xf32, #tpu.memory_space<vmem>>)
      %dma_wait3A_105 = tpu.memref_slice %arg2[%add3A_94] : memref<2709504xi32, #tpu.memory_space<hbm>> -> memref<6272xi32, #tpu.memory_space<hbm>>
      %dma_wait3A_106 = tpu.memref_slice %arg2[%add3A_94] : memref<2709504xi32, #tpu.memory_space<hbm>> -> memref<6272xi32, #tpu.memory_space<hbm>>
      tpu.wait_dma2 semaphore(%arg12 : memref<!tpu.dma_semaphore, #tpu.memory_space<semaphore_mem>>) src(%dma_wait3A_106 : memref<6272xi32, #tpu.memory_space<hbm>>) dst(%arg6 : memref<6272xi32, #tpu.memory_space<vmem>>)
      %dma_start3A_107 = arith.constant 0 : i32
      %dma_start3A_108 = tpu.memref_slice %arg11[%dma_start3A_107] : memref<1404928xf32, #tpu.memory_space<vmem_shared>> -> memref<1404928xf32, #tpu.memory_space<vmem_shared>>
      tpu.enqueue_indirect_dma source(%dma_start3A_108 : memref<1404928xf32, #tpu.memory_space<vmem_shared>>) target(%arg8 : memref<6272xf32, #tpu.memory_space<vmem>>) offsets(%arg6 : memref<6272xi32, #tpu.memory_space<vmem>>) semaphore(%arg13 : memref<!tpu.dma_semaphore, #tpu.memory_space<semaphore_mem>>)
      %add3A_109 = arith.constant 702464 : i32
      %add3A_110 = arith.addi %add3A_15, %add3A_109 : i32
      %dma_start3A_111 = tpu.memref_slice %arg2[%add3A_110] : memref<2709504xi32, #tpu.memory_space<hbm>> -> memref<6272xi32, #tpu.memory_space<hbm>>
      %dma_start3A_112 = tpu.memref_slice %arg2[%add3A_110] : memref<2709504xi32, #tpu.memory_space<hbm>> -> memref<6272xi32, #tpu.memory_space<hbm>>
      tpu.enqueue_dma source(%dma_start3A_112 : memref<6272xi32, #tpu.memory_space<hbm>>) target(%arg7 : memref<6272xi32, #tpu.memory_space<vmem>>) target_semaphore(%arg12 : memref<!tpu.dma_semaphore, #tpu.memory_space<semaphore_mem>>)
      %scan3A_113 = arith.constant 0 : i32
      %scan3A_114 = arith.constant 0 : i32
      %scan3A_115 = arith.constant 49 : i32
      %scan3A_116 = arith.addi %scan3A_114, %scan3A_115 : i32
      %scan3A_117 = arith.constant 1 : i32
      scf.for %scan3A_221 = %scan3A_114 to %scan3A_116 step %scan3A_117  : i32 {
        %mul3A_222 = arith.constant 128 : i32
        %mul3A_223 = arith.muli %scan3A_221, %mul3A_222 : i32
        %add3A_224 = arith.constant 0 : i32
        %add3A_225 = arith.addi %mul3A_223, %add3A_224 : i32
        %get3A = arith.index_cast %add3A_225 : i32 to index
        %get3A_226 = tpu.vector_load %arg10[%get3A] {strides = array<i32>} : memref<6272xf32, #tpu.memory_space<vmem>>, vector<16xf32>,
        %get3A_227 = arith.index_cast %add3A_225 : i32 to index
        %get3A_228 = tpu.vector_load %arg9[%get3A_227] {strides = array<i32>} : memref<6272xf32, #tpu.memory_space<vmem>>, vector<16xf32>,
        %add3A_229 = arith.addf %get3A_226, %get3A_228 : vector<16xf32>
        %swap3A = arith.index_cast %add3A_225 : i32 to index
        %swap3A_230 = tpu.vector_load %arg10[%swap3A] {strides = array<i32>} : memref<6272xf32, #tpu.memory_space<vmem>>, vector<16xf32>,
        tpu.vector_store %arg10[%swap3A], %add3A_229 {strides = array<i32>} : memref<6272xf32, #tpu.memory_space<vmem>>, vector<16xf32>,
        %add3A_231 = arith.constant 16 : i32
        %add3A_232 = arith.addi %mul3A_223, %add3A_231 : i32
        %get3A_233 = arith.index_cast %add3A_232 : i32 to index
        %get3A_234 = tpu.vector_load %arg10[%get3A_233] {strides = array<i32>} : memref<6272xf32, #tpu.memory_space<vmem>>, vector<16xf32>,
        %get3A_235 = arith.index_cast %add3A_232 : i32 to index
        %get3A_236 = tpu.vector_load %arg9[%get3A_235] {strides = array<i32>} : memref<6272xf32, #tpu.memory_space<vmem>>, vector<16xf32>,
        %add3A_237 = arith.addf %get3A_234, %get3A_236 : vector<16xf32>
        %swap3A_238 = arith.index_cast %add3A_232 : i32 to index
        %swap3A_239 = tpu.vector_load %arg10[%swap3A_238] {strides = array<i32>} : memref<6272xf32, #tpu.memory_space<vmem>>, vector<16xf32>,
        tpu.vector_store %arg10[%swap3A_238], %add3A_237 {strides = array<i32>} : memref<6272xf32, #tpu.memory_space<vmem>>, vector<16xf32>,
        %add3A_240 = arith.constant 32 : i32
        %add3A_241 = arith.addi %mul3A_223, %add3A_240 : i32
        %get3A_242 = arith.index_cast %add3A_241 : i32 to index
        %get3A_243 = tpu.vector_load %arg10[%get3A_242] {strides = array<i32>} : memref<6272xf32, #tpu.memory_space<vmem>>, vector<16xf32>,
        %get3A_244 = arith.index_cast %add3A_241 : i32 to index
        %get3A_245 = tpu.vector_load %arg9[%get3A_244] {strides = array<i32>} : memref<6272xf32, #tpu.memory_space<vmem>>, vector<16xf32>,
        %add3A_246 = arith.addf %get3A_243, %get3A_245 : vector<16xf32>
        %swap3A_247 = arith.index_cast %add3A_241 : i32 to index
        %swap3A_248 = tpu.vector_load %arg10[%swap3A_247] {strides = array<i32>} : memref<6272xf32, #tpu.memory_space<vmem>>, vector<16xf32>,
        tpu.vector_store %arg10[%swap3A_247], %add3A_246 {strides = array<i32>} : memref<6272xf32, #tpu.memory_space<vmem>>, vector<16xf32>,
        %add3A_249 = arith.constant 48 : i32
        %add3A_250 = arith.addi %mul3A_223, %add3A_249 : i32
        %get3A_251 = arith.index_cast %add3A_250 : i32 to index
        %get3A_252 = tpu.vector_load %arg10[%get3A_251] {strides = array<i32>} : memref<6272xf32, #tpu.memory_space<vmem>>, vector<16xf32>,
        %get3A_253 = arith.index_cast %add3A_250 : i32 to index
        %get3A_254 = tpu.vector_load %arg9[%get3A_253] {strides = array<i32>} : memref<6272xf32, #tpu.memory_space<vmem>>, vector<16xf32>,
        %add3A_255 = arith.addf %get3A_252, %get3A_254 : vector<16xf32>
        %swap3A_256 = arith.index_cast %add3A_250 : i32 to index
        %swap3A_257 = tpu.vector_load %arg10[%swap3A_256] {strides = array<i32>} : memref<6272xf32, #tpu.memory_space<vmem>>, vector<16xf32>,
        tpu.vector_store %arg10[%swap3A_256], %add3A_255 {strides = array<i32>} : memref<6272xf32, #tpu.memory_space<vmem>>, vector<16xf32>,
        %add3A_258 = arith.constant 64 : i32
        %add3A_259 = arith.addi %mul3A_223, %add3A_258 : i32
        %get3A_260 = arith.index_cast %add3A_259 : i32 to index
        %get3A_261 = tpu.vector_load %arg10[%get3A_260] {strides = array<i32>} : memref<6272xf32, #tpu.memory_space<vmem>>, vector<16xf32>,
        %get3A_262 = arith.index_cast %add3A_259 : i32 to index
        %get3A_263 = tpu.vector_load %arg9[%get3A_262] {strides = array<i32>} : memref<6272xf32, #tpu.memory_space<vmem>>, vector<16xf32>,
        %add3A_264 = arith.addf %get3A_261, %get3A_263 : vector<16xf32>
        %swap3A_265 = arith.index_cast %add3A_259 : i32 to index
        %swap3A_266 = tpu.vector_load %arg10[%swap3A_265] {strides = array<i32>} : memref<6272xf32, #tpu.memory_space<vmem>>, vector<16xf32>,
        tpu.vector_store %arg10[%swap3A_265], %add3A_264 {strides = array<i32>} : memref<6272xf32, #tpu.memory_space<vmem>>, vector<16xf32>,
        %add3A_267 = arith.constant 80 : i32
        %add3A_268 = arith.addi %mul3A_223, %add3A_267 : i32
        %get3A_269 = arith.index_cast %add3A_268 : i32 to index
        %get3A_270 = tpu.vector_load %arg10[%get3A_269] {strides = array<i32>} : memref<6272xf32, #tpu.memory_space<vmem>>, vector<16xf32>,
        %get3A_271 = arith.index_cast %add3A_268 : i32 to index
        %get3A_272 = tpu.vector_load %arg9[%get3A_271] {strides = array<i32>} : memref<6272xf32, #tpu.memory_space<vmem>>, vector<16xf32>,
        %add3A_273 = arith.addf %get3A_270, %get3A_272 : vector<16xf32>
        %swap3A_274 = arith.index_cast %add3A_268 : i32 to index
        %swap3A_275 = tpu.vector_load %arg10[%swap3A_274] {strides = array<i32>} : memref<6272xf32, #tpu.memory_space<vmem>>, vector<16xf32>,
        tpu.vector_store %arg10[%swap3A_274], %add3A_273 {strides = array<i32>} : memref<6272xf32, #tpu.memory_space<vmem>>, vector<16xf32>,
        %add3A_276 = arith.constant 96 : i32
        %add3A_277 = arith.addi %mul3A_223, %add3A_276 : i32
        %get3A_278 = arith.index_cast %add3A_277 : i32 to index
        %get3A_279 = tpu.vector_load %arg10[%get3A_278] {strides = array<i32>} : memref<6272xf32, #tpu.memory_space<vmem>>, vector<16xf32>,
        %get3A_280 = arith.index_cast %add3A_277 : i32 to index
        %get3A_281 = tpu.vector_load %arg9[%get3A_280] {strides = array<i32>} : memref<6272xf32, #tpu.memory_space<vmem>>, vector<16xf32>,
        %add3A_282 = arith.addf %get3A_279, %get3A_281 : vector<16xf32>
        %swap3A_283 = arith.index_cast %add3A_277 : i32 to index
        %swap3A_284 = tpu.vector_load %arg10[%swap3A_283] {strides = array<i32>} : memref<6272xf32, #tpu.memory_space<vmem>>, vector<16xf32>,
        tpu.vector_store %arg10[%swap3A_283], %add3A_282 {strides = array<i32>} : memref<6272xf32, #tpu.memory_space<vmem>>, vector<16xf32>,
        %add3A_285 = arith.constant 112 : i32
        %add3A_286 = arith.addi %mul3A_223, %add3A_285 : i32
        %get3A_287 = arith.index_cast %add3A_286 : i32 to index
        %get3A_288 = tpu.vector_load %arg10[%get3A_287] {strides = array<i32>} : memref<6272xf32, #tpu.memory_space<vmem>>, vector<16xf32>,
        %get3A_289 = arith.index_cast %add3A_286 : i32 to index
        %get3A_290 = tpu.vector_load %arg9[%get3A_289] {strides = array<i32>} : memref<6272xf32, #tpu.memory_space<vmem>>, vector<16xf32>,
        %add3A_291 = arith.addf %get3A_288, %get3A_290 : vector<16xf32>
        %swap3A_292 = arith.index_cast %add3A_286 : i32 to index
        %swap3A_293 = tpu.vector_load %arg10[%swap3A_292] {strides = array<i32>} : memref<6272xf32, #tpu.memory_space<vmem>>, vector<16xf32>,
        tpu.vector_store %arg10[%swap3A_292], %add3A_291 {strides = array<i32>} : memref<6272xf32, #tpu.memory_space<vmem>>, vector<16xf32>,
      }
      %scan3A_118 = arith.constant 49 : i32
      %dma_wait3A_119 = arith.constant 0 : i32
      %dma_wait3A_120 = tpu.memref_slice %arg11[%dma_wait3A_119] : memref<1404928xf32, #tpu.memory_space<vmem_shared>> -> memref<1404928xf32, #tpu.memory_space<vmem_shared>>
      tpu.wait_indirect_dma semaphore(%arg13 : memref<!tpu.dma_semaphore, #tpu.memory_space<semaphore_mem>>) src(%dma_wait3A_120 : memref<1404928xf32, #tpu.memory_space<vmem_shared>>) dst(%arg8 : memref<6272xf32, #tpu.memory_space<vmem>>)
      %dma_wait3A_121 = tpu.memref_slice %arg2[%add3A_110] : memref<2709504xi32, #tpu.memory_space<hbm>> -> memref<6272xi32, #tpu.memory_space<hbm>>
      %dma_wait3A_122 = tpu.memref_slice %arg2[%add3A_110] : memref<2709504xi32, #tpu.memory_space<hbm>> -> memref<6272xi32, #tpu.memory_space<hbm>>
      tpu.wait_dma2 semaphore(%arg12 : memref<!tpu.dma_semaphore, #tpu.memory_space<semaphore_mem>>) src(%dma_wait3A_122 : memref<6272xi32, #tpu.memory_space<hbm>>) dst(%arg7 : memref<6272xi32, #tpu.memory_space<vmem>>)
      %dma_start3A_123 = arith.constant 0 : i32
      %dma_start3A_124 = tpu.memref_slice %arg11[%dma_start3A_123] : memref<1404928xf32, #tpu.memory_space<vmem_shared>> -> memref<1404928xf32, #tpu.memory_space<vmem_shared>>
      tpu.enqueue_indirect_dma source(%dma_start3A_124 : memref<1404928xf32, #tpu.memory_space<vmem_shared>>) target(%arg9 : memref<6272xf32, #tpu.memory_space<vmem>>) offsets(%arg7 : memref<6272xi32, #tpu.memory_space<vmem>>) semaphore(%arg13 : memref<!tpu.dma_semaphore, #tpu.memory_space<semaphore_mem>>)
      %add3A_125 = arith.constant 802816 : i32
      %add3A_126 = arith.addi %add3A_15, %add3A_125 : i32
      %dma_start3A_127 = tpu.memref_slice %arg2[%add3A_126] : memref<2709504xi32, #tpu.memory_space<hbm>> -> memref<6272xi32, #tpu.memory_space<hbm>>
      %dma_start3A_128 = tpu.memref_slice %arg2[%add3A_126] : memref<2709504xi32, #tpu.memory_space<hbm>> -> memref<6272xi32, #tpu.memory_space<hbm>>
      tpu.enqueue_dma source(%dma_start3A_128 : memref<6272xi32, #tpu.memory_space<hbm>>) target(%arg6 : memref<6272xi32, #tpu.memory_space<vmem>>) target_semaphore(%arg12 : memref<!tpu.dma_semaphore, #tpu.memory_space<semaphore_mem>>)
      %scan3A_129 = arith.constant 0 : i32
      %scan3A_130 = arith.constant 0 : i32
      %scan3A_131 = arith.constant 49 : i32
      %scan3A_132 = arith.addi %scan3A_130, %scan3A_131 : i32
      %scan3A_133 = arith.constant 1 : i32
      scf.for %scan3A_221 = %scan3A_130 to %scan3A_132 step %scan3A_133  : i32 {
        %mul3A_222 = arith.constant 128 : i32
        %mul3A_223 = arith.muli %scan3A_221, %mul3A_222 : i32
        %add3A_224 = arith.constant 0 : i32
        %add3A_225 = arith.addi %mul3A_223, %add3A_224 : i32
        %get3A = arith.index_cast %add3A_225 : i32 to index
        %get3A_226 = tpu.vector_load %arg10[%get3A] {strides = array<i32>} : memref<6272xf32, #tpu.memory_space<vmem>>, vector<16xf32>,
        %get3A_227 = arith.index_cast %add3A_225 : i32 to index
        %get3A_228 = tpu.vector_load %arg8[%get3A_227] {strides = array<i32>} : memref<6272xf32, #tpu.memory_space<vmem>>, vector<16xf32>,
        %add3A_229 = arith.addf %get3A_226, %get3A_228 : vector<16xf32>
        %swap3A = arith.index_cast %add3A_225 : i32 to index
        %swap3A_230 = tpu.vector_load %arg10[%swap3A] {strides = array<i32>} : memref<6272xf32, #tpu.memory_space<vmem>>, vector<16xf32>,
        tpu.vector_store %arg10[%swap3A], %add3A_229 {strides = array<i32>} : memref<6272xf32, #tpu.memory_space<vmem>>, vector<16xf32>,
        %add3A_231 = arith.constant 16 : i32
        %add3A_232 = arith.addi %mul3A_223, %add3A_231 : i32
        %get3A_233 = arith.index_cast %add3A_232 : i32 to index
        %get3A_234 = tpu.vector_load %arg10[%get3A_233] {strides = array<i32>} : memref<6272xf32, #tpu.memory_space<vmem>>, vector<16xf32>,
        %get3A_235 = arith.index_cast %add3A_232 : i32 to index
        %get3A_236 = tpu.vector_load %arg8[%get3A_235] {strides = array<i32>} : memref<6272xf32, #tpu.memory_space<vmem>>, vector<16xf32>,
        %add3A_237 = arith.addf %get3A_234, %get3A_236 : vector<16xf32>
        %swap3A_238 = arith.index_cast %add3A_232 : i32 to index
        %swap3A_239 = tpu.vector_load %arg10[%swap3A_238] {strides = array<i32>} : memref<6272xf32, #tpu.memory_space<vmem>>, vector<16xf32>,
        tpu.vector_store %arg10[%swap3A_238], %add3A_237 {strides = array<i32>} : memref<6272xf32, #tpu.memory_space<vmem>>, vector<16xf32>,
        %add3A_240 = arith.constant 32 : i32
        %add3A_241 = arith.addi %mul3A_223, %add3A_240 : i32
        %get3A_242 = arith.index_cast %add3A_241 : i32 to index
        %get3A_243 = tpu.vector_load %arg10[%get3A_242] {strides = array<i32>} : memref<6272xf32, #tpu.memory_space<vmem>>, vector<16xf32>,
        %get3A_244 = arith.index_cast %add3A_241 : i32 to index
        %get3A_245 = tpu.vector_load %arg8[%get3A_244] {strides = array<i32>} : memref<6272xf32, #tpu.memory_space<vmem>>, vector<16xf32>,
        %add3A_246 = arith.addf %get3A_243, %get3A_245 : vector<16xf32>
        %swap3A_247 = arith.index_cast %add3A_241 : i32 to index
        %swap3A_248 = tpu.vector_load %arg10[%swap3A_247] {strides = array<i32>} : memref<6272xf32, #tpu.memory_space<vmem>>, vector<16xf32>,
        tpu.vector_store %arg10[%swap3A_247], %add3A_246 {strides = array<i32>} : memref<6272xf32, #tpu.memory_space<vmem>>, vector<16xf32>,
        %add3A_249 = arith.constant 48 : i32
        %add3A_250 = arith.addi %mul3A_223, %add3A_249 : i32
        %get3A_251 = arith.index_cast %add3A_250 : i32 to index
        %get3A_252 = tpu.vector_load %arg10[%get3A_251] {strides = array<i32>} : memref<6272xf32, #tpu.memory_space<vmem>>, vector<16xf32>,
        %get3A_253 = arith.index_cast %add3A_250 : i32 to index
        %get3A_254 = tpu.vector_load %arg8[%get3A_253] {strides = array<i32>} : memref<6272xf32, #tpu.memory_space<vmem>>, vector<16xf32>,
        %add3A_255 = arith.addf %get3A_252, %get3A_254 : vector<16xf32>
        %swap3A_256 = arith.index_cast %add3A_250 : i32 to index
        %swap3A_257 = tpu.vector_load %arg10[%swap3A_256] {strides = array<i32>} : memref<6272xf32, #tpu.memory_space<vmem>>, vector<16xf32>,
        tpu.vector_store %arg10[%swap3A_256], %add3A_255 {strides = array<i32>} : memref<6272xf32, #tpu.memory_space<vmem>>, vector<16xf32>,
        %add3A_258 = arith.constant 64 : i32
        %add3A_259 = arith.addi %mul3A_223, %add3A_258 : i32
        %get3A_260 = arith.index_cast %add3A_259 : i32 to index
        %get3A_261 = tpu.vector_load %arg10[%get3A_260] {strides = array<i32>} : memref<6272xf32, #tpu.memory_space<vmem>>, vector<16xf32>,
        %get3A_262 = arith.index_cast %add3A_259 : i32 to index
        %get3A_263 = tpu.vector_load %arg8[%get3A_262] {strides = array<i32>} : memref<6272xf32, #tpu.memory_space<vmem>>, vector<16xf32>,
        %add3A_264 = arith.addf %get3A_261, %get3A_263 : vector<16xf32>
        %swap3A_265 = arith.index_cast %add3A_259 : i32 to index
        %swap3A_266 = tpu.vector_load %arg10[%swap3A_265] {strides = array<i32>} : memref<6272xf32, #tpu.memory_space<vmem>>, vector<16xf32>,
        tpu.vector_store %arg10[%swap3A_265], %add3A_264 {strides = array<i32>} : memref<6272xf32, #tpu.memory_space<vmem>>, vector<16xf32>,
        %add3A_267 = arith.constant 80 : i32
        %add3A_268 = arith.addi %mul3A_223, %add3A_267 : i32
        %get3A_269 = arith.index_cast %add3A_268 : i32 to index
        %get3A_270 = tpu.vector_load %arg10[%get3A_269] {strides = array<i32>} : memref<6272xf32, #tpu.memory_space<vmem>>, vector<16xf32>,
        %get3A_271 = arith.index_cast %add3A_268 : i32 to index
        %get3A_272 = tpu.vector_load %arg8[%get3A_271] {strides = array<i32>} : memref<6272xf32, #tpu.memory_space<vmem>>, vector<16xf32>,
        %add3A_273 = arith.addf %get3A_270, %get3A_272 : vector<16xf32>
        %swap3A_274 = arith.index_cast %add3A_268 : i32 to index
        %swap3A_275 = tpu.vector_load %arg10[%swap3A_274] {strides = array<i32>} : memref<6272xf32, #tpu.memory_space<vmem>>, vector<16xf32>,
        tpu.vector_store %arg10[%swap3A_274], %add3A_273 {strides = array<i32>} : memref<6272xf32, #tpu.memory_space<vmem>>, vector<16xf32>,
        %add3A_276 = arith.constant 96 : i32
        %add3A_277 = arith.addi %mul3A_223, %add3A_276 : i32
        %get3A_278 = arith.index_cast %add3A_277 : i32 to index
        %get3A_279 = tpu.vector_load %arg10[%get3A_278] {strides = array<i32>} : memref<6272xf32, #tpu.memory_space<vmem>>, vector<16xf32>,
        %get3A_280 = arith.index_cast %add3A_277 : i32 to index
        %get3A_281 = tpu.vector_load %arg8[%get3A_280] {strides = array<i32>} : memref<6272xf32, #tpu.memory_space<vmem>>, vector<16xf32>,
        %add3A_282 = arith.addf %get3A_279, %get3A_281 : vector<16xf32>
        %swap3A_283 = arith.index_cast %add3A_277 : i32 to index
        %swap3A_284 = tpu.vector_load %arg10[%swap3A_283] {strides = array<i32>} : memref<6272xf32, #tpu.memory_space<vmem>>, vector<16xf32>,
        tpu.vector_store %arg10[%swap3A_283], %add3A_282 {strides = array<i32>} : memref<6272xf32, #tpu.memory_space<vmem>>, vector<16xf32>,
        %add3A_285 = arith.constant 112 : i32
        %add3A_286 = arith.addi %mul3A_223, %add3A_285 : i32
        %get3A_287 = arith.index_cast %add3A_286 : i32 to index
        %get3A_288 = tpu.vector_load %arg10[%get3A_287] {strides = array<i32>} : memref<6272xf32, #tpu.memory_space<vmem>>, vector<16xf32>,
        %get3A_289 = arith.index_cast %add3A_286 : i32 to index
        %get3A_290 = tpu.vector_load %arg8[%get3A_289] {strides = array<i32>} : memref<6272xf32, #tpu.memory_space<vmem>>, vector<16xf32>,
        %add3A_291 = arith.addf %get3A_288, %get3A_290 : vector<16xf32>
        %swap3A_292 = arith.index_cast %add3A_286 : i32 to index
        %swap3A_293 = tpu.vector_load %arg10[%swap3A_292] {strides = array<i32>} : memref<6272xf32, #tpu.memory_space<vmem>>, vector<16xf32>,
        tpu.vector_store %arg10[%swap3A_292], %add3A_291 {strides = array<i32>} : memref<6272xf32, #tpu.memory_space<vmem>>, vector<16xf32>,
      }
      %scan3A_134 = arith.constant 49 : i32
      %dma_wait3A_135 = arith.constant 0 : i32
      %dma_wait3A_136 = tpu.memref_slice %arg11[%dma_wait3A_135] : memref<1404928xf32, #tpu.memory_space<vmem_shared>> -> memref<1404928xf32, #tpu.memory_space<vmem_shared>>
      tpu.wait_indirect_dma semaphore(%arg13 : memref<!tpu.dma_semaphore, #tpu.memory_space<semaphore_mem>>) src(%dma_wait3A_136 : memref<1404928xf32, #tpu.memory_space<vmem_shared>>) dst(%arg9 : memref<6272xf32, #tpu.memory_space<vmem>>)
      %dma_wait3A_137 = tpu.memref_slice %arg2[%add3A_126] : memref<2709504xi32, #tpu.memory_space<hbm>> -> memref<6272xi32, #tpu.memory_space<hbm>>
      %dma_wait3A_138 = tpu.memref_slice %arg2[%add3A_126] : memref<2709504xi32, #tpu.memory_space<hbm>> -> memref<6272xi32, #tpu.memory_space<hbm>>
      tpu.wait_dma2 semaphore(%arg12 : memref<!tpu.dma_semaphore, #tpu.memory_space<semaphore_mem>>) src(%dma_wait3A_138 : memref<6272xi32, #tpu.memory_space<hbm>>) dst(%arg6 : memref<6272xi32, #tpu.memory_space<vmem>>)
      %dma_start3A_139 = arith.constant 0 : i32
      %dma_start3A_140 = tpu.memref_slice %arg11[%dma_start3A_139] : memref<1404928xf32, #tpu.memory_space<vmem_shared>> -> memref<1404928xf32, #tpu.memory_space<vmem_shared>>
      tpu.enqueue_indirect_dma source(%dma_start3A_140 : memref<1404928xf32, #tpu.memory_space<vmem_shared>>) target(%arg8 : memref<6272xf32, #tpu.memory_space<vmem>>) offsets(%arg6 : memref<6272xi32, #tpu.memory_space<vmem>>) semaphore(%arg13 : memref<!tpu.dma_semaphore, #tpu.memory_space<semaphore_mem>>)
      %add3A_141 = arith.constant 903168 : i32
      %add3A_142 = arith.addi %add3A_15, %add3A_141 : i32
      %dma_start3A_143 = tpu.memref_slice %arg2[%add3A_142] : memref<2709504xi32, #tpu.memory_space<hbm>> -> memref<6272xi32, #tpu.memory_space<hbm>>
      %dma_start3A_144 = tpu.memref_slice %arg2[%add3A_142] : memref<2709504xi32, #tpu.memory_space<hbm>> -> memref<6272xi32, #tpu.memory_space<hbm>>
      tpu.enqueue_dma source(%dma_start3A_144 : memref<6272xi32, #tpu.memory_space<hbm>>) target(%arg7 : memref<6272xi32, #tpu.memory_space<vmem>>) target_semaphore(%arg12 : memref<!tpu.dma_semaphore, #tpu.memory_space<semaphore_mem>>)
      %scan3A_145 = arith.constant 0 : i32
      %scan3A_146 = arith.constant 0 : i32
      %scan3A_147 = arith.constant 49 : i32
      %scan3A_148 = arith.addi %scan3A_146, %scan3A_147 : i32
      %scan3A_149 = arith.constant 1 : i32
      scf.for %scan3A_221 = %scan3A_146 to %scan3A_148 step %scan3A_149  : i32 {
        %mul3A_222 = arith.constant 128 : i32
        %mul3A_223 = arith.muli %scan3A_221, %mul3A_222 : i32
        %add3A_224 = arith.constant 0 : i32
        %add3A_225 = arith.addi %mul3A_223, %add3A_224 : i32
        %get3A = arith.index_cast %add3A_225 : i32 to index
        %get3A_226 = tpu.vector_load %arg10[%get3A] {strides = array<i32>} : memref<6272xf32, #tpu.memory_space<vmem>>, vector<16xf32>,
        %get3A_227 = arith.index_cast %add3A_225 : i32 to index
        %get3A_228 = tpu.vector_load %arg9[%get3A_227] {strides = array<i32>} : memref<6272xf32, #tpu.memory_space<vmem>>, vector<16xf32>,
        %add3A_229 = arith.addf %get3A_226, %get3A_228 : vector<16xf32>
        %swap3A = arith.index_cast %add3A_225 : i32 to index
        %swap3A_230 = tpu.vector_load %arg10[%swap3A] {strides = array<i32>} : memref<6272xf32, #tpu.memory_space<vmem>>, vector<16xf32>,
        tpu.vector_store %arg10[%swap3A], %add3A_229 {strides = array<i32>} : memref<6272xf32, #tpu.memory_space<vmem>>, vector<16xf32>,
        %add3A_231 = arith.constant 16 : i32
        %add3A_232 = arith.addi %mul3A_223, %add3A_231 : i32
        %get3A_233 = arith.index_cast %add3A_232 : i32 to index
        %get3A_234 = tpu.vector_load %arg10[%get3A_233] {strides = array<i32>} : memref<6272xf32, #tpu.memory_space<vmem>>, vector<16xf32>,
        %get3A_235 = arith.index_cast %add3A_232 : i32 to index
        %get3A_236 = tpu.vector_load %arg9[%get3A_235] {strides = array<i32>} : memref<6272xf32, #tpu.memory_space<vmem>>, vector<16xf32>,
        %add3A_237 = arith.addf %get3A_234, %get3A_236 : vector<16xf32>
        %swap3A_238 = arith.index_cast %add3A_232 : i32 to index
        %swap3A_239 = tpu.vector_load %arg10[%swap3A_238] {strides = array<i32>} : memref<6272xf32, #tpu.memory_space<vmem>>, vector<16xf32>,
        tpu.vector_store %arg10[%swap3A_238], %add3A_237 {strides = array<i32>} : memref<6272xf32, #tpu.memory_space<vmem>>, vector<16xf32>,
        %add3A_240 = arith.constant 32 : i32
        %add3A_241 = arith.addi %mul3A_223, %add3A_240 : i32
        %get3A_242 = arith.index_cast %add3A_241 : i32 to index
        %get3A_243 = tpu.vector_load %arg10[%get3A_242] {strides = array<i32>} : memref<6272xf32, #tpu.memory_space<vmem>>, vector<16xf32>,
        %get3A_244 = arith.index_cast %add3A_241 : i32 to index
        %get3A_245 = tpu.vector_load %arg9[%get3A_244] {strides = array<i32>} : memref<6272xf32, #tpu.memory_space<vmem>>, vector<16xf32>,
        %add3A_246 = arith.addf %get3A_243, %get3A_245 : vector<16xf32>
        %swap3A_247 = arith.index_cast %add3A_241 : i32 to index
        %swap3A_248 = tpu.vector_load %arg10[%swap3A_247] {strides = array<i32>} : memref<6272xf32, #tpu.memory_space<vmem>>, vector<16xf32>,
        tpu.vector_store %arg10[%swap3A_247], %add3A_246 {strides = array<i32>} : memref<6272xf32, #tpu.memory_space<vmem>>, vector<16xf32>,
        %add3A_249 = arith.constant 48 : i32
        %add3A_250 = arith.addi %mul3A_223, %add3A_249 : i32
        %get3A_251 = arith.index_cast %add3A_250 : i32 to index
        %get3A_252 = tpu.vector_load %arg10[%get3A_251] {strides = array<i32>} : memref<6272xf32, #tpu.memory_space<vmem>>, vector<16xf32>,
        %get3A_253 = arith.index_cast %add3A_250 : i32 to index
        %get3A_254 = tpu.vector_load %arg9[%get3A_253] {strides = array<i32>} : memref<6272xf32, #tpu.memory_space<vmem>>, vector<16xf32>,
        %add3A_255 = arith.addf %get3A_252, %get3A_254 : vector<16xf32>
        %swap3A_256 = arith.index_cast %add3A_250 : i32 to index
        %swap3A_257 = tpu.vector_load %arg10[%swap3A_256] {strides = array<i32>} : memref<6272xf32, #tpu.memory_space<vmem>>, vector<16xf32>,
        tpu.vector_store %arg10[%swap3A_256], %add3A_255 {strides = array<i32>} : memref<6272xf32, #tpu.memory_space<vmem>>, vector<16xf32>,
        %add3A_258 = arith.constant 64 : i32
        %add3A_259 = arith.addi %mul3A_223, %add3A_258 : i32
        %get3A_260 = arith.index_cast %add3A_259 : i32 to index
        %get3A_261 = tpu.vector_load %arg10[%get3A_260] {strides = array<i32>} : memref<6272xf32, #tpu.memory_space<vmem>>, vector<16xf32>,
        %get3A_262 = arith.index_cast %add3A_259 : i32 to index
        %get3A_263 = tpu.vector_load %arg9[%get3A_262] {strides = array<i32>} : memref<6272xf32, #tpu.memory_space<vmem>>, vector<16xf32>,
        %add3A_264 = arith.addf %get3A_261, %get3A_263 : vector<16xf32>
        %swap3A_265 = arith.index_cast %add3A_259 : i32 to index
        %swap3A_266 = tpu.vector_load %arg10[%swap3A_265] {strides = array<i32>} : memref<6272xf32, #tpu.memory_space<vmem>>, vector<16xf32>,
        tpu.vector_store %arg10[%swap3A_265], %add3A_264 {strides = array<i32>} : memref<6272xf32, #tpu.memory_space<vmem>>, vector<16xf32>,
        %add3A_267 = arith.constant 80 : i32
        %add3A_268 = arith.addi %mul3A_223, %add3A_267 : i32
        %get3A_269 = arith.index_cast %add3A_268 : i32 to index
        %get3A_270 = tpu.vector_load %arg10[%get3A_269] {strides = array<i32>} : memref<6272xf32, #tpu.memory_space<vmem>>, vector<16xf32>,
        %get3A_271 = arith.index_cast %add3A_268 : i32 to index
        %get3A_272 = tpu.vector_load %arg9[%get3A_271] {strides = array<i32>} : memref<6272xf32, #tpu.memory_space<vmem>>, vector<16xf32>,
        %add3A_273 = arith.addf %get3A_270, %get3A_272 : vector<16xf32>
        %swap3A_274 = arith.index_cast %add3A_268 : i32 to index
        %swap3A_275 = tpu.vector_load %arg10[%swap3A_274] {strides = array<i32>} : memref<6272xf32, #tpu.memory_space<vmem>>, vector<16xf32>,
        tpu.vector_store %arg10[%swap3A_274], %add3A_273 {strides = array<i32>} : memref<6272xf32, #tpu.memory_space<vmem>>, vector<16xf32>,
        %add3A_276 = arith.constant 96 : i32
        %add3A_277 = arith.addi %mul3A_223, %add3A_276 : i32
        %get3A_278 = arith.index_cast %add3A_277 : i32 to index
        %get3A_279 = tpu.vector_load %arg10[%get3A_278] {strides = array<i32>} : memref<6272xf32, #tpu.memory_space<vmem>>, vector<16xf32>,
        %get3A_280 = arith.index_cast %add3A_277 : i32 to index
        %get3A_281 = tpu.vector_load %arg9[%get3A_280] {strides = array<i32>} : memref<6272xf32, #tpu.memory_space<vmem>>, vector<16xf32>,
        %add3A_282 = arith.addf %get3A_279, %get3A_281 : vector<16xf32>
        %swap3A_283 = arith.index_cast %add3A_277 : i32 to index
        %swap3A_284 = tpu.vector_load %arg10[%swap3A_283] {strides = array<i32>} : memref<6272xf32, #tpu.memory_space<vmem>>, vector<16xf32>,
        tpu.vector_store %arg10[%swap3A_283], %add3A_282 {strides = array<i32>} : memref<6272xf32, #tpu.memory_space<vmem>>, vector<16xf32>,
        %add3A_285 = arith.constant 112 : i32
        %add3A_286 = arith.addi %mul3A_223, %add3A_285 : i32
        %get3A_287 = arith.index_cast %add3A_286 : i32 to index
        %get3A_288 = tpu.vector_load %arg10[%get3A_287] {strides = array<i32>} : memref<6272xf32, #tpu.memory_space<vmem>>, vector<16xf32>,
        %get3A_289 = arith.index_cast %add3A_286 : i32 to index
        %get3A_290 = tpu.vector_load %arg9[%get3A_289] {strides = array<i32>} : memref<6272xf32, #tpu.memory_space<vmem>>, vector<16xf32>,
        %add3A_291 = arith.addf %get3A_288, %get3A_290 : vector<16xf32>
        %swap3A_292 = arith.index_cast %add3A_286 : i32 to index
        %swap3A_293 = tpu.vector_load %arg10[%swap3A_292] {strides = array<i32>} : memref<6272xf32, #tpu.memory_space<vmem>>, vector<16xf32>,
        tpu.vector_store %arg10[%swap3A_292], %add3A_291 {strides = array<i32>} : memref<6272xf32, #tpu.memory_space<vmem>>, vector<16xf32>,
      }
      %scan3A_150 = arith.constant 49 : i32
      %dma_wait3A_151 = arith.constant 0 : i32
      %dma_wait3A_152 = tpu.memref_slice %arg11[%dma_wait3A_151] : memref<1404928xf32, #tpu.memory_space<vmem_shared>> -> memref<1404928xf32, #tpu.memory_space<vmem_shared>>
      tpu.wait_indirect_dma semaphore(%arg13 : memref<!tpu.dma_semaphore, #tpu.memory_space<semaphore_mem>>) src(%dma_wait3A_152 : memref<1404928xf32, #tpu.memory_space<vmem_shared>>) dst(%arg8 : memref<6272xf32, #tpu.memory_space<vmem>>)
      %dma_wait3A_153 = tpu.memref_slice %arg2[%add3A_142] : memref<2709504xi32, #tpu.memory_space<hbm>> -> memref<6272xi32, #tpu.memory_space<hbm>>
      %dma_wait3A_154 = tpu.memref_slice %arg2[%add3A_142] : memref<2709504xi32, #tpu.memory_space<hbm>> -> memref<6272xi32, #tpu.memory_space<hbm>>
      tpu.wait_dma2 semaphore(%arg12 : memref<!tpu.dma_semaphore, #tpu.memory_space<semaphore_mem>>) src(%dma_wait3A_154 : memref<6272xi32, #tpu.memory_space<hbm>>) dst(%arg7 : memref<6272xi32, #tpu.memory_space<vmem>>)
      %dma_start3A_155 = arith.constant 0 : i32
      %dma_start3A_156 = tpu.memref_slice %arg11[%dma_start3A_155] : memref<1404928xf32, #tpu.memory_space<vmem_shared>> -> memref<1404928xf32, #tpu.memory_space<vmem_shared>>
      tpu.enqueue_indirect_dma source(%dma_start3A_156 : memref<1404928xf32, #tpu.memory_space<vmem_shared>>) target(%arg9 : memref<6272xf32, #tpu.memory_space<vmem>>) offsets(%arg7 : memref<6272xi32, #tpu.memory_space<vmem>>) semaphore(%arg13 : memref<!tpu.dma_semaphore, #tpu.memory_space<semaphore_mem>>)
      %add3A_157 = arith.constant 1003520 : i32
      %add3A_158 = arith.addi %add3A_15, %add3A_157 : i32
      %dma_start3A_159 = tpu.memref_slice %arg2[%add3A_158] : memref<2709504xi32, #tpu.memory_space<hbm>> -> memref<6272xi32, #tpu.memory_space<hbm>>
      %dma_start3A_160 = tpu.memref_slice %arg2[%add3A_158] : memref<2709504xi32, #tpu.memory_space<hbm>> -> memref<6272xi32, #tpu.memory_space<hbm>>
      tpu.enqueue_dma source(%dma_start3A_160 : memref<6272xi32, #tpu.memory_space<hbm>>) target(%arg6 : memref<6272xi32, #tpu.memory_space<vmem>>) target_semaphore(%arg12 : memref<!tpu.dma_semaphore, #tpu.memory_space<semaphore_mem>>)
      %scan3A_161 = arith.constant 0 : i32
      %scan3A_162 = arith.constant 0 : i32
      %scan3A_163 = arith.constant 49 : i32
      %scan3A_164 = arith.addi %scan3A_162, %scan3A_163 : i32
      %scan3A_165 = arith.constant 1 : i32
      scf.for %scan3A_221 = %scan3A_162 to %scan3A_164 step %scan3A_165  : i32 {
        %mul3A_222 = arith.constant 128 : i32
        %mul3A_223 = arith.muli %scan3A_221, %mul3A_222 : i32
        %add3A_224 = arith.constant 0 : i32
        %add3A_225 = arith.addi %mul3A_223, %add3A_224 : i32
        %get3A = arith.index_cast %add3A_225 : i32 to index
        %get3A_226 = tpu.vector_load %arg10[%get3A] {strides = array<i32>} : memref<6272xf32, #tpu.memory_space<vmem>>, vector<16xf32>,
        %get3A_227 = arith.index_cast %add3A_225 : i32 to index
        %get3A_228 = tpu.vector_load %arg8[%get3A_227] {strides = array<i32>} : memref<6272xf32, #tpu.memory_space<vmem>>, vector<16xf32>,
        %add3A_229 = arith.addf %get3A_226, %get3A_228 : vector<16xf32>
        %swap3A = arith.index_cast %add3A_225 : i32 to index
        %swap3A_230 = tpu.vector_load %arg10[%swap3A] {strides = array<i32>} : memref<6272xf32, #tpu.memory_space<vmem>>, vector<16xf32>,
        tpu.vector_store %arg10[%swap3A], %add3A_229 {strides = array<i32>} : memref<6272xf32, #tpu.memory_space<vmem>>, vector<16xf32>,
        %add3A_231 = arith.constant 16 : i32
        %add3A_232 = arith.addi %mul3A_223, %add3A_231 : i32
        %get3A_233 = arith.index_cast %add3A_232 : i32 to index
        %get3A_234 = tpu.vector_load %arg10[%get3A_233] {strides = array<i32>} : memref<6272xf32, #tpu.memory_space<vmem>>, vector<16xf32>,
        %get3A_235 = arith.index_cast %add3A_232 : i32 to index
        %get3A_236 = tpu.vector_load %arg8[%get3A_235] {strides = array<i32>} : memref<6272xf32, #tpu.memory_space<vmem>>, vector<16xf32>,
        %add3A_237 = arith.addf %get3A_234, %get3A_236 : vector<16xf32>
        %swap3A_238 = arith.index_cast %add3A_232 : i32 to index
        %swap3A_239 = tpu.vector_load %arg10[%swap3A_238] {strides = array<i32>} : memref<6272xf32, #tpu.memory_space<vmem>>, vector<16xf32>,
        tpu.vector_store %arg10[%swap3A_238], %add3A_237 {strides = array<i32>} : memref<6272xf32, #tpu.memory_space<vmem>>, vector<16xf32>,
        %add3A_240 = arith.constant 32 : i32
        %add3A_241 = arith.addi %mul3A_223, %add3A_240 : i32
        %get3A_242 = arith.index_cast %add3A_241 : i32 to index
        %get3A_243 = tpu.vector_load %arg10[%get3A_242] {strides = array<i32>} : memref<6272xf32, #tpu.memory_space<vmem>>, vector<16xf32>,
        %get3A_244 = arith.index_cast %add3A_241 : i32 to index
        %get3A_245 = tpu.vector_load %arg8[%get3A_244] {strides = array<i32>} : memref<6272xf32, #tpu.memory_space<vmem>>, vector<16xf32>,
        %add3A_246 = arith.addf %get3A_243, %get3A_245 : vector<16xf32>
        %swap3A_247 = arith.index_cast %add3A_241 : i32 to index
        %swap3A_248 = tpu.vector_load %arg10[%swap3A_247] {strides = array<i32>} : memref<6272xf32, #tpu.memory_space<vmem>>, vector<16xf32>,
        tpu.vector_store %arg10[%swap3A_247], %add3A_246 {strides = array<i32>} : memref<6272xf32, #tpu.memory_space<vmem>>, vector<16xf32>,
        %add3A_249 = arith.constant 48 : i32
        %add3A_250 = arith.addi %mul3A_223, %add3A_249 : i32
        %get3A_251 = arith.index_cast %add3A_250 : i32 to index
        %get3A_252 = tpu.vector_load %arg10[%get3A_251] {strides = array<i32>} : memref<6272xf32, #tpu.memory_space<vmem>>, vector<16xf32>,
        %get3A_253 = arith.index_cast %add3A_250 : i32 to index
        %get3A_254 = tpu.vector_load %arg8[%get3A_253] {strides = array<i32>} : memref<6272xf32, #tpu.memory_space<vmem>>, vector<16xf32>,
        %add3A_255 = arith.addf %get3A_252, %get3A_254 : vector<16xf32>
        %swap3A_256 = arith.index_cast %add3A_250 : i32 to index
        %swap3A_257 = tpu.vector_load %arg10[%swap3A_256] {strides = array<i32>} : memref<6272xf32, #tpu.memory_space<vmem>>, vector<16xf32>,
        tpu.vector_store %arg10[%swap3A_256], %add3A_255 {strides = array<i32>} : memref<6272xf32, #tpu.memory_space<vmem>>, vector<16xf32>,
        %add3A_258 = arith.constant 64 : i32
        %add3A_259 = arith.addi %mul3A_223, %add3A_258 : i32
        %get3A_260 = arith.index_cast %add3A_259 : i32 to index
        %get3A_261 = tpu.vector_load %arg10[%get3A_260] {strides = array<i32>} : memref<6272xf32, #tpu.memory_space<vmem>>, vector<16xf32>,
        %get3A_262 = arith.index_cast %add3A_259 : i32 to index
        %get3A_263 = tpu.vector_load %arg8[%get3A_262] {strides = array<i32>} : memref<6272xf32, #tpu.memory_space<vmem>>, vector<16xf32>,
        %add3A_264 = arith.addf %get3A_261, %get3A_263 : vector<16xf32>
        %swap3A_265 = arith.index_cast %add3A_259 : i32 to index
        %swap3A_266 = tpu.vector_load %arg10[%swap3A_265] {strides = array<i32>} : memref<6272xf32, #tpu.memory_space<vmem>>, vector<16xf32>,
        tpu.vector_store %arg10[%swap3A_265], %add3A_264 {strides = array<i32>} : memref<6272xf32, #tpu.memory_space<vmem>>, vector<16xf32>,
        %add3A_267 = arith.constant 80 : i32
        %add3A_268 = arith.addi %mul3A_223, %add3A_267 : i32
        %get3A_269 = arith.index_cast %add3A_268 : i32 to index
        %get3A_270 = tpu.vector_load %arg10[%get3A_269] {strides = array<i32>} : memref<6272xf32, #tpu.memory_space<vmem>>, vector<16xf32>,
        %get3A_271 = arith.index_cast %add3A_268 : i32 to index
        %get3A_272 = tpu.vector_load %arg8[%get3A_271] {strides = array<i32>} : memref<6272xf32, #tpu.memory_space<vmem>>, vector<16xf32>,
        %add3A_273 = arith.addf %get3A_270, %get3A_272 : vector<16xf32>
        %swap3A_274 = arith.index_cast %add3A_268 : i32 to index
        %swap3A_275 = tpu.vector_load %arg10[%swap3A_274] {strides = array<i32>} : memref<6272xf32, #tpu.memory_space<vmem>>, vector<16xf32>,
        tpu.vector_store %arg10[%swap3A_274], %add3A_273 {strides = array<i32>} : memref<6272xf32, #tpu.memory_space<vmem>>, vector<16xf32>,
        %add3A_276 = arith.constant 96 : i32
        %add3A_277 = arith.addi %mul3A_223, %add3A_276 : i32
        %get3A_278 = arith.index_cast %add3A_277 : i32 to index
        %get3A_279 = tpu.vector_load %arg10[%get3A_278] {strides = array<i32>} : memref<6272xf32, #tpu.memory_space<vmem>>, vector<16xf32>,
        %get3A_280 = arith.index_cast %add3A_277 : i32 to index
        %get3A_281 = tpu.vector_load %arg8[%get3A_280] {strides = array<i32>} : memref<6272xf32, #tpu.memory_space<vmem>>, vector<16xf32>,
        %add3A_282 = arith.addf %get3A_279, %get3A_281 : vector<16xf32>
        %swap3A_283 = arith.index_cast %add3A_277 : i32 to index
        %swap3A_284 = tpu.vector_load %arg10[%swap3A_283] {strides = array<i32>} : memref<6272xf32, #tpu.memory_space<vmem>>, vector<16xf32>,
        tpu.vector_store %arg10[%swap3A_283], %add3A_282 {strides = array<i32>} : memref<6272xf32, #tpu.memory_space<vmem>>, vector<16xf32>,
        %add3A_285 = arith.constant 112 : i32
        %add3A_286 = arith.addi %mul3A_223, %add3A_285 : i32
        %get3A_287 = arith.index_cast %add3A_286 : i32 to index
        %get3A_288 = tpu.vector_load %arg10[%get3A_287] {strides = array<i32>} : memref<6272xf32, #tpu.memory_space<vmem>>, vector<16xf32>,
        %get3A_289 = arith.index_cast %add3A_286 : i32 to index
        %get3A_290 = tpu.vector_load %arg8[%get3A_289] {strides = array<i32>} : memref<6272xf32, #tpu.memory_space<vmem>>, vector<16xf32>,
        %add3A_291 = arith.addf %get3A_288, %get3A_290 : vector<16xf32>
        %swap3A_292 = arith.index_cast %add3A_286 : i32 to index
        %swap3A_293 = tpu.vector_load %arg10[%swap3A_292] {strides = array<i32>} : memref<6272xf32, #tpu.memory_space<vmem>>, vector<16xf32>,
        tpu.vector_store %arg10[%swap3A_292], %add3A_291 {strides = array<i32>} : memref<6272xf32, #tpu.memory_space<vmem>>, vector<16xf32>,
      }
      %scan3A_166 = arith.constant 49 : i32
      %dma_wait3A_167 = arith.constant 0 : i32
      %dma_wait3A_168 = tpu.memref_slice %arg11[%dma_wait3A_167] : memref<1404928xf32, #tpu.memory_space<vmem_shared>> -> memref<1404928xf32, #tpu.memory_space<vmem_shared>>
      tpu.wait_indirect_dma semaphore(%arg13 : memref<!tpu.dma_semaphore, #tpu.memory_space<semaphore_mem>>) src(%dma_wait3A_168 : memref<1404928xf32, #tpu.memory_space<vmem_shared>>) dst(%arg9 : memref<6272xf32, #tpu.memory_space<vmem>>)
      %dma_wait3A_169 = tpu.memref_slice %arg2[%add3A_158] : memref<2709504xi32, #tpu.memory_space<hbm>> -> memref<6272xi32, #tpu.memory_space<hbm>>
      %dma_wait3A_170 = tpu.memref_slice %arg2[%add3A_158] : memref<2709504xi32, #tpu.memory_space<hbm>> -> memref<6272xi32, #tpu.memory_space<hbm>>
      tpu.wait_dma2 semaphore(%arg12 : memref<!tpu.dma_semaphore, #tpu.memory_space<semaphore_mem>>) src(%dma_wait3A_170 : memref<6272xi32, #tpu.memory_space<hbm>>) dst(%arg6 : memref<6272xi32, #tpu.memory_space<vmem>>)
      %dma_start3A_171 = arith.constant 0 : i32
      %dma_start3A_172 = tpu.memref_slice %arg11[%dma_start3A_171] : memref<1404928xf32, #tpu.memory_space<vmem_shared>> -> memref<1404928xf32, #tpu.memory_space<vmem_shared>>
      tpu.enqueue_indirect_dma source(%dma_start3A_172 : memref<1404928xf32, #tpu.memory_space<vmem_shared>>) target(%arg8 : memref<6272xf32, #tpu.memory_space<vmem>>) offsets(%arg6 : memref<6272xi32, #tpu.memory_space<vmem>>) semaphore(%arg13 : memref<!tpu.dma_semaphore, #tpu.memory_space<semaphore_mem>>)
      %add3A_173 = arith.constant 1103872 : i32
      %add3A_174 = arith.addi %add3A_15, %add3A_173 : i32
      %dma_start3A_175 = tpu.memref_slice %arg2[%add3A_174] : memref<2709504xi32, #tpu.memory_space<hbm>> -> memref<6272xi32, #tpu.memory_space<hbm>>
      %dma_start3A_176 = tpu.memref_slice %arg2[%add3A_174] : memref<2709504xi32, #tpu.memory_space<hbm>> -> memref<6272xi32, #tpu.memory_space<hbm>>
      tpu.enqueue_dma source(%dma_start3A_176 : memref<6272xi32, #tpu.memory_space<hbm>>) target(%arg7 : memref<6272xi32, #tpu.memory_space<vmem>>) target_semaphore(%arg12 : memref<!tpu.dma_semaphore, #tpu.memory_space<semaphore_mem>>)
      %scan3A_177 = arith.constant 0 : i32
      %scan3A_178 = arith.constant 0 : i32
      %scan3A_179 = arith.constant 49 : i32
      %scan3A_180 = arith.addi %scan3A_178, %scan3A_179 : i32
      %scan3A_181 = arith.constant 1 : i32
      scf.for %scan3A_221 = %scan3A_178 to %scan3A_180 step %scan3A_181  : i32 {
        %mul3A_222 = arith.constant 128 : i32
        %mul3A_223 = arith.muli %scan3A_221, %mul3A_222 : i32
        %add3A_224 = arith.constant 0 : i32
        %add3A_225 = arith.addi %mul3A_223, %add3A_224 : i32
        %get3A = arith.index_cast %add3A_225 : i32 to index
        %get3A_226 = tpu.vector_load %arg10[%get3A] {strides = array<i32>} : memref<6272xf32, #tpu.memory_space<vmem>>, vector<16xf32>,
        %get3A_227 = arith.index_cast %add3A_225 : i32 to index
        %get3A_228 = tpu.vector_load %arg9[%get3A_227] {strides = array<i32>} : memref<6272xf32, #tpu.memory_space<vmem>>, vector<16xf32>,
        %add3A_229 = arith.addf %get3A_226, %get3A_228 : vector<16xf32>
        %swap3A = arith.index_cast %add3A_225 : i32 to index
        %swap3A_230 = tpu.vector_load %arg10[%swap3A] {strides = array<i32>} : memref<6272xf32, #tpu.memory_space<vmem>>, vector<16xf32>,
        tpu.vector_store %arg10[%swap3A], %add3A_229 {strides = array<i32>} : memref<6272xf32, #tpu.memory_space<vmem>>, vector<16xf32>,
        %add3A_231 = arith.constant 16 : i32
        %add3A_232 = arith.addi %mul3A_223, %add3A_231 : i32
        %get3A_233 = arith.index_cast %add3A_232 : i32 to index
        %get3A_234 = tpu.vector_load %arg10[%get3A_233] {strides = array<i32>} : memref<6272xf32, #tpu.memory_space<vmem>>, vector<16xf32>,
        %get3A_235 = arith.index_cast %add3A_232 : i32 to index
        %get3A_236 = tpu.vector_load %arg9[%get3A_235] {strides = array<i32>} : memref<6272xf32, #tpu.memory_space<vmem>>, vector<16xf32>,
        %add3A_237 = arith.addf %get3A_234, %get3A_236 : vector<16xf32>
        %swap3A_238 = arith.index_cast %add3A_232 : i32 to index
        %swap3A_239 = tpu.vector_load %arg10[%swap3A_238] {strides = array<i32>} : memref<6272xf32, #tpu.memory_space<vmem>>, vector<16xf32>,
        tpu.vector_store %arg10[%swap3A_238], %add3A_237 {strides = array<i32>} : memref<6272xf32, #tpu.memory_space<vmem>>, vector<16xf32>,
        %add3A_240 = arith.constant 32 : i32
        %add3A_241 = arith.addi %mul3A_223, %add3A_240 : i32
        %get3A_242 = arith.index_cast %add3A_241 : i32 to index
        %get3A_243 = tpu.vector_load %arg10[%get3A_242] {strides = array<i32>} : memref<6272xf32, #tpu.memory_space<vmem>>, vector<16xf32>,
        %get3A_244 = arith.index_cast %add3A_241 : i32 to index
        %get3A_245 = tpu.vector_load %arg9[%get3A_244] {strides = array<i32>} : memref<6272xf32, #tpu.memory_space<vmem>>, vector<16xf32>,
        %add3A_246 = arith.addf %get3A_243, %get3A_245 : vector<16xf32>
        %swap3A_247 = arith.index_cast %add3A_241 : i32 to index
        %swap3A_248 = tpu.vector_load %arg10[%swap3A_247] {strides = array<i32>} : memref<6272xf32, #tpu.memory_space<vmem>>, vector<16xf32>,
        tpu.vector_store %arg10[%swap3A_247], %add3A_246 {strides = array<i32>} : memref<6272xf32, #tpu.memory_space<vmem>>, vector<16xf32>,
        %add3A_249 = arith.constant 48 : i32
        %add3A_250 = arith.addi %mul3A_223, %add3A_249 : i32
        %get3A_251 = arith.index_cast %add3A_250 : i32 to index
        %get3A_252 = tpu.vector_load %arg10[%get3A_251] {strides = array<i32>} : memref<6272xf32, #tpu.memory_space<vmem>>, vector<16xf32>,
        %get3A_253 = arith.index_cast %add3A_250 : i32 to index
        %get3A_254 = tpu.vector_load %arg9[%get3A_253] {strides = array<i32>} : memref<6272xf32, #tpu.memory_space<vmem>>, vector<16xf32>,
        %add3A_255 = arith.addf %get3A_252, %get3A_254 : vector<16xf32>
        %swap3A_256 = arith.index_cast %add3A_250 : i32 to index
        %swap3A_257 = tpu.vector_load %arg10[%swap3A_256] {strides = array<i32>} : memref<6272xf32, #tpu.memory_space<vmem>>, vector<16xf32>,
        tpu.vector_store %arg10[%swap3A_256], %add3A_255 {strides = array<i32>} : memref<6272xf32, #tpu.memory_space<vmem>>, vector<16xf32>,
        %add3A_258 = arith.constant 64 : i32
        %add3A_259 = arith.addi %mul3A_223, %add3A_258 : i32
        %get3A_260 = arith.index_cast %add3A_259 : i32 to index
        %get3A_261 = tpu.vector_load %arg10[%get3A_260] {strides = array<i32>} : memref<6272xf32, #tpu.memory_space<vmem>>, vector<16xf32>,
        %get3A_262 = arith.index_cast %add3A_259 : i32 to index
        %get3A_263 = tpu.vector_load %arg9[%get3A_262] {strides = array<i32>} : memref<6272xf32, #tpu.memory_space<vmem>>, vector<16xf32>,
        %add3A_264 = arith.addf %get3A_261, %get3A_263 : vector<16xf32>
        %swap3A_265 = arith.index_cast %add3A_259 : i32 to index
        %swap3A_266 = tpu.vector_load %arg10[%swap3A_265] {strides = array<i32>} : memref<6272xf32, #tpu.memory_space<vmem>>, vector<16xf32>,
        tpu.vector_store %arg10[%swap3A_265], %add3A_264 {strides = array<i32>} : memref<6272xf32, #tpu.memory_space<vmem>>, vector<16xf32>,
        %add3A_267 = arith.constant 80 : i32
        %add3A_268 = arith.addi %mul3A_223, %add3A_267 : i32
        %get3A_269 = arith.index_cast %add3A_268 : i32 to index
        %get3A_270 = tpu.vector_load %arg10[%get3A_269] {strides = array<i32>} : memref<6272xf32, #tpu.memory_space<vmem>>, vector<16xf32>,
        %get3A_271 = arith.index_cast %add3A_268 : i32 to index
        %get3A_272 = tpu.vector_load %arg9[%get3A_271] {strides = array<i32>} : memref<6272xf32, #tpu.memory_space<vmem>>, vector<16xf32>,
        %add3A_273 = arith.addf %get3A_270, %get3A_272 : vector<16xf32>
        %swap3A_274 = arith.index_cast %add3A_268 : i32 to index
        %swap3A_275 = tpu.vector_load %arg10[%swap3A_274] {strides = array<i32>} : memref<6272xf32, #tpu.memory_space<vmem>>, vector<16xf32>,
        tpu.vector_store %arg10[%swap3A_274], %add3A_273 {strides = array<i32>} : memref<6272xf32, #tpu.memory_space<vmem>>, vector<16xf32>,
        %add3A_276 = arith.constant 96 : i32
        %add3A_277 = arith.addi %mul3A_223, %add3A_276 : i32
        %get3A_278 = arith.index_cast %add3A_277 : i32 to index
        %get3A_279 = tpu.vector_load %arg10[%get3A_278] {strides = array<i32>} : memref<6272xf32, #tpu.memory_space<vmem>>, vector<16xf32>,
        %get3A_280 = arith.index_cast %add3A_277 : i32 to index
        %get3A_281 = tpu.vector_load %arg9[%get3A_280] {strides = array<i32>} : memref<6272xf32, #tpu.memory_space<vmem>>, vector<16xf32>,
        %add3A_282 = arith.addf %get3A_279, %get3A_281 : vector<16xf32>
        %swap3A_283 = arith.index_cast %add3A_277 : i32 to index
        %swap3A_284 = tpu.vector_load %arg10[%swap3A_283] {strides = array<i32>} : memref<6272xf32, #tpu.memory_space<vmem>>, vector<16xf32>,
        tpu.vector_store %arg10[%swap3A_283], %add3A_282 {strides = array<i32>} : memref<6272xf32, #tpu.memory_space<vmem>>, vector<16xf32>,
        %add3A_285 = arith.constant 112 : i32
        %add3A_286 = arith.addi %mul3A_223, %add3A_285 : i32
        %get3A_287 = arith.index_cast %add3A_286 : i32 to index
        %get3A_288 = tpu.vector_load %arg10[%get3A_287] {strides = array<i32>} : memref<6272xf32, #tpu.memory_space<vmem>>, vector<16xf32>,
        %get3A_289 = arith.index_cast %add3A_286 : i32 to index
        %get3A_290 = tpu.vector_load %arg9[%get3A_289] {strides = array<i32>} : memref<6272xf32, #tpu.memory_space<vmem>>, vector<16xf32>,
        %add3A_291 = arith.addf %get3A_288, %get3A_290 : vector<16xf32>
        %swap3A_292 = arith.index_cast %add3A_286 : i32 to index
        %swap3A_293 = tpu.vector_load %arg10[%swap3A_292] {strides = array<i32>} : memref<6272xf32, #tpu.memory_space<vmem>>, vector<16xf32>,
        tpu.vector_store %arg10[%swap3A_292], %add3A_291 {strides = array<i32>} : memref<6272xf32, #tpu.memory_space<vmem>>, vector<16xf32>,
      }
      %scan3A_182 = arith.constant 49 : i32
      %dma_wait3A_183 = arith.constant 0 : i32
      %dma_wait3A_184 = tpu.memref_slice %arg11[%dma_wait3A_183] : memref<1404928xf32, #tpu.memory_space<vmem_shared>> -> memref<1404928xf32, #tpu.memory_space<vmem_shared>>
      tpu.wait_indirect_dma semaphore(%arg13 : memref<!tpu.dma_semaphore, #tpu.memory_space<semaphore_mem>>) src(%dma_wait3A_184 : memref<1404928xf32, #tpu.memory_space<vmem_shared>>) dst(%arg8 : memref<6272xf32, #tpu.memory_space<vmem>>)
      %dma_wait3A_185 = tpu.memref_slice %arg2[%add3A_174] : memref<2709504xi32, #tpu.memory_space<hbm>> -> memref<6272xi32, #tpu.memory_space<hbm>>
      %dma_wait3A_186 = tpu.memref_slice %arg2[%add3A_174] : memref<2709504xi32, #tpu.memory_space<hbm>> -> memref<6272xi32, #tpu.memory_space<hbm>>
      tpu.wait_dma2 semaphore(%arg12 : memref<!tpu.dma_semaphore, #tpu.memory_space<semaphore_mem>>) src(%dma_wait3A_186 : memref<6272xi32, #tpu.memory_space<hbm>>) dst(%arg7 : memref<6272xi32, #tpu.memory_space<vmem>>)
      %dma_start3A_187 = arith.constant 0 : i32
      %dma_start3A_188 = tpu.memref_slice %arg11[%dma_start3A_187] : memref<1404928xf32, #tpu.memory_space<vmem_shared>> -> memref<1404928xf32, #tpu.memory_space<vmem_shared>>
      tpu.enqueue_indirect_dma source(%dma_start3A_188 : memref<1404928xf32, #tpu.memory_space<vmem_shared>>) target(%arg9 : memref<6272xf32, #tpu.memory_space<vmem>>) offsets(%arg7 : memref<6272xi32, #tpu.memory_space<vmem>>) semaphore(%arg13 : memref<!tpu.dma_semaphore, #tpu.memory_space<semaphore_mem>>)
      %add3A_189 = arith.constant 1204224 : i32
      %add3A_190 = arith.addi %add3A_15, %add3A_189 : i32
      %dma_start3A_191 = tpu.memref_slice %arg2[%add3A_190] : memref<2709504xi32, #tpu.memory_space<hbm>> -> memref<6272xi32, #tpu.memory_space<hbm>>
      %dma_start3A_192 = tpu.memref_slice %arg2[%add3A_190] : memref<2709504xi32, #tpu.memory_space<hbm>> -> memref<6272xi32, #tpu.memory_space<hbm>>
      tpu.enqueue_dma source(%dma_start3A_192 : memref<6272xi32, #tpu.memory_space<hbm>>) target(%arg6 : memref<6272xi32, #tpu.memory_space<vmem>>) target_semaphore(%arg12 : memref<!tpu.dma_semaphore, #tpu.memory_space<semaphore_mem>>)
      %scan3A_193 = arith.constant 0 : i32
      %scan3A_194 = arith.constant 0 : i32
      %scan3A_195 = arith.constant 49 : i32
      %scan3A_196 = arith.addi %scan3A_194, %scan3A_195 : i32
      %scan3A_197 = arith.constant 1 : i32
      scf.for %scan3A_221 = %scan3A_194 to %scan3A_196 step %scan3A_197  : i32 {
        %mul3A_222 = arith.constant 128 : i32
        %mul3A_223 = arith.muli %scan3A_221, %mul3A_222 : i32
        %add3A_224 = arith.constant 0 : i32
        %add3A_225 = arith.addi %mul3A_223, %add3A_224 : i32
        %get3A = arith.index_cast %add3A_225 : i32 to index
        %get3A_226 = tpu.vector_load %arg10[%get3A] {strides = array<i32>} : memref<6272xf32, #tpu.memory_space<vmem>>, vector<16xf32>,
        %get3A_227 = arith.index_cast %add3A_225 : i32 to index
        %get3A_228 = tpu.vector_load %arg8[%get3A_227] {strides = array<i32>} : memref<6272xf32, #tpu.memory_space<vmem>>, vector<16xf32>,
        %add3A_229 = arith.addf %get3A_226, %get3A_228 : vector<16xf32>
        %swap3A = arith.index_cast %add3A_225 : i32 to index
        %swap3A_230 = tpu.vector_load %arg10[%swap3A] {strides = array<i32>} : memref<6272xf32, #tpu.memory_space<vmem>>, vector<16xf32>,
        tpu.vector_store %arg10[%swap3A], %add3A_229 {strides = array<i32>} : memref<6272xf32, #tpu.memory_space<vmem>>, vector<16xf32>,
        %add3A_231 = arith.constant 16 : i32
        %add3A_232 = arith.addi %mul3A_223, %add3A_231 : i32
        %get3A_233 = arith.index_cast %add3A_232 : i32 to index
        %get3A_234 = tpu.vector_load %arg10[%get3A_233] {strides = array<i32>} : memref<6272xf32, #tpu.memory_space<vmem>>, vector<16xf32>,
        %get3A_235 = arith.index_cast %add3A_232 : i32 to index
        %get3A_236 = tpu.vector_load %arg8[%get3A_235] {strides = array<i32>} : memref<6272xf32, #tpu.memory_space<vmem>>, vector<16xf32>,
        %add3A_237 = arith.addf %get3A_234, %get3A_236 : vector<16xf32>
        %swap3A_238 = arith.index_cast %add3A_232 : i32 to index
        %swap3A_239 = tpu.vector_load %arg10[%swap3A_238] {strides = array<i32>} : memref<6272xf32, #tpu.memory_space<vmem>>, vector<16xf32>,
        tpu.vector_store %arg10[%swap3A_238], %add3A_237 {strides = array<i32>} : memref<6272xf32, #tpu.memory_space<vmem>>, vector<16xf32>,
        %add3A_240 = arith.constant 32 : i32
        %add3A_241 = arith.addi %mul3A_223, %add3A_240 : i32
        %get3A_242 = arith.index_cast %add3A_241 : i32 to index
        %get3A_243 = tpu.vector_load %arg10[%get3A_242] {strides = array<i32>} : memref<6272xf32, #tpu.memory_space<vmem>>, vector<16xf32>,
        %get3A_244 = arith.index_cast %add3A_241 : i32 to index
        %get3A_245 = tpu.vector_load %arg8[%get3A_244] {strides = array<i32>} : memref<6272xf32, #tpu.memory_space<vmem>>, vector<16xf32>,
        %add3A_246 = arith.addf %get3A_243, %get3A_245 : vector<16xf32>
        %swap3A_247 = arith.index_cast %add3A_241 : i32 to index
        %swap3A_248 = tpu.vector_load %arg10[%swap3A_247] {strides = array<i32>} : memref<6272xf32, #tpu.memory_space<vmem>>, vector<16xf32>,
        tpu.vector_store %arg10[%swap3A_247], %add3A_246 {strides = array<i32>} : memref<6272xf32, #tpu.memory_space<vmem>>, vector<16xf32>,
        %add3A_249 = arith.constant 48 : i32
        %add3A_250 = arith.addi %mul3A_223, %add3A_249 : i32
        %get3A_251 = arith.index_cast %add3A_250 : i32 to index
        %get3A_252 = tpu.vector_load %arg10[%get3A_251] {strides = array<i32>} : memref<6272xf32, #tpu.memory_space<vmem>>, vector<16xf32>,
        %get3A_253 = arith.index_cast %add3A_250 : i32 to index
        %get3A_254 = tpu.vector_load %arg8[%get3A_253] {strides = array<i32>} : memref<6272xf32, #tpu.memory_space<vmem>>, vector<16xf32>,
        %add3A_255 = arith.addf %get3A_252, %get3A_254 : vector<16xf32>
        %swap3A_256 = arith.index_cast %add3A_250 : i32 to index
        %swap3A_257 = tpu.vector_load %arg10[%swap3A_256] {strides = array<i32>} : memref<6272xf32, #tpu.memory_space<vmem>>, vector<16xf32>,
        tpu.vector_store %arg10[%swap3A_256], %add3A_255 {strides = array<i32>} : memref<6272xf32, #tpu.memory_space<vmem>>, vector<16xf32>,
        %add3A_258 = arith.constant 64 : i32
        %add3A_259 = arith.addi %mul3A_223, %add3A_258 : i32
        %get3A_260 = arith.index_cast %add3A_259 : i32 to index
        %get3A_261 = tpu.vector_load %arg10[%get3A_260] {strides = array<i32>} : memref<6272xf32, #tpu.memory_space<vmem>>, vector<16xf32>,
        %get3A_262 = arith.index_cast %add3A_259 : i32 to index
        %get3A_263 = tpu.vector_load %arg8[%get3A_262] {strides = array<i32>} : memref<6272xf32, #tpu.memory_space<vmem>>, vector<16xf32>,
        %add3A_264 = arith.addf %get3A_261, %get3A_263 : vector<16xf32>
        %swap3A_265 = arith.index_cast %add3A_259 : i32 to index
        %swap3A_266 = tpu.vector_load %arg10[%swap3A_265] {strides = array<i32>} : memref<6272xf32, #tpu.memory_space<vmem>>, vector<16xf32>,
        tpu.vector_store %arg10[%swap3A_265], %add3A_264 {strides = array<i32>} : memref<6272xf32, #tpu.memory_space<vmem>>, vector<16xf32>,
        %add3A_267 = arith.constant 80 : i32
        %add3A_268 = arith.addi %mul3A_223, %add3A_267 : i32
        %get3A_269 = arith.index_cast %add3A_268 : i32 to index
        %get3A_270 = tpu.vector_load %arg10[%get3A_269] {strides = array<i32>} : memref<6272xf32, #tpu.memory_space<vmem>>, vector<16xf32>,
        %get3A_271 = arith.index_cast %add3A_268 : i32 to index
        %get3A_272 = tpu.vector_load %arg8[%get3A_271] {strides = array<i32>} : memref<6272xf32, #tpu.memory_space<vmem>>, vector<16xf32>,
        %add3A_273 = arith.addf %get3A_270, %get3A_272 : vector<16xf32>
        %swap3A_274 = arith.index_cast %add3A_268 : i32 to index
        %swap3A_275 = tpu.vector_load %arg10[%swap3A_274] {strides = array<i32>} : memref<6272xf32, #tpu.memory_space<vmem>>, vector<16xf32>,
        tpu.vector_store %arg10[%swap3A_274], %add3A_273 {strides = array<i32>} : memref<6272xf32, #tpu.memory_space<vmem>>, vector<16xf32>,
        %add3A_276 = arith.constant 96 : i32
        %add3A_277 = arith.addi %mul3A_223, %add3A_276 : i32
        %get3A_278 = arith.index_cast %add3A_277 : i32 to index
        %get3A_279 = tpu.vector_load %arg10[%get3A_278] {strides = array<i32>} : memref<6272xf32, #tpu.memory_space<vmem>>, vector<16xf32>,
        %get3A_280 = arith.index_cast %add3A_277 : i32 to index
        %get3A_281 = tpu.vector_load %arg8[%get3A_280] {strides = array<i32>} : memref<6272xf32, #tpu.memory_space<vmem>>, vector<16xf32>,
        %add3A_282 = arith.addf %get3A_279, %get3A_281 : vector<16xf32>
        %swap3A_283 = arith.index_cast %add3A_277 : i32 to index
        %swap3A_284 = tpu.vector_load %arg10[%swap3A_283] {strides = array<i32>} : memref<6272xf32, #tpu.memory_space<vmem>>, vector<16xf32>,
        tpu.vector_store %arg10[%swap3A_283], %add3A_282 {strides = array<i32>} : memref<6272xf32, #tpu.memory_space<vmem>>, vector<16xf32>,
        %add3A_285 = arith.constant 112 : i32
        %add3A_286 = arith.addi %mul3A_223, %add3A_285 : i32
        %get3A_287 = arith.index_cast %add3A_286 : i32 to index
        %get3A_288 = tpu.vector_load %arg10[%get3A_287] {strides = array<i32>} : memref<6272xf32, #tpu.memory_space<vmem>>, vector<16xf32>,
        %get3A_289 = arith.index_cast %add3A_286 : i32 to index
        %get3A_290 = tpu.vector_load %arg8[%get3A_289] {strides = array<i32>} : memref<6272xf32, #tpu.memory_space<vmem>>, vector<16xf32>,
        %add3A_291 = arith.addf %get3A_288, %get3A_290 : vector<16xf32>
        %swap3A_292 = arith.index_cast %add3A_286 : i32 to index
        %swap3A_293 = tpu.vector_load %arg10[%swap3A_292] {strides = array<i32>} : memref<6272xf32, #tpu.memory_space<vmem>>, vector<16xf32>,
        tpu.vector_store %arg10[%swap3A_292], %add3A_291 {strides = array<i32>} : memref<6272xf32, #tpu.memory_space<vmem>>, vector<16xf32>,
      }
      %scan3A_198 = arith.constant 49 : i32
      %dma_wait3A_199 = arith.constant 0 : i32
      %dma_wait3A_200 = tpu.memref_slice %arg11[%dma_wait3A_199] : memref<1404928xf32, #tpu.memory_space<vmem_shared>> -> memref<1404928xf32, #tpu.memory_space<vmem_shared>>
      tpu.wait_indirect_dma semaphore(%arg13 : memref<!tpu.dma_semaphore, #tpu.memory_space<semaphore_mem>>) src(%dma_wait3A_200 : memref<1404928xf32, #tpu.memory_space<vmem_shared>>) dst(%arg9 : memref<6272xf32, #tpu.memory_space<vmem>>)
      %dma_wait3A_201 = tpu.memref_slice %arg2[%add3A_190] : memref<2709504xi32, #tpu.memory_space<hbm>> -> memref<6272xi32, #tpu.memory_space<hbm>>
      %dma_wait3A_202 = tpu.memref_slice %arg2[%add3A_190] : memref<2709504xi32, #tpu.memory_space<hbm>> -> memref<6272xi32, #tpu.memory_space<hbm>>
      tpu.wait_dma2 semaphore(%arg12 : memref<!tpu.dma_semaphore, #tpu.memory_space<semaphore_mem>>) src(%dma_wait3A_202 : memref<6272xi32, #tpu.memory_space<hbm>>) dst(%arg6 : memref<6272xi32, #tpu.memory_space<vmem>>)
      %dma_start3A_203 = arith.constant 0 : i32
      %dma_start3A_204 = tpu.memref_slice %arg11[%dma_start3A_203] : memref<1404928xf32, #tpu.memory_space<vmem_shared>> -> memref<1404928xf32, #tpu.memory_space<vmem_shared>>
      tpu.enqueue_indirect_dma source(%dma_start3A_204 : memref<1404928xf32, #tpu.memory_space<vmem_shared>>) target(%arg8 : memref<6272xf32, #tpu.memory_space<vmem>>) offsets(%arg6 : memref<6272xi32, #tpu.memory_space<vmem>>) semaphore(%arg13 : memref<!tpu.dma_semaphore, #tpu.memory_space<semaphore_mem>>)
      %scan3A_205 = arith.constant 0 : i32
      %scan3A_206 = arith.constant 0 : i32
      %scan3A_207 = arith.constant 49 : i32
      %scan3A_208 = arith.addi %scan3A_206, %scan3A_207 : i32
      %scan3A_209 = arith.constant 1 : i32
      scf.for %scan3A_221 = %scan3A_206 to %scan3A_208 step %scan3A_209  : i32 {
        %mul3A_222 = arith.constant 128 : i32
        %mul3A_223 = arith.muli %scan3A_221, %mul3A_222 : i32
        %add3A_224 = arith.constant 0 : i32
        %add3A_225 = arith.addi %mul3A_223, %add3A_224 : i32
        %get3A = arith.index_cast %add3A_225 : i32 to index
        %get3A_226 = tpu.vector_load %arg10[%get3A] {strides = array<i32>} : memref<6272xf32, #tpu.memory_space<vmem>>, vector<16xf32>,
        %get3A_227 = arith.index_cast %add3A_225 : i32 to index
        %get3A_228 = tpu.vector_load %arg9[%get3A_227] {strides = array<i32>} : memref<6272xf32, #tpu.memory_space<vmem>>, vector<16xf32>,
        %add3A_229 = arith.addf %get3A_226, %get3A_228 : vector<16xf32>
        %swap3A = arith.index_cast %add3A_225 : i32 to index
        %swap3A_230 = tpu.vector_load %arg10[%swap3A] {strides = array<i32>} : memref<6272xf32, #tpu.memory_space<vmem>>, vector<16xf32>,
        tpu.vector_store %arg10[%swap3A], %add3A_229 {strides = array<i32>} : memref<6272xf32, #tpu.memory_space<vmem>>, vector<16xf32>,
        %add3A_231 = arith.constant 16 : i32
        %add3A_232 = arith.addi %mul3A_223, %add3A_231 : i32
        %get3A_233 = arith.index_cast %add3A_232 : i32 to index
        %get3A_234 = tpu.vector_load %arg10[%get3A_233] {strides = array<i32>} : memref<6272xf32, #tpu.memory_space<vmem>>, vector<16xf32>,
        %get3A_235 = arith.index_cast %add3A_232 : i32 to index
        %get3A_236 = tpu.vector_load %arg9[%get3A_235] {strides = array<i32>} : memref<6272xf32, #tpu.memory_space<vmem>>, vector<16xf32>,
        %add3A_237 = arith.addf %get3A_234, %get3A_236 : vector<16xf32>
        %swap3A_238 = arith.index_cast %add3A_232 : i32 to index
        %swap3A_239 = tpu.vector_load %arg10[%swap3A_238] {strides = array<i32>} : memref<6272xf32, #tpu.memory_space<vmem>>, vector<16xf32>,
        tpu.vector_store %arg10[%swap3A_238], %add3A_237 {strides = array<i32>} : memref<6272xf32, #tpu.memory_space<vmem>>, vector<16xf32>,
        %add3A_240 = arith.constant 32 : i32
        %add3A_241 = arith.addi %mul3A_223, %add3A_240 : i32
        %get3A_242 = arith.index_cast %add3A_241 : i32 to index
        %get3A_243 = tpu.vector_load %arg10[%get3A_242] {strides = array<i32>} : memref<6272xf32, #tpu.memory_space<vmem>>, vector<16xf32>,
        %get3A_244 = arith.index_cast %add3A_241 : i32 to index
        %get3A_245 = tpu.vector_load %arg9[%get3A_244] {strides = array<i32>} : memref<6272xf32, #tpu.memory_space<vmem>>, vector<16xf32>,
        %add3A_246 = arith.addf %get3A_243, %get3A_245 : vector<16xf32>
        %swap3A_247 = arith.index_cast %add3A_241 : i32 to index
        %swap3A_248 = tpu.vector_load %arg10[%swap3A_247] {strides = array<i32>} : memref<6272xf32, #tpu.memory_space<vmem>>, vector<16xf32>,
        tpu.vector_store %arg10[%swap3A_247], %add3A_246 {strides = array<i32>} : memref<6272xf32, #tpu.memory_space<vmem>>, vector<16xf32>,
        %add3A_249 = arith.constant 48 : i32
        %add3A_250 = arith.addi %mul3A_223, %add3A_249 : i32
        %get3A_251 = arith.index_cast %add3A_250 : i32 to index
        %get3A_252 = tpu.vector_load %arg10[%get3A_251] {strides = array<i32>} : memref<6272xf32, #tpu.memory_space<vmem>>, vector<16xf32>,
        %get3A_253 = arith.index_cast %add3A_250 : i32 to index
        %get3A_254 = tpu.vector_load %arg9[%get3A_253] {strides = array<i32>} : memref<6272xf32, #tpu.memory_space<vmem>>, vector<16xf32>,
        %add3A_255 = arith.addf %get3A_252, %get3A_254 : vector<16xf32>
        %swap3A_256 = arith.index_cast %add3A_250 : i32 to index
        %swap3A_257 = tpu.vector_load %arg10[%swap3A_256] {strides = array<i32>} : memref<6272xf32, #tpu.memory_space<vmem>>, vector<16xf32>,
        tpu.vector_store %arg10[%swap3A_256], %add3A_255 {strides = array<i32>} : memref<6272xf32, #tpu.memory_space<vmem>>, vector<16xf32>,
        %add3A_258 = arith.constant 64 : i32
        %add3A_259 = arith.addi %mul3A_223, %add3A_258 : i32
        %get3A_260 = arith.index_cast %add3A_259 : i32 to index
        %get3A_261 = tpu.vector_load %arg10[%get3A_260] {strides = array<i32>} : memref<6272xf32, #tpu.memory_space<vmem>>, vector<16xf32>,
        %get3A_262 = arith.index_cast %add3A_259 : i32 to index
        %get3A_263 = tpu.vector_load %arg9[%get3A_262] {strides = array<i32>} : memref<6272xf32, #tpu.memory_space<vmem>>, vector<16xf32>,
        %add3A_264 = arith.addf %get3A_261, %get3A_263 : vector<16xf32>
        %swap3A_265 = arith.index_cast %add3A_259 : i32 to index
        %swap3A_266 = tpu.vector_load %arg10[%swap3A_265] {strides = array<i32>} : memref<6272xf32, #tpu.memory_space<vmem>>, vector<16xf32>,
        tpu.vector_store %arg10[%swap3A_265], %add3A_264 {strides = array<i32>} : memref<6272xf32, #tpu.memory_space<vmem>>, vector<16xf32>,
        %add3A_267 = arith.constant 80 : i32
        %add3A_268 = arith.addi %mul3A_223, %add3A_267 : i32
        %get3A_269 = arith.index_cast %add3A_268 : i32 to index
        %get3A_270 = tpu.vector_load %arg10[%get3A_269] {strides = array<i32>} : memref<6272xf32, #tpu.memory_space<vmem>>, vector<16xf32>,
        %get3A_271 = arith.index_cast %add3A_268 : i32 to index
        %get3A_272 = tpu.vector_load %arg9[%get3A_271] {strides = array<i32>} : memref<6272xf32, #tpu.memory_space<vmem>>, vector<16xf32>,
        %add3A_273 = arith.addf %get3A_270, %get3A_272 : vector<16xf32>
        %swap3A_274 = arith.index_cast %add3A_268 : i32 to index
        %swap3A_275 = tpu.vector_load %arg10[%swap3A_274] {strides = array<i32>} : memref<6272xf32, #tpu.memory_space<vmem>>, vector<16xf32>,
        tpu.vector_store %arg10[%swap3A_274], %add3A_273 {strides = array<i32>} : memref<6272xf32, #tpu.memory_space<vmem>>, vector<16xf32>,
        %add3A_276 = arith.constant 96 : i32
        %add3A_277 = arith.addi %mul3A_223, %add3A_276 : i32
        %get3A_278 = arith.index_cast %add3A_277 : i32 to index
        %get3A_279 = tpu.vector_load %arg10[%get3A_278] {strides = array<i32>} : memref<6272xf32, #tpu.memory_space<vmem>>, vector<16xf32>,
        %get3A_280 = arith.index_cast %add3A_277 : i32 to index
        %get3A_281 = tpu.vector_load %arg9[%get3A_280] {strides = array<i32>} : memref<6272xf32, #tpu.memory_space<vmem>>, vector<16xf32>,
        %add3A_282 = arith.addf %get3A_279, %get3A_281 : vector<16xf32>
        %swap3A_283 = arith.index_cast %add3A_277 : i32 to index
        %swap3A_284 = tpu.vector_load %arg10[%swap3A_283] {strides = array<i32>} : memref<6272xf32, #tpu.memory_space<vmem>>, vector<16xf32>,
        tpu.vector_store %arg10[%swap3A_283], %add3A_282 {strides = array<i32>} : memref<6272xf32, #tpu.memory_space<vmem>>, vector<16xf32>,
        %add3A_285 = arith.constant 112 : i32
        %add3A_286 = arith.addi %mul3A_223, %add3A_285 : i32
        %get3A_287 = arith.index_cast %add3A_286 : i32 to index
        %get3A_288 = tpu.vector_load %arg10[%get3A_287] {strides = array<i32>} : memref<6272xf32, #tpu.memory_space<vmem>>, vector<16xf32>,
        %get3A_289 = arith.index_cast %add3A_286 : i32 to index
        %get3A_290 = tpu.vector_load %arg9[%get3A_289] {strides = array<i32>} : memref<6272xf32, #tpu.memory_space<vmem>>, vector<16xf32>,
        %add3A_291 = arith.addf %get3A_288, %get3A_290 : vector<16xf32>
        %swap3A_292 = arith.index_cast %add3A_286 : i32 to index
        %swap3A_293 = tpu.vector_load %arg10[%swap3A_292] {strides = array<i32>} : memref<6272xf32, #tpu.memory_space<vmem>>, vector<16xf32>,
        tpu.vector_store %arg10[%swap3A_292], %add3A_291 {strides = array<i32>} : memref<6272xf32, #tpu.memory_space<vmem>>, vector<16xf32>,
      }
      %scan3A_210 = arith.constant 49 : i32
      %dma_wait3A_211 = arith.constant 0 : i32
      %dma_wait3A_212 = tpu.memref_slice %arg11[%dma_wait3A_211] : memref<1404928xf32, #tpu.memory_space<vmem_shared>> -> memref<1404928xf32, #tpu.memory_space<vmem_shared>>
      tpu.wait_indirect_dma semaphore(%arg13 : memref<!tpu.dma_semaphore, #tpu.memory_space<semaphore_mem>>) src(%dma_wait3A_212 : memref<1404928xf32, #tpu.memory_space<vmem_shared>>) dst(%arg8 : memref<6272xf32, #tpu.memory_space<vmem>>)
      %scan3A_213 = arith.constant 0 : i32
      %scan3A_214 = arith.constant 0 : i32
      %scan3A_215 = arith.constant 49 : i32
      %scan3A_216 = arith.addi %scan3A_214, %scan3A_215 : i32
      %scan3A_217 = arith.constant 1 : i32
      scf.for %scan3A_221 = %scan3A_214 to %scan3A_216 step %scan3A_217  : i32 {
        %mul3A_222 = arith.constant 128 : i32
        %mul3A_223 = arith.muli %scan3A_221, %mul3A_222 : i32
        %add3A_224 = arith.constant 0 : i32
        %add3A_225 = arith.addi %mul3A_223, %add3A_224 : i32
        %get3A = arith.index_cast %add3A_225 : i32 to index
        %get3A_226 = tpu.vector_load %arg10[%get3A] {strides = array<i32>} : memref<6272xf32, #tpu.memory_space<vmem>>, vector<16xf32>,
        %get3A_227 = arith.index_cast %add3A_225 : i32 to index
        %get3A_228 = tpu.vector_load %arg8[%get3A_227] {strides = array<i32>} : memref<6272xf32, #tpu.memory_space<vmem>>, vector<16xf32>,
        %add3A_229 = arith.addf %get3A_226, %get3A_228 : vector<16xf32>
        %swap3A = arith.index_cast %add3A_225 : i32 to index
        %swap3A_230 = tpu.vector_load %arg10[%swap3A] {strides = array<i32>} : memref<6272xf32, #tpu.memory_space<vmem>>, vector<16xf32>,
        tpu.vector_store %arg10[%swap3A], %add3A_229 {strides = array<i32>} : memref<6272xf32, #tpu.memory_space<vmem>>, vector<16xf32>,
        %add3A_231 = arith.constant 16 : i32
        %add3A_232 = arith.addi %mul3A_223, %add3A_231 : i32
        %get3A_233 = arith.index_cast %add3A_232 : i32 to index
        %get3A_234 = tpu.vector_load %arg10[%get3A_233] {strides = array<i32>} : memref<6272xf32, #tpu.memory_space<vmem>>, vector<16xf32>,
        %get3A_235 = arith.index_cast %add3A_232 : i32 to index
        %get3A_236 = tpu.vector_load %arg8[%get3A_235] {strides = array<i32>} : memref<6272xf32, #tpu.memory_space<vmem>>, vector<16xf32>,
        %add3A_237 = arith.addf %get3A_234, %get3A_236 : vector<16xf32>
        %swap3A_238 = arith.index_cast %add3A_232 : i32 to index
        %swap3A_239 = tpu.vector_load %arg10[%swap3A_238] {strides = array<i32>} : memref<6272xf32, #tpu.memory_space<vmem>>, vector<16xf32>,
        tpu.vector_store %arg10[%swap3A_238], %add3A_237 {strides = array<i32>} : memref<6272xf32, #tpu.memory_space<vmem>>, vector<16xf32>,
        %add3A_240 = arith.constant 32 : i32
        %add3A_241 = arith.addi %mul3A_223, %add3A_240 : i32
        %get3A_242 = arith.index_cast %add3A_241 : i32 to index
        %get3A_243 = tpu.vector_load %arg10[%get3A_242] {strides = array<i32>} : memref<6272xf32, #tpu.memory_space<vmem>>, vector<16xf32>,
        %get3A_244 = arith.index_cast %add3A_241 : i32 to index
        %get3A_245 = tpu.vector_load %arg8[%get3A_244] {strides = array<i32>} : memref<6272xf32, #tpu.memory_space<vmem>>, vector<16xf32>,
        %add3A_246 = arith.addf %get3A_243, %get3A_245 : vector<16xf32>
        %swap3A_247 = arith.index_cast %add3A_241 : i32 to index
        %swap3A_248 = tpu.vector_load %arg10[%swap3A_247] {strides = array<i32>} : memref<6272xf32, #tpu.memory_space<vmem>>, vector<16xf32>,
        tpu.vector_store %arg10[%swap3A_247], %add3A_246 {strides = array<i32>} : memref<6272xf32, #tpu.memory_space<vmem>>, vector<16xf32>,
        %add3A_249 = arith.constant 48 : i32
        %add3A_250 = arith.addi %mul3A_223, %add3A_249 : i32
        %get3A_251 = arith.index_cast %add3A_250 : i32 to index
        %get3A_252 = tpu.vector_load %arg10[%get3A_251] {strides = array<i32>} : memref<6272xf32, #tpu.memory_space<vmem>>, vector<16xf32>,
        %get3A_253 = arith.index_cast %add3A_250 : i32 to index
        %get3A_254 = tpu.vector_load %arg8[%get3A_253] {strides = array<i32>} : memref<6272xf32, #tpu.memory_space<vmem>>, vector<16xf32>,
        %add3A_255 = arith.addf %get3A_252, %get3A_254 : vector<16xf32>
        %swap3A_256 = arith.index_cast %add3A_250 : i32 to index
        %swap3A_257 = tpu.vector_load %arg10[%swap3A_256] {strides = array<i32>} : memref<6272xf32, #tpu.memory_space<vmem>>, vector<16xf32>,
        tpu.vector_store %arg10[%swap3A_256], %add3A_255 {strides = array<i32>} : memref<6272xf32, #tpu.memory_space<vmem>>, vector<16xf32>,
        %add3A_258 = arith.constant 64 : i32
        %add3A_259 = arith.addi %mul3A_223, %add3A_258 : i32
        %get3A_260 = arith.index_cast %add3A_259 : i32 to index
        %get3A_261 = tpu.vector_load %arg10[%get3A_260] {strides = array<i32>} : memref<6272xf32, #tpu.memory_space<vmem>>, vector<16xf32>,
        %get3A_262 = arith.index_cast %add3A_259 : i32 to index
        %get3A_263 = tpu.vector_load %arg8[%get3A_262] {strides = array<i32>} : memref<6272xf32, #tpu.memory_space<vmem>>, vector<16xf32>,
        %add3A_264 = arith.addf %get3A_261, %get3A_263 : vector<16xf32>
        %swap3A_265 = arith.index_cast %add3A_259 : i32 to index
        %swap3A_266 = tpu.vector_load %arg10[%swap3A_265] {strides = array<i32>} : memref<6272xf32, #tpu.memory_space<vmem>>, vector<16xf32>,
        tpu.vector_store %arg10[%swap3A_265], %add3A_264 {strides = array<i32>} : memref<6272xf32, #tpu.memory_space<vmem>>, vector<16xf32>,
        %add3A_267 = arith.constant 80 : i32
        %add3A_268 = arith.addi %mul3A_223, %add3A_267 : i32
        %get3A_269 = arith.index_cast %add3A_268 : i32 to index
        %get3A_270 = tpu.vector_load %arg10[%get3A_269] {strides = array<i32>} : memref<6272xf32, #tpu.memory_space<vmem>>, vector<16xf32>,
        %get3A_271 = arith.index_cast %add3A_268 : i32 to index
        %get3A_272 = tpu.vector_load %arg8[%get3A_271] {strides = array<i32>} : memref<6272xf32, #tpu.memory_space<vmem>>, vector<16xf32>,
        %add3A_273 = arith.addf %get3A_270, %get3A_272 : vector<16xf32>
        %swap3A_274 = arith.index_cast %add3A_268 : i32 to index
        %swap3A_275 = tpu.vector_load %arg10[%swap3A_274] {strides = array<i32>} : memref<6272xf32, #tpu.memory_space<vmem>>, vector<16xf32>,
        tpu.vector_store %arg10[%swap3A_274], %add3A_273 {strides = array<i32>} : memref<6272xf32, #tpu.memory_space<vmem>>, vector<16xf32>,
        %add3A_276 = arith.constant 96 : i32
        %add3A_277 = arith.addi %mul3A_223, %add3A_276 : i32
        %get3A_278 = arith.index_cast %add3A_277 : i32 to index
        %get3A_279 = tpu.vector_load %arg10[%get3A_278] {strides = array<i32>} : memref<6272xf32, #tpu.memory_space<vmem>>, vector<16xf32>,
        %get3A_280 = arith.index_cast %add3A_277 : i32 to index
        %get3A_281 = tpu.vector_load %arg8[%get3A_280] {strides = array<i32>} : memref<6272xf32, #tpu.memory_space<vmem>>, vector<16xf32>,
        %add3A_282 = arith.addf %get3A_279, %get3A_281 : vector<16xf32>
        %swap3A_283 = arith.index_cast %add3A_277 : i32 to index
        %swap3A_284 = tpu.vector_load %arg10[%swap3A_283] {strides = array<i32>} : memref<6272xf32, #tpu.memory_space<vmem>>, vector<16xf32>,
        tpu.vector_store %arg10[%swap3A_283], %add3A_282 {strides = array<i32>} : memref<6272xf32, #tpu.memory_space<vmem>>, vector<16xf32>,
        %add3A_285 = arith.constant 112 : i32
        %add3A_286 = arith.addi %mul3A_223, %add3A_285 : i32
        %get3A_287 = arith.index_cast %add3A_286 : i32 to index
        %get3A_288 = tpu.vector_load %arg10[%get3A_287] {strides = array<i32>} : memref<6272xf32, #tpu.memory_space<vmem>>, vector<16xf32>,
        %get3A_289 = arith.index_cast %add3A_286 : i32 to index
        %get3A_290 = tpu.vector_load %arg8[%get3A_289] {strides = array<i32>} : memref<6272xf32, #tpu.memory_space<vmem>>, vector<16xf32>,
        %add3A_291 = arith.addf %get3A_288, %get3A_290 : vector<16xf32>
        %swap3A_292 = arith.index_cast %add3A_286 : i32 to index
        %swap3A_293 = tpu.vector_load %arg10[%swap3A_292] {strides = array<i32>} : memref<6272xf32, #tpu.memory_space<vmem>>, vector<16xf32>,
        tpu.vector_store %arg10[%swap3A_292], %add3A_291 {strides = array<i32>} : memref<6272xf32, #tpu.memory_space<vmem>>, vector<16xf32>,
      }
      %scan3A_218 = arith.constant 49 : i32
      %mul3A_219 = arith.constant 6272 : i32
      %mul3A_220 = arith.muli %arg1, %mul3A_219 : i32
      "tpu.region"() ({
        %run_scoped3A = tpu.sem_alloc : memref<!tpu.dma_semaphore, #tpu.memory_space<semaphore_mem>>
        %dma_start3A_221 = tpu.memref_slice %arg5[%mul3A_220] : memref<100352xf32, #tpu.memory_space<hbm>> -> memref<6272xf32, #tpu.memory_space<hbm>>
        %dma_start3A_222 = tpu.memref_slice %arg5[%mul3A_220] : memref<100352xf32, #tpu.memory_space<hbm>> -> memref<6272xf32, #tpu.memory_space<hbm>>
        tpu.enqueue_dma source(%arg10 : memref<6272xf32, #tpu.memory_space<vmem>>) target(%dma_start3A_222 : memref<6272xf32, #tpu.memory_space<hbm>>) target_semaphore(%run_scoped3A : memref<!tpu.dma_semaphore, #tpu.memory_space<semaphore_mem>>)
        %dma_wait3A_223 = tpu.memref_slice %arg5[%mul3A_220] : memref<100352xf32, #tpu.memory_space<hbm>> -> memref<6272xf32, #tpu.memory_space<hbm>>
        %dma_wait3A_224 = tpu.memref_slice %arg5[%mul3A_220] : memref<100352xf32, #tpu.memory_space<hbm>> -> memref<6272xf32, #tpu.memory_space<hbm>>
        tpu.wait_dma2 semaphore(%run_scoped3A : memref<!tpu.dma_semaphore, #tpu.memory_space<semaphore_mem>>) src(%arg10 : memref<6272xf32, #tpu.memory_space<vmem>>) dst(%dma_wait3A_224 : memref<6272xf32, #tpu.memory_space<hbm>>)
        tpu.yield
      }) : () -> ()
    } else {
    }
    return
  }
}

module attributes {stable_mosaic.version = 14 : i64} {
  func.func @_matmul_body(%arg0: i32, %arg1: memref<27x32xf32, #tpu.memory_space<vmem>>, %arg2: memref<32x2048xf32, #tpu.memory_space<vmem>>, %arg3: memref<27x2048xf32, #tpu.memory_space<vmem>>) attributes {dimension_semantics = [#tpu.dimension_semantics<arbitrary>], iteration_bounds = array<i64: 49>, scalar_prefetch = 0 : i64, scratch_operands = 0 : i64, tpu.core_type = #tpu.core_type<tc>, window_params = [{pipeline_mode = #tpu.pipeline_mode<synchronous>, transform_indices = @transform_0, window_bounds = array<i64: 27, 32>}, {transform_indices = @transform_1, window_bounds = array<i64: 32, 2048>}, {transform_indices = @transform_2, window_bounds = array<i64: 27, 2048>}]} {
    %get3A = arith.constant 0 : index
    %get3A_0 = arith.constant 0 : index
    %get3A_1 = vector.load %arg1[%get3A, %get3A_0] : memref<27x32xf32, #tpu.memory_space<vmem>>, vector<27x32xf32>
    %get3A_2 = arith.constant 0 : index
    %get3A_3 = arith.constant 0 : index
    %get3A_4 = vector.load %arg2[%get3A_2, %get3A_3] : memref<32x2048xf32, #tpu.memory_space<vmem>>, vector<32x2048xf32>
    %dot_general3A = arith.constant dense<0.000000e+00> : vector<27x2048xf32>
    %dot_general3A_5 = tpu.matmul %get3A_1, %get3A_4, %dot_general3A {dimension_numbers = #tpu.dot_dimension_numbers<[1], [0], [0], [1], [0, 0, 1, 1], [], []>, transpose_lhs_hint = false} : vector<27x32xf32>, vector<32x2048xf32>, vector<27x2048xf32> -> vector<27x2048xf32>
    %swap3A = arith.constant 0 : index
    %swap3A_6 = arith.constant 0 : index
    %swap3A_7 = vector.load %arg3[%swap3A, %swap3A_6] : memref<27x2048xf32, #tpu.memory_space<vmem>>, vector<27x2048xf32>
    tpu.vector_store %arg3[%swap3A, %swap3A_6], %dot_general3A_5 {strides = array<i32>} : memref<27x2048xf32, #tpu.memory_space<vmem>>, vector<27x2048xf32>,
    return
  }
  func.func @transform_0(%arg0: i32) -> (i32, i32) {
    %c0_i32 = arith.constant 0 : i32
    %c0_i32_0 = arith.constant 0 : i32
    %c0_i32_1 = arith.constant 0 : i32
    return %c0_i32, %c0_i32_0 : i32, i32
  }
  func.func @transform_1(%arg0: i32) -> (i32, i32) {
    %c0_i32 = arith.constant 0 : i32
    %c0_i32_0 = arith.constant 0 : i32
    return %c0_i32, %arg0 : i32, i32
  }
  func.func @transform_2(%arg0: i32) -> (i32, i32) {
    %c0_i32 = arith.constant 0 : i32
    %c0_i32_0 = arith.constant 0 : i32
    return %c0_i32, %arg0 : i32, i32
  }
}

module attributes {stable_mosaic.version = 14 : i64} {
  func.func @_gate_body(%arg0: i32, %arg1: memref<32x2048xf32, #tpu.memory_space<vmem>>, %arg2: memref<1x2048xf32, #tpu.memory_space<vmem>>, %arg3: memref<1x2048xf32, #tpu.memory_space<vmem>>, %arg4: memref<32x2048xf32, #tpu.memory_space<vmem>>) attributes {dimension_semantics = [#tpu.dimension_semantics<arbitrary>], iteration_bounds = array<i64: 49>, scalar_prefetch = 0 : i64, scratch_operands = 0 : i64, tpu.core_type = #tpu.core_type<tc>, window_params = [{transform_indices = @transform_0, window_bounds = array<i64: 32, 2048>}, {transform_indices = @transform_1, window_bounds = array<i64: 1, 2048>}, {transform_indices = @transform_2, window_bounds = array<i64: 1, 2048>}, {transform_indices = @transform_3, window_bounds = array<i64: 32, 2048>}]} {
    %get3A = arith.constant 0 : index
    %get3A_0 = arith.constant 0 : index
    %get3A_1 = vector.load %arg2[%get3A, %get3A_0] : memref<1x2048xf32, #tpu.memory_space<vmem>>, vector<1x2048xf32>
    %get3A_2 = arith.constant 0 : index
    %get3A_3 = arith.constant 0 : index
    %get3A_4 = vector.load %arg3[%get3A_2, %get3A_3] : memref<1x2048xf32, #tpu.memory_space<vmem>>, vector<1x2048xf32>
    %add3A = arith.addf %get3A_1, %get3A_4 : vector<1x2048xf32>
    %logistic3A = arith.negf %add3A : vector<1x2048xf32>
    %logistic3A_5 = math.exp %logistic3A : vector<1x2048xf32>
    %logistic3A_6 = arith.constant 1.000000e+00 : f32
    %logistic3A_7 = vector.broadcast %logistic3A_6 : f32 to vector<1x2048xf32>
    %logistic3A_8 = arith.addf %logistic3A_7, %logistic3A_5 : vector<1x2048xf32>
    %logistic3A_9 = arith.divf %logistic3A_7, %logistic3A_8 : vector<1x2048xf32>
    %get3A_10 = arith.constant 0 : index
    %get3A_11 = arith.constant 0 : index
    %get3A_12 = vector.load %arg1[%get3A_10, %get3A_11] : memref<32x2048xf32, #tpu.memory_space<vmem>>, vector<32x2048xf32>
    %mul3A = vector.broadcast %logistic3A_9 : vector<1x2048xf32> to vector<32x2048xf32>
    %mul3A_13 = arith.mulf %get3A_12, %mul3A : vector<32x2048xf32>
    %swap3A = arith.constant 0 : index
    %swap3A_14 = arith.constant 0 : index
    %swap3A_15 = vector.load %arg4[%swap3A, %swap3A_14] : memref<32x2048xf32, #tpu.memory_space<vmem>>, vector<32x2048xf32>
    tpu.vector_store %arg4[%swap3A, %swap3A_14], %mul3A_13 {strides = array<i32>} : memref<32x2048xf32, #tpu.memory_space<vmem>>, vector<32x2048xf32>,
    return
  }
  func.func @transform_0(%arg0: i32) -> (i32, i32) {
    %c0_i32 = arith.constant 0 : i32
    %c0_i32_0 = arith.constant 0 : i32
    return %c0_i32, %arg0 : i32, i32
  }
  func.func @transform_1(%arg0: i32) -> (i32, i32) {
    %c0_i32 = arith.constant 0 : i32
    %c0_i32_0 = arith.constant 0 : i32
    return %c0_i32, %arg0 : i32, i32
  }
  func.func @transform_2(%arg0: i32) -> (i32, i32) {
    %c0_i32 = arith.constant 0 : i32
    %c0_i32_0 = arith.constant 0 : i32
    return %c0_i32, %arg0 : i32, i32
  }
  func.func @transform_3(%arg0: i32) -> (i32, i32) {
    %c0_i32 = arith.constant 0 : i32
    %c0_i32_0 = arith.constant 0 : i32
    return %c0_i32, %arg0 : i32, i32
  }
}

</mosaic_0001>

<sc_bundles>
// kernel: kernel.5.cloned.1.call-start
scs
__scs_entry_jumppad:
0x0: {  	(pc) =	sbr.rel $0x88, $3  }
0x1: {  	(tag) =	ssettag $0x0;
	lr =	simm.s32 $0x1  }
0x2: {  	[smem:$0x3F9E] =	sst lr;
	_ =	strace $0xD0000000  }
0x3: {  	_ = 	snop  }
0x4: {  	_ = 	snop  }
0x5: {  	_ = 	snop  }
0x6: {  	_ = 	snop  }
0x7: {  	_ = 	snop  }
__scs_overlays_trampoline_lowered:
0x8: {  	[smem:$0x3FAD] =	sst s0  }
0x9: {  	[smem:$0x3FAE] =	sst s1  }
0xa: {  	[smem:$0x3FAF] =	sst s2  }
0xb: {  	[smem:$0x3FB0] =	sst s3  }
0xc: {  	[smem:$0x3FB1] =	sst s4  }
0xd: {  	[smem:$0x3FB2] =	sst s5  }
0xe: {  	[smem:$0x3FB3] =	sst s6  }
0xf: {  	[smem:$0x3FB4] =	sst s7  }
0x10: {  	[smem:$0x3FB5] =	sst s8  }
0x11: {  	[smem:$0x3FB6] =	sst s9;
	s0 =	simm.s32 @!p0 $0x0  }
0x12: {  	s1 =	sld [smem:$0x3F9C];
	s0 =	simm.s32 @p0 $0x1  }
0x13: {  	[smem:$0x3FB7] =	sst s0;
	s0 =	simm.s32 @!p1 $0x0  }
0x14: {  	s2 =	sld [smem:$0x3F9B];
	s0 =	simm.s32 @p1 $0x1  }
0x15: {  	[smem:$0x3FB8] =	sst s0;
	s0 =	simm.s32 @!p2 $0x0  }
0x16: {  	s3 =	sld [smem:$0x3FDB];
	s0 =	simm.s32 @p2 $0x1  }
0x17: {  	s4 =	simm.s32 $0x1BF5;
	[smem:$0x3FBA] =	sst s0  }
0x18: {  	s0 =	sld [smem:$0x3F9D];
	_ =	swait.ge [sflag:s4], $0x0  }
0x19: {  	s7 =	sld [smem:$0x3F9E]  }
0x1a: {  	s8 =	sadd.s32 $0xFFFFE003, lr  }
0x1b: {  	s9 =	sadd.s32 $0xFFFFFEF7, lr;
	s5 =	simm.s32 $0xFFFFFFFF;
	p2 =	slt.u32 s8, $0xFFFFF086  }
0x1c: {  	p1 =	slt.u32 s9, $0xF7A;
	s5 =	simm.s32 @!p2 $0x0  }
0x1d: {  	s5 =	simm.s32 @p1 $0x1;
	p0 =	seq.s32 s7, s2  }
0x1e: {  	s7 =	smul.u32 @!p0 $0xF7A, s2;
	p2 =	seq.s32 @!p0 s5, $0x0  }
0x1f: {  	s9 =	smul.u32 $0xF7A, s1;
	s8 =	simm.s32 @!p0 $0x1BF5;
	p2 =	por !p2, p0  }
0x20: {  	[sflag:s8] =	ssyncset.s32 @!p0 $0xFFFFF086;
	s6 =	sadd.s32 @!p0 s3, s7;
	s7 =	simm.s32 @!p0 $0x108  }
0x21: {  	s3 =	sadd.s32 s3, s9;
	s6 =	sadd.s32 @!p0 $0x88, s6;
	s7 =	simm.s32 @p2 $0x1082  }
0x22: {  	[simem:s7], [sflag:s8] =	dma.local @!p0 [hbm:s6], $0xF7A  }
0x23: {  	s9 =	sor.u32 $0xD0000000, s2;
	s6 =	simm.s32 $0x108;
	_ =	swait.ge @!p0 [sflag:s8], $0x0  }
0x24: {  	s3 =	sadd.s32 $0x88, s3;
	s6 =	simm.s32 @!p1 $0x1082;
	[sflag:s4] =	ssyncset.s32 $0xFFFFF086  }
0x25: {  	[simem:s6], [sflag:s4] =	dma.local [hbm:s3], $0xF7A  }
0x26: {  	[smem:$0x3F9E] =	sst s1;
	(tag) =	ssettag s2;
	_ =	strace s9  }
0x27: {  	s1 =	sld [smem:$0x3FAE]  }
0x28: {  	s2 =	sld [smem:$0x3FAF]  }
0x29: {  	s4 =	sld [smem:$0x3FB1]  }
0x2a: {  	p0 =	seq.s32 s5, $0x0;
	s5 =	sld [smem:$0x3FB2]  }
0x2b: {  	s6 =	sld [smem:$0x3FB3]  }
0x2c: {  	s7 =	sld [smem:$0x3FB4]  }
0x2d: {  	s3 =	simm.s32 $0x108;
	s8 =	sld [smem:$0x3FB5]  }
0x2e: {  	s3 =	simm.s32 @!p0 $0x1082;
	s9 =	sld [smem:$0x3FB6]  }
0x2f: {  	lr =	sadd.s32 s0, s3;
	s0 =	sld [smem:$0x3FAD]  }
0x30: {  	s3 =	sld [smem:$0x3FB0]  }
0x31: {  	[smem:$0x3FB9] =	sst s10  }
0x32: {  	s10 =	sld [smem:$0x3FB7];
	_ =	sdelay $0x3  }
0x33: {  	p0 =	seq.s32 s10, $0x1;
	s10 =	sld [smem:$0x3FB9];
	_ =	sdelay $0x3  }
0x34: {  	[smem:$0x3FB9] =	sst s10  }
0x35: {  	s10 =	sld [smem:$0x3FB8];
	_ =	sdelay $0x3  }
0x36: {  	p1 =	seq.s32 s10, $0x1;
	s10 =	sld [smem:$0x3FB9];
	_ =	sdelay $0x3  }
0x37: {  	[smem:$0x3FB9] =	sst s10  }
0x38: {  	s10 =	sld [smem:$0x3FBA]  }
0x39: {  	_ = 	snop;
	(pc) =	sbr.ind lr, $3  }
0x3a: {  	_ = 	snop  }
0x3b: {  	_ = 	snop  }
0x3c: {  	p2 =	seq.s32 s10, $0x1;
	s10 =	sld [smem:$0x3FB9]  }
0x3d: {  	_ =	shalt  }
0x3e: {  	_ =	shalt  }
0x3f: {  	_ =	shalt  }
0x40: {  	_ =	shalt  }
0x41: {  	_ =	shalt  }
0x42: {  	_ =	shalt  }
0x43: {  	_ =	shalt  }
0x44: {  	_ =	shalt  }
0x45: {  	_ =	shalt  }
0x46: {  	_ =	shalt  }
0x47: {  	_ =	shalt  }
0x48: {  	_ =	shalt  }
0x49: {  	_ =	shalt  }
0x4a: {  	_ =	shalt  }
0x4b: {  	_ =	shalt  }
0x4c: {  	_ =	shalt  }
0x4d: {  	_ =	shalt  }
0x4e: {  	_ =	shalt  }
0x4f: {  	_ =	shalt  }
0x50: {  	_ =	shalt  }
0x51: {  	_ =	shalt  }
0x52: {  	_ =	shalt  }
0x53: {  	_ =	shalt  }
0x54: {  	_ =	shalt  }
0x55: {  	_ =	shalt  }
0x56: {  	_ =	shalt  }
0x57: {  	_ =	shalt  }
0x58: {  	_ =	shalt  }
0x59: {  	_ =	shalt  }
0x5a: {  	_ =	shalt  }
0x5b: {  	_ =	shalt  }
0x5c: {  	_ =	shalt  }
0x5d: {  	_ =	shalt  }
0x5e: {  	_ =	shalt  }
0x5f: {  	_ =	shalt  }
0x60: {  	_ =	shalt  }
0x61: {  	_ =	shalt  }
0x62: {  	_ =	shalt  }
0x63: {  	_ =	shalt  }
0x64: {  	_ =	shalt  }
0x65: {  	_ =	shalt  }
0x66: {  	_ =	shalt  }
0x67: {  	_ =	shalt  }
0x68: {  	_ =	shalt  }
0x69: {  	_ =	shalt  }
0x6a: {  	_ =	shalt  }
0x6b: {  	_ =	shalt  }
0x6c: {  	_ =	shalt  }
0x6d: {  	_ =	shalt  }
0x6e: {  	_ =	shalt  }
0x6f: {  	_ =	shalt  }
0x70: {  	_ =	shalt  }
0x71: {  	_ =	shalt  }
0x72: {  	_ =	shalt  }
0x73: {  	_ =	shalt  }
0x74: {  	_ =	shalt  }
0x75: {  	_ =	shalt  }
0x76: {  	_ =	shalt  }
0x77: {  	_ =	shalt  }
0x78: {  	_ =	shalt  }
0x79: {  	_ =	shalt  }
0x7a: {  	_ =	shalt  }
0x7b: {  	_ =	shalt  }
0x7c: {  	_ =	shalt  }
0x7d: {  	_ =	shalt  }
0x7e: {  	_ =	shalt  }
0x7f: {  	_ =	shalt  }
0x80: {  	_ =	shalt  }
0x81: {  	_ =	shalt  }
0x82: {  	_ =	shalt  }
0x83: {  	_ =	shalt  }
0x84: {  	_ =	shalt  }
0x85: {  	_ =	shalt  }
0x86: {  	_ =	shalt  }
0x87: {  	_ =	shalt  }
.Lfunc_end0:
.L_simem_size_0:
called_computation_lowered:
.L_overlay_start_0:
0x88: {  	s2 =	sld [smem:$0x3FD9]  }
0x89: {  	s3 =	sld [smem:$0x3FFE];
	_ =	sdelay $0x1  }
0x8a: {  	s1 =	srdreg.scid  }
0x8b: {  	s0 =	sand.u32 $0x1, s1  }
0x8c: {  	s17 =	sshll.u32 s0, $0xA;
	s2 =	sadd.s32 s3, s2  }
0x8d: {  	s2 =	sadd.s32 s2, s17  }
0x8e: {  	[smem:$0x3FC5] =	sst s2  }
0x8f: {  	_ = 	snop  }
0x90: {  	s2 =	sld [smem:$0x3FD0];
	(tm) =	ssettm $0x1  }
0x91: {  	s18 =	sld [smem:$0x3FFB];
	_ =	sdelay $0x3  }
0x92: {  	_ =	strace s18  }
0x93: {  	s3 =	sld [smem:$0x3FFC];
	_ =	sdelay $0x3  }
0x94: {  	_ =	strace s3  }
0x95: {  	s3 =	sld [smem:$0x3FFD];
	_ =	sdelay $0x3  }
0x96: {  	_ =	strace s3  }
0x97: {  	_ =	strace $0x8FFFFFFF  }
0x98: {  	s19 =	sld [smem:$0x3FDB];
	_ =	sdelay $0x1  }
0x99: {  	s4 =	simm.s32 $_scs_section_size  }
0x9a: {  	s5 =	simm.s32 $_size__tile_overlayer_lowered;
	s6 =	simm.s32 $_tile_overlayer_lowered  }
0x9b: {  	s22 =	simm.s32 $0x1BFF;
	s21 =	sshll.u32 s6, $0x1;
	s3 =	sadd.s32 s4, s19  }
0x9c: {  	s7 =	simm.s32 $0x0;
	s20 =	sshll.u32 s5, $0x1;
	s5 =	sadd.s32 s21, s3  }
0x9d: {  	[timem:s7], [sflag:s22] =	dma.local [hbm:s5], s20  }
0x9e: {  	_ =	swait.ge [sflag:s22], s20  }
0x9f: {  	s4 =	ssub.s32 $0x0, s20;
	[sflag:s22] =	ssyncset.done $0x0  }
0xa0: {  	[sflag:s22] =	ssyncadd.s32 s4;
	_ =	sdelay $0x1  }
0xa1: {  	s23 =	simm.s32 $0x1B8B  }
0xa2: {  	_ =	swait.ge [sflag:s23], $0x1  }
0xa3: {  	[sflag:s23] =	ssyncset.done $0x0  }
0xa4: {  	s25 =	simm.s32 $0x1B8E;
	s24 =	sld [smem:$0x3FFE];
	[sflag:s23] =	ssyncadd.s32 $0xFFFFFFFF  }
0xa5: {  	s26 =	simm.s32 $execute0_lowered;
	[smem:$0x3FD2] =	sst s25  }
0xa6: {  	s5 =	sshll.u32 s26, $0x1;
	_ =	strace $0x80000046;
	[dreg:$0x1] =	wrdreg $0xFFFFFFFF  }
0xa7: {  	s28 =	simm.s32 $_size_execute0_lowered;
	s3 =	sadd.s32 s3, s5;
	[dreg:$0x0] =	wrdreg $0x0  }
0xa8: {  	s5 =	sshll.u32 s28, $0x1;
	[dreg:$0x2] =	wrdreg s3  }
0xa9: {  	[dreg:$0x3] =	wrdreg s5  }
0xaa: {  	[dreg:$0x4] =	wrdreg $0xC0  }
0xab: {  	_ =	task [dreg:s7], $0x5FFFF  }
0xac: {  	[dreg:$0x1] =	wrdreg $0xFFFFFFFF  }
0xad: {  	[dreg:$0x0] =	wrdreg $0x60  }
0xae: {  	[dreg:$0x2] =	wrdreg s2  }
0xaf: {  	[dreg:$0x3] =	wrdreg s24  }
0xb0: {  	[dreg:$0x4] =	wrdreg $0x7A800  }
0xb1: {  	[dreg:$0x5] =	wrdreg $0x9  }
0xb2: {  	_ =	task.clear_ibuf [dreg:s7], $0x6FFFF;
	_ =	strace $0x90000046  }
0xb3: {  	s29 =	simm.s32 $0x9;
	_ =	strace $0x80000048  }
0xb4: {  	_ =	swait.ge [sflag:s29], $0x1  }
0xb5: {  	[sflag:s29] =	ssyncadd.s32 $0xFFFFFFFF  }
0xb6: {  	_ =	strace $0x90000048  }
0xb7: {  	_ =	sfence  }
0xb8: {  	s30 =	sld [smem:$0x0];
	_ =	sdelay $0x2  }
0xb9: {  	s31 =	sshll.u32 s1, $0xD;
	s1 =	sshrl.u32 s1, $0x2  }
0xba: {  	s3 =	sand.u32 $0x4000, s31;
	s1 =	sadd.s32 s1, s30  }
0xbb: {  	s0 =	sor.u32 s3, s0;
	s1 =	sshll.u32 s1, $0x11  }
0xbc: {  	s0 =	sor.u32 s1, s0  }
0xbd: {  	s0 =	sadd.s32 $0x8F2B, s0  }
0xbe: {  	[sflag:s0] =	ssyncadd.remote.s32 $0x1  }
0xbf: {  	_ =	sfence.sel $0xFFFF  }
0xc0: {  	[dreg:$0x0] =	wrdreg $0xFFFFFFFF;
	(pc) =	sbr.abs _section_cstart, $3  }
0xc1: {  	[dreg:$0x1] =	wrdreg $0xFFFFFFFF  }
0xc2: {  	_ =	task.clear_ibuf [dreg:s7], $0x2FFFF;
	_ =	strace $0x9FFFFFFF  }
0xc3: {  	(tm) =	ssettm $0x7FFFFFFF  }
tec
execute0_lowered:
.L_overlay_start_1:
0x0: {  	(tag) =	ssettag $0x1  }
0x1: {  	s0 =	srdreg.scid;
	s1 =	rddreg [dreg:$0x0]  }
0x2: {  	s4 =	rddreg [dreg:$0x1];
	s0 =	sand.u32 $0x1, s0  }
0x3: {  	s9 =	stileid.u32;
	s3 =	smul.u32 $0xE, s0  }
0x4: {  	s2 =	rddreg [dreg:$0x2];
	s7 =	smul.u32 $0x62000, s9;
	s8 =	sadd.s32 $0x1C00, s4  }
0x5: {  	s17 =	ssub.s32 $0xE, s0;
	s5 =	sadd.s32 s9, s3;
	s3 =	simm.s32 $0x0  }
0x6: {  	s7 =	sshrl.u32 s7, $0x2;
	s5 =	smul.u32 $0x18800, s5;
	[smem:$0x7FF] =	sst s3  }
0x7: {  	_ =	strace $0x80000047;
	[dreg:$0x4] =	wrdreg s8;
	s8 =	sadd.s32 s7, s2  }
0x8: {  	s14 =	smul.u32 $0x1880, s9;
	p0 =	sge.u32 s9, s17;
	s7 =	sadd.s32 $0x10D80, s8  }
0x9: {  	s5 =	sshrl.u32 s5, $0x3;
	s9 =	sadd.s32 $0x12600, s8;
	[smem:$0x7EE] =	sst s7  }
0xa: {  	s5 =	sadd.s32 s5, s4;
	s4 =	sadd.s32 $0x4E00, s4;
	[smem:$0x7EF] =	sst s9  }
0xb: {  	[dreg:$0x5] =	wrdreg s4;
	s18 =	sadd.s32 $0x63C00, s5  }
0xc: {  	s19 =	sadd.s32 $0x63F10, s5;
	[dreg:$0x6] =	wrdreg s18  }
0xd: {  	s20 =	sadd.s32 $0x64220, s5;
	[dreg:$0x7] =	wrdreg s19  }
0xe: {  	s21 =	sadd.s32 $0x64530, s5;
	[dreg:$0x8] =	wrdreg s20  }
0xf: {  	s22 =	sadd.s32 $0x64840, s5;
	[dreg:$0x9] =	wrdreg s21  }
0x10: {  	s23 =	sadd.s32 $0x64B50, s5;
	[dreg:$0xa] =	wrdreg s22  }
0x11: {  	s24 =	sadd.s32 $0x64E60, s5;
	[dreg:$0xb] =	wrdreg s23  }
0x12: {  	s25 =	sadd.s32 $0x65170, s5;
	[dreg:$0xc] =	wrdreg s24  }
0x13: {  	s26 =	sadd.s32 $0x65480, s5;
	[dreg:$0xd] =	wrdreg s25  }
0x14: {  	s10 =	sadd.s32 $0x65790, s5;
	[dreg:$0xe] =	wrdreg s26  }
0x15: {  	s11 =	sadd.s32 $0x65AA0, s5;
	[dreg:$0xf] =	wrdreg s10  }
0x16: {  	s12 =	sadd.s32 $0x65DB0, s5;
	[dreg:$0x10] =	wrdreg s11  }
0x17: {  	s6 =	ssub.s32 $0x2, s0;
	s13 =	sadd.s32 $0x660C0, s5;
	[dreg:$0x11] =	wrdreg s12  }
0x18: {  	s16 =	sshrl.u32 s6, $0x1;
	s15 =	sadd.s32 $0x663D0, s5;
	[dreg:$0x12] =	wrdreg s13  }
0x19: {  	s4 =	ssub.s32 s6, s16;
	s16 =	sadd.s32 $0x666E0, s5;
	[dreg:$0x13] =	wrdreg s15  }
0x1a: {  	s17 =	sadd.s32 $0x669F0, s5;
	[dreg:$0x14] =	wrdreg s16  }
0x1b: {  	s5 =	sadd.s32 $0xDC80, s8;
	[dreg:$0x15] =	wrdreg s17  }
0x1c: {  	s6 =	sadd.s32 $0xF500, s8;
	[dreg:$0x1e] =	wrdreg s5  }
0x1d: {  	s18 =	sadd.s32 $0x1880, s8;
	[dreg:$0x1f] =	wrdreg s6  }
0x1e: {  	s19 =	sadd.s32 $0x3100, s8;
	[dreg:$0x16] =	wrdreg s18  }
0x1f: {  	s20 =	sadd.s32 $0x4980, s8;
	[dreg:$0x17] =	wrdreg s19  }
0x20: {  	s21 =	sadd.s32 $0x6200, s8;
	[dreg:$0x18] =	wrdreg s20  }
0x21: {  	s22 =	sadd.s32 $0x7A80, s8;
	[dreg:$0x19] =	wrdreg s21  }
0x22: {  	s26 =	sadd.s32 $0x9300, s8;
	[dreg:$0x1a] =	wrdreg s22  }
0x23: {  	s25 =	smax.u32 s4, $0x1;
	s4 =	sadd.s32 $0xC400, s8;
	[dreg:$0x1b] =	wrdreg s26  }
0x24: {  	s10 =	sadd.s32 $0x13E80, s8;
	[dreg:$0x1d] =	wrdreg s4  }
0x25: {  	s11 =	sadd.s32 $0x15700, s8;
	[smem:$0x7F0] =	sst s10  }
0x26: {  	s23 =	sshrl.u32 s14, $0x3;
	s12 =	sadd.s32 $0x16F80, s8;
	[smem:$0x7F1] =	sst s11  }
0x27: {  	s24 =	sadd.s32 s1, s23;
	s1 =	sadd.s32 $0xAB80, s8;
	[smem:$0x7F2] =	sst s12  }
0x28: {  	p1 =	sne.s32 s0, $0x0;
	[dreg:$0x1c] =	wrdreg s1  }
0x29: {  	s13 =	sadd.s32 $0x2AE00, s24;
	s14 =	sadd.s32 $0x2DF00, s24;
	s15 =	sadd.s32 $0x31000, s24  }
0x2a: {  	s16 =	sadd.s32 $0x34100, s24;
	s17 =	sadd.s32 $0x37200, s24;
	[smem:$0x7F3] =	sst s13  }
0x2b: {  	s18 =	sadd.s32 $0x3A300, s24;
	s19 =	sadd.s32 $0x3D400, s24;
	[smem:$0x7F4] =	sst s14  }
0x2c: {  	s20 =	sadd.s32 $0x40500, s24;
	s21 =	sadd.s32 $0x43600, s24;
	[smem:$0x7F5] =	sst s15  }
0x2d: {  	s22 =	sadd.s32 $0x46700, s24;
	s26 =	sadd.s32 $0x49800, s24;
	[smem:$0x7F6] =	sst s16  }
0x2e: {  	s28 =	sadd.s32 $0x4C900, s24;
	s29 =	sadd.s32 $0x4FA00, s24;
	[smem:$0x7F7] =	sst s17  }
0x2f: {  	s30 =	sadd.s32 $0x3100, s24;
	s31 =	sadd.s32 $0x6200, s24;
	[smem:$0x7F8] =	sst s18  }
0x30: {  	s1 =	sadd.s32 $0x9300, s24;
	s0 =	sadd.s32 $0xC400, s24;
	[smem:$0x7F9] =	sst s19  }
0x31: {  	s6 =	sadd.s32 $0xF500, s24;
	s7 =	sadd.s32 $0x12600, s24;
	[smem:$0x7FA] =	sst s20  }
0x32: {  	s9 =	sadd.s32 $0x15700, s24;
	s10 =	sadd.s32 $0x18800, s24;
	[smem:$0x7FB] =	sst s21  }
.Ltmp0:
0x33: {  	s11 =	sadd.s32 $0x1B900, s24;
	[smem:$0x7FC] =	sst s22;
	(pc) =	sbr.rel .LBB2_1-.Ltmp0, $4  }
0x34: {  	s12 =	sadd.s32 $0x1EA00, s24;
	[smem:$0x7FD] =	sst s26;
	s13 =	sadd.s32 $0x21B00, s24  }
0x35: {  	s14 =	sadd.s32 $0x24C00, s24;
	s15 =	sadd.s32 $0x27D00, s24;
	s16 =	simm.s32 $0x3100  }
0x36: {  	s17 =	simm.s32 $0x1;
	s18 =	simm.s32 $0x4980;
	s19 =	simm.s32 $0x3  }
0x37: {  	s20 =	simm.s32 $0x1880;
	s21 =	simm.s32 $0x2;
	s22 =	simm.s32 $0x0  }
.LBB2_59:
0x38: {  	[tilespmem:s4+$0x6200] =	vst v12;
	v5 =	vadd.f32 v5, v10;
	v63 =	vld [tilespmem:s4+$0x6270]  }
0x39: {  	[tilespmem:s4+$0x6210] =	vst v11;
	v4 =	vadd.f32 v4, v9  }
0x3a: {  	v3 =	vadd.f32 v3, v8;
	[tilespmem:s4+$0x6220] =	vst v5  }
0x3b: {  	v2 =	vadd.f32 v2, v6;
	[tilespmem:s4+$0x6230] =	vst v4  }
0x3c: {  	v1 =	vadd.f32 v1, v7;
	[tilespmem:s4+$0x6240] =	vst v3  }
0x3d: {  	[tilespmem:s4+$0x6250] =	vst v2;
	v0 =	vadd.f32 v0, v63  }
0x3e: {  	[tilespmem:s4+$0x6260] =	vst v1  }
0x3f: {  	[tilespmem:s4+$0x6270] =	vst v0;
	s4 =	rddreg [dreg:$0x5]  }
.LBB2_60:
0x40: {  	s22 =	sadd.s32 $0x1, s22  }
0x41: {  	p2 =	sne.s32 s22, s25  }
.Ltmp1:
0x42: {  	s4 =	sadd.s32 s4, s23;
	s5 =	simm.s32 $0x6200;
	(pc) =	sbr.rel @!p2 .LBB2_61-.Ltmp1, $4  }
0x43: {  	[hbm4b:s4+s3] =	stream.linear.scatter [tilespmem:s5], [sflag:$0x3], $0x1880, $0x38;
	[tilespmem:$0x1D180] =	vst v63  }
0x44: {  	_ =	swait.ge [sflag:s19], $0x1880  }
0x45: {  	[sflag:s19] =	ssyncset.done $0x0  }
0x46: {  	[sflag:s19] =	ssyncadd.s32 $0xFFFFE780  }
.LBB2_1:
.Ltmp2:
0x47: {  	(pc) =	sbr.rel @p0 .LBB2_3-.Ltmp2, $1  }
0x48: {  	_ =	sdelay $0x3  }
0x49: {  	s4 =	rddreg [dreg:$0x6]  }
0x4a: {  	[tilespmem:s16], [sflag:$0x1] =	stream.linear.gather [hbm4b:s4+s3], $0x1880, $0x38;
	[tilespmem:$0x1D180] =	vst v63  }
0x4b: {  	_ =	swait.ge [sflag:s17], $0x1880  }
0x4c: {  	[sflag:s17] =	ssyncset.done $0x0  }
0x4d: {  	s5 =	rddreg [dreg:$0x7];
	[sflag:s17] =	ssyncadd.s32 $0xFFFFE780  }
0x4e: {  	[tilespmem:s18], [sflag:$0x1] =	stream.linear.gather [hbm4b:s5+s3], $0x1880, $0x38;
	[tilespmem:$0x1D180] =	vst v63  }
0x4f: {  	_ = 	snop  }
0x50: {  	[spmem:s8] =	stream.linear.scatter [tilespmem:s16], [sflag:$0x3], $0x1880, $0x38;
	[tilespmem:$0x1D180] =	vst v63  }
0x51: {  	_ =	swait.ge [sflag:s19], $0x1880  }
0x52: {  	[sflag:s19] =	ssyncset.done $0x0  }
0x53: {  	[sflag:s19] =	ssyncadd.s32 $0xFFFFE780  }
0x54: {  	_ =	swait.ge [sflag:s17], $0x1880  }
0x55: {  	[sflag:s17] =	ssyncset.done $0x0  }
0x56: {  	s26 =	rddreg [dreg:$0x8];
	[sflag:s17] =	ssyncadd.s32 $0xFFFFE780  }
0x57: {  	[tilespmem:s16], [sflag:$0x1] =	stream.linear.gather [hbm4b:s26+s3], $0x1880, $0x38;
	[tilespmem:$0x1D180] =	vst v63  }
0x58: {  	s5 =	rddreg [dreg:$0x16]  }
0x59: {  	[spmem:s5] =	stream.linear.scatter [tilespmem:s18], [sflag:$0x3], $0x1880, $0x38;
	[tilespmem:$0x1D180] =	vst v63  }
0x5a: {  	_ =	swait.ge [sflag:s19], $0x1880  }
0x5b: {  	[sflag:s19] =	ssyncset.done $0x0  }
0x5c: {  	[sflag:s19] =	ssyncadd.s32 $0xFFFFE780  }
0x5d: {  	_ =	swait.ge [sflag:s17], $0x1880  }
0x5e: {  	[sflag:s17] =	ssyncset.done $0x0  }
0x5f: {  	s26 =	rddreg [dreg:$0x9];
	[sflag:s17] =	ssyncadd.s32 $0xFFFFE780  }
0x60: {  	[tilespmem:s18], [sflag:$0x1] =	stream.linear.gather [hbm4b:s26+s3], $0x1880, $0x38;
	[tilespmem:$0x1D180] =	vst v63  }
0x61: {  	s5 =	rddreg [dreg:$0x17]  }
0x62: {  	[spmem:s5] =	stream.linear.scatter [tilespmem:s16], [sflag:$0x3], $0x1880, $0x38;
	[tilespmem:$0x1D180] =	vst v63  }
0x63: {  	_ =	swait.ge [sflag:s19], $0x1880  }
0x64: {  	[sflag:s19] =	ssyncset.done $0x0  }
0x65: {  	[sflag:s19] =	ssyncadd.s32 $0xFFFFE780  }
0x66: {  	_ =	swait.ge [sflag:s17], $0x1880  }
0x67: {  	[sflag:s17] =	ssyncset.done $0x0  }
0x68: {  	s26 =	rddreg [dreg:$0xa];
	[sflag:s17] =	ssyncadd.s32 $0xFFFFE780  }
0x69: {  	[tilespmem:s16], [sflag:$0x1] =	stream.linear.gather [hbm4b:s26+s3], $0x1880, $0x38;
	[tilespmem:$0x1D180] =	vst v63  }
0x6a: {  	s5 =	rddreg [dreg:$0x18]  }
0x6b: {  	[spmem:s5] =	stream.linear.scatter [tilespmem:s18], [sflag:$0x3], $0x1880, $0x38;
	[tilespmem:$0x1D180] =	vst v63  }
0x6c: {  	_ =	swait.ge [sflag:s19], $0x1880  }
0x6d: {  	[sflag:s19] =	ssyncset.done $0x0  }
0x6e: {  	[sflag:s19] =	ssyncadd.s32 $0xFFFFE780  }
0x6f: {  	_ =	swait.ge [sflag:s17], $0x1880  }
0x70: {  	[sflag:s17] =	ssyncset.done $0x0  }
0x71: {  	s26 =	rddreg [dreg:$0xb];
	[sflag:s17] =	ssyncadd.s32 $0xFFFFE780  }
0x72: {  	[tilespmem:s18], [sflag:$0x1] =	stream.linear.gather [hbm4b:s26+s3], $0x1880, $0x38;
	[tilespmem:$0x1D180] =	vst v63  }
0x73: {  	s5 =	rddreg [dreg:$0x19]  }
0x74: {  	[spmem:s5] =	stream.linear.scatter [tilespmem:s16], [sflag:$0x3], $0x1880, $0x38;
	[tilespmem:$0x1D180] =	vst v63  }
0x75: {  	_ =	swait.ge [sflag:s19], $0x1880  }
0x76: {  	[sflag:s19] =	ssyncset.done $0x0  }
0x77: {  	[sflag:s19] =	ssyncadd.s32 $0xFFFFE780  }
0x78: {  	_ =	swait.ge [sflag:s17], $0x1880  }
0x79: {  	[sflag:s17] =	ssyncset.done $0x0  }
0x7a: {  	s26 =	rddreg [dreg:$0xc];
	[sflag:s17] =	ssyncadd.s32 $0xFFFFE780  }
0x7b: {  	[tilespmem:s16], [sflag:$0x1] =	stream.linear.gather [hbm4b:s26+s3], $0x1880, $0x38;
	[tilespmem:$0x1D180] =	vst v63  }
0x7c: {  	s5 =	rddreg [dreg:$0x1a]  }
0x7d: {  	[spmem:s5] =	stream.linear.scatter [tilespmem:s18], [sflag:$0x3], $0x1880, $0x38;
	[tilespmem:$0x1D180] =	vst v63  }
0x7e: {  	_ =	swait.ge [sflag:s19], $0x1880  }
0x7f: {  	[sflag:s19] =	ssyncset.done $0x0  }
0x80: {  	[sflag:s19] =	ssyncadd.s32 $0xFFFFE780  }
0x81: {  	_ =	swait.ge [sflag:s17], $0x1880  }
0x82: {  	[sflag:s17] =	ssyncset.done $0x0  }
0x83: {  	s26 =	rddreg [dreg:$0xd];
	[sflag:s17] =	ssyncadd.s32 $0xFFFFE780  }
0x84: {  	[tilespmem:s18], [sflag:$0x1] =	stream.linear.gather [hbm4b:s26+s3], $0x1880, $0x38;
	[tilespmem:$0x1D180] =	vst v63  }
0x85: {  	s5 =	rddreg [dreg:$0x1b]  }
0x86: {  	[spmem:s5] =	stream.linear.scatter [tilespmem:s16], [sflag:$0x3], $0x1880, $0x38;
	[tilespmem:$0x1D180] =	vst v63  }
0x87: {  	_ =	swait.ge [sflag:s19], $0x1880  }
0x88: {  	[sflag:s19] =	ssyncset.done $0x0  }
0x89: {  	[sflag:s19] =	ssyncadd.s32 $0xFFFFE780  }
0x8a: {  	_ =	swait.ge [sflag:s17], $0x1880  }
0x8b: {  	[sflag:s17] =	ssyncset.done $0x0  }
0x8c: {  	s26 =	rddreg [dreg:$0xe];
	[sflag:s17] =	ssyncadd.s32 $0xFFFFE780  }
0x8d: {  	[tilespmem:s16], [sflag:$0x1] =	stream.linear.gather [hbm4b:s26+s3], $0x1880, $0x38;
	[tilespmem:$0x1D180] =	vst v63  }
0x8e: {  	s5 =	rddreg [dreg:$0x1c]  }
0x8f: {  	[spmem:s5] =	stream.linear.scatter [tilespmem:s18], [sflag:$0x3], $0x1880, $0x38;
	[tilespmem:$0x1D180] =	vst v63  }
0x90: {  	_ =	swait.ge [sflag:s19], $0x1880  }
0x91: {  	[sflag:s19] =	ssyncset.done $0x0  }
0x92: {  	[sflag:s19] =	ssyncadd.s32 $0xFFFFE780  }
0x93: {  	_ =	swait.ge [sflag:s17], $0x1880  }
0x94: {  	[sflag:s17] =	ssyncset.done $0x0  }
0x95: {  	s26 =	rddreg [dreg:$0xf];
	[sflag:s17] =	ssyncadd.s32 $0xFFFFE780  }
0x96: {  	[tilespmem:s18], [sflag:$0x1] =	stream.linear.gather [hbm4b:s26+s3], $0x1880, $0x38;
	[tilespmem:$0x1D180] =	vst v63  }
0x97: {  	s5 =	rddreg [dreg:$0x1d]  }
0x98: {  	[spmem:s5] =	stream.linear.scatter [tilespmem:s16], [sflag:$0x3], $0x1880, $0x38;
	[tilespmem:$0x1D180] =	vst v63  }
0x99: {  	_ =	swait.ge [sflag:s19], $0x1880  }
0x9a: {  	[sflag:s19] =	ssyncset.done $0x0  }
0x9b: {  	[sflag:s19] =	ssyncadd.s32 $0xFFFFE780  }
0x9c: {  	_ =	swait.ge [sflag:s17], $0x1880  }
0x9d: {  	[sflag:s17] =	ssyncset.done $0x0  }
0x9e: {  	s26 =	rddreg [dreg:$0x10];
	[sflag:s17] =	ssyncadd.s32 $0xFFFFE780  }
0x9f: {  	[tilespmem:s16], [sflag:$0x1] =	stream.linear.gather [hbm4b:s26+s3], $0x1880, $0x38;
	[tilespmem:$0x1D180] =	vst v63  }
0xa0: {  	s5 =	rddreg [dreg:$0x1e]  }
0xa1: {  	[spmem:s5] =	stream.linear.scatter [tilespmem:s18], [sflag:$0x3], $0x1880, $0x38;
	[tilespmem:$0x1D180] =	vst v63  }
0xa2: {  	_ =	swait.ge [sflag:s19], $0x1880  }
0xa3: {  	[sflag:s19] =	ssyncset.done $0x0  }
0xa4: {  	[sflag:s19] =	ssyncadd.s32 $0xFFFFE780  }
0xa5: {  	_ =	swait.ge [sflag:s17], $0x1880  }
0xa6: {  	[sflag:s17] =	ssyncset.done $0x0  }
0xa7: {  	s26 =	rddreg [dreg:$0x11];
	[sflag:s17] =	ssyncadd.s32 $0xFFFFE780  }
0xa8: {  	[tilespmem:s18], [sflag:$0x1] =	stream.linear.gather [hbm4b:s26+s3], $0x1880, $0x38;
	[tilespmem:$0x1D180] =	vst v63  }
0xa9: {  	s5 =	rddreg [dreg:$0x1f]  }
0xaa: {  	[spmem:s5] =	stream.linear.scatter [tilespmem:s16], [sflag:$0x3], $0x1880, $0x38;
	[tilespmem:$0x1D180] =	vst v63  }
0xab: {  	_ =	swait.ge [sflag:s19], $0x1880  }
0xac: {  	[sflag:s19] =	ssyncset.done $0x0  }
0xad: {  	[sflag:s19] =	ssyncadd.s32 $0xFFFFE780  }
0xae: {  	_ =	swait.ge [sflag:s17], $0x1880  }
0xaf: {  	[sflag:s17] =	ssyncset.done $0x0;
	s26 =	rddreg [dreg:$0x12]  }
0xb0: {  	s5 =	sld [smem:$0x7EE];
	[sflag:s17] =	ssyncadd.s32 $0xFFFFE780  }
0xb1: {  	[tilespmem:s16], [sflag:$0x1] =	stream.linear.gather [hbm4b:s26+s3], $0x1880, $0x38;
	[tilespmem:$0x1D180] =	vst v63  }
0xb2: {  	_ = 	snop  }
0xb3: {  	[spmem:s5] =	stream.linear.scatter [tilespmem:s18], [sflag:$0x3], $0x1880, $0x38;
	[tilespmem:$0x1D180] =	vst v63  }
0xb4: {  	_ =	swait.ge [sflag:s19], $0x1880  }
0xb5: {  	[sflag:s19] =	ssyncset.done $0x0  }
0xb6: {  	[sflag:s19] =	ssyncadd.s32 $0xFFFFE780  }
0xb7: {  	_ =	swait.ge [sflag:s17], $0x1880  }
0xb8: {  	[sflag:s17] =	ssyncset.done $0x0;
	s26 =	rddreg [dreg:$0x13]  }
0xb9: {  	s5 =	sld [smem:$0x7EF];
	[sflag:s17] =	ssyncadd.s32 $0xFFFFE780  }
0xba: {  	[tilespmem:s18], [sflag:$0x1] =	stream.linear.gather [hbm4b:s26+s3], $0x1880, $0x38;
	[tilespmem:$0x1D180] =	vst v63  }
0xbb: {  	_ = 	snop  }
0xbc: {  	[spmem:s5] =	stream.linear.scatter [tilespmem:s16], [sflag:$0x3], $0x1880, $0x38;
	[tilespmem:$0x1D180] =	vst v63  }
0xbd: {  	_ =	swait.ge [sflag:s19], $0x1880  }
0xbe: {  	[sflag:s19] =	ssyncset.done $0x0  }
0xbf: {  	[sflag:s19] =	ssyncadd.s32 $0xFFFFE780  }
0xc0: {  	_ =	swait.ge [sflag:s17], $0x1880  }
0xc1: {  	[sflag:s17] =	ssyncset.done $0x0;
	s26 =	rddreg [dreg:$0x14]  }
0xc2: {  	s5 =	sld [smem:$0x7F0];
	[sflag:s17] =	ssyncadd.s32 $0xFFFFE780  }
0xc3: {  	[tilespmem:s16], [sflag:$0x1] =	stream.linear.gather [hbm4b:s26+s3], $0x1880, $0x38;
	[tilespmem:$0x1D180] =	vst v63  }
0xc4: {  	_ = 	snop  }
0xc5: {  	[spmem:s5] =	stream.linear.scatter [tilespmem:s18], [sflag:$0x3], $0x1880, $0x38;
	[tilespmem:$0x1D180] =	vst v63  }
0xc6: {  	_ =	swait.ge [sflag:s19], $0x1880  }
0xc7: {  	[sflag:s19] =	ssyncset.done $0x0  }
0xc8: {  	[sflag:s19] =	ssyncadd.s32 $0xFFFFE780  }
0xc9: {  	_ =	swait.ge [sflag:s17], $0x1880  }
0xca: {  	[sflag:s17] =	ssyncset.done $0x0;
	s26 =	rddreg [dreg:$0x15]  }
0xcb: {  	s5 =	sld [smem:$0x7F1];
	[sflag:s17] =	ssyncadd.s32 $0xFFFFE780  }
0xcc: {  	[tilespmem:s18], [sflag:$0x1] =	stream.linear.gather [hbm4b:s26+s3], $0x1880, $0x38;
	[tilespmem:$0x1D180] =	vst v63  }
0xcd: {  	_ = 	snop  }
0xce: {  	[spmem:s5] =	stream.linear.scatter [tilespmem:s16], [sflag:$0x3], $0x1880, $0x38;
	[tilespmem:$0x1D180] =	vst v63  }
0xcf: {  	_ =	swait.ge [sflag:s19], $0x1880  }
0xd0: {  	[sflag:s19] =	ssyncset.done $0x0  }
0xd1: {  	[sflag:s19] =	ssyncadd.s32 $0xFFFFE780  }
0xd2: {  	_ =	swait.ge [sflag:s17], $0x1880  }
0xd3: {  	s26 =	sld [smem:$0x7F2]  }
0xd4: {  	[sflag:s17] =	ssyncset.done $0x0  }
0xd5: {  	[sflag:s17] =	ssyncadd.s32 $0xFFFFE780  }
0xd6: {  	[spmem:s26] =	stream.linear.scatter [tilespmem:s18], [sflag:$0x3], $0x1880, $0x38;
	[tilespmem:$0x1D180] =	vst v63  }
0xd7: {  	_ =	swait.ge [sflag:s19], $0x1880  }
0xd8: {  	[sflag:s19] =	ssyncset.done $0x0  }
0xd9: {  	[sflag:s19] =	ssyncadd.s32 $0xFFFFE780  }
.LBB2_3:
.Ltmp3:
0xda: {  	(pc) =	sbr.rel @p1 .LBB2_33-.Ltmp3, $3  }
0xdb: {  	_ =	sdelay $0x1  }
0xdc: {  	[bflag:$0x0] =	sbarrier.arrive $0xFFFF  }
0xdd: {  	s4 =	simm.s32 $0x0  }
0xde: {  	[tilespmem:s4], [sflag:$0x1] =	stream.linear.gather [hbm4b:s24+s4], $0x1880, $0x38;
	[tilespmem:$0x1D180] =	vst v63  }
0xdf: {  	_ =	swait.ge [sflag:s17], $0x1880  }
0xe0: {  	[sflag:s17] =	ssyncset.done $0x0  }
0xe1: {  	[sflag:s17] =	ssyncadd.s32 $0xFFFFE780  }
0xe2: {  	[tilespmem:s16], [sflag:$0x2] =	stream.indirect.gather [spmem:s2], $0x1, s4, s20, $0xb8;
	[tilespmem:$0x1D180] =	vst v63  }
0xe3: {  	_ = 	snop  }
0xe4: {  	[tilespmem:s20], [sflag:$0x1] =	stream.linear.gather [hbm4b:s30+s4], $0x1880, $0x38;
	[tilespmem:$0x1D180] =	vst v63  }
0xe5: {  	_ =	swait.ge [sflag:s21], $0x1880  }
0xe6: {  	[sflag:s21] =	ssyncset.done $0x0  }
0xe7: {  	[sflag:s21] =	ssyncadd.s32 $0xFFFFE780  }
0xe8: {  	_ =	swait.ge [sflag:s17], $0x1880  }
0xe9: {  	[sflag:s17] =	ssyncset.done $0x0  }
0xea: {  	[sflag:s17] =	ssyncadd.s32 $0xFFFFE780  }
0xeb: {  	[tilespmem:s18], [sflag:$0x2] =	stream.indirect.gather [spmem:s2], $0x1, s20, s20, $0xb8;
	[tilespmem:$0x1D180] =	vst v63  }
0xec: {  	_ = 	snop  }
0xed: {  	[tilespmem:s4], [sflag:$0x1] =	stream.linear.gather [hbm4b:s31+s4], $0x1880, $0x38;
	[tilespmem:$0x1D180] =	vst v63  }
0xee: {  	s4 =	simm.s32 $0x0  }
0xef: {  	v3 =	vld [tilespmem:s4+$0x3170]  }
0xf0: {  	v4 =	vld [tilespmem:s4+$0x3100]  }
0xf1: {  	v5 =	vld [tilespmem:s4+$0x3110]  }
0xf2: {  	v2 =	vld [tilespmem:s4+$0x3120]  }
0xf3: {  	v0 =	vld [tilespmem:s4+$0x3130]  }
0xf4: {  	v1 =	vld [tilespmem:s4+$0x3140];
	[tilespmem:s4+$0x6270] =	vst v3  }
0xf5: {  	[tilespmem:s4+$0x6200] =	vst v4;
	v3 =	vld [tilespmem:s4+$0x3150]  }
0xf6: {  	s26 =	simm.s32 $0x80;
	s5 =	simm.s32 $0x400;
	[tilespmem:s4+$0x6210] =	vst v5;
	v4 =	vld [tilespmem:s4+$0x3160]  }
.LBB2_5:
0xf7: {  	p2 =	sne.s32 s5, $0x6000;
	v5 =	vld [tilespmem:s26+$0x3170];
	[tilespmem:s4+$0x6220] =	vst v2  }
0xf8: {  	v6 =	vld [tilespmem:s26+$0x3100];
	[tilespmem:s4+$0x6230] =	vst v0  }
0xf9: {  	v7 =	vld [tilespmem:s26+$0x3110];
	[tilespmem:s4+$0x6240] =	vst v1  }
.Ltmp4:
0xfa: {  	v2 =	vld [tilespmem:s26+$0x3120];
	[tilespmem:s4+$0x6250] =	vst v3;
	(pc) =	sbr.rel @p2 .LBB2_5-.Ltmp4, $4  }
0xfb: {  	v0 =	vld [tilespmem:s26+$0x3130];
	[tilespmem:s4+$0x6260] =	vst v4;
	s4 =	smov.u32 s26  }
0xfc: {  	v1 =	vld [tilespmem:s4+$0x3140];
	[tilespmem:s4+$0x6270] =	vst v5  }
0xfd: {  	[tilespmem:s4+$0x6200] =	vst v6;
	v3 =	vld [tilespmem:s4+$0x3150]  }
0xfe: {  	s26 =	sshra.s32 s5, $0x2;
	s5 =	sadd.s32 $0x200, s5;
	[tilespmem:s4+$0x6210] =	vst v7;
	v4 =	vld [tilespmem:s4+$0x3160]  }
0xff: {  	v5 =	vld [tilespmem:s26+$0x3170];
	[tilespmem:s4+$0x6220] =	vst v2  }
0x100: {  	v2 =	vld [tilespmem:s26+$0x3100];
	[tilespmem:s4+$0x6230] =	vst v0  }
0x101: {  	v0 =	vld [tilespmem:s26+$0x3110];
	[tilespmem:s4+$0x6240] =	vst v1  }
0x102: {  	v1 =	vld [tilespmem:s26+$0x3120];
	[tilespmem:s4+$0x6250] =	vst v3  }
0x103: {  	v3 =	vld [tilespmem:s26+$0x3130];
	[tilespmem:s4+$0x6260] =	vst v4  }
0x104: {  	v4 =	vld [tilespmem:s26+$0x3140];
	[tilespmem:s26+$0x6270] =	vst v5  }
0x105: {  	[tilespmem:s26+$0x6200] =	vst v2;
	v2 =	vld [tilespmem:s26+$0x3150]  }
0x106: {  	[tilespmem:s26+$0x6210] =	vst v0;
	v0 =	vld [tilespmem:s26+$0x3160]  }
0x107: {  	[tilespmem:s26+$0x6220] =	vst v1  }
0x108: {  	[tilespmem:s26+$0x6230] =	vst v3  }
0x109: {  	[tilespmem:s26+$0x6240] =	vst v4  }
0x10a: {  	[tilespmem:s26+$0x6250] =	vst v2  }
0x10b: {  	[tilespmem:s26+$0x6260] =	vst v0  }
0x10c: {  	_ =	swait.ge [sflag:s21], $0x1880  }
0x10d: {  	[sflag:s21] =	ssyncset.done $0x0  }
0x10e: {  	[sflag:s21] =	ssyncadd.s32 $0xFFFFE780  }
0x10f: {  	_ =	swait.ge [sflag:s17], $0x1880  }
0x110: {  	[sflag:s17] =	ssyncset.done $0x0  }
0x111: {  	s26 =	simm.s32 $0x0;
	[sflag:s17] =	ssyncadd.s32 $0xFFFFE780  }
0x112: {  	[tilespmem:s16], [sflag:$0x2] =	stream.indirect.gather [spmem:s2], $0x1, s26, s20, $0xb8;
	[tilespmem:$0x1D180] =	vst v63  }
0x113: {  	s4 =	simm.s32 $0x0  }
0x114: {  	[tilespmem:s20], [sflag:$0x1] =	stream.linear.gather [hbm4b:s1+s26], $0x1880, $0x38;
	[tilespmem:$0x1D180] =	vst v63  }
0x115: {  	v7 =	vld [tilespmem:s4+$0x4980]  }
0x116: {  	v11 =	vld [tilespmem:s4+$0x4990]  }
0x117: {  	v5 =	vld [tilespmem:s4+$0x49A0]  }
0x118: {  	v4 =	vld [tilespmem:s4+$0x49B0]  }
0x119: {  	v3 =	vld [tilespmem:s4+$0x49C0]  }
0x11a: {  	v2 =	vld [tilespmem:s4+$0x49D0]  }
0x11b: {  	v1 =	vld [tilespmem:s4+$0x49E0]  }
0x11c: {  	v0 =	vld [tilespmem:s4+$0x49F0]  }
0x11d: {  	v12 =	vld [tilespmem:s4+$0x6200]  }
0x11e: {  	v13 =	vld [tilespmem:s4+$0x6210]  }
0x11f: {  	v10 =	vld [tilespmem:s4+$0x6220]  }
0x120: {  	v9 =	vld [tilespmem:s4+$0x6230]  }
0x121: {  	v8 =	vld [tilespmem:s4+$0x6240]  }
0x122: {  	v6 =	vld [tilespmem:s4+$0x6250];
	v12 =	vadd.f32 v7, v12  }
0x123: {  	s26 =	simm.s32 $0x200;
	v11 =	vadd.f32 v11, v13;
	v7 =	vld [tilespmem:s4+$0x6260]  }
.LBB2_7:
0x124: {  	s5 =	sshra.s32 s26, $0x2;
	p2 =	sne.s32 s26, $0x6000;
	[tilespmem:s4+$0x6200] =	vst v12;
	v5 =	vadd.f32 v5, v10;
	v10 =	vld [tilespmem:s4+$0x6270]  }
0x125: {  	v12 =	vld [tilespmem:s5+$0x4980];
	[tilespmem:s4+$0x6210] =	vst v11;
	v4 =	vadd.f32 v4, v9  }
0x126: {  	v11 =	vld [tilespmem:s5+$0x4990];
	[tilespmem:s4+$0x6220] =	vst v5;
	v3 =	vadd.f32 v3, v8  }
0x127: {  	v5 =	vld [tilespmem:s5+$0x49A0];
	[tilespmem:s4+$0x6230] =	vst v4;
	v2 =	vadd.f32 v2, v6  }
0x128: {  	v4 =	vld [tilespmem:s5+$0x49B0];
	[tilespmem:s4+$0x6240] =	vst v3;
	v1 =	vadd.f32 v1, v7  }
0x129: {  	v3 =	vld [tilespmem:s5+$0x49C0];
	[tilespmem:s4+$0x6250] =	vst v2;
	v0 =	vadd.f32 v0, v10  }
0x12a: {  	v2 =	vld [tilespmem:s5+$0x49D0];
	[tilespmem:s4+$0x6260] =	vst v1  }
0x12b: {  	v1 =	vld [tilespmem:s5+$0x49E0];
	[tilespmem:s4+$0x6270] =	vst v0;
	s4 =	smov.u32 s5  }
0x12c: {  	v0 =	vld [tilespmem:s4+$0x49F0]  }
0x12d: {  	v6 =	vld [tilespmem:s4+$0x6200]  }
0x12e: {  	v7 =	vld [tilespmem:s4+$0x6210]  }
.Ltmp5:
0x12f: {  	v10 =	vld [tilespmem:s4+$0x6220];
	(pc) =	sbr.rel @p2 .LBB2_7-.Ltmp5, $4  }
0x130: {  	v9 =	vld [tilespmem:s4+$0x6230]  }
0x131: {  	v8 =	vld [tilespmem:s4+$0x6240]  }
0x132: {  	v12 =	vadd.f32 v12, v6;
	v6 =	vld [tilespmem:s4+$0x6250]  }
0x133: {  	s26 =	sadd.s32 $0x200, s26;
	v11 =	vadd.f32 v11, v7;
	v7 =	vld [tilespmem:s4+$0x6260]  }
0x134: {  	[tilespmem:s4+$0x6200] =	vst v12;
	v5 =	vadd.f32 v5, v10;
	v10 =	vld [tilespmem:s4+$0x6270]  }
0x135: {  	[tilespmem:s4+$0x6210] =	vst v11;
	v4 =	vadd.f32 v4, v9  }
0x136: {  	[tilespmem:s4+$0x6220] =	vst v5;
	v3 =	vadd.f32 v3, v8  }
0x137: {  	[tilespmem:s4+$0x6230] =	vst v4;
	v2 =	vadd.f32 v2, v6  }
0x138: {  	[tilespmem:s4+$0x6240] =	vst v3;
	v1 =	vadd.f32 v1, v7  }
0x139: {  	[tilespmem:s4+$0x6250] =	vst v2;
	v0 =	vadd.f32 v0, v10  }
0x13a: {  	[tilespmem:s4+$0x6260] =	vst v1  }
0x13b: {  	[tilespmem:s4+$0x6270] =	vst v0  }
0x13c: {  	_ =	swait.ge [sflag:s21], $0x1880  }
0x13d: {  	[sflag:s21] =	ssyncset.done $0x0  }
0x13e: {  	[sflag:s21] =	ssyncadd.s32 $0xFFFFE780  }
0x13f: {  	_ =	swait.ge [sflag:s17], $0x1880  }
0x140: {  	[sflag:s17] =	ssyncset.done $0x0  }
0x141: {  	[sflag:s17] =	ssyncadd.s32 $0xFFFFE780  }
0x142: {  	[tilespmem:s18], [sflag:$0x2] =	stream.indirect.gather [spmem:s2], $0x1, s20, s20, $0xb8;
	[tilespmem:$0x1D180] =	vst v63  }
0x143: {  	s26 =	simm.s32 $0x0;
	s4 =	simm.s32 $0x0  }
0x144: {  	[tilespmem:s26], [sflag:$0x1] =	stream.linear.gather [hbm4b:s0+s26], $0x1880, $0x38;
	[tilespmem:$0x1D180] =	vst v63  }
0x145: {  	v7 =	vld [tilespmem:s4+$0x3100]  }
0x146: {  	v11 =	vld [tilespmem:s4+$0x3110]  }
0x147: {  	v5 =	vld [tilespmem:s4+$0x3120]  }
0x148: {  	v4 =	vld [tilespmem:s4+$0x3130]  }
0x149: {  	v3 =	vld [tilespmem:s4+$0x3140]  }
0x14a: {  	v2 =	vld [tilespmem:s4+$0x3150]  }
0x14b: {  	v1 =	vld [tilespmem:s4+$0x3160]  }
0x14c: {  	v0 =	vld [tilespmem:s4+$0x3170]  }
0x14d: {  	v12 =	vld [tilespmem:s4+$0x6200]  }
0x14e: {  	v13 =	vld [tilespmem:s4+$0x6210]  }
0x14f: {  	v10 =	vld [tilespmem:s4+$0x6220]  }
0x150: {  	v9 =	vld [tilespmem:s4+$0x6230]  }
0x151: {  	v8 =	vld [tilespmem:s4+$0x6240]  }
0x152: {  	v6 =	vld [tilespmem:s4+$0x6250];
	v12 =	vadd.f32 v7, v12  }
0x153: {  	s26 =	simm.s32 $0x200;
	v11 =	vadd.f32 v11, v13;
	v7 =	vld [tilespmem:s4+$0x6260]  }
.LBB2_9:
0x154: {  	s5 =	sshra.s32 s26, $0x2;
	p2 =	sne.s32 s26, $0x6000;
	[tilespmem:s4+$0x6200] =	vst v12;
	v5 =	vadd.f32 v5, v10;
	v10 =	vld [tilespmem:s4+$0x6270]  }
0x155: {  	v12 =	vld [tilespmem:s5+$0x3100];
	[tilespmem:s4+$0x6210] =	vst v11;
	v4 =	vadd.f32 v4, v9  }
0x156: {  	v11 =	vld [tilespmem:s5+$0x3110];
	[tilespmem:s4+$0x6220] =	vst v5;
	v3 =	vadd.f32 v3, v8  }
0x157: {  	v5 =	vld [tilespmem:s5+$0x3120];
	[tilespmem:s4+$0x6230] =	vst v4;
	v2 =	vadd.f32 v2, v6  }
0x158: {  	v4 =	vld [tilespmem:s5+$0x3130];
	[tilespmem:s4+$0x6240] =	vst v3;
	v1 =	vadd.f32 v1, v7  }
0x159: {  	v3 =	vld [tilespmem:s5+$0x3140];
	[tilespmem:s4+$0x6250] =	vst v2;
	v0 =	vadd.f32 v0, v10  }
0x15a: {  	v2 =	vld [tilespmem:s5+$0x3150];
	[tilespmem:s4+$0x6260] =	vst v1  }
0x15b: {  	v1 =	vld [tilespmem:s5+$0x3160];
	[tilespmem:s4+$0x6270] =	vst v0;
	s4 =	smov.u32 s5  }
0x15c: {  	v0 =	vld [tilespmem:s4+$0x3170]  }
0x15d: {  	v6 =	vld [tilespmem:s4+$0x6200]  }
0x15e: {  	v7 =	vld [tilespmem:s4+$0x6210]  }
.Ltmp6:
0x15f: {  	v10 =	vld [tilespmem:s4+$0x6220];
	(pc) =	sbr.rel @p2 .LBB2_9-.Ltmp6, $4  }
0x160: {  	v9 =	vld [tilespmem:s4+$0x6230]  }
0x161: {  	v8 =	vld [tilespmem:s4+$0x6240]  }
0x162: {  	v12 =	vadd.f32 v12, v6;
	v6 =	vld [tilespmem:s4+$0x6250]  }
0x163: {  	s26 =	sadd.s32 $0x200, s26;
	v11 =	vadd.f32 v11, v7;
	v7 =	vld [tilespmem:s4+$0x6260]  }
0x164: {  	[tilespmem:s4+$0x6200] =	vst v12;
	v5 =	vadd.f32 v5, v10;
	v10 =	vld [tilespmem:s4+$0x6270]  }
0x165: {  	[tilespmem:s4+$0x6210] =	vst v11;
	v4 =	vadd.f32 v4, v9  }
0x166: {  	[tilespmem:s4+$0x6220] =	vst v5;
	v3 =	vadd.f32 v3, v8  }
0x167: {  	[tilespmem:s4+$0x6230] =	vst v4;
	v2 =	vadd.f32 v2, v6  }
0x168: {  	[tilespmem:s4+$0x6240] =	vst v3;
	v1 =	vadd.f32 v1, v7  }
0x169: {  	[tilespmem:s4+$0x6250] =	vst v2;
	v0 =	vadd.f32 v0, v10  }
0x16a: {  	[tilespmem:s4+$0x6260] =	vst v1  }
0x16b: {  	[tilespmem:s4+$0x6270] =	vst v0  }
0x16c: {  	_ =	swait.ge [sflag:s21], $0x1880  }
0x16d: {  	[sflag:s21] =	ssyncset.done $0x0  }
0x16e: {  	[sflag:s21] =	ssyncadd.s32 $0xFFFFE780  }
0x16f: {  	_ =	swait.ge [sflag:s17], $0x1880  }
0x170: {  	[sflag:s17] =	ssyncset.done $0x0  }
0x171: {  	s26 =	simm.s32 $0x0;
	[sflag:s17] =	ssyncadd.s32 $0xFFFFE780  }
0x172: {  	[tilespmem:s16], [sflag:$0x2] =	stream.indirect.gather [spmem:s2], $0x1, s26, s20, $0xb8;
	[tilespmem:$0x1D180] =	vst v63  }
0x173: {  	s4 =	simm.s32 $0x0  }
0x174: {  	[tilespmem:s20], [sflag:$0x1] =	stream.linear.gather [hbm4b:s6+s26], $0x1880, $0x38;
	[tilespmem:$0x1D180] =	vst v63  }
0x175: {  	v7 =	vld [tilespmem:s4+$0x4980]  }
0x176: {  	v11 =	vld [tilespmem:s4+$0x4990]  }
0x177: {  	v5 =	vld [tilespmem:s4+$0x49A0]  }
0x178: {  	v4 =	vld [tilespmem:s4+$0x49B0]  }
0x179: {  	v3 =	vld [tilespmem:s4+$0x49C0]  }
0x17a: {  	v2 =	vld [tilespmem:s4+$0x49D0]  }
0x17b: {  	v1 =	vld [tilespmem:s4+$0x49E0]  }
0x17c: {  	v0 =	vld [tilespmem:s4+$0x49F0]  }
0x17d: {  	v12 =	vld [tilespmem:s4+$0x6200]  }
0x17e: {  	v13 =	vld [tilespmem:s4+$0x6210]  }
0x17f: {  	v10 =	vld [tilespmem:s4+$0x6220]  }
0x180: {  	v9 =	vld [tilespmem:s4+$0x6230]  }
0x181: {  	v8 =	vld [tilespmem:s4+$0x6240]  }
0x182: {  	v6 =	vld [tilespmem:s4+$0x6250];
	v12 =	vadd.f32 v7, v12  }
0x183: {  	s26 =	simm.s32 $0x200;
	v11 =	vadd.f32 v11, v13;
	v7 =	vld [tilespmem:s4+$0x6260]  }
.LBB2_11:
0x184: {  	s5 =	sshra.s32 s26, $0x2;
	p2 =	sne.s32 s26, $0x6000;
	[tilespmem:s4+$0x6200] =	vst v12;
	v5 =	vadd.f32 v5, v10;
	v10 =	vld [tilespmem:s4+$0x6270]  }
0x185: {  	v12 =	vld [tilespmem:s5+$0x4980];
	[tilespmem:s4+$0x6210] =	vst v11;
	v4 =	vadd.f32 v4, v9  }
0x186: {  	v11 =	vld [tilespmem:s5+$0x4990];
	[tilespmem:s4+$0x6220] =	vst v5;
	v3 =	vadd.f32 v3, v8  }
0x187: {  	v5 =	vld [tilespmem:s5+$0x49A0];
	[tilespmem:s4+$0x6230] =	vst v4;
	v2 =	vadd.f32 v2, v6  }
0x188: {  	v4 =	vld [tilespmem:s5+$0x49B0];
	[tilespmem:s4+$0x6240] =	vst v3;
	v1 =	vadd.f32 v1, v7  }
0x189: {  	v3 =	vld [tilespmem:s5+$0x49C0];
	[tilespmem:s4+$0x6250] =	vst v2;
	v0 =	vadd.f32 v0, v10  }
0x18a: {  	v2 =	vld [tilespmem:s5+$0x49D0];
	[tilespmem:s4+$0x6260] =	vst v1  }
0x18b: {  	v1 =	vld [tilespmem:s5+$0x49E0];
	[tilespmem:s4+$0x6270] =	vst v0;
	s4 =	smov.u32 s5  }
0x18c: {  	v0 =	vld [tilespmem:s4+$0x49F0]  }
0x18d: {  	v6 =	vld [tilespmem:s4+$0x6200]  }
0x18e: {  	v7 =	vld [tilespmem:s4+$0x6210]  }
.Ltmp7:
0x18f: {  	v10 =	vld [tilespmem:s4+$0x6220];
	(pc) =	sbr.rel @p2 .LBB2_11-.Ltmp7, $4  }
0x190: {  	v9 =	vld [tilespmem:s4+$0x6230]  }
0x191: {  	v8 =	vld [tilespmem:s4+$0x6240]  }
0x192: {  	v12 =	vadd.f32 v12, v6;
	v6 =	vld [tilespmem:s4+$0x6250]  }
0x193: {  	s26 =	sadd.s32 $0x200, s26;
	v11 =	vadd.f32 v11, v7;
	v7 =	vld [tilespmem:s4+$0x6260]  }
0x194: {  	[tilespmem:s4+$0x6200] =	vst v12;
	v5 =	vadd.f32 v5, v10;
	v10 =	vld [tilespmem:s4+$0x6270]  }
0x195: {  	[tilespmem:s4+$0x6210] =	vst v11;
	v4 =	vadd.f32 v4, v9  }
0x196: {  	[tilespmem:s4+$0x6220] =	vst v5;
	v3 =	vadd.f32 v3, v8  }
0x197: {  	[tilespmem:s4+$0x6230] =	vst v4;
	v2 =	vadd.f32 v2, v6  }
0x198: {  	[tilespmem:s4+$0x6240] =	vst v3;
	v1 =	vadd.f32 v1, v7  }
0x199: {  	[tilespmem:s4+$0x6250] =	vst v2;
	v0 =	vadd.f32 v0, v10  }
0x19a: {  	[tilespmem:s4+$0x6260] =	vst v1  }
0x19b: {  	[tilespmem:s4+$0x6270] =	vst v0  }
0x19c: {  	_ =	swait.ge [sflag:s21], $0x1880  }
0x19d: {  	[sflag:s21] =	ssyncset.done $0x0  }
0x19e: {  	[sflag:s21] =	ssyncadd.s32 $0xFFFFE780  }
0x19f: {  	_ =	swait.ge [sflag:s17], $0x1880  }
0x1a0: {  	[sflag:s17] =	ssyncset.done $0x0  }
0x1a1: {  	[sflag:s17] =	ssyncadd.s32 $0xFFFFE780  }
0x1a2: {  	[tilespmem:s18], [sflag:$0x2] =	stream.indirect.gather [spmem:s2], $0x1, s20, s20, $0xb8;
	[tilespmem:$0x1D180] =	vst v63  }
0x1a3: {  	s26 =	simm.s32 $0x0;
	s4 =	simm.s32 $0x0  }
0x1a4: {  	[tilespmem:s26], [sflag:$0x1] =	stream.linear.gather [hbm4b:s7+s26], $0x1880, $0x38;
	[tilespmem:$0x1D180] =	vst v63  }
0x1a5: {  	v7 =	vld [tilespmem:s4+$0x3100]  }
0x1a6: {  	v11 =	vld [tilespmem:s4+$0x3110]  }
0x1a7: {  	v5 =	vld [tilespmem:s4+$0x3120]  }
0x1a8: {  	v4 =	vld [tilespmem:s4+$0x3130]  }
0x1a9: {  	v3 =	vld [tilespmem:s4+$0x3140]  }
0x1aa: {  	v2 =	vld [tilespmem:s4+$0x3150]  }
0x1ab: {  	v1 =	vld [tilespmem:s4+$0x3160]  }
0x1ac: {  	v0 =	vld [tilespmem:s4+$0x3170]  }
0x1ad: {  	v12 =	vld [tilespmem:s4+$0x6200]  }
0x1ae: {  	v13 =	vld [tilespmem:s4+$0x6210]  }
0x1af: {  	v10 =	vld [tilespmem:s4+$0x6220]  }
0x1b0: {  	v9 =	vld [tilespmem:s4+$0x6230]  }
0x1b1: {  	v8 =	vld [tilespmem:s4+$0x6240]  }
0x1b2: {  	v6 =	vld [tilespmem:s4+$0x6250];
	v12 =	vadd.f32 v7, v12  }
0x1b3: {  	s26 =	simm.s32 $0x200;
	v11 =	vadd.f32 v11, v13;
	v7 =	vld [tilespmem:s4+$0x6260]  }
.LBB2_13:
0x1b4: {  	s5 =	sshra.s32 s26, $0x2;
	p2 =	sne.s32 s26, $0x6000;
	[tilespmem:s4+$0x6200] =	vst v12;
	v5 =	vadd.f32 v5, v10;
	v10 =	vld [tilespmem:s4+$0x6270]  }
0x1b5: {  	v12 =	vld [tilespmem:s5+$0x3100];
	[tilespmem:s4+$0x6210] =	vst v11;
	v4 =	vadd.f32 v4, v9  }
0x1b6: {  	v11 =	vld [tilespmem:s5+$0x3110];
	[tilespmem:s4+$0x6220] =	vst v5;
	v3 =	vadd.f32 v3, v8  }
0x1b7: {  	v5 =	vld [tilespmem:s5+$0x3120];
	[tilespmem:s4+$0x6230] =	vst v4;
	v2 =	vadd.f32 v2, v6  }
0x1b8: {  	v4 =	vld [tilespmem:s5+$0x3130];
	[tilespmem:s4+$0x6240] =	vst v3;
	v1 =	vadd.f32 v1, v7  }
0x1b9: {  	v3 =	vld [tilespmem:s5+$0x3140];
	[tilespmem:s4+$0x6250] =	vst v2;
	v0 =	vadd.f32 v0, v10  }
0x1ba: {  	v2 =	vld [tilespmem:s5+$0x3150];
	[tilespmem:s4+$0x6260] =	vst v1  }
0x1bb: {  	v1 =	vld [tilespmem:s5+$0x3160];
	[tilespmem:s4+$0x6270] =	vst v0;
	s4 =	smov.u32 s5  }
0x1bc: {  	v0 =	vld [tilespmem:s4+$0x3170]  }
0x1bd: {  	v6 =	vld [tilespmem:s4+$0x6200]  }
0x1be: {  	v7 =	vld [tilespmem:s4+$0x6210]  }
.Ltmp8:
0x1bf: {  	v10 =	vld [tilespmem:s4+$0x6220];
	(pc) =	sbr.rel @p2 .LBB2_13-.Ltmp8, $4  }
0x1c0: {  	v9 =	vld [tilespmem:s4+$0x6230]  }
0x1c1: {  	v8 =	vld [tilespmem:s4+$0x6240]  }
0x1c2: {  	v12 =	vadd.f32 v12, v6;
	v6 =	vld [tilespmem:s4+$0x6250]  }
0x1c3: {  	s26 =	sadd.s32 $0x200, s26;
	v11 =	vadd.f32 v11, v7;
	v7 =	vld [tilespmem:s4+$0x6260]  }
0x1c4: {  	[tilespmem:s4+$0x6200] =	vst v12;
	v5 =	vadd.f32 v5, v10;
	v10 =	vld [tilespmem:s4+$0x6270]  }
0x1c5: {  	[tilespmem:s4+$0x6210] =	vst v11;
	v4 =	vadd.f32 v4, v9  }
0x1c6: {  	[tilespmem:s4+$0x6220] =	vst v5;
	v3 =	vadd.f32 v3, v8  }
0x1c7: {  	[tilespmem:s4+$0x6230] =	vst v4;
	v2 =	vadd.f32 v2, v6  }
0x1c8: {  	[tilespmem:s4+$0x6240] =	vst v3;
	v1 =	vadd.f32 v1, v7  }
0x1c9: {  	[tilespmem:s4+$0x6250] =	vst v2;
	v0 =	vadd.f32 v0, v10  }
0x1ca: {  	[tilespmem:s4+$0x6260] =	vst v1  }
0x1cb: {  	[tilespmem:s4+$0x6270] =	vst v0  }
0x1cc: {  	_ =	swait.ge [sflag:s21], $0x1880  }
0x1cd: {  	[sflag:s21] =	ssyncset.done $0x0  }
0x1ce: {  	[sflag:s21] =	ssyncadd.s32 $0xFFFFE780  }
0x1cf: {  	_ =	swait.ge [sflag:s17], $0x1880  }
0x1d0: {  	[sflag:s17] =	ssyncset.done $0x0  }
0x1d1: {  	s26 =	simm.s32 $0x0;
	[sflag:s17] =	ssyncadd.s32 $0xFFFFE780  }
0x1d2: {  	[tilespmem:s16], [sflag:$0x2] =	stream.indirect.gather [spmem:s2], $0x1, s26, s20, $0xb8;
	[tilespmem:$0x1D180] =	vst v63  }
0x1d3: {  	s4 =	simm.s32 $0x0  }
0x1d4: {  	[tilespmem:s20], [sflag:$0x1] =	stream.linear.gather [hbm4b:s9+s26], $0x1880, $0x38;
	[tilespmem:$0x1D180] =	vst v63  }
0x1d5: {  	v7 =	vld [tilespmem:s4+$0x4980]  }
0x1d6: {  	v11 =	vld [tilespmem:s4+$0x4990]  }
0x1d7: {  	v5 =	vld [tilespmem:s4+$0x49A0]  }
0x1d8: {  	v4 =	vld [tilespmem:s4+$0x49B0]  }
0x1d9: {  	v3 =	vld [tilespmem:s4+$0x49C0]  }
0x1da: {  	v2 =	vld [tilespmem:s4+$0x49D0]  }
0x1db: {  	v1 =	vld [tilespmem:s4+$0x49E0]  }
0x1dc: {  	v0 =	vld [tilespmem:s4+$0x49F0]  }
0x1dd: {  	v12 =	vld [tilespmem:s4+$0x6200]  }
0x1de: {  	v13 =	vld [tilespmem:s4+$0x6210]  }
0x1df: {  	v10 =	vld [tilespmem:s4+$0x6220]  }
0x1e0: {  	v9 =	vld [tilespmem:s4+$0x6230]  }
0x1e1: {  	v8 =	vld [tilespmem:s4+$0x6240]  }
0x1e2: {  	v6 =	vld [tilespmem:s4+$0x6250];
	v12 =	vadd.f32 v7, v12  }
0x1e3: {  	s26 =	simm.s32 $0x200;
	v11 =	vadd.f32 v11, v13;
	v7 =	vld [tilespmem:s4+$0x6260]  }
.LBB2_15:
0x1e4: {  	s5 =	sshra.s32 s26, $0x2;
	p2 =	sne.s32 s26, $0x6000;
	[tilespmem:s4+$0x6200] =	vst v12;
	v5 =	vadd.f32 v5, v10;
	v10 =	vld [tilespmem:s4+$0x6270]  }
0x1e5: {  	v12 =	vld [tilespmem:s5+$0x4980];
	[tilespmem:s4+$0x6210] =	vst v11;
	v4 =	vadd.f32 v4, v9  }
0x1e6: {  	v11 =	vld [tilespmem:s5+$0x4990];
	[tilespmem:s4+$0x6220] =	vst v5;
	v3 =	vadd.f32 v3, v8  }
0x1e7: {  	v5 =	vld [tilespmem:s5+$0x49A0];
	[tilespmem:s4+$0x6230] =	vst v4;
	v2 =	vadd.f32 v2, v6  }
0x1e8: {  	v4 =	vld [tilespmem:s5+$0x49B0];
	[tilespmem:s4+$0x6240] =	vst v3;
	v1 =	vadd.f32 v1, v7  }
0x1e9: {  	v3 =	vld [tilespmem:s5+$0x49C0];
	[tilespmem:s4+$0x6250] =	vst v2;
	v0 =	vadd.f32 v0, v10  }
0x1ea: {  	v2 =	vld [tilespmem:s5+$0x49D0];
	[tilespmem:s4+$0x6260] =	vst v1  }
0x1eb: {  	v1 =	vld [tilespmem:s5+$0x49E0];
	[tilespmem:s4+$0x6270] =	vst v0;
	s4 =	smov.u32 s5  }
0x1ec: {  	v0 =	vld [tilespmem:s4+$0x49F0]  }
0x1ed: {  	v6 =	vld [tilespmem:s4+$0x6200]  }
0x1ee: {  	v7 =	vld [tilespmem:s4+$0x6210]  }
.Ltmp9:
0x1ef: {  	v10 =	vld [tilespmem:s4+$0x6220];
	(pc) =	sbr.rel @p2 .LBB2_15-.Ltmp9, $4  }
0x1f0: {  	v9 =	vld [tilespmem:s4+$0x6230]  }
0x1f1: {  	v8 =	vld [tilespmem:s4+$0x6240]  }
0x1f2: {  	v12 =	vadd.f32 v12, v6;
	v6 =	vld [tilespmem:s4+$0x6250]  }
0x1f3: {  	s26 =	sadd.s32 $0x200, s26;
	v11 =	vadd.f32 v11, v7;
	v7 =	vld [tilespmem:s4+$0x6260]  }
0x1f4: {  	[tilespmem:s4+$0x6200] =	vst v12;
	v5 =	vadd.f32 v5, v10;
	v10 =	vld [tilespmem:s4+$0x6270]  }
0x1f5: {  	[tilespmem:s4+$0x6210] =	vst v11;
	v4 =	vadd.f32 v4, v9  }
0x1f6: {  	[tilespmem:s4+$0x6220] =	vst v5;
	v3 =	vadd.f32 v3, v8  }
0x1f7: {  	[tilespmem:s4+$0x6230] =	vst v4;
	v2 =	vadd.f32 v2, v6  }
0x1f8: {  	[tilespmem:s4+$0x6240] =	vst v3;
	v1 =	vadd.f32 v1, v7  }
0x1f9: {  	[tilespmem:s4+$0x6250] =	vst v2;
	v0 =	vadd.f32 v0, v10  }
0x1fa: {  	[tilespmem:s4+$0x6260] =	vst v1  }
0x1fb: {  	[tilespmem:s4+$0x6270] =	vst v0  }
0x1fc: {  	_ =	swait.ge [sflag:s21], $0x1880  }
0x1fd: {  	[sflag:s21] =	ssyncset.done $0x0  }
0x1fe: {  	[sflag:s21] =	ssyncadd.s32 $0xFFFFE780  }
0x1ff: {  	_ =	swait.ge [sflag:s17], $0x1880  }
0x200: {  	[sflag:s17] =	ssyncset.done $0x0  }
0x201: {  	[sflag:s17] =	ssyncadd.s32 $0xFFFFE780  }
0x202: {  	[tilespmem:s18], [sflag:$0x2] =	stream.indirect.gather [spmem:s2], $0x1, s20, s20, $0xb8;
	[tilespmem:$0x1D180] =	vst v63  }
0x203: {  	s26 =	simm.s32 $0x0;
	s4 =	simm.s32 $0x0  }
0x204: {  	[tilespmem:s26], [sflag:$0x1] =	stream.linear.gather [hbm4b:s10+s26], $0x1880, $0x38;
	[tilespmem:$0x1D180] =	vst v63  }
0x205: {  	v7 =	vld [tilespmem:s4+$0x3100]  }
0x206: {  	v11 =	vld [tilespmem:s4+$0x3110]  }
0x207: {  	v5 =	vld [tilespmem:s4+$0x3120]  }
0x208: {  	v4 =	vld [tilespmem:s4+$0x3130]  }
0x209: {  	v3 =	vld [tilespmem:s4+$0x3140]  }
0x20a: {  	v2 =	vld [tilespmem:s4+$0x3150]  }
0x20b: {  	v1 =	vld [tilespmem:s4+$0x3160]  }
0x20c: {  	v0 =	vld [tilespmem:s4+$0x3170]  }
0x20d: {  	v12 =	vld [tilespmem:s4+$0x6200]  }
0x20e: {  	v13 =	vld [tilespmem:s4+$0x6210]  }
0x20f: {  	v10 =	vld [tilespmem:s4+$0x6220]  }
0x210: {  	v9 =	vld [tilespmem:s4+$0x6230]  }
0x211: {  	v8 =	vld [tilespmem:s4+$0x6240]  }
0x212: {  	v6 =	vld [tilespmem:s4+$0x6250];
	v12 =	vadd.f32 v7, v12  }
0x213: {  	s26 =	simm.s32 $0x200;
	v11 =	vadd.f32 v11, v13;
	v7 =	vld [tilespmem:s4+$0x6260]  }
.LBB2_17:
0x214: {  	s5 =	sshra.s32 s26, $0x2;
	p2 =	sne.s32 s26, $0x6000;
	[tilespmem:s4+$0x6200] =	vst v12;
	v5 =	vadd.f32 v5, v10;
	v10 =	vld [tilespmem:s4+$0x6270]  }
0x215: {  	v12 =	vld [tilespmem:s5+$0x3100];
	[tilespmem:s4+$0x6210] =	vst v11;
	v4 =	vadd.f32 v4, v9  }
0x216: {  	v11 =	vld [tilespmem:s5+$0x3110];
	[tilespmem:s4+$0x6220] =	vst v5;
	v3 =	vadd.f32 v3, v8  }
0x217: {  	v5 =	vld [tilespmem:s5+$0x3120];
	[tilespmem:s4+$0x6230] =	vst v4;
	v2 =	vadd.f32 v2, v6  }
0x218: {  	v4 =	vld [tilespmem:s5+$0x3130];
	[tilespmem:s4+$0x6240] =	vst v3;
	v1 =	vadd.f32 v1, v7  }
0x219: {  	v3 =	vld [tilespmem:s5+$0x3140];
	[tilespmem:s4+$0x6250] =	vst v2;
	v0 =	vadd.f32 v0, v10  }
0x21a: {  	v2 =	vld [tilespmem:s5+$0x3150];
	[tilespmem:s4+$0x6260] =	vst v1  }
0x21b: {  	v1 =	vld [tilespmem:s5+$0x3160];
	[tilespmem:s4+$0x6270] =	vst v0;
	s4 =	smov.u32 s5  }
0x21c: {  	v0 =	vld [tilespmem:s4+$0x3170]  }
0x21d: {  	v6 =	vld [tilespmem:s4+$0x6200]  }
0x21e: {  	v7 =	vld [tilespmem:s4+$0x6210]  }
.Ltmp10:
0x21f: {  	v10 =	vld [tilespmem:s4+$0x6220];
	(pc) =	sbr.rel @p2 .LBB2_17-.Ltmp10, $4  }
0x220: {  	v9 =	vld [tilespmem:s4+$0x6230]  }
0x221: {  	v8 =	vld [tilespmem:s4+$0x6240]  }
0x222: {  	v12 =	vadd.f32 v12, v6;
	v6 =	vld [tilespmem:s4+$0x6250]  }
0x223: {  	s26 =	sadd.s32 $0x200, s26;
	v11 =	vadd.f32 v11, v7;
	v7 =	vld [tilespmem:s4+$0x6260]  }
0x224: {  	[tilespmem:s4+$0x6200] =	vst v12;
	v5 =	vadd.f32 v5, v10;
	v10 =	vld [tilespmem:s4+$0x6270]  }
0x225: {  	[tilespmem:s4+$0x6210] =	vst v11;
	v4 =	vadd.f32 v4, v9  }
0x226: {  	[tilespmem:s4+$0x6220] =	vst v5;
	v3 =	vadd.f32 v3, v8  }
0x227: {  	[tilespmem:s4+$0x6230] =	vst v4;
	v2 =	vadd.f32 v2, v6  }
0x228: {  	[tilespmem:s4+$0x6240] =	vst v3;
	v1 =	vadd.f32 v1, v7  }
0x229: {  	[tilespmem:s4+$0x6250] =	vst v2;
	v0 =	vadd.f32 v0, v10  }
0x22a: {  	[tilespmem:s4+$0x6260] =	vst v1  }
0x22b: {  	[tilespmem:s4+$0x6270] =	vst v0  }
0x22c: {  	_ =	swait.ge [sflag:s21], $0x1880  }
0x22d: {  	[sflag:s21] =	ssyncset.done $0x0  }
0x22e: {  	[sflag:s21] =	ssyncadd.s32 $0xFFFFE780  }
0x22f: {  	_ =	swait.ge [sflag:s17], $0x1880  }
0x230: {  	[sflag:s17] =	ssyncset.done $0x0  }
0x231: {  	s26 =	simm.s32 $0x0;
	[sflag:s17] =	ssyncadd.s32 $0xFFFFE780  }
0x232: {  	[tilespmem:s16], [sflag:$0x2] =	stream.indirect.gather [spmem:s2], $0x1, s26, s20, $0xb8;
	[tilespmem:$0x1D180] =	vst v63  }
0x233: {  	s4 =	simm.s32 $0x0  }
0x234: {  	[tilespmem:s20], [sflag:$0x1] =	stream.linear.gather [hbm4b:s11+s26], $0x1880, $0x38;
	[tilespmem:$0x1D180] =	vst v63  }
0x235: {  	v7 =	vld [tilespmem:s4+$0x4980]  }
0x236: {  	v11 =	vld [tilespmem:s4+$0x4990]  }
0x237: {  	v5 =	vld [tilespmem:s4+$0x49A0]  }
0x238: {  	v4 =	vld [tilespmem:s4+$0x49B0]  }
0x239: {  	v3 =	vld [tilespmem:s4+$0x49C0]  }
0x23a: {  	v2 =	vld [tilespmem:s4+$0x49D0]  }
0x23b: {  	v1 =	vld [tilespmem:s4+$0x49E0]  }
0x23c: {  	v0 =	vld [tilespmem:s4+$0x49F0]  }
0x23d: {  	v12 =	vld [tilespmem:s4+$0x6200]  }
0x23e: {  	v13 =	vld [tilespmem:s4+$0x6210]  }
0x23f: {  	v10 =	vld [tilespmem:s4+$0x6220]  }
0x240: {  	v9 =	vld [tilespmem:s4+$0x6230]  }
0x241: {  	v8 =	vld [tilespmem:s4+$0x6240]  }
0x242: {  	v6 =	vld [tilespmem:s4+$0x6250];
	v12 =	vadd.f32 v7, v12  }
0x243: {  	s26 =	simm.s32 $0x200;
	v11 =	vadd.f32 v11, v13;
	v7 =	vld [tilespmem:s4+$0x6260]  }
.LBB2_19:
0x244: {  	s5 =	sshra.s32 s26, $0x2;
	p2 =	sne.s32 s26, $0x6000;
	[tilespmem:s4+$0x6200] =	vst v12;
	v5 =	vadd.f32 v5, v10;
	v10 =	vld [tilespmem:s4+$0x6270]  }
0x245: {  	v12 =	vld [tilespmem:s5+$0x4980];
	[tilespmem:s4+$0x6210] =	vst v11;
	v4 =	vadd.f32 v4, v9  }
0x246: {  	v11 =	vld [tilespmem:s5+$0x4990];
	[tilespmem:s4+$0x6220] =	vst v5;
	v3 =	vadd.f32 v3, v8  }
0x247: {  	v5 =	vld [tilespmem:s5+$0x49A0];
	[tilespmem:s4+$0x6230] =	vst v4;
	v2 =	vadd.f32 v2, v6  }
0x248: {  	v4 =	vld [tilespmem:s5+$0x49B0];
	[tilespmem:s4+$0x6240] =	vst v3;
	v1 =	vadd.f32 v1, v7  }
0x249: {  	v3 =	vld [tilespmem:s5+$0x49C0];
	[tilespmem:s4+$0x6250] =	vst v2;
	v0 =	vadd.f32 v0, v10  }
0x24a: {  	v2 =	vld [tilespmem:s5+$0x49D0];
	[tilespmem:s4+$0x6260] =	vst v1  }
0x24b: {  	v1 =	vld [tilespmem:s5+$0x49E0];
	[tilespmem:s4+$0x6270] =	vst v0;
	s4 =	smov.u32 s5  }
0x24c: {  	v0 =	vld [tilespmem:s4+$0x49F0]  }
0x24d: {  	v6 =	vld [tilespmem:s4+$0x6200]  }
0x24e: {  	v7 =	vld [tilespmem:s4+$0x6210]  }
.Ltmp11:
0x24f: {  	v10 =	vld [tilespmem:s4+$0x6220];
	(pc) =	sbr.rel @p2 .LBB2_19-.Ltmp11, $4  }
0x250: {  	v9 =	vld [tilespmem:s4+$0x6230]  }
0x251: {  	v8 =	vld [tilespmem:s4+$0x6240]  }
0x252: {  	v12 =	vadd.f32 v12, v6;
	v6 =	vld [tilespmem:s4+$0x6250]  }
0x253: {  	s26 =	sadd.s32 $0x200, s26;
	v11 =	vadd.f32 v11, v7;
	v7 =	vld [tilespmem:s4+$0x6260]  }
0x254: {  	[tilespmem:s4+$0x6200] =	vst v12;
	v5 =	vadd.f32 v5, v10;
	v10 =	vld [tilespmem:s4+$0x6270]  }
0x255: {  	[tilespmem:s4+$0x6210] =	vst v11;
	v4 =	vadd.f32 v4, v9  }
0x256: {  	[tilespmem:s4+$0x6220] =	vst v5;
	v3 =	vadd.f32 v3, v8  }
0x257: {  	[tilespmem:s4+$0x6230] =	vst v4;
	v2 =	vadd.f32 v2, v6  }
0x258: {  	[tilespmem:s4+$0x6240] =	vst v3;
	v1 =	vadd.f32 v1, v7  }
0x259: {  	[tilespmem:s4+$0x6250] =	vst v2;
	v0 =	vadd.f32 v0, v10  }
0x25a: {  	[tilespmem:s4+$0x6260] =	vst v1  }
0x25b: {  	[tilespmem:s4+$0x6270] =	vst v0  }
0x25c: {  	_ =	swait.ge [sflag:s21], $0x1880  }
0x25d: {  	[sflag:s21] =	ssyncset.done $0x0  }
0x25e: {  	[sflag:s21] =	ssyncadd.s32 $0xFFFFE780  }
0x25f: {  	_ =	swait.ge [sflag:s17], $0x1880  }
0x260: {  	[sflag:s17] =	ssyncset.done $0x0  }
0x261: {  	[sflag:s17] =	ssyncadd.s32 $0xFFFFE780  }
0x262: {  	[tilespmem:s18], [sflag:$0x2] =	stream.indirect.gather [spmem:s2], $0x1, s20, s20, $0xb8;
	[tilespmem:$0x1D180] =	vst v63  }
0x263: {  	s26 =	simm.s32 $0x0;
	s4 =	simm.s32 $0x0  }
0x264: {  	[tilespmem:s26], [sflag:$0x1] =	stream.linear.gather [hbm4b:s12+s26], $0x1880, $0x38;
	[tilespmem:$0x1D180] =	vst v63  }
0x265: {  	v7 =	vld [tilespmem:s4+$0x3100]  }
0x266: {  	v11 =	vld [tilespmem:s4+$0x3110]  }
0x267: {  	v5 =	vld [tilespmem:s4+$0x3120]  }
0x268: {  	v4 =	vld [tilespmem:s4+$0x3130]  }
0x269: {  	v3 =	vld [tilespmem:s4+$0x3140]  }
0x26a: {  	v2 =	vld [tilespmem:s4+$0x3150]  }
0x26b: {  	v1 =	vld [tilespmem:s4+$0x3160]  }
0x26c: {  	v0 =	vld [tilespmem:s4+$0x3170]  }
0x26d: {  	v12 =	vld [tilespmem:s4+$0x6200]  }
0x26e: {  	v13 =	vld [tilespmem:s4+$0x6210]  }
0x26f: {  	v10 =	vld [tilespmem:s4+$0x6220]  }
0x270: {  	v9 =	vld [tilespmem:s4+$0x6230]  }
0x271: {  	v8 =	vld [tilespmem:s4+$0x6240]  }
0x272: {  	v6 =	vld [tilespmem:s4+$0x6250];
	v12 =	vadd.f32 v7, v12  }
0x273: {  	s26 =	simm.s32 $0x200;
	v11 =	vadd.f32 v11, v13;
	v7 =	vld [tilespmem:s4+$0x6260]  }
.LBB2_21:
0x274: {  	s5 =	sshra.s32 s26, $0x2;
	p2 =	sne.s32 s26, $0x6000;
	[tilespmem:s4+$0x6200] =	vst v12;
	v5 =	vadd.f32 v5, v10;
	v10 =	vld [tilespmem:s4+$0x6270]  }
0x275: {  	v12 =	vld [tilespmem:s5+$0x3100];
	[tilespmem:s4+$0x6210] =	vst v11;
	v4 =	vadd.f32 v4, v9  }
0x276: {  	v11 =	vld [tilespmem:s5+$0x3110];
	[tilespmem:s4+$0x6220] =	vst v5;
	v3 =	vadd.f32 v3, v8  }
0x277: {  	v5 =	vld [tilespmem:s5+$0x3120];
	[tilespmem:s4+$0x6230] =	vst v4;
	v2 =	vadd.f32 v2, v6  }
0x278: {  	v4 =	vld [tilespmem:s5+$0x3130];
	[tilespmem:s4+$0x6240] =	vst v3;
	v1 =	vadd.f32 v1, v7  }
0x279: {  	v3 =	vld [tilespmem:s5+$0x3140];
	[tilespmem:s4+$0x6250] =	vst v2;
	v0 =	vadd.f32 v0, v10  }
0x27a: {  	v2 =	vld [tilespmem:s5+$0x3150];
	[tilespmem:s4+$0x6260] =	vst v1  }
0x27b: {  	v1 =	vld [tilespmem:s5+$0x3160];
	[tilespmem:s4+$0x6270] =	vst v0;
	s4 =	smov.u32 s5  }
0x27c: {  	v0 =	vld [tilespmem:s4+$0x3170]  }
0x27d: {  	v6 =	vld [tilespmem:s4+$0x6200]  }
0x27e: {  	v7 =	vld [tilespmem:s4+$0x6210]  }
.Ltmp12:
0x27f: {  	v10 =	vld [tilespmem:s4+$0x6220];
	(pc) =	sbr.rel @p2 .LBB2_21-.Ltmp12, $4  }
0x280: {  	v9 =	vld [tilespmem:s4+$0x6230]  }
0x281: {  	v8 =	vld [tilespmem:s4+$0x6240]  }
0x282: {  	v12 =	vadd.f32 v12, v6;
	v6 =	vld [tilespmem:s4+$0x6250]  }
0x283: {  	s26 =	sadd.s32 $0x200, s26;
	v11 =	vadd.f32 v11, v7;
	v7 =	vld [tilespmem:s4+$0x6260]  }
0x284: {  	[tilespmem:s4+$0x6200] =	vst v12;
	v5 =	vadd.f32 v5, v10;
	v10 =	vld [tilespmem:s4+$0x6270]  }
0x285: {  	[tilespmem:s4+$0x6210] =	vst v11;
	v4 =	vadd.f32 v4, v9  }
0x286: {  	[tilespmem:s4+$0x6220] =	vst v5;
	v3 =	vadd.f32 v3, v8  }
0x287: {  	[tilespmem:s4+$0x6230] =	vst v4;
	v2 =	vadd.f32 v2, v6  }
0x288: {  	[tilespmem:s4+$0x6240] =	vst v3;
	v1 =	vadd.f32 v1, v7  }
0x289: {  	[tilespmem:s4+$0x6250] =	vst v2;
	v0 =	vadd.f32 v0, v10  }
0x28a: {  	[tilespmem:s4+$0x6260] =	vst v1  }
0x28b: {  	[tilespmem:s4+$0x6270] =	vst v0  }
0x28c: {  	_ =	swait.ge [sflag:s21], $0x1880  }
0x28d: {  	[sflag:s21] =	ssyncset.done $0x0  }
0x28e: {  	[sflag:s21] =	ssyncadd.s32 $0xFFFFE780  }
0x28f: {  	_ =	swait.ge [sflag:s17], $0x1880  }
0x290: {  	[sflag:s17] =	ssyncset.done $0x0  }
0x291: {  	s26 =	simm.s32 $0x0;
	[sflag:s17] =	ssyncadd.s32 $0xFFFFE780  }
0x292: {  	[tilespmem:s16], [sflag:$0x2] =	stream.indirect.gather [spmem:s2], $0x1, s26, s20, $0xb8;
	[tilespmem:$0x1D180] =	vst v63  }
0x293: {  	s4 =	simm.s32 $0x0  }
0x294: {  	[tilespmem:s20], [sflag:$0x1] =	stream.linear.gather [hbm4b:s13+s26], $0x1880, $0x38;
	[tilespmem:$0x1D180] =	vst v63  }
0x295: {  	v7 =	vld [tilespmem:s4+$0x4980]  }
0x296: {  	v11 =	vld [tilespmem:s4+$0x4990]  }
0x297: {  	v5 =	vld [tilespmem:s4+$0x49A0]  }
0x298: {  	v4 =	vld [tilespmem:s4+$0x49B0]  }
0x299: {  	v3 =	vld [tilespmem:s4+$0x49C0]  }
0x29a: {  	v2 =	vld [tilespmem:s4+$0x49D0]  }
0x29b: {  	v1 =	vld [tilespmem:s4+$0x49E0]  }
0x29c: {  	v0 =	vld [tilespmem:s4+$0x49F0]  }
0x29d: {  	v12 =	vld [tilespmem:s4+$0x6200]  }
0x29e: {  	v13 =	vld [tilespmem:s4+$0x6210]  }
0x29f: {  	v10 =	vld [tilespmem:s4+$0x6220]  }
0x2a0: {  	v9 =	vld [tilespmem:s4+$0x6230]  }
0x2a1: {  	v8 =	vld [tilespmem:s4+$0x6240]  }
0x2a2: {  	v6 =	vld [tilespmem:s4+$0x6250];
	v12 =	vadd.f32 v7, v12  }
0x2a3: {  	s26 =	simm.s32 $0x200;
	v11 =	vadd.f32 v11, v13;
	v7 =	vld [tilespmem:s4+$0x6260]  }
.LBB2_23:
0x2a4: {  	s5 =	sshra.s32 s26, $0x2;
	p2 =	sne.s32 s26, $0x6000;
	[tilespmem:s4+$0x6200] =	vst v12;
	v5 =	vadd.f32 v5, v10;
	v10 =	vld [tilespmem:s4+$0x6270]  }
0x2a5: {  	v12 =	vld [tilespmem:s5+$0x4980];
	[tilespmem:s4+$0x6210] =	vst v11;
	v4 =	vadd.f32 v4, v9  }
0x2a6: {  	v11 =	vld [tilespmem:s5+$0x4990];
	[tilespmem:s4+$0x6220] =	vst v5;
	v3 =	vadd.f32 v3, v8  }
0x2a7: {  	v5 =	vld [tilespmem:s5+$0x49A0];
	[tilespmem:s4+$0x6230] =	vst v4;
	v2 =	vadd.f32 v2, v6  }
0x2a8: {  	v4 =	vld [tilespmem:s5+$0x49B0];
	[tilespmem:s4+$0x6240] =	vst v3;
	v1 =	vadd.f32 v1, v7  }
0x2a9: {  	v3 =	vld [tilespmem:s5+$0x49C0];
	[tilespmem:s4+$0x6250] =	vst v2;
	v0 =	vadd.f32 v0, v10  }
0x2aa: {  	v2 =	vld [tilespmem:s5+$0x49D0];
	[tilespmem:s4+$0x6260] =	vst v1  }
0x2ab: {  	v1 =	vld [tilespmem:s5+$0x49E0];
	[tilespmem:s4+$0x6270] =	vst v0;
	s4 =	smov.u32 s5  }
0x2ac: {  	v0 =	vld [tilespmem:s4+$0x49F0]  }
0x2ad: {  	v6 =	vld [tilespmem:s4+$0x6200]  }
0x2ae: {  	v7 =	vld [tilespmem:s4+$0x6210]  }
.Ltmp13:
0x2af: {  	v10 =	vld [tilespmem:s4+$0x6220];
	(pc) =	sbr.rel @p2 .LBB2_23-.Ltmp13, $4  }
0x2b0: {  	v9 =	vld [tilespmem:s4+$0x6230]  }
0x2b1: {  	v8 =	vld [tilespmem:s4+$0x6240]  }
0x2b2: {  	v12 =	vadd.f32 v12, v6;
	v6 =	vld [tilespmem:s4+$0x6250]  }
0x2b3: {  	s26 =	sadd.s32 $0x200, s26;
	v11 =	vadd.f32 v11, v7;
	v7 =	vld [tilespmem:s4+$0x6260]  }
0x2b4: {  	[tilespmem:s4+$0x6200] =	vst v12;
	v5 =	vadd.f32 v5, v10;
	v10 =	vld [tilespmem:s4+$0x6270]  }
0x2b5: {  	[tilespmem:s4+$0x6210] =	vst v11;
	v4 =	vadd.f32 v4, v9  }
0x2b6: {  	[tilespmem:s4+$0x6220] =	vst v5;
	v3 =	vadd.f32 v3, v8  }
0x2b7: {  	[tilespmem:s4+$0x6230] =	vst v4;
	v2 =	vadd.f32 v2, v6  }
0x2b8: {  	[tilespmem:s4+$0x6240] =	vst v3;
	v1 =	vadd.f32 v1, v7  }
0x2b9: {  	[tilespmem:s4+$0x6250] =	vst v2;
	v0 =	vadd.f32 v0, v10  }
0x2ba: {  	[tilespmem:s4+$0x6260] =	vst v1  }
0x2bb: {  	[tilespmem:s4+$0x6270] =	vst v0  }
0x2bc: {  	_ =	swait.ge [sflag:s21], $0x1880  }
0x2bd: {  	[sflag:s21] =	ssyncset.done $0x0  }
0x2be: {  	[sflag:s21] =	ssyncadd.s32 $0xFFFFE780  }
0x2bf: {  	_ =	swait.ge [sflag:s17], $0x1880  }
0x2c0: {  	[sflag:s17] =	ssyncset.done $0x0  }
0x2c1: {  	[sflag:s17] =	ssyncadd.s32 $0xFFFFE780  }
0x2c2: {  	[tilespmem:s18], [sflag:$0x2] =	stream.indirect.gather [spmem:s2], $0x1, s20, s20, $0xb8;
	[tilespmem:$0x1D180] =	vst v63  }
0x2c3: {  	s26 =	simm.s32 $0x0;
	s4 =	simm.s32 $0x0  }
0x2c4: {  	[tilespmem:s26], [sflag:$0x1] =	stream.linear.gather [hbm4b:s14+s26], $0x1880, $0x38;
	[tilespmem:$0x1D180] =	vst v63  }
0x2c5: {  	v7 =	vld [tilespmem:s4+$0x3100]  }
0x2c6: {  	v11 =	vld [tilespmem:s4+$0x3110]  }
0x2c7: {  	v5 =	vld [tilespmem:s4+$0x3120]  }
0x2c8: {  	v4 =	vld [tilespmem:s4+$0x3130]  }
0x2c9: {  	v3 =	vld [tilespmem:s4+$0x3140]  }
0x2ca: {  	v2 =	vld [tilespmem:s4+$0x3150]  }
0x2cb: {  	v1 =	vld [tilespmem:s4+$0x3160]  }
0x2cc: {  	v0 =	vld [tilespmem:s4+$0x3170]  }
0x2cd: {  	v12 =	vld [tilespmem:s4+$0x6200]  }
0x2ce: {  	v13 =	vld [tilespmem:s4+$0x6210]  }
0x2cf: {  	v10 =	vld [tilespmem:s4+$0x6220]  }
0x2d0: {  	v9 =	vld [tilespmem:s4+$0x6230]  }
0x2d1: {  	v8 =	vld [tilespmem:s4+$0x6240]  }
0x2d2: {  	v6 =	vld [tilespmem:s4+$0x6250];
	v12 =	vadd.f32 v7, v12  }
0x2d3: {  	s26 =	simm.s32 $0x200;
	v11 =	vadd.f32 v11, v13;
	v7 =	vld [tilespmem:s4+$0x6260]  }
.LBB2_25:
0x2d4: {  	s5 =	sshra.s32 s26, $0x2;
	p2 =	sne.s32 s26, $0x6000;
	[tilespmem:s4+$0x6200] =	vst v12;
	v5 =	vadd.f32 v5, v10;
	v10 =	vld [tilespmem:s4+$0x6270]  }
0x2d5: {  	v12 =	vld [tilespmem:s5+$0x3100];
	[tilespmem:s4+$0x6210] =	vst v11;
	v4 =	vadd.f32 v4, v9  }
0x2d6: {  	v11 =	vld [tilespmem:s5+$0x3110];
	[tilespmem:s4+$0x6220] =	vst v5;
	v3 =	vadd.f32 v3, v8  }
0x2d7: {  	v5 =	vld [tilespmem:s5+$0x3120];
	[tilespmem:s4+$0x6230] =	vst v4;
	v2 =	vadd.f32 v2, v6  }
0x2d8: {  	v4 =	vld [tilespmem:s5+$0x3130];
	[tilespmem:s4+$0x6240] =	vst v3;
	v1 =	vadd.f32 v1, v7  }
0x2d9: {  	v3 =	vld [tilespmem:s5+$0x3140];
	[tilespmem:s4+$0x6250] =	vst v2;
	v0 =	vadd.f32 v0, v10  }
0x2da: {  	v2 =	vld [tilespmem:s5+$0x3150];
	[tilespmem:s4+$0x6260] =	vst v1  }
0x2db: {  	v1 =	vld [tilespmem:s5+$0x3160];
	[tilespmem:s4+$0x6270] =	vst v0;
	s4 =	smov.u32 s5  }
0x2dc: {  	v0 =	vld [tilespmem:s4+$0x3170]  }
0x2dd: {  	v6 =	vld [tilespmem:s4+$0x6200]  }
0x2de: {  	v7 =	vld [tilespmem:s4+$0x6210]  }
.Ltmp14:
0x2df: {  	v10 =	vld [tilespmem:s4+$0x6220];
	(pc) =	sbr.rel @p2 .LBB2_25-.Ltmp14, $4  }
0x2e0: {  	v9 =	vld [tilespmem:s4+$0x6230]  }
0x2e1: {  	v8 =	vld [tilespmem:s4+$0x6240]  }
0x2e2: {  	v12 =	vadd.f32 v12, v6;
	v6 =	vld [tilespmem:s4+$0x6250]  }
0x2e3: {  	s26 =	sadd.s32 $0x200, s26;
	v11 =	vadd.f32 v11, v7;
	v7 =	vld [tilespmem:s4+$0x6260]  }
0x2e4: {  	[tilespmem:s4+$0x6200] =	vst v12;
	v5 =	vadd.f32 v5, v10;
	v10 =	vld [tilespmem:s4+$0x6270]  }
0x2e5: {  	[tilespmem:s4+$0x6210] =	vst v11;
	v4 =	vadd.f32 v4, v9  }
0x2e6: {  	[tilespmem:s4+$0x6220] =	vst v5;
	v3 =	vadd.f32 v3, v8  }
0x2e7: {  	[tilespmem:s4+$0x6230] =	vst v4;
	v2 =	vadd.f32 v2, v6  }
0x2e8: {  	[tilespmem:s4+$0x6240] =	vst v3;
	v1 =	vadd.f32 v1, v7  }
0x2e9: {  	[tilespmem:s4+$0x6250] =	vst v2;
	v0 =	vadd.f32 v0, v10  }
0x2ea: {  	[tilespmem:s4+$0x6260] =	vst v1  }
0x2eb: {  	[tilespmem:s4+$0x6270] =	vst v0  }
0x2ec: {  	_ =	swait.ge [sflag:s21], $0x1880  }
0x2ed: {  	[sflag:s21] =	ssyncset.done $0x0  }
0x2ee: {  	[sflag:s21] =	ssyncadd.s32 $0xFFFFE780  }
0x2ef: {  	_ =	swait.ge [sflag:s17], $0x1880  }
0x2f0: {  	[sflag:s17] =	ssyncset.done $0x0  }
0x2f1: {  	s26 =	simm.s32 $0x0;
	[sflag:s17] =	ssyncadd.s32 $0xFFFFE780  }
0x2f2: {  	[tilespmem:s16], [sflag:$0x2] =	stream.indirect.gather [spmem:s2], $0x1, s26, s20, $0xb8;
	[tilespmem:$0x1D180] =	vst v63  }
0x2f3: {  	s4 =	simm.s32 $0x0  }
0x2f4: {  	[tilespmem:s20], [sflag:$0x1] =	stream.linear.gather [hbm4b:s15+s26], $0x1880, $0x38;
	[tilespmem:$0x1D180] =	vst v63  }
0x2f5: {  	v7 =	vld [tilespmem:s4+$0x4980]  }
0x2f6: {  	v11 =	vld [tilespmem:s4+$0x4990]  }
0x2f7: {  	v5 =	vld [tilespmem:s4+$0x49A0]  }
0x2f8: {  	v4 =	vld [tilespmem:s4+$0x49B0]  }
0x2f9: {  	v3 =	vld [tilespmem:s4+$0x49C0]  }
0x2fa: {  	v2 =	vld [tilespmem:s4+$0x49D0]  }
0x2fb: {  	v1 =	vld [tilespmem:s4+$0x49E0]  }
0x2fc: {  	v0 =	vld [tilespmem:s4+$0x49F0]  }
0x2fd: {  	v12 =	vld [tilespmem:s4+$0x6200]  }
0x2fe: {  	v13 =	vld [tilespmem:s4+$0x6210]  }
0x2ff: {  	v10 =	vld [tilespmem:s4+$0x6220]  }
0x300: {  	v9 =	vld [tilespmem:s4+$0x6230]  }
0x301: {  	v8 =	vld [tilespmem:s4+$0x6240]  }
0x302: {  	v6 =	vld [tilespmem:s4+$0x6250];
	v12 =	vadd.f32 v7, v12  }
0x303: {  	s26 =	simm.s32 $0x200;
	v11 =	vadd.f32 v11, v13;
	v7 =	vld [tilespmem:s4+$0x6260]  }
.LBB2_27:
0x304: {  	s5 =	sshra.s32 s26, $0x2;
	p2 =	sne.s32 s26, $0x6000;
	[tilespmem:s4+$0x6200] =	vst v12;
	v5 =	vadd.f32 v5, v10;
	v10 =	vld [tilespmem:s4+$0x6270]  }
0x305: {  	v12 =	vld [tilespmem:s5+$0x4980];
	[tilespmem:s4+$0x6210] =	vst v11;
	v4 =	vadd.f32 v4, v9  }
0x306: {  	v11 =	vld [tilespmem:s5+$0x4990];
	[tilespmem:s4+$0x6220] =	vst v5;
	v3 =	vadd.f32 v3, v8  }
0x307: {  	v5 =	vld [tilespmem:s5+$0x49A0];
	[tilespmem:s4+$0x6230] =	vst v4;
	v2 =	vadd.f32 v2, v6  }
0x308: {  	v4 =	vld [tilespmem:s5+$0x49B0];
	[tilespmem:s4+$0x6240] =	vst v3;
	v1 =	vadd.f32 v1, v7  }
0x309: {  	v3 =	vld [tilespmem:s5+$0x49C0];
	[tilespmem:s4+$0x6250] =	vst v2;
	v0 =	vadd.f32 v0, v10  }
0x30a: {  	v2 =	vld [tilespmem:s5+$0x49D0];
	[tilespmem:s4+$0x6260] =	vst v1  }
0x30b: {  	v1 =	vld [tilespmem:s5+$0x49E0];
	[tilespmem:s4+$0x6270] =	vst v0;
	s4 =	smov.u32 s5  }
0x30c: {  	v0 =	vld [tilespmem:s4+$0x49F0]  }
0x30d: {  	v6 =	vld [tilespmem:s4+$0x6200]  }
0x30e: {  	v7 =	vld [tilespmem:s4+$0x6210]  }
.Ltmp15:
0x30f: {  	v10 =	vld [tilespmem:s4+$0x6220];
	(pc) =	sbr.rel @p2 .LBB2_27-.Ltmp15, $4  }
0x310: {  	v9 =	vld [tilespmem:s4+$0x6230]  }
0x311: {  	v8 =	vld [tilespmem:s4+$0x6240]  }
0x312: {  	v12 =	vadd.f32 v12, v6;
	v6 =	vld [tilespmem:s4+$0x6250]  }
0x313: {  	s26 =	sadd.s32 $0x200, s26;
	v11 =	vadd.f32 v11, v7;
	v7 =	vld [tilespmem:s4+$0x6260]  }
0x314: {  	[tilespmem:s4+$0x6200] =	vst v12;
	v5 =	vadd.f32 v5, v10;
	v10 =	vld [tilespmem:s4+$0x6270]  }
0x315: {  	[tilespmem:s4+$0x6210] =	vst v11;
	v4 =	vadd.f32 v4, v9  }
0x316: {  	[tilespmem:s4+$0x6220] =	vst v5;
	v3 =	vadd.f32 v3, v8  }
0x317: {  	[tilespmem:s4+$0x6230] =	vst v4;
	v2 =	vadd.f32 v2, v6  }
0x318: {  	[tilespmem:s4+$0x6240] =	vst v3;
	v1 =	vadd.f32 v1, v7  }
0x319: {  	[tilespmem:s4+$0x6250] =	vst v2;
	v0 =	vadd.f32 v0, v10  }
0x31a: {  	[tilespmem:s4+$0x6260] =	vst v1  }
0x31b: {  	[tilespmem:s4+$0x6270] =	vst v0  }
0x31c: {  	_ =	swait.ge [sflag:s21], $0x1880  }
0x31d: {  	[sflag:s21] =	ssyncset.done $0x0  }
0x31e: {  	[sflag:s21] =	ssyncadd.s32 $0xFFFFE780  }
0x31f: {  	_ =	swait.ge [sflag:s17], $0x1880  }
0x320: {  	[sflag:s17] =	ssyncset.done $0x0  }
0x321: {  	s4 =	simm.s32 $0x0;
	[sflag:s17] =	ssyncadd.s32 $0xFFFFE780  }
0x322: {  	[tilespmem:s18], [sflag:$0x2] =	stream.indirect.gather [spmem:s2], $0x1, s20, s20, $0xb8;
	[tilespmem:$0x1D180] =	vst v63  }
0x323: {  	v7 =	vld [tilespmem:s4+$0x3100]  }
0x324: {  	v11 =	vld [tilespmem:s4+$0x3110]  }
0x325: {  	v5 =	vld [tilespmem:s4+$0x3120]  }
0x326: {  	v4 =	vld [tilespmem:s4+$0x3130]  }
0x327: {  	v3 =	vld [tilespmem:s4+$0x3140]  }
0x328: {  	v2 =	vld [tilespmem:s4+$0x3150]  }
0x329: {  	v1 =	vld [tilespmem:s4+$0x3160]  }
0x32a: {  	v0 =	vld [tilespmem:s4+$0x3170]  }
0x32b: {  	v12 =	vld [tilespmem:s4+$0x6200]  }
0x32c: {  	v13 =	vld [tilespmem:s4+$0x6210]  }
0x32d: {  	v10 =	vld [tilespmem:s4+$0x6220]  }
0x32e: {  	v9 =	vld [tilespmem:s4+$0x6230]  }
0x32f: {  	v8 =	vld [tilespmem:s4+$0x6240]  }
0x330: {  	v6 =	vld [tilespmem:s4+$0x6250];
	v12 =	vadd.f32 v7, v12  }
0x331: {  	s26 =	simm.s32 $0x200;
	v11 =	vadd.f32 v11, v13;
	v7 =	vld [tilespmem:s4+$0x6260]  }
.LBB2_29:
0x332: {  	s5 =	sshra.s32 s26, $0x2;
	p2 =	sne.s32 s26, $0x6000;
	[tilespmem:s4+$0x6200] =	vst v12;
	v5 =	vadd.f32 v5, v10;
	v10 =	vld [tilespmem:s4+$0x6270]  }
0x333: {  	v12 =	vld [tilespmem:s5+$0x3100];
	[tilespmem:s4+$0x6210] =	vst v11;
	v4 =	vadd.f32 v4, v9  }
0x334: {  	v11 =	vld [tilespmem:s5+$0x3110];
	[tilespmem:s4+$0x6220] =	vst v5;
	v3 =	vadd.f32 v3, v8  }
0x335: {  	v5 =	vld [tilespmem:s5+$0x3120];
	[tilespmem:s4+$0x6230] =	vst v4;
	v2 =	vadd.f32 v2, v6  }
0x336: {  	v4 =	vld [tilespmem:s5+$0x3130];
	[tilespmem:s4+$0x6240] =	vst v3;
	v1 =	vadd.f32 v1, v7  }
0x337: {  	v3 =	vld [tilespmem:s5+$0x3140];
	[tilespmem:s4+$0x6250] =	vst v2;
	v0 =	vadd.f32 v0, v10  }
0x338: {  	v2 =	vld [tilespmem:s5+$0x3150];
	[tilespmem:s4+$0x6260] =	vst v1  }
0x339: {  	v1 =	vld [tilespmem:s5+$0x3160];
	[tilespmem:s4+$0x6270] =	vst v0;
	s4 =	smov.u32 s5  }
0x33a: {  	v0 =	vld [tilespmem:s4+$0x3170]  }
0x33b: {  	v6 =	vld [tilespmem:s4+$0x6200]  }
0x33c: {  	v7 =	vld [tilespmem:s4+$0x6210]  }
.Ltmp16:
0x33d: {  	v10 =	vld [tilespmem:s4+$0x6220];
	(pc) =	sbr.rel @p2 .LBB2_29-.Ltmp16, $4  }
0x33e: {  	v9 =	vld [tilespmem:s4+$0x6230]  }
0x33f: {  	v8 =	vld [tilespmem:s4+$0x6240]  }
0x340: {  	v12 =	vadd.f32 v12, v6;
	v6 =	vld [tilespmem:s4+$0x6250]  }
0x341: {  	s26 =	sadd.s32 $0x200, s26;
	v11 =	vadd.f32 v11, v7;
	v7 =	vld [tilespmem:s4+$0x6260]  }
0x342: {  	[tilespmem:s4+$0x6200] =	vst v12;
	v5 =	vadd.f32 v5, v10;
	v10 =	vld [tilespmem:s4+$0x6270]  }
0x343: {  	[tilespmem:s4+$0x6210] =	vst v11;
	v4 =	vadd.f32 v4, v9  }
0x344: {  	[tilespmem:s4+$0x6220] =	vst v5;
	v3 =	vadd.f32 v3, v8  }
0x345: {  	[tilespmem:s4+$0x6230] =	vst v4;
	v2 =	vadd.f32 v2, v6  }
0x346: {  	[tilespmem:s4+$0x6240] =	vst v3;
	v1 =	vadd.f32 v1, v7  }
0x347: {  	[tilespmem:s4+$0x6250] =	vst v2;
	v0 =	vadd.f32 v0, v10  }
0x348: {  	[tilespmem:s4+$0x6260] =	vst v1  }
0x349: {  	[tilespmem:s4+$0x6270] =	vst v0  }
0x34a: {  	_ =	swait.ge [sflag:s21], $0x1880  }
0x34b: {  	[sflag:s21] =	ssyncset.done $0x0  }
0x34c: {  	s4 =	simm.s32 $0x0;
	[sflag:s21] =	ssyncadd.s32 $0xFFFFE780  }
0x34d: {  	v7 =	vld [tilespmem:s4+$0x4980]  }
0x34e: {  	v11 =	vld [tilespmem:s4+$0x4990]  }
0x34f: {  	v5 =	vld [tilespmem:s4+$0x49A0]  }
0x350: {  	v4 =	vld [tilespmem:s4+$0x49B0]  }
0x351: {  	v3 =	vld [tilespmem:s4+$0x49C0]  }
0x352: {  	v2 =	vld [tilespmem:s4+$0x49D0]  }
0x353: {  	v1 =	vld [tilespmem:s4+$0x49E0]  }
0x354: {  	v0 =	vld [tilespmem:s4+$0x49F0]  }
0x355: {  	v12 =	vld [tilespmem:s4+$0x6200]  }
0x356: {  	v13 =	vld [tilespmem:s4+$0x6210]  }
0x357: {  	v10 =	vld [tilespmem:s4+$0x6220]  }
0x358: {  	v9 =	vld [tilespmem:s4+$0x6230]  }
0x359: {  	v8 =	vld [tilespmem:s4+$0x6240]  }
0x35a: {  	v6 =	vld [tilespmem:s4+$0x6250];
	v12 =	vadd.f32 v7, v12  }
0x35b: {  	s26 =	simm.s32 $0x200;
	v11 =	vadd.f32 v11, v13;
	v7 =	vld [tilespmem:s4+$0x6260]  }
.LBB2_31:
0x35c: {  	s5 =	sshra.s32 s26, $0x2;
	p2 =	seq.s32 s26, $0x6000;
	[tilespmem:s4+$0x6200] =	vst v12;
	v5 =	vadd.f32 v5, v10;
	v10 =	vld [tilespmem:s4+$0x6270]  }
0x35d: {  	v12 =	vld [tilespmem:s5+$0x4980];
	[tilespmem:s4+$0x6210] =	vst v11;
	v4 =	vadd.f32 v4, v9  }
0x35e: {  	v11 =	vld [tilespmem:s5+$0x4990];
	[tilespmem:s4+$0x6220] =	vst v5;
	v3 =	vadd.f32 v3, v8  }
0x35f: {  	v5 =	vld [tilespmem:s5+$0x49A0];
	[tilespmem:s4+$0x6230] =	vst v4;
	v2 =	vadd.f32 v2, v6  }
0x360: {  	v4 =	vld [tilespmem:s5+$0x49B0];
	[tilespmem:s4+$0x6240] =	vst v3;
	v1 =	vadd.f32 v1, v7  }
0x361: {  	v3 =	vld [tilespmem:s5+$0x49C0];
	[tilespmem:s4+$0x6250] =	vst v2;
	v0 =	vadd.f32 v0, v10  }
0x362: {  	v2 =	vld [tilespmem:s5+$0x49D0];
	[tilespmem:s4+$0x6260] =	vst v1  }
0x363: {  	v1 =	vld [tilespmem:s5+$0x49E0];
	[tilespmem:s4+$0x6270] =	vst v0;
	s4 =	smov.u32 s5  }
0x364: {  	v0 =	vld [tilespmem:s4+$0x49F0]  }
0x365: {  	v6 =	vld [tilespmem:s4+$0x6200]  }
0x366: {  	v7 =	vld [tilespmem:s4+$0x6210]  }
.Ltmp17:
0x367: {  	v10 =	vld [tilespmem:s4+$0x6220];
	(pc) =	sbr.rel @!p2 .LBB2_31-.Ltmp17, $4  }
0x368: {  	v9 =	vld [tilespmem:s4+$0x6230]  }
0x369: {  	v8 =	vld [tilespmem:s4+$0x6240]  }
0x36a: {  	v12 =	vadd.f32 v12, v6;
	v6 =	vld [tilespmem:s4+$0x6250]  }
0x36b: {  	s26 =	sadd.s32 $0x200, s26;
	v11 =	vadd.f32 v11, v7;
	v7 =	vld [tilespmem:s4+$0x6260]  }
0x36c: {  	[tilespmem:s4+$0x6200] =	vst v12;
	v5 =	vadd.f32 v5, v10;
	v63 =	vld [tilespmem:s4+$0x6270]  }
0x36d: {  	[tilespmem:s4+$0x6210] =	vst v11;
	v4 =	vadd.f32 v4, v9  }
0x36e: {  	[tilespmem:s4+$0x6220] =	vst v5;
	v3 =	vadd.f32 v3, v8  }
.Ltmp18:
0x36f: {  	[tilespmem:s4+$0x6230] =	vst v4;
	v2 =	vadd.f32 v2, v6;
	(pc) =	sbr.rel .LBB2_60-.Ltmp18, $4  }
0x370: {  	[tilespmem:s4+$0x6240] =	vst v3;
	v1 =	vadd.f32 v1, v7  }
0x371: {  	[tilespmem:s4+$0x6250] =	vst v2;
	v0 =	vadd.f32 v0, v63  }
0x372: {  	[tilespmem:s4+$0x6260] =	vst v1  }
0x373: {  	[tilespmem:s4+$0x6270] =	vst v0;
	s4 =	rddreg [dreg:$0x4]  }
.LBB2_33:
0x374: {  	s5 =	sld [smem:$0x7F3];
	_ =	sdelay $0x2  }
0x375: {  	[tilespmem:s4], [sflag:$0x1] =	stream.linear.gather [hbm4b:s5+s4], $0x1880, $0x38;
	[tilespmem:$0x1D180] =	vst v63  }
0x376: {  	_ =	swait.ge [sflag:s17], $0x1880  }
0x377: {  	[sflag:s17] =	ssyncset.done $0x0  }
0x378: {  	s26 =	sld [smem:$0x7F4];
	[sflag:s17] =	ssyncadd.s32 $0xFFFFE780  }
0x379: {  	[tilespmem:s16], [sflag:$0x2] =	stream.indirect.gather [spmem:s2], $0x1, s4, s20, $0xb8;
	[tilespmem:$0x1D180] =	vst v63  }
0x37a: {  	_ = 	snop  }
0x37b: {  	[tilespmem:s20], [sflag:$0x1] =	stream.linear.gather [hbm4b:s26+s4], $0x1880, $0x38;
	[tilespmem:$0x1D180] =	vst v63  }
0x37c: {  	_ =	swait.ge [sflag:s21], $0x1880  }
0x37d: {  	[sflag:s21] =	ssyncset.done $0x0  }
0x37e: {  	[sflag:s21] =	ssyncadd.s32 $0xFFFFE780  }
0x37f: {  	_ =	swait.ge [sflag:s17], $0x1880  }
0x380: {  	[sflag:s17] =	ssyncset.done $0x0  }
0x381: {  	s26 =	sld [smem:$0x7F5];
	[sflag:s17] =	ssyncadd.s32 $0xFFFFE780  }
0x382: {  	[tilespmem:s18], [sflag:$0x2] =	stream.indirect.gather [spmem:s2], $0x1, s20, s20, $0xb8;
	[tilespmem:$0x1D180] =	vst v63  }
0x383: {  	_ = 	snop  }
0x384: {  	[tilespmem:s4], [sflag:$0x1] =	stream.linear.gather [hbm4b:s26+s4], $0x1880, $0x38;
	[tilespmem:$0x1D180] =	vst v63  }
0x385: {  	s4 =	simm.s32 $0x0  }
0x386: {  	v3 =	vld [tilespmem:s4+$0x3170]  }
0x387: {  	v4 =	vld [tilespmem:s4+$0x3100]  }
0x388: {  	v5 =	vld [tilespmem:s4+$0x3110]  }
0x389: {  	v2 =	vld [tilespmem:s4+$0x3120]  }
0x38a: {  	v0 =	vld [tilespmem:s4+$0x3130]  }
0x38b: {  	v1 =	vld [tilespmem:s4+$0x3140];
	[tilespmem:s4+$0x6270] =	vst v3  }
0x38c: {  	[tilespmem:s4+$0x6200] =	vst v4;
	v3 =	vld [tilespmem:s4+$0x3150]  }
0x38d: {  	s5 =	simm.s32 $0x400;
	s26 =	simm.s32 $0x80;
	[tilespmem:s4+$0x6210] =	vst v5;
	v4 =	vld [tilespmem:s4+$0x3160]  }
.LBB2_34:
0x38e: {  	p2 =	sne.s32 s5, $0x6000;
	v5 =	vld [tilespmem:s26+$0x3170];
	[tilespmem:s4+$0x6220] =	vst v2  }
0x38f: {  	v6 =	vld [tilespmem:s26+$0x3100];
	[tilespmem:s4+$0x6230] =	vst v0  }
0x390: {  	v7 =	vld [tilespmem:s26+$0x3110];
	[tilespmem:s4+$0x6240] =	vst v1  }
.Ltmp19:
0x391: {  	v2 =	vld [tilespmem:s26+$0x3120];
	[tilespmem:s4+$0x6250] =	vst v3;
	(pc) =	sbr.rel @p2 .LBB2_34-.Ltmp19, $4  }
0x392: {  	v0 =	vld [tilespmem:s26+$0x3130];
	[tilespmem:s4+$0x6260] =	vst v4;
	s4 =	smov.u32 s26  }
0x393: {  	v1 =	vld [tilespmem:s4+$0x3140];
	[tilespmem:s4+$0x6270] =	vst v5  }
0x394: {  	[tilespmem:s4+$0x6200] =	vst v6;
	v3 =	vld [tilespmem:s4+$0x3150]  }
0x395: {  	s26 =	sshra.s32 s5, $0x2;
	s5 =	sadd.s32 $0x200, s5;
	[tilespmem:s4+$0x6210] =	vst v7;
	v4 =	vld [tilespmem:s4+$0x3160]  }
0x396: {  	v5 =	vld [tilespmem:s26+$0x3170];
	[tilespmem:s4+$0x6220] =	vst v2  }
0x397: {  	v2 =	vld [tilespmem:s26+$0x3100];
	[tilespmem:s4+$0x6230] =	vst v0  }
0x398: {  	v0 =	vld [tilespmem:s26+$0x3110];
	[tilespmem:s4+$0x6240] =	vst v1  }
0x399: {  	v1 =	vld [tilespmem:s26+$0x3120];
	[tilespmem:s4+$0x6250] =	vst v3  }
0x39a: {  	v3 =	vld [tilespmem:s26+$0x3130];
	[tilespmem:s4+$0x6260] =	vst v4  }
0x39b: {  	v4 =	vld [tilespmem:s26+$0x3140];
	[tilespmem:s26+$0x6270] =	vst v5  }
0x39c: {  	[tilespmem:s26+$0x6200] =	vst v2;
	v2 =	vld [tilespmem:s26+$0x3150]  }
0x39d: {  	[tilespmem:s26+$0x6210] =	vst v0;
	v0 =	vld [tilespmem:s26+$0x3160]  }
0x39e: {  	[tilespmem:s26+$0x6220] =	vst v1  }
0x39f: {  	[tilespmem:s26+$0x6230] =	vst v3  }
0x3a0: {  	[tilespmem:s26+$0x6240] =	vst v4  }
0x3a1: {  	[tilespmem:s26+$0x6250] =	vst v2  }
0x3a2: {  	[tilespmem:s26+$0x6260] =	vst v0  }
0x3a3: {  	_ =	swait.ge [sflag:s21], $0x1880  }
0x3a4: {  	[sflag:s21] =	ssyncset.done $0x0  }
0x3a5: {  	[sflag:s21] =	ssyncadd.s32 $0xFFFFE780  }
0x3a6: {  	_ =	swait.ge [sflag:s17], $0x1880  }
0x3a7: {  	[sflag:s17] =	ssyncset.done $0x0  }
0x3a8: {  	s26 =	simm.s32 $0x0;
	s5 =	sld [smem:$0x7F6];
	[sflag:s17] =	ssyncadd.s32 $0xFFFFE780  }
0x3a9: {  	[tilespmem:s16], [sflag:$0x2] =	stream.indirect.gather [spmem:s2], $0x1, s26, s20, $0xb8;
	[tilespmem:$0x1D180] =	vst v63  }
0x3aa: {  	s4 =	simm.s32 $0x0  }
0x3ab: {  	[tilespmem:s20], [sflag:$0x1] =	stream.linear.gather [hbm4b:s5+s26], $0x1880, $0x38;
	[tilespmem:$0x1D180] =	vst v63  }
0x3ac: {  	v7 =	vld [tilespmem:s4+$0x4980]  }
0x3ad: {  	v11 =	vld [tilespmem:s4+$0x4990]  }
0x3ae: {  	v5 =	vld [tilespmem:s4+$0x49A0]  }
0x3af: {  	v4 =	vld [tilespmem:s4+$0x49B0]  }
0x3b0: {  	v3 =	vld [tilespmem:s4+$0x49C0]  }
0x3b1: {  	v2 =	vld [tilespmem:s4+$0x49D0]  }
0x3b2: {  	v1 =	vld [tilespmem:s4+$0x49E0]  }
0x3b3: {  	v0 =	vld [tilespmem:s4+$0x49F0]  }
0x3b4: {  	v12 =	vld [tilespmem:s4+$0x6200]  }
0x3b5: {  	v13 =	vld [tilespmem:s4+$0x6210]  }
0x3b6: {  	v10 =	vld [tilespmem:s4+$0x6220]  }
0x3b7: {  	v9 =	vld [tilespmem:s4+$0x6230]  }
0x3b8: {  	v8 =	vld [tilespmem:s4+$0x6240]  }
0x3b9: {  	v6 =	vld [tilespmem:s4+$0x6250];
	v12 =	vadd.f32 v7, v12  }
0x3ba: {  	s26 =	simm.s32 $0x200;
	v11 =	vadd.f32 v11, v13;
	v7 =	vld [tilespmem:s4+$0x6260]  }
.LBB2_36:
0x3bb: {  	s5 =	sshra.s32 s26, $0x2;
	p2 =	sne.s32 s26, $0x6000;
	[tilespmem:s4+$0x6200] =	vst v12;
	v5 =	vadd.f32 v5, v10;
	v10 =	vld [tilespmem:s4+$0x6270]  }
0x3bc: {  	v12 =	vld [tilespmem:s5+$0x4980];
	[tilespmem:s4+$0x6210] =	vst v11;
	v4 =	vadd.f32 v4, v9  }
0x3bd: {  	v11 =	vld [tilespmem:s5+$0x4990];
	[tilespmem:s4+$0x6220] =	vst v5;
	v3 =	vadd.f32 v3, v8  }
0x3be: {  	v5 =	vld [tilespmem:s5+$0x49A0];
	[tilespmem:s4+$0x6230] =	vst v4;
	v2 =	vadd.f32 v2, v6  }
0x3bf: {  	v4 =	vld [tilespmem:s5+$0x49B0];
	[tilespmem:s4+$0x6240] =	vst v3;
	v1 =	vadd.f32 v1, v7  }
0x3c0: {  	v3 =	vld [tilespmem:s5+$0x49C0];
	[tilespmem:s4+$0x6250] =	vst v2;
	v0 =	vadd.f32 v0, v10  }
0x3c1: {  	v2 =	vld [tilespmem:s5+$0x49D0];
	[tilespmem:s4+$0x6260] =	vst v1  }
0x3c2: {  	v1 =	vld [tilespmem:s5+$0x49E0];
	[tilespmem:s4+$0x6270] =	vst v0;
	s4 =	smov.u32 s5  }
0x3c3: {  	v0 =	vld [tilespmem:s4+$0x49F0]  }
0x3c4: {  	v6 =	vld [tilespmem:s4+$0x6200]  }
0x3c5: {  	v7 =	vld [tilespmem:s4+$0x6210]  }
.Ltmp20:
0x3c6: {  	v10 =	vld [tilespmem:s4+$0x6220];
	(pc) =	sbr.rel @p2 .LBB2_36-.Ltmp20, $4  }
0x3c7: {  	v9 =	vld [tilespmem:s4+$0x6230]  }
0x3c8: {  	v8 =	vld [tilespmem:s4+$0x6240]  }
0x3c9: {  	v12 =	vadd.f32 v12, v6;
	v6 =	vld [tilespmem:s4+$0x6250]  }
0x3ca: {  	s26 =	sadd.s32 $0x200, s26;
	v11 =	vadd.f32 v11, v7;
	v7 =	vld [tilespmem:s4+$0x6260]  }
0x3cb: {  	[tilespmem:s4+$0x6200] =	vst v12;
	v5 =	vadd.f32 v5, v10;
	v10 =	vld [tilespmem:s4+$0x6270]  }
0x3cc: {  	[tilespmem:s4+$0x6210] =	vst v11;
	v4 =	vadd.f32 v4, v9  }
0x3cd: {  	[tilespmem:s4+$0x6220] =	vst v5;
	v3 =	vadd.f32 v3, v8  }
0x3ce: {  	[tilespmem:s4+$0x6230] =	vst v4;
	v2 =	vadd.f32 v2, v6  }
0x3cf: {  	[tilespmem:s4+$0x6240] =	vst v3;
	v1 =	vadd.f32 v1, v7  }
0x3d0: {  	[tilespmem:s4+$0x6250] =	vst v2;
	v0 =	vadd.f32 v0, v10  }
0x3d1: {  	[tilespmem:s4+$0x6260] =	vst v1  }
0x3d2: {  	[tilespmem:s4+$0x6270] =	vst v0  }
0x3d3: {  	_ =	swait.ge [sflag:s21], $0x1880  }
0x3d4: {  	[sflag:s21] =	ssyncset.done $0x0  }
0x3d5: {  	[sflag:s21] =	ssyncadd.s32 $0xFFFFE780  }
0x3d6: {  	_ =	swait.ge [sflag:s17], $0x1880  }
0x3d7: {  	[sflag:s17] =	ssyncset.done $0x0  }
0x3d8: {  	s5 =	sld [smem:$0x7F7];
	[sflag:s17] =	ssyncadd.s32 $0xFFFFE780  }
0x3d9: {  	[tilespmem:s18], [sflag:$0x2] =	stream.indirect.gather [spmem:s2], $0x1, s20, s20, $0xb8;
	[tilespmem:$0x1D180] =	vst v63  }
0x3da: {  	s26 =	simm.s32 $0x0;
	s4 =	simm.s32 $0x0  }
0x3db: {  	[tilespmem:s26], [sflag:$0x1] =	stream.linear.gather [hbm4b:s5+s26], $0x1880, $0x38;
	[tilespmem:$0x1D180] =	vst v63  }
0x3dc: {  	v7 =	vld [tilespmem:s4+$0x3100]  }
0x3dd: {  	v11 =	vld [tilespmem:s4+$0x3110]  }
0x3de: {  	v5 =	vld [tilespmem:s4+$0x3120]  }
0x3df: {  	v4 =	vld [tilespmem:s4+$0x3130]  }
0x3e0: {  	v3 =	vld [tilespmem:s4+$0x3140]  }
0x3e1: {  	v2 =	vld [tilespmem:s4+$0x3150]  }
0x3e2: {  	v1 =	vld [tilespmem:s4+$0x3160]  }
0x3e3: {  	v0 =	vld [tilespmem:s4+$0x3170]  }
0x3e4: {  	v12 =	vld [tilespmem:s4+$0x6200]  }
0x3e5: {  	v13 =	vld [tilespmem:s4+$0x6210]  }
0x3e6: {  	v10 =	vld [tilespmem:s4+$0x6220]  }
0x3e7: {  	v9 =	vld [tilespmem:s4+$0x6230]  }
0x3e8: {  	v8 =	vld [tilespmem:s4+$0x6240]  }
0x3e9: {  	v6 =	vld [tilespmem:s4+$0x6250];
	v12 =	vadd.f32 v7, v12  }
0x3ea: {  	s26 =	simm.s32 $0x200;
	v11 =	vadd.f32 v11, v13;
	v7 =	vld [tilespmem:s4+$0x6260]  }
.LBB2_38:
0x3eb: {  	s5 =	sshra.s32 s26, $0x2;
	p2 =	sne.s32 s26, $0x6000;
	[tilespmem:s4+$0x6200] =	vst v12;
	v5 =	vadd.f32 v5, v10;
	v10 =	vld [tilespmem:s4+$0x6270]  }
0x3ec: {  	v12 =	vld [tilespmem:s5+$0x3100];
	[tilespmem:s4+$0x6210] =	vst v11;
	v4 =	vadd.f32 v4, v9  }
0x3ed: {  	v11 =	vld [tilespmem:s5+$0x3110];
	[tilespmem:s4+$0x6220] =	vst v5;
	v3 =	vadd.f32 v3, v8  }
0x3ee: {  	v5 =	vld [tilespmem:s5+$0x3120];
	[tilespmem:s4+$0x6230] =	vst v4;
	v2 =	vadd.f32 v2, v6  }
0x3ef: {  	v4 =	vld [tilespmem:s5+$0x3130];
	[tilespmem:s4+$0x6240] =	vst v3;
	v1 =	vadd.f32 v1, v7  }
0x3f0: {  	v3 =	vld [tilespmem:s5+$0x3140];
	[tilespmem:s4+$0x6250] =	vst v2;
	v0 =	vadd.f32 v0, v10  }
0x3f1: {  	v2 =	vld [tilespmem:s5+$0x3150];
	[tilespmem:s4+$0x6260] =	vst v1  }
0x3f2: {  	v1 =	vld [tilespmem:s5+$0x3160];
	[tilespmem:s4+$0x6270] =	vst v0;
	s4 =	smov.u32 s5  }
0x3f3: {  	v0 =	vld [tilespmem:s4+$0x3170]  }
0x3f4: {  	v6 =	vld [tilespmem:s4+$0x6200]  }
0x3f5: {  	v7 =	vld [tilespmem:s4+$0x6210]  }
.Ltmp21:
0x3f6: {  	v10 =	vld [tilespmem:s4+$0x6220];
	(pc) =	sbr.rel @p2 .LBB2_38-.Ltmp21, $4  }
0x3f7: {  	v9 =	vld [tilespmem:s4+$0x6230]  }
0x3f8: {  	v8 =	vld [tilespmem:s4+$0x6240]  }
0x3f9: {  	v12 =	vadd.f32 v12, v6;
	v6 =	vld [tilespmem:s4+$0x6250]  }
0x3fa: {  	s26 =	sadd.s32 $0x200, s26;
	v11 =	vadd.f32 v11, v7;
	v7 =	vld [tilespmem:s4+$0x6260]  }
0x3fb: {  	[tilespmem:s4+$0x6200] =	vst v12;
	v5 =	vadd.f32 v5, v10;
	v10 =	vld [tilespmem:s4+$0x6270]  }
0x3fc: {  	[tilespmem:s4+$0x6210] =	vst v11;
	v4 =	vadd.f32 v4, v9  }
0x3fd: {  	[tilespmem:s4+$0x6220] =	vst v5;
	v3 =	vadd.f32 v3, v8  }
0x3fe: {  	[tilespmem:s4+$0x6230] =	vst v4;
	v2 =	vadd.f32 v2, v6  }
0x3ff: {  	[tilespmem:s4+$0x6240] =	vst v3;
	v1 =	vadd.f32 v1, v7  }
0x400: {  	[tilespmem:s4+$0x6250] =	vst v2;
	v0 =	vadd.f32 v0, v10  }
0x401: {  	[tilespmem:s4+$0x6260] =	vst v1  }
0x402: {  	[tilespmem:s4+$0x6270] =	vst v0  }
0x403: {  	_ =	swait.ge [sflag:s21], $0x1880  }
0x404: {  	[sflag:s21] =	ssyncset.done $0x0  }
0x405: {  	[sflag:s21] =	ssyncadd.s32 $0xFFFFE780  }
0x406: {  	_ =	swait.ge [sflag:s17], $0x1880  }
0x407: {  	[sflag:s17] =	ssyncset.done $0x0  }
0x408: {  	s26 =	simm.s32 $0x0;
	s5 =	sld [smem:$0x7F8];
	[sflag:s17] =	ssyncadd.s32 $0xFFFFE780  }
0x409: {  	[tilespmem:s16], [sflag:$0x2] =	stream.indirect.gather [spmem:s2], $0x1, s26, s20, $0xb8;
	[tilespmem:$0x1D180] =	vst v63  }
0x40a: {  	s4 =	simm.s32 $0x0  }
0x40b: {  	[tilespmem:s20], [sflag:$0x1] =	stream.linear.gather [hbm4b:s5+s26], $0x1880, $0x38;
	[tilespmem:$0x1D180] =	vst v63  }
0x40c: {  	v7 =	vld [tilespmem:s4+$0x4980]  }
0x40d: {  	v11 =	vld [tilespmem:s4+$0x4990]  }
0x40e: {  	v5 =	vld [tilespmem:s4+$0x49A0]  }
0x40f: {  	v4 =	vld [tilespmem:s4+$0x49B0]  }
0x410: {  	v3 =	vld [tilespmem:s4+$0x49C0]  }
0x411: {  	v2 =	vld [tilespmem:s4+$0x49D0]  }
0x412: {  	v1 =	vld [tilespmem:s4+$0x49E0]  }
0x413: {  	v0 =	vld [tilespmem:s4+$0x49F0]  }
0x414: {  	v12 =	vld [tilespmem:s4+$0x6200]  }
0x415: {  	v13 =	vld [tilespmem:s4+$0x6210]  }
0x416: {  	v10 =	vld [tilespmem:s4+$0x6220]  }
0x417: {  	v9 =	vld [tilespmem:s4+$0x6230]  }
0x418: {  	v8 =	vld [tilespmem:s4+$0x6240]  }
0x419: {  	v6 =	vld [tilespmem:s4+$0x6250];
	v12 =	vadd.f32 v7, v12  }
0x41a: {  	s26 =	simm.s32 $0x200;
	v11 =	vadd.f32 v11, v13;
	v7 =	vld [tilespmem:s4+$0x6260]  }
.LBB2_40:
0x41b: {  	s5 =	sshra.s32 s26, $0x2;
	p2 =	sne.s32 s26, $0x6000;
	[tilespmem:s4+$0x6200] =	vst v12;
	v5 =	vadd.f32 v5, v10;
	v10 =	vld [tilespmem:s4+$0x6270]  }
0x41c: {  	v12 =	vld [tilespmem:s5+$0x4980];
	[tilespmem:s4+$0x6210] =	vst v11;
	v4 =	vadd.f32 v4, v9  }
0x41d: {  	v11 =	vld [tilespmem:s5+$0x4990];
	[tilespmem:s4+$0x6220] =	vst v5;
	v3 =	vadd.f32 v3, v8  }
0x41e: {  	v5 =	vld [tilespmem:s5+$0x49A0];
	[tilespmem:s4+$0x6230] =	vst v4;
	v2 =	vadd.f32 v2, v6  }
0x41f: {  	v4 =	vld [tilespmem:s5+$0x49B0];
	[tilespmem:s4+$0x6240] =	vst v3;
	v1 =	vadd.f32 v1, v7  }
0x420: {  	v3 =	vld [tilespmem:s5+$0x49C0];
	[tilespmem:s4+$0x6250] =	vst v2;
	v0 =	vadd.f32 v0, v10  }
0x421: {  	v2 =	vld [tilespmem:s5+$0x49D0];
	[tilespmem:s4+$0x6260] =	vst v1  }
0x422: {  	v1 =	vld [tilespmem:s5+$0x49E0];
	[tilespmem:s4+$0x6270] =	vst v0;
	s4 =	smov.u32 s5  }
0x423: {  	v0 =	vld [tilespmem:s4+$0x49F0]  }
0x424: {  	v6 =	vld [tilespmem:s4+$0x6200]  }
0x425: {  	v7 =	vld [tilespmem:s4+$0x6210]  }
.Ltmp22:
0x426: {  	v10 =	vld [tilespmem:s4+$0x6220];
	(pc) =	sbr.rel @p2 .LBB2_40-.Ltmp22, $4  }
0x427: {  	v9 =	vld [tilespmem:s4+$0x6230]  }
0x428: {  	v8 =	vld [tilespmem:s4+$0x6240]  }
0x429: {  	v12 =	vadd.f32 v12, v6;
	v6 =	vld [tilespmem:s4+$0x6250]  }
0x42a: {  	s26 =	sadd.s32 $0x200, s26;
	v11 =	vadd.f32 v11, v7;
	v7 =	vld [tilespmem:s4+$0x6260]  }
0x42b: {  	[tilespmem:s4+$0x6200] =	vst v12;
	v5 =	vadd.f32 v5, v10;
	v10 =	vld [tilespmem:s4+$0x6270]  }
0x42c: {  	[tilespmem:s4+$0x6210] =	vst v11;
	v4 =	vadd.f32 v4, v9  }
0x42d: {  	[tilespmem:s4+$0x6220] =	vst v5;
	v3 =	vadd.f32 v3, v8  }
0x42e: {  	[tilespmem:s4+$0x6230] =	vst v4;
	v2 =	vadd.f32 v2, v6  }
0x42f: {  	[tilespmem:s4+$0x6240] =	vst v3;
	v1 =	vadd.f32 v1, v7  }
0x430: {  	[tilespmem:s4+$0x6250] =	vst v2;
	v0 =	vadd.f32 v0, v10  }
0x431: {  	[tilespmem:s4+$0x6260] =	vst v1  }
0x432: {  	[tilespmem:s4+$0x6270] =	vst v0  }
0x433: {  	_ =	swait.ge [sflag:s21], $0x1880  }
0x434: {  	[sflag:s21] =	ssyncset.done $0x0  }
0x435: {  	[sflag:s21] =	ssyncadd.s32 $0xFFFFE780  }
0x436: {  	_ =	swait.ge [sflag:s17], $0x1880  }
0x437: {  	[sflag:s17] =	ssyncset.done $0x0  }
0x438: {  	s5 =	sld [smem:$0x7F9];
	[sflag:s17] =	ssyncadd.s32 $0xFFFFE780  }
0x439: {  	[tilespmem:s18], [sflag:$0x2] =	stream.indirect.gather [spmem:s2], $0x1, s20, s20, $0xb8;
	[tilespmem:$0x1D180] =	vst v63  }
0x43a: {  	s26 =	simm.s32 $0x0;
	s4 =	simm.s32 $0x0  }
0x43b: {  	[tilespmem:s26], [sflag:$0x1] =	stream.linear.gather [hbm4b:s5+s26], $0x1880, $0x38;
	[tilespmem:$0x1D180] =	vst v63  }
0x43c: {  	v7 =	vld [tilespmem:s4+$0x3100]  }
0x43d: {  	v11 =	vld [tilespmem:s4+$0x3110]  }
0x43e: {  	v5 =	vld [tilespmem:s4+$0x3120]  }
0x43f: {  	v4 =	vld [tilespmem:s4+$0x3130]  }
0x440: {  	v3 =	vld [tilespmem:s4+$0x3140]  }
0x441: {  	v2 =	vld [tilespmem:s4+$0x3150]  }
0x442: {  	v1 =	vld [tilespmem:s4+$0x3160]  }
0x443: {  	v0 =	vld [tilespmem:s4+$0x3170]  }
0x444: {  	v12 =	vld [tilespmem:s4+$0x6200]  }
0x445: {  	v13 =	vld [tilespmem:s4+$0x6210]  }
0x446: {  	v10 =	vld [tilespmem:s4+$0x6220]  }
0x447: {  	v9 =	vld [tilespmem:s4+$0x6230]  }
0x448: {  	v8 =	vld [tilespmem:s4+$0x6240]  }
0x449: {  	v6 =	vld [tilespmem:s4+$0x6250];
	v12 =	vadd.f32 v7, v12  }
0x44a: {  	s26 =	simm.s32 $0x200;
	v11 =	vadd.f32 v11, v13;
	v7 =	vld [tilespmem:s4+$0x6260]  }
.LBB2_42:
0x44b: {  	s5 =	sshra.s32 s26, $0x2;
	p2 =	sne.s32 s26, $0x6000;
	[tilespmem:s4+$0x6200] =	vst v12;
	v5 =	vadd.f32 v5, v10;
	v10 =	vld [tilespmem:s4+$0x6270]  }
0x44c: {  	v12 =	vld [tilespmem:s5+$0x3100];
	[tilespmem:s4+$0x6210] =	vst v11;
	v4 =	vadd.f32 v4, v9  }
0x44d: {  	v11 =	vld [tilespmem:s5+$0x3110];
	[tilespmem:s4+$0x6220] =	vst v5;
	v3 =	vadd.f32 v3, v8  }
0x44e: {  	v5 =	vld [tilespmem:s5+$0x3120];
	[tilespmem:s4+$0x6230] =	vst v4;
	v2 =	vadd.f32 v2, v6  }
0x44f: {  	v4 =	vld [tilespmem:s5+$0x3130];
	[tilespmem:s4+$0x6240] =	vst v3;
	v1 =	vadd.f32 v1, v7  }
0x450: {  	v3 =	vld [tilespmem:s5+$0x3140];
	[tilespmem:s4+$0x6250] =	vst v2;
	v0 =	vadd.f32 v0, v10  }
0x451: {  	v2 =	vld [tilespmem:s5+$0x3150];
	[tilespmem:s4+$0x6260] =	vst v1  }
0x452: {  	v1 =	vld [tilespmem:s5+$0x3160];
	[tilespmem:s4+$0x6270] =	vst v0;
	s4 =	smov.u32 s5  }
0x453: {  	v0 =	vld [tilespmem:s4+$0x3170]  }
0x454: {  	v6 =	vld [tilespmem:s4+$0x6200]  }
0x455: {  	v7 =	vld [tilespmem:s4+$0x6210]  }
.Ltmp23:
0x456: {  	v10 =	vld [tilespmem:s4+$0x6220];
	(pc) =	sbr.rel @p2 .LBB2_42-.Ltmp23, $4  }
0x457: {  	v9 =	vld [tilespmem:s4+$0x6230]  }
0x458: {  	v8 =	vld [tilespmem:s4+$0x6240]  }
0x459: {  	v12 =	vadd.f32 v12, v6;
	v6 =	vld [tilespmem:s4+$0x6250]  }
0x45a: {  	s26 =	sadd.s32 $0x200, s26;
	v11 =	vadd.f32 v11, v7;
	v7 =	vld [tilespmem:s4+$0x6260]  }
0x45b: {  	[tilespmem:s4+$0x6200] =	vst v12;
	v5 =	vadd.f32 v5, v10;
	v10 =	vld [tilespmem:s4+$0x6270]  }
0x45c: {  	[tilespmem:s4+$0x6210] =	vst v11;
	v4 =	vadd.f32 v4, v9  }
0x45d: {  	[tilespmem:s4+$0x6220] =	vst v5;
	v3 =	vadd.f32 v3, v8  }
0x45e: {  	[tilespmem:s4+$0x6230] =	vst v4;
	v2 =	vadd.f32 v2, v6  }
0x45f: {  	[tilespmem:s4+$0x6240] =	vst v3;
	v1 =	vadd.f32 v1, v7  }
0x460: {  	[tilespmem:s4+$0x6250] =	vst v2;
	v0 =	vadd.f32 v0, v10  }
0x461: {  	[tilespmem:s4+$0x6260] =	vst v1  }
0x462: {  	[tilespmem:s4+$0x6270] =	vst v0  }
0x463: {  	_ =	swait.ge [sflag:s21], $0x1880  }
0x464: {  	[sflag:s21] =	ssyncset.done $0x0  }
0x465: {  	[sflag:s21] =	ssyncadd.s32 $0xFFFFE780  }
0x466: {  	_ =	swait.ge [sflag:s17], $0x1880  }
0x467: {  	[sflag:s17] =	ssyncset.done $0x0  }
0x468: {  	s26 =	simm.s32 $0x0;
	s5 =	sld [smem:$0x7FA];
	[sflag:s17] =	ssyncadd.s32 $0xFFFFE780  }
0x469: {  	[tilespmem:s16], [sflag:$0x2] =	stream.indirect.gather [spmem:s2], $0x1, s26, s20, $0xb8;
	[tilespmem:$0x1D180] =	vst v63  }
0x46a: {  	s4 =	simm.s32 $0x0  }
0x46b: {  	[tilespmem:s20], [sflag:$0x1] =	stream.linear.gather [hbm4b:s5+s26], $0x1880, $0x38;
	[tilespmem:$0x1D180] =	vst v63  }
0x46c: {  	v7 =	vld [tilespmem:s4+$0x4980]  }
0x46d: {  	v11 =	vld [tilespmem:s4+$0x4990]  }
0x46e: {  	v5 =	vld [tilespmem:s4+$0x49A0]  }
0x46f: {  	v4 =	vld [tilespmem:s4+$0x49B0]  }
0x470: {  	v3 =	vld [tilespmem:s4+$0x49C0]  }
0x471: {  	v2 =	vld [tilespmem:s4+$0x49D0]  }
0x472: {  	v1 =	vld [tilespmem:s4+$0x49E0]  }
0x473: {  	v0 =	vld [tilespmem:s4+$0x49F0]  }
0x474: {  	v12 =	vld [tilespmem:s4+$0x6200]  }
0x475: {  	v13 =	vld [tilespmem:s4+$0x6210]  }
0x476: {  	v10 =	vld [tilespmem:s4+$0x6220]  }
0x477: {  	v9 =	vld [tilespmem:s4+$0x6230]  }
0x478: {  	v8 =	vld [tilespmem:s4+$0x6240]  }
0x479: {  	v6 =	vld [tilespmem:s4+$0x6250];
	v12 =	vadd.f32 v7, v12  }
0x47a: {  	s26 =	simm.s32 $0x200;
	v11 =	vadd.f32 v11, v13;
	v7 =	vld [tilespmem:s4+$0x6260]  }
.LBB2_44:
0x47b: {  	s5 =	sshra.s32 s26, $0x2;
	p2 =	sne.s32 s26, $0x6000;
	[tilespmem:s4+$0x6200] =	vst v12;
	v5 =	vadd.f32 v5, v10;
	v10 =	vld [tilespmem:s4+$0x6270]  }
0x47c: {  	v12 =	vld [tilespmem:s5+$0x4980];
	[tilespmem:s4+$0x6210] =	vst v11;
	v4 =	vadd.f32 v4, v9  }
0x47d: {  	v11 =	vld [tilespmem:s5+$0x4990];
	[tilespmem:s4+$0x6220] =	vst v5;
	v3 =	vadd.f32 v3, v8  }
0x47e: {  	v5 =	vld [tilespmem:s5+$0x49A0];
	[tilespmem:s4+$0x6230] =	vst v4;
	v2 =	vadd.f32 v2, v6  }
0x47f: {  	v4 =	vld [tilespmem:s5+$0x49B0];
	[tilespmem:s4+$0x6240] =	vst v3;
	v1 =	vadd.f32 v1, v7  }
0x480: {  	v3 =	vld [tilespmem:s5+$0x49C0];
	[tilespmem:s4+$0x6250] =	vst v2;
	v0 =	vadd.f32 v0, v10  }
0x481: {  	v2 =	vld [tilespmem:s5+$0x49D0];
	[tilespmem:s4+$0x6260] =	vst v1  }
0x482: {  	v1 =	vld [tilespmem:s5+$0x49E0];
	[tilespmem:s4+$0x6270] =	vst v0;
	s4 =	smov.u32 s5  }
0x483: {  	v0 =	vld [tilespmem:s4+$0x49F0]  }
0x484: {  	v6 =	vld [tilespmem:s4+$0x6200]  }
0x485: {  	v7 =	vld [tilespmem:s4+$0x6210]  }
.Ltmp24:
0x486: {  	v10 =	vld [tilespmem:s4+$0x6220];
	(pc) =	sbr.rel @p2 .LBB2_44-.Ltmp24, $4  }
0x487: {  	v9 =	vld [tilespmem:s4+$0x6230]  }
0x488: {  	v8 =	vld [tilespmem:s4+$0x6240]  }
0x489: {  	v12 =	vadd.f32 v12, v6;
	v6 =	vld [tilespmem:s4+$0x6250]  }
0x48a: {  	s26 =	sadd.s32 $0x200, s26;
	v11 =	vadd.f32 v11, v7;
	v7 =	vld [tilespmem:s4+$0x6260]  }
0x48b: {  	[tilespmem:s4+$0x6200] =	vst v12;
	v5 =	vadd.f32 v5, v10;
	v10 =	vld [tilespmem:s4+$0x6270]  }
0x48c: {  	[tilespmem:s4+$0x6210] =	vst v11;
	v4 =	vadd.f32 v4, v9  }
0x48d: {  	[tilespmem:s4+$0x6220] =	vst v5;
	v3 =	vadd.f32 v3, v8  }
0x48e: {  	[tilespmem:s4+$0x6230] =	vst v4;
	v2 =	vadd.f32 v2, v6  }
0x48f: {  	[tilespmem:s4+$0x6240] =	vst v3;
	v1 =	vadd.f32 v1, v7  }
0x490: {  	[tilespmem:s4+$0x6250] =	vst v2;
	v0 =	vadd.f32 v0, v10  }
0x491: {  	[tilespmem:s4+$0x6260] =	vst v1  }
0x492: {  	[tilespmem:s4+$0x6270] =	vst v0  }
0x493: {  	_ =	swait.ge [sflag:s21], $0x1880  }
0x494: {  	[sflag:s21] =	ssyncset.done $0x0  }
0x495: {  	[sflag:s21] =	ssyncadd.s32 $0xFFFFE780  }
0x496: {  	_ =	swait.ge [sflag:s17], $0x1880  }
0x497: {  	[sflag:s17] =	ssyncset.done $0x0  }
0x498: {  	s5 =	sld [smem:$0x7FB];
	[sflag:s17] =	ssyncadd.s32 $0xFFFFE780  }
0x499: {  	[tilespmem:s18], [sflag:$0x2] =	stream.indirect.gather [spmem:s2], $0x1, s20, s20, $0xb8;
	[tilespmem:$0x1D180] =	vst v63  }
0x49a: {  	s26 =	simm.s32 $0x0;
	s4 =	simm.s32 $0x0  }
0x49b: {  	[tilespmem:s26], [sflag:$0x1] =	stream.linear.gather [hbm4b:s5+s26], $0x1880, $0x38;
	[tilespmem:$0x1D180] =	vst v63  }
0x49c: {  	v7 =	vld [tilespmem:s4+$0x3100]  }
0x49d: {  	v11 =	vld [tilespmem:s4+$0x3110]  }
0x49e: {  	v5 =	vld [tilespmem:s4+$0x3120]  }
0x49f: {  	v4 =	vld [tilespmem:s4+$0x3130]  }
0x4a0: {  	v3 =	vld [tilespmem:s4+$0x3140]  }
0x4a1: {  	v2 =	vld [tilespmem:s4+$0x3150]  }
0x4a2: {  	v1 =	vld [tilespmem:s4+$0x3160]  }
0x4a3: {  	v0 =	vld [tilespmem:s4+$0x3170]  }
0x4a4: {  	v12 =	vld [tilespmem:s4+$0x6200]  }
0x4a5: {  	v13 =	vld [tilespmem:s4+$0x6210]  }
0x4a6: {  	v10 =	vld [tilespmem:s4+$0x6220]  }
0x4a7: {  	v9 =	vld [tilespmem:s4+$0x6230]  }
0x4a8: {  	v8 =	vld [tilespmem:s4+$0x6240]  }
0x4a9: {  	v6 =	vld [tilespmem:s4+$0x6250];
	v12 =	vadd.f32 v7, v12  }
0x4aa: {  	s26 =	simm.s32 $0x200;
	v11 =	vadd.f32 v11, v13;
	v7 =	vld [tilespmem:s4+$0x6260]  }
.LBB2_46:
0x4ab: {  	s5 =	sshra.s32 s26, $0x2;
	p2 =	sne.s32 s26, $0x6000;
	[tilespmem:s4+$0x6200] =	vst v12;
	v5 =	vadd.f32 v5, v10;
	v10 =	vld [tilespmem:s4+$0x6270]  }
0x4ac: {  	v12 =	vld [tilespmem:s5+$0x3100];
	[tilespmem:s4+$0x6210] =	vst v11;
	v4 =	vadd.f32 v4, v9  }
0x4ad: {  	v11 =	vld [tilespmem:s5+$0x3110];
	[tilespmem:s4+$0x6220] =	vst v5;
	v3 =	vadd.f32 v3, v8  }
0x4ae: {  	v5 =	vld [tilespmem:s5+$0x3120];
	[tilespmem:s4+$0x6230] =	vst v4;
	v2 =	vadd.f32 v2, v6  }
0x4af: {  	v4 =	vld [tilespmem:s5+$0x3130];
	[tilespmem:s4+$0x6240] =	vst v3;
	v1 =	vadd.f32 v1, v7  }
0x4b0: {  	v3 =	vld [tilespmem:s5+$0x3140];
	[tilespmem:s4+$0x6250] =	vst v2;
	v0 =	vadd.f32 v0, v10  }
0x4b1: {  	v2 =	vld [tilespmem:s5+$0x3150];
	[tilespmem:s4+$0x6260] =	vst v1  }
0x4b2: {  	v1 =	vld [tilespmem:s5+$0x3160];
	[tilespmem:s4+$0x6270] =	vst v0;
	s4 =	smov.u32 s5  }
0x4b3: {  	v0 =	vld [tilespmem:s4+$0x3170]  }
0x4b4: {  	v6 =	vld [tilespmem:s4+$0x6200]  }
0x4b5: {  	v7 =	vld [tilespmem:s4+$0x6210]  }
.Ltmp25:
0x4b6: {  	v10 =	vld [tilespmem:s4+$0x6220];
	(pc) =	sbr.rel @p2 .LBB2_46-.Ltmp25, $4  }
0x4b7: {  	v9 =	vld [tilespmem:s4+$0x6230]  }
0x4b8: {  	v8 =	vld [tilespmem:s4+$0x6240]  }
0x4b9: {  	v12 =	vadd.f32 v12, v6;
	v6 =	vld [tilespmem:s4+$0x6250]  }
0x4ba: {  	s26 =	sadd.s32 $0x200, s26;
	v11 =	vadd.f32 v11, v7;
	v7 =	vld [tilespmem:s4+$0x6260]  }
0x4bb: {  	[tilespmem:s4+$0x6200] =	vst v12;
	v5 =	vadd.f32 v5, v10;
	v10 =	vld [tilespmem:s4+$0x6270]  }
0x4bc: {  	[tilespmem:s4+$0x6210] =	vst v11;
	v4 =	vadd.f32 v4, v9  }
0x4bd: {  	[tilespmem:s4+$0x6220] =	vst v5;
	v3 =	vadd.f32 v3, v8  }
0x4be: {  	[tilespmem:s4+$0x6230] =	vst v4;
	v2 =	vadd.f32 v2, v6  }
0x4bf: {  	[tilespmem:s4+$0x6240] =	vst v3;
	v1 =	vadd.f32 v1, v7  }
0x4c0: {  	[tilespmem:s4+$0x6250] =	vst v2;
	v0 =	vadd.f32 v0, v10  }
0x4c1: {  	[tilespmem:s4+$0x6260] =	vst v1  }
0x4c2: {  	[tilespmem:s4+$0x6270] =	vst v0  }
0x4c3: {  	_ =	swait.ge [sflag:s21], $0x1880  }
0x4c4: {  	[sflag:s21] =	ssyncset.done $0x0  }
0x4c5: {  	[sflag:s21] =	ssyncadd.s32 $0xFFFFE780  }
0x4c6: {  	_ =	swait.ge [sflag:s17], $0x1880  }
0x4c7: {  	[sflag:s17] =	ssyncset.done $0x0  }
0x4c8: {  	s26 =	simm.s32 $0x0;
	s5 =	sld [smem:$0x7FC];
	[sflag:s17] =	ssyncadd.s32 $0xFFFFE780  }
0x4c9: {  	[tilespmem:s16], [sflag:$0x2] =	stream.indirect.gather [spmem:s2], $0x1, s26, s20, $0xb8;
	[tilespmem:$0x1D180] =	vst v63  }
0x4ca: {  	s4 =	simm.s32 $0x0  }
0x4cb: {  	[tilespmem:s20], [sflag:$0x1] =	stream.linear.gather [hbm4b:s5+s26], $0x1880, $0x38;
	[tilespmem:$0x1D180] =	vst v63  }
0x4cc: {  	v7 =	vld [tilespmem:s4+$0x4980]  }
0x4cd: {  	v11 =	vld [tilespmem:s4+$0x4990]  }
0x4ce: {  	v5 =	vld [tilespmem:s4+$0x49A0]  }
0x4cf: {  	v4 =	vld [tilespmem:s4+$0x49B0]  }
0x4d0: {  	v3 =	vld [tilespmem:s4+$0x49C0]  }
0x4d1: {  	v2 =	vld [tilespmem:s4+$0x49D0]  }
0x4d2: {  	v1 =	vld [tilespmem:s4+$0x49E0]  }
0x4d3: {  	v0 =	vld [tilespmem:s4+$0x49F0]  }
0x4d4: {  	v12 =	vld [tilespmem:s4+$0x6200]  }
0x4d5: {  	v13 =	vld [tilespmem:s4+$0x6210]  }
0x4d6: {  	v10 =	vld [tilespmem:s4+$0x6220]  }
0x4d7: {  	v9 =	vld [tilespmem:s4+$0x6230]  }
0x4d8: {  	v8 =	vld [tilespmem:s4+$0x6240]  }
0x4d9: {  	v6 =	vld [tilespmem:s4+$0x6250];
	v12 =	vadd.f32 v7, v12  }
0x4da: {  	s26 =	simm.s32 $0x200;
	v11 =	vadd.f32 v11, v13;
	v7 =	vld [tilespmem:s4+$0x6260]  }
.LBB2_48:
0x4db: {  	s5 =	sshra.s32 s26, $0x2;
	p2 =	sne.s32 s26, $0x6000;
	[tilespmem:s4+$0x6200] =	vst v12;
	v5 =	vadd.f32 v5, v10;
	v10 =	vld [tilespmem:s4+$0x6270]  }
0x4dc: {  	v12 =	vld [tilespmem:s5+$0x4980];
	[tilespmem:s4+$0x6210] =	vst v11;
	v4 =	vadd.f32 v4, v9  }
0x4dd: {  	v11 =	vld [tilespmem:s5+$0x4990];
	[tilespmem:s4+$0x6220] =	vst v5;
	v3 =	vadd.f32 v3, v8  }
0x4de: {  	v5 =	vld [tilespmem:s5+$0x49A0];
	[tilespmem:s4+$0x6230] =	vst v4;
	v2 =	vadd.f32 v2, v6  }
0x4df: {  	v4 =	vld [tilespmem:s5+$0x49B0];
	[tilespmem:s4+$0x6240] =	vst v3;
	v1 =	vadd.f32 v1, v7  }
0x4e0: {  	v3 =	vld [tilespmem:s5+$0x49C0];
	[tilespmem:s4+$0x6250] =	vst v2;
	v0 =	vadd.f32 v0, v10  }
0x4e1: {  	v2 =	vld [tilespmem:s5+$0x49D0];
	[tilespmem:s4+$0x6260] =	vst v1  }
0x4e2: {  	v1 =	vld [tilespmem:s5+$0x49E0];
	[tilespmem:s4+$0x6270] =	vst v0;
	s4 =	smov.u32 s5  }
0x4e3: {  	v0 =	vld [tilespmem:s4+$0x49F0]  }
0x4e4: {  	v6 =	vld [tilespmem:s4+$0x6200]  }
0x4e5: {  	v7 =	vld [tilespmem:s4+$0x6210]  }
.Ltmp26:
0x4e6: {  	v10 =	vld [tilespmem:s4+$0x6220];
	(pc) =	sbr.rel @p2 .LBB2_48-.Ltmp26, $4  }
0x4e7: {  	v9 =	vld [tilespmem:s4+$0x6230]  }
0x4e8: {  	v8 =	vld [tilespmem:s4+$0x6240]  }
0x4e9: {  	v12 =	vadd.f32 v12, v6;
	v6 =	vld [tilespmem:s4+$0x6250]  }
0x4ea: {  	s26 =	sadd.s32 $0x200, s26;
	v11 =	vadd.f32 v11, v7;
	v7 =	vld [tilespmem:s4+$0x6260]  }
0x4eb: {  	[tilespmem:s4+$0x6200] =	vst v12;
	v5 =	vadd.f32 v5, v10;
	v10 =	vld [tilespmem:s4+$0x6270]  }
0x4ec: {  	[tilespmem:s4+$0x6210] =	vst v11;
	v4 =	vadd.f32 v4, v9  }
0x4ed: {  	[tilespmem:s4+$0x6220] =	vst v5;
	v3 =	vadd.f32 v3, v8  }
0x4ee: {  	[tilespmem:s4+$0x6230] =	vst v4;
	v2 =	vadd.f32 v2, v6  }
0x4ef: {  	[tilespmem:s4+$0x6240] =	vst v3;
	v1 =	vadd.f32 v1, v7  }
0x4f0: {  	[tilespmem:s4+$0x6250] =	vst v2;
	v0 =	vadd.f32 v0, v10  }
0x4f1: {  	[tilespmem:s4+$0x6260] =	vst v1  }
0x4f2: {  	[tilespmem:s4+$0x6270] =	vst v0  }
0x4f3: {  	_ =	swait.ge [sflag:s21], $0x1880  }
0x4f4: {  	[sflag:s21] =	ssyncset.done $0x0  }
0x4f5: {  	[sflag:s21] =	ssyncadd.s32 $0xFFFFE780  }
0x4f6: {  	_ =	swait.ge [sflag:s17], $0x1880  }
0x4f7: {  	[sflag:s17] =	ssyncset.done $0x0  }
0x4f8: {  	s5 =	sld [smem:$0x7FD];
	[sflag:s17] =	ssyncadd.s32 $0xFFFFE780  }
0x4f9: {  	[tilespmem:s18], [sflag:$0x2] =	stream.indirect.gather [spmem:s2], $0x1, s20, s20, $0xb8;
	[tilespmem:$0x1D180] =	vst v63  }
0x4fa: {  	s26 =	simm.s32 $0x0;
	s4 =	simm.s32 $0x0  }
0x4fb: {  	[tilespmem:s26], [sflag:$0x1] =	stream.linear.gather [hbm4b:s5+s26], $0x1880, $0x38;
	[tilespmem:$0x1D180] =	vst v63  }
0x4fc: {  	v7 =	vld [tilespmem:s4+$0x3100]  }
0x4fd: {  	v11 =	vld [tilespmem:s4+$0x3110]  }
0x4fe: {  	v5 =	vld [tilespmem:s4+$0x3120]  }
0x4ff: {  	v4 =	vld [tilespmem:s4+$0x3130]  }
0x500: {  	v3 =	vld [tilespmem:s4+$0x3140]  }
0x501: {  	v2 =	vld [tilespmem:s4+$0x3150]  }
0x502: {  	v1 =	vld [tilespmem:s4+$0x3160]  }
0x503: {  	v0 =	vld [tilespmem:s4+$0x3170]  }
0x504: {  	v12 =	vld [tilespmem:s4+$0x6200]  }
0x505: {  	v13 =	vld [tilespmem:s4+$0x6210]  }
0x506: {  	v10 =	vld [tilespmem:s4+$0x6220]  }
0x507: {  	v9 =	vld [tilespmem:s4+$0x6230]  }
0x508: {  	v8 =	vld [tilespmem:s4+$0x6240]  }
0x509: {  	v6 =	vld [tilespmem:s4+$0x6250];
	v12 =	vadd.f32 v7, v12  }
0x50a: {  	s26 =	simm.s32 $0x200;
	v11 =	vadd.f32 v11, v13;
	v7 =	vld [tilespmem:s4+$0x6260]  }
.LBB2_50:
0x50b: {  	s5 =	sshra.s32 s26, $0x2;
	p2 =	sne.s32 s26, $0x6000;
	[tilespmem:s4+$0x6200] =	vst v12;
	v5 =	vadd.f32 v5, v10;
	v10 =	vld [tilespmem:s4+$0x6270]  }
0x50c: {  	v12 =	vld [tilespmem:s5+$0x3100];
	[tilespmem:s4+$0x6210] =	vst v11;
	v4 =	vadd.f32 v4, v9  }
0x50d: {  	v11 =	vld [tilespmem:s5+$0x3110];
	[tilespmem:s4+$0x6220] =	vst v5;
	v3 =	vadd.f32 v3, v8  }
0x50e: {  	v5 =	vld [tilespmem:s5+$0x3120];
	[tilespmem:s4+$0x6230] =	vst v4;
	v2 =	vadd.f32 v2, v6  }
0x50f: {  	v4 =	vld [tilespmem:s5+$0x3130];
	[tilespmem:s4+$0x6240] =	vst v3;
	v1 =	vadd.f32 v1, v7  }
0x510: {  	v3 =	vld [tilespmem:s5+$0x3140];
	[tilespmem:s4+$0x6250] =	vst v2;
	v0 =	vadd.f32 v0, v10  }
0x511: {  	v2 =	vld [tilespmem:s5+$0x3150];
	[tilespmem:s4+$0x6260] =	vst v1  }
0x512: {  	v1 =	vld [tilespmem:s5+$0x3160];
	[tilespmem:s4+$0x6270] =	vst v0;
	s4 =	smov.u32 s5  }
0x513: {  	v0 =	vld [tilespmem:s4+$0x3170]  }
0x514: {  	v6 =	vld [tilespmem:s4+$0x6200]  }
0x515: {  	v7 =	vld [tilespmem:s4+$0x6210]  }
.Ltmp27:
0x516: {  	v10 =	vld [tilespmem:s4+$0x6220];
	(pc) =	sbr.rel @p2 .LBB2_50-.Ltmp27, $4  }
0x517: {  	v9 =	vld [tilespmem:s4+$0x6230]  }
0x518: {  	v8 =	vld [tilespmem:s4+$0x6240]  }
0x519: {  	v12 =	vadd.f32 v12, v6;
	v6 =	vld [tilespmem:s4+$0x6250]  }
0x51a: {  	s26 =	sadd.s32 $0x200, s26;
	v11 =	vadd.f32 v11, v7;
	v7 =	vld [tilespmem:s4+$0x6260]  }
0x51b: {  	[tilespmem:s4+$0x6200] =	vst v12;
	v5 =	vadd.f32 v5, v10;
	v10 =	vld [tilespmem:s4+$0x6270]  }
0x51c: {  	[tilespmem:s4+$0x6210] =	vst v11;
	v4 =	vadd.f32 v4, v9  }
0x51d: {  	[tilespmem:s4+$0x6220] =	vst v5;
	v3 =	vadd.f32 v3, v8  }
0x51e: {  	[tilespmem:s4+$0x6230] =	vst v4;
	v2 =	vadd.f32 v2, v6  }
0x51f: {  	[tilespmem:s4+$0x6240] =	vst v3;
	v1 =	vadd.f32 v1, v7  }
0x520: {  	[tilespmem:s4+$0x6250] =	vst v2;
	v0 =	vadd.f32 v0, v10  }
0x521: {  	[tilespmem:s4+$0x6260] =	vst v1  }
0x522: {  	[tilespmem:s4+$0x6270] =	vst v0  }
0x523: {  	_ =	swait.ge [sflag:s21], $0x1880  }
0x524: {  	[sflag:s21] =	ssyncset.done $0x0  }
0x525: {  	[sflag:s21] =	ssyncadd.s32 $0xFFFFE780  }
0x526: {  	_ =	swait.ge [sflag:s17], $0x1880  }
0x527: {  	[sflag:s17] =	ssyncset.done $0x0  }
0x528: {  	s26 =	simm.s32 $0x0;
	[sflag:s17] =	ssyncadd.s32 $0xFFFFE780  }
0x529: {  	[tilespmem:s16], [sflag:$0x2] =	stream.indirect.gather [spmem:s2], $0x1, s26, s20, $0xb8;
	[tilespmem:$0x1D180] =	vst v63  }
0x52a: {  	s4 =	simm.s32 $0x0  }
0x52b: {  	[tilespmem:s20], [sflag:$0x1] =	stream.linear.gather [hbm4b:s28+s26], $0x1880, $0x38;
	[tilespmem:$0x1D180] =	vst v63  }
0x52c: {  	v7 =	vld [tilespmem:s4+$0x4980]  }
0x52d: {  	v11 =	vld [tilespmem:s4+$0x4990]  }
0x52e: {  	v5 =	vld [tilespmem:s4+$0x49A0]  }
0x52f: {  	v4 =	vld [tilespmem:s4+$0x49B0]  }
0x530: {  	v3 =	vld [tilespmem:s4+$0x49C0]  }
0x531: {  	v2 =	vld [tilespmem:s4+$0x49D0]  }
0x532: {  	v1 =	vld [tilespmem:s4+$0x49E0]  }
0x533: {  	v0 =	vld [tilespmem:s4+$0x49F0]  }
0x534: {  	v12 =	vld [tilespmem:s4+$0x6200]  }
0x535: {  	v13 =	vld [tilespmem:s4+$0x6210]  }
0x536: {  	v10 =	vld [tilespmem:s4+$0x6220]  }
0x537: {  	v9 =	vld [tilespmem:s4+$0x6230]  }
0x538: {  	v8 =	vld [tilespmem:s4+$0x6240]  }
0x539: {  	v6 =	vld [tilespmem:s4+$0x6250];
	v12 =	vadd.f32 v7, v12  }
0x53a: {  	s26 =	simm.s32 $0x200;
	v11 =	vadd.f32 v11, v13;
	v7 =	vld [tilespmem:s4+$0x6260]  }
.LBB2_52:
0x53b: {  	s5 =	sshra.s32 s26, $0x2;
	p2 =	sne.s32 s26, $0x6000;
	[tilespmem:s4+$0x6200] =	vst v12;
	v5 =	vadd.f32 v5, v10;
	v10 =	vld [tilespmem:s4+$0x6270]  }
0x53c: {  	v12 =	vld [tilespmem:s5+$0x4980];
	[tilespmem:s4+$0x6210] =	vst v11;
	v4 =	vadd.f32 v4, v9  }
0x53d: {  	v11 =	vld [tilespmem:s5+$0x4990];
	[tilespmem:s4+$0x6220] =	vst v5;
	v3 =	vadd.f32 v3, v8  }
0x53e: {  	v5 =	vld [tilespmem:s5+$0x49A0];
	[tilespmem:s4+$0x6230] =	vst v4;
	v2 =	vadd.f32 v2, v6  }
0x53f: {  	v4 =	vld [tilespmem:s5+$0x49B0];
	[tilespmem:s4+$0x6240] =	vst v3;
	v1 =	vadd.f32 v1, v7  }
0x540: {  	v3 =	vld [tilespmem:s5+$0x49C0];
	[tilespmem:s4+$0x6250] =	vst v2;
	v0 =	vadd.f32 v0, v10  }
0x541: {  	v2 =	vld [tilespmem:s5+$0x49D0];
	[tilespmem:s4+$0x6260] =	vst v1  }
0x542: {  	v1 =	vld [tilespmem:s5+$0x49E0];
	[tilespmem:s4+$0x6270] =	vst v0;
	s4 =	smov.u32 s5  }
0x543: {  	v0 =	vld [tilespmem:s4+$0x49F0]  }
0x544: {  	v6 =	vld [tilespmem:s4+$0x6200]  }
0x545: {  	v7 =	vld [tilespmem:s4+$0x6210]  }
.Ltmp28:
0x546: {  	v10 =	vld [tilespmem:s4+$0x6220];
	(pc) =	sbr.rel @p2 .LBB2_52-.Ltmp28, $4  }
0x547: {  	v9 =	vld [tilespmem:s4+$0x6230]  }
0x548: {  	v8 =	vld [tilespmem:s4+$0x6240]  }
0x549: {  	v12 =	vadd.f32 v12, v6;
	v6 =	vld [tilespmem:s4+$0x6250]  }
0x54a: {  	s26 =	sadd.s32 $0x200, s26;
	v11 =	vadd.f32 v11, v7;
	v7 =	vld [tilespmem:s4+$0x6260]  }
0x54b: {  	[tilespmem:s4+$0x6200] =	vst v12;
	v5 =	vadd.f32 v5, v10;
	v10 =	vld [tilespmem:s4+$0x6270]  }
0x54c: {  	[tilespmem:s4+$0x6210] =	vst v11;
	v4 =	vadd.f32 v4, v9  }
0x54d: {  	[tilespmem:s4+$0x6220] =	vst v5;
	v3 =	vadd.f32 v3, v8  }
0x54e: {  	[tilespmem:s4+$0x6230] =	vst v4;
	v2 =	vadd.f32 v2, v6  }
0x54f: {  	[tilespmem:s4+$0x6240] =	vst v3;
	v1 =	vadd.f32 v1, v7  }
0x550: {  	[tilespmem:s4+$0x6250] =	vst v2;
	v0 =	vadd.f32 v0, v10  }
0x551: {  	[tilespmem:s4+$0x6260] =	vst v1  }
0x552: {  	[tilespmem:s4+$0x6270] =	vst v0  }
0x553: {  	_ =	swait.ge [sflag:s21], $0x1880  }
0x554: {  	[sflag:s21] =	ssyncset.done $0x0  }
0x555: {  	[sflag:s21] =	ssyncadd.s32 $0xFFFFE780  }
0x556: {  	_ =	swait.ge [sflag:s17], $0x1880  }
0x557: {  	[sflag:s17] =	ssyncset.done $0x0  }
0x558: {  	[sflag:s17] =	ssyncadd.s32 $0xFFFFE780  }
0x559: {  	[tilespmem:s18], [sflag:$0x2] =	stream.indirect.gather [spmem:s2], $0x1, s20, s20, $0xb8;
	[tilespmem:$0x1D180] =	vst v63  }
0x55a: {  	s26 =	simm.s32 $0x0;
	s4 =	simm.s32 $0x0  }
0x55b: {  	[tilespmem:s26], [sflag:$0x1] =	stream.linear.gather [hbm4b:s29+s26], $0x1880, $0x38;
	[tilespmem:$0x1D180] =	vst v63  }
0x55c: {  	v7 =	vld [tilespmem:s4+$0x3100]  }
0x55d: {  	v11 =	vld [tilespmem:s4+$0x3110]  }
0x55e: {  	v5 =	vld [tilespmem:s4+$0x3120]  }
0x55f: {  	v4 =	vld [tilespmem:s4+$0x3130]  }
0x560: {  	v3 =	vld [tilespmem:s4+$0x3140]  }
0x561: {  	v2 =	vld [tilespmem:s4+$0x3150]  }
0x562: {  	v1 =	vld [tilespmem:s4+$0x3160]  }
0x563: {  	v0 =	vld [tilespmem:s4+$0x3170]  }
0x564: {  	v12 =	vld [tilespmem:s4+$0x6200]  }
0x565: {  	v13 =	vld [tilespmem:s4+$0x6210]  }
0x566: {  	v10 =	vld [tilespmem:s4+$0x6220]  }
0x567: {  	v9 =	vld [tilespmem:s4+$0x6230]  }
0x568: {  	v8 =	vld [tilespmem:s4+$0x6240]  }
0x569: {  	v6 =	vld [tilespmem:s4+$0x6250];
	v12 =	vadd.f32 v7, v12  }
0x56a: {  	s26 =	simm.s32 $0x200;
	v11 =	vadd.f32 v11, v13;
	v7 =	vld [tilespmem:s4+$0x6260]  }
.LBB2_54:
0x56b: {  	s5 =	sshra.s32 s26, $0x2;
	p2 =	sne.s32 s26, $0x6000;
	[tilespmem:s4+$0x6200] =	vst v12;
	v5 =	vadd.f32 v5, v10;
	v10 =	vld [tilespmem:s4+$0x6270]  }
0x56c: {  	v12 =	vld [tilespmem:s5+$0x3100];
	[tilespmem:s4+$0x6210] =	vst v11;
	v4 =	vadd.f32 v4, v9  }
0x56d: {  	v11 =	vld [tilespmem:s5+$0x3110];
	[tilespmem:s4+$0x6220] =	vst v5;
	v3 =	vadd.f32 v3, v8  }
0x56e: {  	v5 =	vld [tilespmem:s5+$0x3120];
	[tilespmem:s4+$0x6230] =	vst v4;
	v2 =	vadd.f32 v2, v6  }
0x56f: {  	v4 =	vld [tilespmem:s5+$0x3130];
	[tilespmem:s4+$0x6240] =	vst v3;
	v1 =	vadd.f32 v1, v7  }
0x570: {  	v3 =	vld [tilespmem:s5+$0x3140];
	[tilespmem:s4+$0x6250] =	vst v2;
	v0 =	vadd.f32 v0, v10  }
0x571: {  	v2 =	vld [tilespmem:s5+$0x3150];
	[tilespmem:s4+$0x6260] =	vst v1  }
0x572: {  	v1 =	vld [tilespmem:s5+$0x3160];
	[tilespmem:s4+$0x6270] =	vst v0;
	s4 =	smov.u32 s5  }
0x573: {  	v0 =	vld [tilespmem:s4+$0x3170]  }
0x574: {  	v6 =	vld [tilespmem:s4+$0x6200]  }
0x575: {  	v7 =	vld [tilespmem:s4+$0x6210]  }
.Ltmp29:
0x576: {  	v10 =	vld [tilespmem:s4+$0x6220];
	(pc) =	sbr.rel @p2 .LBB2_54-.Ltmp29, $4  }
0x577: {  	v9 =	vld [tilespmem:s4+$0x6230]  }
0x578: {  	v8 =	vld [tilespmem:s4+$0x6240]  }
0x579: {  	v12 =	vadd.f32 v12, v6;
	v6 =	vld [tilespmem:s4+$0x6250]  }
0x57a: {  	s26 =	sadd.s32 $0x200, s26;
	v11 =	vadd.f32 v11, v7;
	v7 =	vld [tilespmem:s4+$0x6260]  }
0x57b: {  	[tilespmem:s4+$0x6200] =	vst v12;
	v5 =	vadd.f32 v5, v10;
	v10 =	vld [tilespmem:s4+$0x6270]  }
0x57c: {  	[tilespmem:s4+$0x6210] =	vst v11;
	v4 =	vadd.f32 v4, v9  }
0x57d: {  	[tilespmem:s4+$0x6220] =	vst v5;
	v3 =	vadd.f32 v3, v8  }
0x57e: {  	[tilespmem:s4+$0x6230] =	vst v4;
	v2 =	vadd.f32 v2, v6  }
0x57f: {  	[tilespmem:s4+$0x6240] =	vst v3;
	v1 =	vadd.f32 v1, v7  }
0x580: {  	[tilespmem:s4+$0x6250] =	vst v2;
	v0 =	vadd.f32 v0, v10  }
0x581: {  	[tilespmem:s4+$0x6260] =	vst v1  }
0x582: {  	[tilespmem:s4+$0x6270] =	vst v0  }
0x583: {  	_ =	swait.ge [sflag:s21], $0x1880  }
0x584: {  	[sflag:s21] =	ssyncset.done $0x0  }
0x585: {  	[sflag:s21] =	ssyncadd.s32 $0xFFFFE780  }
0x586: {  	_ =	swait.ge [sflag:s17], $0x1880  }
0x587: {  	[sflag:s17] =	ssyncset.done $0x0  }
0x588: {  	s26 =	simm.s32 $0x0;
	s4 =	simm.s32 $0x0;
	[sflag:s17] =	ssyncadd.s32 $0xFFFFE780  }
0x589: {  	[tilespmem:s16], [sflag:$0x2] =	stream.indirect.gather [spmem:s2], $0x1, s26, s20, $0xb8;
	[tilespmem:$0x1D180] =	vst v63  }
0x58a: {  	v7 =	vld [tilespmem:s4+$0x4980]  }
0x58b: {  	v11 =	vld [tilespmem:s4+$0x4990]  }
0x58c: {  	v5 =	vld [tilespmem:s4+$0x49A0]  }
0x58d: {  	v4 =	vld [tilespmem:s4+$0x49B0]  }
0x58e: {  	v3 =	vld [tilespmem:s4+$0x49C0]  }
0x58f: {  	v2 =	vld [tilespmem:s4+$0x49D0]  }
0x590: {  	v1 =	vld [tilespmem:s4+$0x49E0]  }
0x591: {  	v0 =	vld [tilespmem:s4+$0x49F0]  }
0x592: {  	v12 =	vld [tilespmem:s4+$0x6200]  }
0x593: {  	v13 =	vld [tilespmem:s4+$0x6210]  }
0x594: {  	v10 =	vld [tilespmem:s4+$0x6220]  }
0x595: {  	v9 =	vld [tilespmem:s4+$0x6230]  }
0x596: {  	v8 =	vld [tilespmem:s4+$0x6240]  }
0x597: {  	v6 =	vld [tilespmem:s4+$0x6250];
	v12 =	vadd.f32 v7, v12  }
0x598: {  	s26 =	simm.s32 $0x200;
	v11 =	vadd.f32 v11, v13;
	v7 =	vld [tilespmem:s4+$0x6260]  }
.LBB2_56:
0x599: {  	s5 =	sshra.s32 s26, $0x2;
	p2 =	sne.s32 s26, $0x6000;
	[tilespmem:s4+$0x6200] =	vst v12;
	v5 =	vadd.f32 v5, v10;
	v10 =	vld [tilespmem:s4+$0x6270]  }
0x59a: {  	v12 =	vld [tilespmem:s5+$0x4980];
	[tilespmem:s4+$0x6210] =	vst v11;
	v4 =	vadd.f32 v4, v9  }
0x59b: {  	v11 =	vld [tilespmem:s5+$0x4990];
	[tilespmem:s4+$0x6220] =	vst v5;
	v3 =	vadd.f32 v3, v8  }
0x59c: {  	v5 =	vld [tilespmem:s5+$0x49A0];
	[tilespmem:s4+$0x6230] =	vst v4;
	v2 =	vadd.f32 v2, v6  }
0x59d: {  	v4 =	vld [tilespmem:s5+$0x49B0];
	[tilespmem:s4+$0x6240] =	vst v3;
	v1 =	vadd.f32 v1, v7  }
0x59e: {  	v3 =	vld [tilespmem:s5+$0x49C0];
	[tilespmem:s4+$0x6250] =	vst v2;
	v0 =	vadd.f32 v0, v10  }
0x59f: {  	v2 =	vld [tilespmem:s5+$0x49D0];
	[tilespmem:s4+$0x6260] =	vst v1  }
0x5a0: {  	v1 =	vld [tilespmem:s5+$0x49E0];
	[tilespmem:s4+$0x6270] =	vst v0;
	s4 =	smov.u32 s5  }
0x5a1: {  	v0 =	vld [tilespmem:s4+$0x49F0]  }
0x5a2: {  	v6 =	vld [tilespmem:s4+$0x6200]  }
0x5a3: {  	v7 =	vld [tilespmem:s4+$0x6210]  }
.Ltmp30:
0x5a4: {  	v10 =	vld [tilespmem:s4+$0x6220];
	(pc) =	sbr.rel @p2 .LBB2_56-.Ltmp30, $4  }
0x5a5: {  	v9 =	vld [tilespmem:s4+$0x6230]  }
0x5a6: {  	v8 =	vld [tilespmem:s4+$0x6240]  }
0x5a7: {  	v12 =	vadd.f32 v12, v6;
	v6 =	vld [tilespmem:s4+$0x6250]  }
0x5a8: {  	s26 =	sadd.s32 $0x200, s26;
	v11 =	vadd.f32 v11, v7;
	v7 =	vld [tilespmem:s4+$0x6260]  }
0x5a9: {  	[tilespmem:s4+$0x6200] =	vst v12;
	v5 =	vadd.f32 v5, v10;
	v10 =	vld [tilespmem:s4+$0x6270]  }
0x5aa: {  	[tilespmem:s4+$0x6210] =	vst v11;
	v4 =	vadd.f32 v4, v9  }
0x5ab: {  	[tilespmem:s4+$0x6220] =	vst v5;
	v3 =	vadd.f32 v3, v8  }
0x5ac: {  	[tilespmem:s4+$0x6230] =	vst v4;
	v2 =	vadd.f32 v2, v6  }
0x5ad: {  	[tilespmem:s4+$0x6240] =	vst v3;
	v1 =	vadd.f32 v1, v7  }
0x5ae: {  	[tilespmem:s4+$0x6250] =	vst v2;
	v0 =	vadd.f32 v0, v10  }
0x5af: {  	[tilespmem:s4+$0x6260] =	vst v1  }
0x5b0: {  	[tilespmem:s4+$0x6270] =	vst v0  }
0x5b1: {  	_ =	swait.ge [sflag:s21], $0x1880  }
0x5b2: {  	[sflag:s21] =	ssyncset.done $0x0  }
0x5b3: {  	s4 =	simm.s32 $0x0;
	[sflag:s21] =	ssyncadd.s32 $0xFFFFE780  }
0x5b4: {  	v7 =	vld [tilespmem:s4+$0x3100]  }
0x5b5: {  	v11 =	vld [tilespmem:s4+$0x3110]  }
0x5b6: {  	v5 =	vld [tilespmem:s4+$0x3120]  }
0x5b7: {  	v4 =	vld [tilespmem:s4+$0x3130]  }
0x5b8: {  	v3 =	vld [tilespmem:s4+$0x3140]  }
0x5b9: {  	v2 =	vld [tilespmem:s4+$0x3150]  }
0x5ba: {  	v1 =	vld [tilespmem:s4+$0x3160]  }
0x5bb: {  	v0 =	vld [tilespmem:s4+$0x3170]  }
0x5bc: {  	v12 =	vld [tilespmem:s4+$0x6200]  }
0x5bd: {  	v13 =	vld [tilespmem:s4+$0x6210]  }
0x5be: {  	v10 =	vld [tilespmem:s4+$0x6220]  }
0x5bf: {  	v9 =	vld [tilespmem:s4+$0x6230]  }
0x5c0: {  	v8 =	vld [tilespmem:s4+$0x6240]  }
0x5c1: {  	v6 =	vld [tilespmem:s4+$0x6250];
	v12 =	vadd.f32 v7, v12  }
0x5c2: {  	s26 =	simm.s32 $0x200;
	v11 =	vadd.f32 v11, v13;
	v7 =	vld [tilespmem:s4+$0x6260]  }
.LBB2_58:
0x5c3: {  	s5 =	sshra.s32 s26, $0x2;
	p2 =	sne.s32 s26, $0x6000;
	[tilespmem:s4+$0x6200] =	vst v12;
	v5 =	vadd.f32 v5, v10;
	v10 =	vld [tilespmem:s4+$0x6270]  }
0x5c4: {  	v4 =	vadd.f32 v4, v9;
	v12 =	vld [tilespmem:s5+$0x3100];
	[tilespmem:s4+$0x6210] =	vst v11  }
0x5c5: {  	v3 =	vadd.f32 v3, v8;
	v11 =	vld [tilespmem:s5+$0x3110];
	[tilespmem:s4+$0x6220] =	vst v5  }
0x5c6: {  	v2 =	vadd.f32 v2, v6;
	v5 =	vld [tilespmem:s5+$0x3120];
	[tilespmem:s4+$0x6230] =	vst v4  }
0x5c7: {  	v1 =	vadd.f32 v1, v7;
	v4 =	vld [tilespmem:s5+$0x3130];
	[tilespmem:s4+$0x6240] =	vst v3  }
0x5c8: {  	v3 =	vld [tilespmem:s5+$0x3140];
	[tilespmem:s4+$0x6250] =	vst v2;
	v0 =	vadd.f32 v0, v10  }
0x5c9: {  	v2 =	vld [tilespmem:s5+$0x3150];
	[tilespmem:s4+$0x6260] =	vst v1  }
0x5ca: {  	v1 =	vld [tilespmem:s5+$0x3160];
	[tilespmem:s4+$0x6270] =	vst v0;
	s4 =	smov.u32 s5  }
0x5cb: {  	v0 =	vld [tilespmem:s4+$0x3170]  }
0x5cc: {  	v6 =	vld [tilespmem:s4+$0x6200]  }
0x5cd: {  	v7 =	vld [tilespmem:s4+$0x6210]  }
.Ltmp31:
0x5ce: {  	v10 =	vld [tilespmem:s4+$0x6220];
	(pc) =	sbr.rel @p2 .LBB2_58-.Ltmp31, $4  }
0x5cf: {  	v9 =	vld [tilespmem:s4+$0x6230]  }
0x5d0: {  	v8 =	vld [tilespmem:s4+$0x6240]  }
0x5d1: {  	v12 =	vadd.f32 v12, v6;
	v6 =	vld [tilespmem:s4+$0x6250]  }
0x5d2: {  	s26 =	sadd.s32 $0x200, s26;
	v11 =	vadd.f32 v11, v7;
	v7 =	vld [tilespmem:s4+$0x6260]  }
.Ltmp32:
0x5d3: {  	_ = 	snop;
	(pc) =	sbr.rel .LBB2_59-.Ltmp32, $1  }
0x5d4: {  	_ =	sdelay $0x3  }
.LBB2_61:
0x5d5: {  	_ =	sfence.sel $0x180000  }
0x5d6: {  	[bflag:$0x0] =	sbarrier.arrive $0xFFFF  }
0x5d7: {  	_ =	strace $0x90000047  }
0x5d8: {  	s0 =	stileid.u32;
	[bflag:$0x2] =	sbarrier.arrive $0xFFFF  }
0x5d9: {  	p0 =	sne.s32 s0, $0x0;
	s0 =	rddreg [dreg:$0x3]  }
0x5da: {  	s0 =	sadd.s32 @!p0 $0x100000, s0  }
0x5db: {  	[sflag:s0] =	ssyncadd.tile.s32 @!p0 $0x1;
	_ =	shalt  }
.Lfunc_end2:
_tile_overlayer_lowered:
.L_overlay_start_2:
0x5dc: {  	(tag) =	ssettag $0x2  }
0x5dd: {  	s0 =	rddreg [dreg:$0x0];
	s2 =	stileid.u32  }
0x5de: {  	s1 =	rddreg [dreg:$0x1];
	p0 =	sne.s32 s2, $0x0  }
0x5df: {  	s3 =	rddreg [dreg:$0x2];
	[bflag:$0x3] =	sbarrier.arrive $0xFFFF;
	s2 =	simm.s32 @!p0 $0x1C03  }
0x5e0: {  	[timem:s3], [sflag:s2] =	dma.local @!p0 [hbm:s0], s1  }
0x5e1: {  	s0 =	simm.s32 @!p0 $0x3  }
0x5e2: {  	_ =	swait.ge @!p0 [sflag:s0], s1  }
0x5e3: {  	s1 =	ssub.s32 @!p0 $0x0, s1;
	[sflag:s0] =	ssyncset.done @!p0 $0x0  }
0x5e4: {  	[sflag:s0] =	ssyncadd.s32 @!p0 s1  }
0x5e5: {  	[bflag:$0x3] =	sbarrier.arrive $0xFFFF  }
0x5e6: {  	_ =	shalt  }

</sc_bundles>
